<compile_context>
chip_gen: v7x
topology: tpu7x:2x2x1
jax: 0.10.2.dev20260603
libtpu: 0.0.44.dev20260713+nightly
codegen_flags: <defaults>
</compile_context>

<pallas_src>
import functools

import jax
import jax.numpy as jnp
from jax import lax
from jax.experimental import pallas as pl
from jax.experimental.pallas import tpu as pltpu
from jax.experimental.pallas import tpu_sc as plsc

N = 10000
NPAD = 10240
D = 128
H = 64
E = 320000
ECH = 2560
EPAD = ECH * 128
P = 200000
PCH = 1600
PPAD = PCH * 128
NC, NS = 2, 16
NW = NC * NS
RPT = NPAD // NS
ECPT = ECH // NW
PCPT = PCH // NW
SC0E, SC1E = 80, 80
SC0P, SC1P = 52, 52
DEG0, DEG1 = 80, 80
DEGM = max(DEG0, DEG1)
SCPM = max(52, 72)

_mesh = plsc.VectorSubcoreMesh(
    core_axis_name="c", subcore_axis_name="s", num_cores=NC, num_subcores=NS)
_sc_params = pltpu.CompilerParams(use_tc_tiling_on_sc=False)


@functools.partial(
    pl.kernel,
    out_type=jax.ShapeDtypeStruct((NC, NPAD), jnp.float32),
    mesh=_mesh,
    scratch_types=[
        pltpu.VMEM((ECPT, 2, 128), jnp.int32),
        pltpu.VMEM((128,), jnp.float32),
        pltpu.VMEM((RPT,), jnp.float32),
        pltpu.VMEM_SHARED((NPAD,), jnp.float32),
        pltpu.SemaphoreType.DMA,
    ],
)
def _deg_kernel(sidx, out, idx_v, ones_v, zer_v, acc, sem):
    c = lax.axis_index("c")
    s = lax.axis_index("s")
    w = s * NC + c
    pltpu.sync_copy(sidx.at[pl.ds(w * ECPT, ECPT)], idx_v)
    for k in range(RPT // 16):
        zer_v[pl.ds(k * 16, 16)] = jnp.zeros((16,), jnp.float32)
    for k in range(128 // 16):
        ones_v[pl.ds(k * 16, 16)] = jnp.ones((16,), jnp.float32)
    pltpu.sync_copy(zer_v, acc.at[pl.ds(s * RPT, RPT)])
    plsc.subcore_barrier()

    def body(k, carry):
        pltpu.async_copy(ones_v, acc.at[idx_v.at[k, 1]], sem, add=True)
        return carry

    lax.fori_loop(0, ECPT, body, 0)

    def drain(k, carry):
        pltpu.make_async_copy(out.at[c].at[pl.ds(0, 128)], ones_v, sem).wait()
        return carry

    lax.fori_loop(0, ECPT, drain, 0)
    plsc.subcore_barrier()
    pltpu.sync_copy(acc.at[pl.ds(s * RPT, RPT)],
                    out.at[c].at[pl.ds(s * RPT, RPT)])


@functools.partial(
    pl.kernel,
    out_type=(jax.ShapeDtypeStruct((NC, NPAD, H), jnp.float32),
              jax.ShapeDtypeStruct((NC, NPAD, H), jnp.float32)),
    mesh=_mesh,
    compiler_params=_sc_params,
    scratch_types=[
        pltpu.VMEM((ECPT, 2, 128), jnp.int32),
        pltpu.VMEM((4, 128, H), jnp.float32),
        pltpu.VMEM_SHARED((NPAD, H), jnp.float32),
        pltpu.SemaphoreType.DMA,
        pltpu.SemaphoreType.DMA,
        pltpu.SemaphoreType.DMA,
        pltpu.SemaphoreType.DMA,
        pltpu.SemaphoreType.DMA,
        pltpu.SemaphoreType.DMA,
        pltpu.SemaphoreType.DMA,
        pltpu.SemaphoreType.DMA,
    ],
)
def _scatter_kernel(ga, gb, sidx, outa, outb, idx_v, rows_v, acc,
                    sg0, sg1, sg2, sg3, ss0, ss1, ss2, ss3):
    c = lax.axis_index("c")
    s = lax.axis_index("s")
    w = s * NC + c
    base = w * ECPT
    sgs = (sg0, sg1, sg2, sg3)
    sss = (ss0, ss1, ss2, ss3)

    def waitrows(sem):
        pltpu.make_async_copy(ga.at[pl.ds(0, 128)], rows_v.at[0], sem).wait()

    pltpu.sync_copy(sidx.at[pl.ds(base, ECPT)], idx_v)

    def zbody(i, carry):
        for jj in range(H // 16):
            rows_v[0, i, pl.ds(jj * 16, 16)] = jnp.zeros((16,), jnp.float32)
        return carry

    lax.fori_loop(0, 128, zbody, 0)

    for table, out in ((ga, outa), (gb, outb)):
        for r in range(RPT // 128):
            pltpu.sync_copy(rows_v.at[0], acc.at[pl.ds(s * RPT + r * 128,
                                                       128)])
        plsc.subcore_barrier()
        pltpu.async_copy(table.at[idx_v.at[0, 0]], rows_v.at[0], sgs[0])

        def group(gi, carry, table=table):
            for b in range(4):
                k = gi * 4 + b
                nb = (b + 1) % 4
                if b < 3:
                    @pl.when(gi >= 1)
                    def _():
                        waitrows(sss[nb])
                    pltpu.async_copy(table.at[idx_v.at[k + 1, 0]],
                                     rows_v.at[nb], sgs[nb])
                else:
                    @pl.when(gi <= ECPT // 4 - 2)
                    def _():
                        waitrows(sss[0])
                        pltpu.async_copy(table.at[idx_v.at[k + 1, 0]],
                                         rows_v.at[0], sgs[0])
                waitrows(sgs[b])
                pltpu.async_copy(rows_v.at[b], acc.at[idx_v.at[k, 1]],
                                 sss[b], add=True)
            return carry

        lax.fori_loop(0, ECPT // 4, group, 0)
        for b in range(4):
            waitrows(sss[b])
        plsc.subcore_barrier()
        pltpu.sync_copy(acc.at[pl.ds(s * RPT, RPT)],
                        out.at[c].at[pl.ds(s * RPT, RPT)])
        if table is ga:
            lax.fori_loop(0, 128, zbody, 0)


@functools.partial(
    pl.kernel,
    out_type=(jax.ShapeDtypeStruct((PPAD, H), jnp.float32),
              jax.ShapeDtypeStruct((PPAD, H), jnp.float32)),
    mesh=_mesh,
    compiler_params=_sc_params,
    scratch_types=[
        pltpu.VMEM((PCPT, 2, 128), jnp.int32),
        pltpu.VMEM((2, 128, H), jnp.float32),
        pltpu.VMEM((2, 128, H), jnp.float32),
        pltpu.SemaphoreType.DMA,
        pltpu.SemaphoreType.DMA,
        pltpu.SemaphoreType.DMA,
        pltpu.SemaphoreType.DMA,
    ],
)
def _pair_kernel(p, q, pidx, r1, r2,
                 idx_v, rows1_v, rows2_v, sg0, sg1, sw0, sw1):
    c = lax.axis_index("c")
    s = lax.axis_index("s")
    w = s * NC + c
    base = w * PCPT
    sgs = (sg0, sg1)
    sws = (sw0, sw1)

    def wait2(sem):
        pltpu.make_async_copy(p.at[pl.ds(0, 128)], rows1_v.at[0], sem).wait()
        pltpu.make_async_copy(p.at[pl.ds(0, 128)], rows2_v.at[0], sem).wait()

    def issue_gather(k, b):
        pltpu.async_copy(p.at[idx_v.at[k, 0]], rows1_v.at[b], sgs[b])
        pltpu.async_copy(q.at[idx_v.at[k, 1]], rows2_v.at[b], sgs[b])

    def issue_write(k, b):
        j = base + k
        pltpu.async_copy(rows1_v.at[b], r1.at[pl.ds(j * 128, 128)], sws[b])
        pltpu.async_copy(rows2_v.at[b], r2.at[pl.ds(j * 128, 128)], sws[b])

    pltpu.sync_copy(pidx.at[pl.ds(base, PCPT)], idx_v)
    issue_gather(0, 0)

    def group(gi, carry):
        k = gi * 2
        @pl.when(gi >= 1)
        def _():
            wait2(sws[1])
        issue_gather(k + 1, 1)
        wait2(sgs[0])
        issue_write(k, 0)
        @pl.when(gi <= PCPT // 2 - 2)
        def _():
            wait2(sws[0])
            issue_gather(k + 2, 0)
        wait2(sgs[1])
        issue_write(k + 1, 1)
        return carry

    lax.fori_loop(0, PCPT // 2, group, 0)
    wait2(sws[0])
    wait2(sws[1])


RB = 512
RB2 = 512


def _tc_a_body(x_ref, degs_ref, w1_ref, g1a_ref, g1b_ref, dinv_ref):
    d = degs_ref[0] + degs_ref[1] + 1.0
    dinv = lax.rsqrt(d)
    h = jnp.dot(x_ref[...], w1_ref[...], preferred_element_type=jnp.float32)
    g1 = h * dinv
    g1a_ref[...] = g1[:, :H]
    g1b_ref[...] = g1[:, H:]
    dinv_ref[...] = dinv


_tc_a = pl.pallas_call(
    _tc_a_body,
    grid=(NPAD // RB,),
    in_specs=[
        pl.BlockSpec((RB, D), lambda i: (i, 0)),
        pl.BlockSpec((NC, RB, 1), lambda i: (0, i, 0)),
        pl.BlockSpec((D, D), lambda i: (0, 0)),
    ],
    out_specs=[
        pl.BlockSpec((RB, H), lambda i: (i, 0)),
        pl.BlockSpec((RB, H), lambda i: (i, 0)),
        pl.BlockSpec((RB, 1), lambda i: (i, 0)),
    ],
    out_shape=[
        jax.ShapeDtypeStruct((NPAD, H), jnp.float32),
        jax.ShapeDtypeStruct((NPAD, H), jnp.float32),
        jax.ShapeDtypeStruct((NPAD, 1), jnp.float32),
    ],
)


def _tc_b_body(pa_ref, pb_ref, g1a_ref, g1b_ref, dinv_ref, b1a_ref, b1b_ref,
               w2a_ref, w2b_ref, g2a_ref, g2b_ref):
    dinv = dinv_ref[...]
    h1a = jnp.maximum(
        (pa_ref[0] + pa_ref[1] + g1a_ref[...]) * dinv + b1a_ref[...], 0.0)
    h1b = jnp.maximum(
        (pb_ref[0] + pb_ref[1] + g1b_ref[...]) * dinv + b1b_ref[...], 0.0)
    g2 = (jnp.dot(h1a, w2a_ref[...], preferred_element_type=jnp.float32) +
          jnp.dot(h1b, w2b_ref[...], preferred_element_type=jnp.float32))
    g2 = g2 * dinv
    g2a_ref[...] = g2[:, :H]
    g2b_ref[...] = g2[:, H:]


_tc_b = pl.pallas_call(
    _tc_b_body,
    grid=(NPAD // RB,),
    in_specs=[
        pl.BlockSpec((NC, RB, H), lambda i: (0, i, 0)),
        pl.BlockSpec((NC, RB, H), lambda i: (0, i, 0)),
        pl.BlockSpec((RB, H), lambda i: (i, 0)),
        pl.BlockSpec((RB, H), lambda i: (i, 0)),
        pl.BlockSpec((RB, 1), lambda i: (i, 0)),
        pl.BlockSpec((1, H), lambda i: (0, 0)),
        pl.BlockSpec((1, H), lambda i: (0, 0)),
        pl.BlockSpec((H, D), lambda i: (0, 0)),
        pl.BlockSpec((H, D), lambda i: (0, 0)),
    ],
    out_specs=[
        pl.BlockSpec((RB, H), lambda i: (i, 0)),
        pl.BlockSpec((RB, H), lambda i: (i, 0)),
    ],
    out_shape=[
        jax.ShapeDtypeStruct((NPAD, H), jnp.float32),
        jax.ShapeDtypeStruct((NPAD, H), jnp.float32),
    ],
)


def _tc_c_body(pa_ref, pb_ref, g2a_ref, g2b_ref, dinv_ref, b2a_ref, b2b_ref,
               wpa_ref, wpb_ref, wqa_ref, wqb_ref, p_ref, q_ref):
    dinv = dinv_ref[...]
    h2a = (pa_ref[0] + pa_ref[1] + g2a_ref[...]) * dinv + b2a_ref[...]
    h2b = (pb_ref[0] + pb_ref[1] + g2b_ref[...]) * dinv + b2b_ref[...]
    p_ref[...] = (
        jnp.dot(h2a, wpa_ref[...], preferred_element_type=jnp.float32) +
        jnp.dot(h2b, wpb_ref[...], preferred_element_type=jnp.float32))
    q_ref[...] = (
        jnp.dot(h2a, wqa_ref[...], preferred_element_type=jnp.float32) +
        jnp.dot(h2b, wqb_ref[...], preferred_element_type=jnp.float32))


_tc_c = pl.pallas_call(
    _tc_c_body,
    grid=(NPAD // RB,),
    in_specs=[
        pl.BlockSpec((NC, RB, H), lambda i: (0, i, 0)),
        pl.BlockSpec((NC, RB, H), lambda i: (0, i, 0)),
        pl.BlockSpec((RB, H), lambda i: (i, 0)),
        pl.BlockSpec((RB, H), lambda i: (i, 0)),
        pl.BlockSpec((RB, 1), lambda i: (i, 0)),
        pl.BlockSpec((1, H), lambda i: (0, 0)),
        pl.BlockSpec((1, H), lambda i: (0, 0)),
        pl.BlockSpec((H, H), lambda i: (0, 0)),
        pl.BlockSpec((H, H), lambda i: (0, 0)),
        pl.BlockSpec((H, H), lambda i: (0, 0)),
        pl.BlockSpec((H, H), lambda i: (0, 0)),
    ],
    out_specs=[
        pl.BlockSpec((RB, H), lambda i: (i, 0)),
        pl.BlockSpec((RB, H), lambda i: (i, 0)),
    ],
    out_shape=[
        jax.ShapeDtypeStruct((NPAD, H), jnp.float32),
        jax.ShapeDtypeStruct((NPAD, H), jnp.float32),
    ],
)


def _tc_d_body(r1_ref, r2_ref, bl1_ref, wl2t_ref, bl2_ref, o_ref):
    z = jnp.maximum(r1_ref[...] + r2_ref[...] + bl1_ref[...], 0.0)
    t = jnp.sum(z * wl2t_ref[...], axis=1, keepdims=True) + bl2_ref[...]
    o_ref[...] = 1.0 / (1.0 + jnp.exp(-t))


_tc_d = pl.pallas_call(
    _tc_d_body,
    grid=(PPAD // RB2,),
    in_specs=[
        pl.BlockSpec((RB2, H), lambda i: (i, 0)),
        pl.BlockSpec((RB2, H), lambda i: (i, 0)),
        pl.BlockSpec((1, H), lambda i: (0, 0)),
        pl.BlockSpec((1, H), lambda i: (0, 0)),
        pl.BlockSpec((1, 1), lambda i: (0, 0)),
    ],
    out_specs=pl.BlockSpec((RB2, 1), lambda i: (i, 0)),
    out_shape=jax.ShapeDtypeStruct((PPAD, 1), jnp.float32),
)



def kernel(x, edge_index, edge_pairs, W1, b1, W2, b2, Wl1, bl1, Wl2, bl2):
    epad = jnp.full((EPAD - E,), N, jnp.int32)
    src2d = jnp.concatenate([edge_index[0], epad]).reshape(ECH, 1, 128)
    dst2d = jnp.concatenate([edge_index[1], epad]).reshape(ECH, 1, 128)
    sidx = jnp.concatenate([src2d, dst2d], axis=1)
    ppad = jnp.zeros((PPAD - P,), jnp.int32)
    pa2d = jnp.concatenate([edge_pairs[0], ppad]).reshape(PCH, 1, 128)
    pb2d = jnp.concatenate([edge_pairs[1], ppad]).reshape(PCH, 1, 128)
    pidx = jnp.concatenate([pa2d, pb2d], axis=1)
    xp = jnp.pad(x, ((0, NPAD - N), (0, 0)))

    degp = _deg_kernel(sidx).reshape(NC, NPAD, 1)
    g1a, g1b, dinvcol = _tc_a(xp, degp, W1)
    p1a, p1b = _scatter_kernel(g1a, g1b, sidx)
    g2a, g2b = _tc_b(p1a, p1b, g1a, g1b, dinvcol,
                     b1[:H].reshape(1, H), b1[H:].reshape(1, H),
                     W2[:H], W2[H:])
    p2a, p2b = _scatter_kernel(g2a, g2b, sidx)
    p, q = _tc_c(p2a, p2b, g2a, g2b, dinvcol,
                 b2[:H].reshape(1, H), b2[H:].reshape(1, H),
                 Wl1[0:H], Wl1[H:D], Wl1[D:D + H], Wl1[D + H:])
    r1, r2 = _pair_kernel(p, q, pidx)
    out = _tc_d(r1, r2, bl1.reshape(1, H), Wl2.reshape(1, H),
                bl2.reshape(1, 1))
    return out[:P]

# --- scband reference (transcript-rebuilt; emitter-appended) ---
"""Pipeline reference for scband-gnnlink-predictor-82772609728846 (READ-ONLY COPY).

The authoritative reference and input builder live on the scoring server;
editing this copy changes nothing except your own understanding.
"""

import jax, jax.numpy as jnp
import numpy as np

N_NODES = 10000

def _glorot(key, shape):
    lim = float(np.sqrt(6.0 / (shape[0] + shape[1])))
    return jax.random.uniform(key, shape, jnp.float32, -lim, lim)

def setup_inputs(seed: int = 0):
    key = jax.random.key(seed)
    ks = jax.random.split(key, 8)
    x = jax.random.normal(ks[0], (N_NODES, 128), jnp.float32)
    edge_index = jax.random.randint(ks[1], (2, 320000), 0, N_NODES, jnp.int32)
    edge_pairs = jax.random.randint(ks[2], (2, 200000), 0, N_NODES, jnp.int32)
    W1 = _glorot(ks[3], (128, 128)); b1 = jnp.zeros((128,), jnp.float32)
    W2 = _glorot(ks[4], (128, 128)); b2 = jnp.zeros((128,), jnp.float32)
    Wl1 = _glorot(ks[5], (256, 64)); bl1 = jnp.zeros((64,), jnp.float32)
    Wl2 = _glorot(ks[6], (64, 1));   bl2 = jnp.zeros((1,), jnp.float32)
    return {"x": x, "edge_index": edge_index, "edge_pairs": edge_pairs,
            "W1": W1, "b1": b1, "W2": W2, "b2": b2,
            "Wl1": Wl1, "bl1": bl1, "Wl2": Wl2, "bl2": bl2}

def _gcn_conv(x, edge_index, W, b):
    # PyG-style GCNConv: linear transform, add self-loops, symmetric normalization, scatter-add
    src = edge_index[0]
    dst = edge_index[1]
    loop = jnp.arange(N_NODES, dtype=src.dtype)
    src = jnp.concatenate([src, loop])
    dst = jnp.concatenate([dst, loop])
    deg = jnp.zeros((N_NODES,), jnp.float32).at[dst].add(1.0)
    dinv = jnp.where(deg > 0, jax.lax.rsqrt(jnp.maximum(deg, 1e-12)), 0.0)
    norm = dinv[src] * dinv[dst]
    h = x @ W
    msg = h[src] * norm[:, None]
    out = jax.ops.segment_sum(msg, dst, num_segments=N_NODES)
    return out + b

def reference(x, edge_index, edge_pairs, W1, b1, W2, b2, Wl1, bl1, Wl2, bl2):
    h = jax.nn.relu(_gcn_conv(x, edge_index, W1, b1))
    h = _gcn_conv(h, edge_index, W2, b2)
    h_src = h[edge_pairs[0]]
    h_dst = h[edge_pairs[1]]
    edge_feat = jnp.concatenate([h_src, h_dst], axis=1)
    z = jax.nn.relu(edge_feat @ Wl1 + bl1)
    z = z @ Wl2 + bl2
    return jax.nn.sigmoid(z)

if __name__ == "__main__":
    import jax
    _d = setup_inputs()
    print(jax.jit(kernel)(*tuple(_d.values())))

</pallas_src>

<mosaic_0001>
#map = affine_map<(d0, d1) -> (0, 0, 0)>
#map1 = affine_map<(d0, d1) -> (0, 0)>
module attributes {stable_mosaic.version = 14 : i64} {
  func.func @_deg_kernel(%arg0: i32, %arg1: i32, %arg2: memref<2560x2x128xi32, #tpu.memory_space<hbm>>, %arg3: memref<2x10240xf32, #tpu.memory_space<hbm>>, %arg4: memref<80x2x128xi32, #tpu.memory_space<vmem>>, %arg5: memref<128xf32, #tpu.memory_space<vmem>>, %arg6: memref<640xf32, #tpu.memory_space<vmem>>, %arg7: memref<10240xf32, #tpu.memory_space<vmem_shared>>, %arg8: memref<!tpu.dma_semaphore, #tpu.memory_space<semaphore_mem>>) attributes {dimension_semantics = [#tpu.dimension_semantics<core_parallel>, #tpu.dimension_semantics<subcore_parallel>], iteration_bounds = array<i64: 2, 16>, scalar_prefetch = 0 : i64, scratch_operands = 5 : i64, tpu.core_type = #tpu.core_type<sc_vector_subcore>, window_params = [{transform_indices = #map}, {transform_indices = #map1}]} {
    %mul3A = arith.constant 2 : i32
    %mul3A_0 = arith.muli %arg1, %mul3A : i32
    %add3A = arith.addi %mul3A_0, %arg0 : i32
    %mul3A_1 = arith.constant 80 : i32
    %mul3A_2 = arith.muli %add3A, %mul3A_1 : i32
    "tpu.region"() ({
      %run_scoped3A = tpu.sem_alloc : memref<!tpu.dma_semaphore, #tpu.memory_space<semaphore_mem>>
      %dma_start3A = arith.constant 0 : i32
      %dma_start3A_307 = arith.constant 0 : i32
      %dma_start3A_308 = tpu.memref_slice %arg2[%mul3A_2, %dma_start3A, %dma_start3A_307] : memref<2560x2x128xi32, #tpu.memory_space<hbm>> -> memref<80x2x128xi32, #tpu.memory_space<hbm>>
      %dma_start3A_309 = arith.constant 0 : i32
      %dma_start3A_310 = arith.constant 0 : i32
      %dma_start3A_311 = tpu.memref_slice %arg2[%mul3A_2, %dma_start3A_309, %dma_start3A_310] : memref<2560x2x128xi32, #tpu.memory_space<hbm>> -> memref<80x2x128xi32, #tpu.memory_space<hbm>>
      tpu.enqueue_dma source(%dma_start3A_311 : memref<80x2x128xi32, #tpu.memory_space<hbm>>) target(%arg4 : memref<80x2x128xi32, #tpu.memory_space<vmem>>) target_semaphore(%run_scoped3A : memref<!tpu.dma_semaphore, #tpu.memory_space<semaphore_mem>>)
      %dma_wait3A = arith.constant 0 : i32
      %dma_wait3A_312 = arith.constant 0 : i32
      %dma_wait3A_313 = tpu.memref_slice %arg2[%mul3A_2, %dma_wait3A, %dma_wait3A_312] : memref<2560x2x128xi32, #tpu.memory_space<hbm>> -> memref<80x2x128xi32, #tpu.memory_space<hbm>>
      %dma_wait3A_314 = arith.constant 0 : i32
      %dma_wait3A_315 = arith.constant 0 : i32
      %dma_wait3A_316 = tpu.memref_slice %arg2[%mul3A_2, %dma_wait3A_314, %dma_wait3A_315] : memref<2560x2x128xi32, #tpu.memory_space<hbm>> -> memref<80x2x128xi32, #tpu.memory_space<hbm>>
      tpu.wait_dma2 semaphore(%run_scoped3A : memref<!tpu.dma_semaphore, #tpu.memory_space<semaphore_mem>>) src(%dma_wait3A_316 : memref<80x2x128xi32, #tpu.memory_space<hbm>>) dst(%arg4 : memref<80x2x128xi32, #tpu.memory_space<vmem>>)
      tpu.yield
    }) : () -> ()
    %broadcast_in_dim3A = arith.constant 0.000000e+00 : f32
    %broadcast_in_dim3A_3 = vector.broadcast %broadcast_in_dim3A : f32 to vector<16xf32>
    %swap3A = arith.constant 0 : index
    %swap3A_4 = tpu.vector_load %arg6[%swap3A] {strides = array<i32>} : memref<640xf32, #tpu.memory_space<vmem>>, vector<16xf32>,
    %swap3A_5 = vector.shape_cast %swap3A_4 : vector<16xf32> to vector<16xf32>
    %swap3A_6 = vector.shape_cast %broadcast_in_dim3A_3 : vector<16xf32> to vector<16xf32>
    tpu.vector_store %arg6[%swap3A], %swap3A_6 {strides = array<i32>} : memref<640xf32, #tpu.memory_space<vmem>>, vector<16xf32>,
    %broadcast_in_dim3A_7 = arith.constant 0.000000e+00 : f32
    %broadcast_in_dim3A_8 = vector.broadcast %broadcast_in_dim3A_7 : f32 to vector<16xf32>
    %swap3A_9 = arith.constant 16 : index
    %swap3A_10 = tpu.vector_load %arg6[%swap3A_9] {strides = array<i32>} : memref<640xf32, #tpu.memory_space<vmem>>, vector<16xf32>,
    %swap3A_11 = vector.shape_cast %swap3A_10 : vector<16xf32> to vector<16xf32>
    %swap3A_12 = vector.shape_cast %broadcast_in_dim3A_8 : vector<16xf32> to vector<16xf32>
    tpu.vector_store %arg6[%swap3A_9], %swap3A_12 {strides = array<i32>} : memref<640xf32, #tpu.memory_space<vmem>>, vector<16xf32>,
    %broadcast_in_dim3A_13 = arith.constant 0.000000e+00 : f32
    %broadcast_in_dim3A_14 = vector.broadcast %broadcast_in_dim3A_13 : f32 to vector<16xf32>
    %swap3A_15 = arith.constant 32 : index
    %swap3A_16 = tpu.vector_load %arg6[%swap3A_15] {strides = array<i32>} : memref<640xf32, #tpu.memory_space<vmem>>, vector<16xf32>,
    %swap3A_17 = vector.shape_cast %swap3A_16 : vector<16xf32> to vector<16xf32>
    %swap3A_18 = vector.shape_cast %broadcast_in_dim3A_14 : vector<16xf32> to vector<16xf32>
    tpu.vector_store %arg6[%swap3A_15], %swap3A_18 {strides = array<i32>} : memref<640xf32, #tpu.memory_space<vmem>>, vector<16xf32>,
    %broadcast_in_dim3A_19 = arith.constant 0.000000e+00 : f32
    %broadcast_in_dim3A_20 = vector.broadcast %broadcast_in_dim3A_19 : f32 to vector<16xf32>
    %swap3A_21 = arith.constant 48 : index
    %swap3A_22 = tpu.vector_load %arg6[%swap3A_21] {strides = array<i32>} : memref<640xf32, #tpu.memory_space<vmem>>, vector<16xf32>,
    %swap3A_23 = vector.shape_cast %swap3A_22 : vector<16xf32> to vector<16xf32>
    %swap3A_24 = vector.shape_cast %broadcast_in_dim3A_20 : vector<16xf32> to vector<16xf32>
    tpu.vector_store %arg6[%swap3A_21], %swap3A_24 {strides = array<i32>} : memref<640xf32, #tpu.memory_space<vmem>>, vector<16xf32>,
    %broadcast_in_dim3A_25 = arith.constant 0.000000e+00 : f32
    %broadcast_in_dim3A_26 = vector.broadcast %broadcast_in_dim3A_25 : f32 to vector<16xf32>
    %swap3A_27 = arith.constant 64 : index
    %swap3A_28 = tpu.vector_load %arg6[%swap3A_27] {strides = array<i32>} : memref<640xf32, #tpu.memory_space<vmem>>, vector<16xf32>,
    %swap3A_29 = vector.shape_cast %swap3A_28 : vector<16xf32> to vector<16xf32>
    %swap3A_30 = vector.shape_cast %broadcast_in_dim3A_26 : vector<16xf32> to vector<16xf32>
    tpu.vector_store %arg6[%swap3A_27], %swap3A_30 {strides = array<i32>} : memref<640xf32, #tpu.memory_space<vmem>>, vector<16xf32>,
    %broadcast_in_dim3A_31 = arith.constant 0.000000e+00 : f32
    %broadcast_in_dim3A_32 = vector.broadcast %broadcast_in_dim3A_31 : f32 to vector<16xf32>
    %swap3A_33 = arith.constant 80 : index
    %swap3A_34 = tpu.vector_load %arg6[%swap3A_33] {strides = array<i32>} : memref<640xf32, #tpu.memory_space<vmem>>, vector<16xf32>,
    %swap3A_35 = vector.shape_cast %swap3A_34 : vector<16xf32> to vector<16xf32>
    %swap3A_36 = vector.shape_cast %broadcast_in_dim3A_32 : vector<16xf32> to vector<16xf32>
    tpu.vector_store %arg6[%swap3A_33], %swap3A_36 {strides = array<i32>} : memref<640xf32, #tpu.memory_space<vmem>>, vector<16xf32>,
    %broadcast_in_dim3A_37 = arith.constant 0.000000e+00 : f32
    %broadcast_in_dim3A_38 = vector.broadcast %broadcast_in_dim3A_37 : f32 to vector<16xf32>
    %swap3A_39 = arith.constant 96 : index
    %swap3A_40 = tpu.vector_load %arg6[%swap3A_39] {strides = array<i32>} : memref<640xf32, #tpu.memory_space<vmem>>, vector<16xf32>,
    %swap3A_41 = vector.shape_cast %swap3A_40 : vector<16xf32> to vector<16xf32>
    %swap3A_42 = vector.shape_cast %broadcast_in_dim3A_38 : vector<16xf32> to vector<16xf32>
    tpu.vector_store %arg6[%swap3A_39], %swap3A_42 {strides = array<i32>} : memref<640xf32, #tpu.memory_space<vmem>>, vector<16xf32>,
    %broadcast_in_dim3A_43 = arith.constant 0.000000e+00 : f32
    %broadcast_in_dim3A_44 = vector.broadcast %broadcast_in_dim3A_43 : f32 to vector<16xf32>
    %swap3A_45 = arith.constant 112 : index
    %swap3A_46 = tpu.vector_load %arg6[%swap3A_45] {strides = array<i32>} : memref<640xf32, #tpu.memory_space<vmem>>, vector<16xf32>,
    %swap3A_47 = vector.shape_cast %swap3A_46 : vector<16xf32> to vector<16xf32>
    %swap3A_48 = vector.shape_cast %broadcast_in_dim3A_44 : vector<16xf32> to vector<16xf32>
    tpu.vector_store %arg6[%swap3A_45], %swap3A_48 {strides = array<i32>} : memref<640xf32, #tpu.memory_space<vmem>>, vector<16xf32>,
    %broadcast_in_dim3A_49 = arith.constant 0.000000e+00 : f32
    %broadcast_in_dim3A_50 = vector.broadcast %broadcast_in_dim3A_49 : f32 to vector<16xf32>
    %swap3A_51 = arith.constant 128 : index
    %swap3A_52 = tpu.vector_load %arg6[%swap3A_51] {strides = array<i32>} : memref<640xf32, #tpu.memory_space<vmem>>, vector<16xf32>,
    %swap3A_53 = vector.shape_cast %swap3A_52 : vector<16xf32> to vector<16xf32>
    %swap3A_54 = vector.shape_cast %broadcast_in_dim3A_50 : vector<16xf32> to vector<16xf32>
    tpu.vector_store %arg6[%swap3A_51], %swap3A_54 {strides = array<i32>} : memref<640xf32, #tpu.memory_space<vmem>>, vector<16xf32>,
    %broadcast_in_dim3A_55 = arith.constant 0.000000e+00 : f32
    %broadcast_in_dim3A_56 = vector.broadcast %broadcast_in_dim3A_55 : f32 to vector<16xf32>
    %swap3A_57 = arith.constant 144 : index
    %swap3A_58 = tpu.vector_load %arg6[%swap3A_57] {strides = array<i32>} : memref<640xf32, #tpu.memory_space<vmem>>, vector<16xf32>,
    %swap3A_59 = vector.shape_cast %swap3A_58 : vector<16xf32> to vector<16xf32>
    %swap3A_60 = vector.shape_cast %broadcast_in_dim3A_56 : vector<16xf32> to vector<16xf32>
    tpu.vector_store %arg6[%swap3A_57], %swap3A_60 {strides = array<i32>} : memref<640xf32, #tpu.memory_space<vmem>>, vector<16xf32>,
    %broadcast_in_dim3A_61 = arith.constant 0.000000e+00 : f32
    %broadcast_in_dim3A_62 = vector.broadcast %broadcast_in_dim3A_61 : f32 to vector<16xf32>
    %swap3A_63 = arith.constant 160 : index
    %swap3A_64 = tpu.vector_load %arg6[%swap3A_63] {strides = array<i32>} : memref<640xf32, #tpu.memory_space<vmem>>, vector<16xf32>,
    %swap3A_65 = vector.shape_cast %swap3A_64 : vector<16xf32> to vector<16xf32>
    %swap3A_66 = vector.shape_cast %broadcast_in_dim3A_62 : vector<16xf32> to vector<16xf32>
    tpu.vector_store %arg6[%swap3A_63], %swap3A_66 {strides = array<i32>} : memref<640xf32, #tpu.memory_space<vmem>>, vector<16xf32>,
    %broadcast_in_dim3A_67 = arith.constant 0.000000e+00 : f32
    %broadcast_in_dim3A_68 = vector.broadcast %broadcast_in_dim3A_67 : f32 to vector<16xf32>
    %swap3A_69 = arith.constant 176 : index
    %swap3A_70 = tpu.vector_load %arg6[%swap3A_69] {strides = array<i32>} : memref<640xf32, #tpu.memory_space<vmem>>, vector<16xf32>,
    %swap3A_71 = vector.shape_cast %swap3A_70 : vector<16xf32> to vector<16xf32>
    %swap3A_72 = vector.shape_cast %broadcast_in_dim3A_68 : vector<16xf32> to vector<16xf32>
    tpu.vector_store %arg6[%swap3A_69], %swap3A_72 {strides = array<i32>} : memref<640xf32, #tpu.memory_space<vmem>>, vector<16xf32>,
    %broadcast_in_dim3A_73 = arith.constant 0.000000e+00 : f32
    %broadcast_in_dim3A_74 = vector.broadcast %broadcast_in_dim3A_73 : f32 to vector<16xf32>
    %swap3A_75 = arith.constant 192 : index
    %swap3A_76 = tpu.vector_load %arg6[%swap3A_75] {strides = array<i32>} : memref<640xf32, #tpu.memory_space<vmem>>, vector<16xf32>,
    %swap3A_77 = vector.shape_cast %swap3A_76 : vector<16xf32> to vector<16xf32>
    %swap3A_78 = vector.shape_cast %broadcast_in_dim3A_74 : vector<16xf32> to vector<16xf32>
    tpu.vector_store %arg6[%swap3A_75], %swap3A_78 {strides = array<i32>} : memref<640xf32, #tpu.memory_space<vmem>>, vector<16xf32>,
    %broadcast_in_dim3A_79 = arith.constant 0.000000e+00 : f32
    %broadcast_in_dim3A_80 = vector.broadcast %broadcast_in_dim3A_79 : f32 to vector<16xf32>
    %swap3A_81 = arith.constant 208 : index
    %swap3A_82 = tpu.vector_load %arg6[%swap3A_81] {strides = array<i32>} : memref<640xf32, #tpu.memory_space<vmem>>, vector<16xf32>,
    %swap3A_83 = vector.shape_cast %swap3A_82 : vector<16xf32> to vector<16xf32>
    %swap3A_84 = vector.shape_cast %broadcast_in_dim3A_80 : vector<16xf32> to vector<16xf32>
    tpu.vector_store %arg6[%swap3A_81], %swap3A_84 {strides = array<i32>} : memref<640xf32, #tpu.memory_space<vmem>>, vector<16xf32>,
    %broadcast_in_dim3A_85 = arith.constant 0.000000e+00 : f32
    %broadcast_in_dim3A_86 = vector.broadcast %broadcast_in_dim3A_85 : f32 to vector<16xf32>
    %swap3A_87 = arith.constant 224 : index
    %swap3A_88 = tpu.vector_load %arg6[%swap3A_87] {strides = array<i32>} : memref<640xf32, #tpu.memory_space<vmem>>, vector<16xf32>,
    %swap3A_89 = vector.shape_cast %swap3A_88 : vector<16xf32> to vector<16xf32>
    %swap3A_90 = vector.shape_cast %broadcast_in_dim3A_86 : vector<16xf32> to vector<16xf32>
    tpu.vector_store %arg6[%swap3A_87], %swap3A_90 {strides = array<i32>} : memref<640xf32, #tpu.memory_space<vmem>>, vector<16xf32>,
    %broadcast_in_dim3A_91 = arith.constant 0.000000e+00 : f32
    %broadcast_in_dim3A_92 = vector.broadcast %broadcast_in_dim3A_91 : f32 to vector<16xf32>
    %swap3A_93 = arith.constant 240 : index
    %swap3A_94 = tpu.vector_load %arg6[%swap3A_93] {strides = array<i32>} : memref<640xf32, #tpu.memory_space<vmem>>, vector<16xf32>,
    %swap3A_95 = vector.shape_cast %swap3A_94 : vector<16xf32> to vector<16xf32>
    %swap3A_96 = vector.shape_cast %broadcast_in_dim3A_92 : vector<16xf32> to vector<16xf32>
    tpu.vector_store %arg6[%swap3A_93], %swap3A_96 {strides = array<i32>} : memref<640xf32, #tpu.memory_space<vmem>>, vector<16xf32>,
    %broadcast_in_dim3A_97 = arith.constant 0.000000e+00 : f32
    %broadcast_in_dim3A_98 = vector.broadcast %broadcast_in_dim3A_97 : f32 to vector<16xf32>
    %swap3A_99 = arith.constant 256 : index
    %swap3A_100 = tpu.vector_load %arg6[%swap3A_99] {strides = array<i32>} : memref<640xf32, #tpu.memory_space<vmem>>, vector<16xf32>,
    %swap3A_101 = vector.shape_cast %swap3A_100 : vector<16xf32> to vector<16xf32>
    %swap3A_102 = vector.shape_cast %broadcast_in_dim3A_98 : vector<16xf32> to vector<16xf32>
    tpu.vector_store %arg6[%swap3A_99], %swap3A_102 {strides = array<i32>} : memref<640xf32, #tpu.memory_space<vmem>>, vector<16xf32>,
    %broadcast_in_dim3A_103 = arith.constant 0.000000e+00 : f32
    %broadcast_in_dim3A_104 = vector.broadcast %broadcast_in_dim3A_103 : f32 to vector<16xf32>
    %swap3A_105 = arith.constant 272 : index
    %swap3A_106 = tpu.vector_load %arg6[%swap3A_105] {strides = array<i32>} : memref<640xf32, #tpu.memory_space<vmem>>, vector<16xf32>,
    %swap3A_107 = vector.shape_cast %swap3A_106 : vector<16xf32> to vector<16xf32>
    %swap3A_108 = vector.shape_cast %broadcast_in_dim3A_104 : vector<16xf32> to vector<16xf32>
    tpu.vector_store %arg6[%swap3A_105], %swap3A_108 {strides = array<i32>} : memref<640xf32, #tpu.memory_space<vmem>>, vector<16xf32>,
    %broadcast_in_dim3A_109 = arith.constant 0.000000e+00 : f32
    %broadcast_in_dim3A_110 = vector.broadcast %broadcast_in_dim3A_109 : f32 to vector<16xf32>
    %swap3A_111 = arith.constant 288 : index
    %swap3A_112 = tpu.vector_load %arg6[%swap3A_111] {strides = array<i32>} : memref<640xf32, #tpu.memory_space<vmem>>, vector<16xf32>,
    %swap3A_113 = vector.shape_cast %swap3A_112 : vector<16xf32> to vector<16xf32>
    %swap3A_114 = vector.shape_cast %broadcast_in_dim3A_110 : vector<16xf32> to vector<16xf32>
    tpu.vector_store %arg6[%swap3A_111], %swap3A_114 {strides = array<i32>} : memref<640xf32, #tpu.memory_space<vmem>>, vector<16xf32>,
    %broadcast_in_dim3A_115 = arith.constant 0.000000e+00 : f32
    %broadcast_in_dim3A_116 = vector.broadcast %broadcast_in_dim3A_115 : f32 to vector<16xf32>
    %swap3A_117 = arith.constant 304 : index
    %swap3A_118 = tpu.vector_load %arg6[%swap3A_117] {strides = array<i32>} : memref<640xf32, #tpu.memory_space<vmem>>, vector<16xf32>,
    %swap3A_119 = vector.shape_cast %swap3A_118 : vector<16xf32> to vector<16xf32>
    %swap3A_120 = vector.shape_cast %broadcast_in_dim3A_116 : vector<16xf32> to vector<16xf32>
    tpu.vector_store %arg6[%swap3A_117], %swap3A_120 {strides = array<i32>} : memref<640xf32, #tpu.memory_space<vmem>>, vector<16xf32>,
    %broadcast_in_dim3A_121 = arith.constant 0.000000e+00 : f32
    %broadcast_in_dim3A_122 = vector.broadcast %broadcast_in_dim3A_121 : f32 to vector<16xf32>
    %swap3A_123 = arith.constant 320 : index
    %swap3A_124 = tpu.vector_load %arg6[%swap3A_123] {strides = array<i32>} : memref<640xf32, #tpu.memory_space<vmem>>, vector<16xf32>,
    %swap3A_125 = vector.shape_cast %swap3A_124 : vector<16xf32> to vector<16xf32>
    %swap3A_126 = vector.shape_cast %broadcast_in_dim3A_122 : vector<16xf32> to vector<16xf32>
    tpu.vector_store %arg6[%swap3A_123], %swap3A_126 {strides = array<i32>} : memref<640xf32, #tpu.memory_space<vmem>>, vector<16xf32>,
    %broadcast_in_dim3A_127 = arith.constant 0.000000e+00 : f32
    %broadcast_in_dim3A_128 = vector.broadcast %broadcast_in_dim3A_127 : f32 to vector<16xf32>
    %swap3A_129 = arith.constant 336 : index
    %swap3A_130 = tpu.vector_load %arg6[%swap3A_129] {strides = array<i32>} : memref<640xf32, #tpu.memory_space<vmem>>, vector<16xf32>,
    %swap3A_131 = vector.shape_cast %swap3A_130 : vector<16xf32> to vector<16xf32>
    %swap3A_132 = vector.shape_cast %broadcast_in_dim3A_128 : vector<16xf32> to vector<16xf32>
    tpu.vector_store %arg6[%swap3A_129], %swap3A_132 {strides = array<i32>} : memref<640xf32, #tpu.memory_space<vmem>>, vector<16xf32>,
    %broadcast_in_dim3A_133 = arith.constant 0.000000e+00 : f32
    %broadcast_in_dim3A_134 = vector.broadcast %broadcast_in_dim3A_133 : f32 to vector<16xf32>
    %swap3A_135 = arith.constant 352 : index
    %swap3A_136 = tpu.vector_load %arg6[%swap3A_135] {strides = array<i32>} : memref<640xf32, #tpu.memory_space<vmem>>, vector<16xf32>,
    %swap3A_137 = vector.shape_cast %swap3A_136 : vector<16xf32> to vector<16xf32>
    %swap3A_138 = vector.shape_cast %broadcast_in_dim3A_134 : vector<16xf32> to vector<16xf32>
    tpu.vector_store %arg6[%swap3A_135], %swap3A_138 {strides = array<i32>} : memref<640xf32, #tpu.memory_space<vmem>>, vector<16xf32>,
    %broadcast_in_dim3A_139 = arith.constant 0.000000e+00 : f32
    %broadcast_in_dim3A_140 = vector.broadcast %broadcast_in_dim3A_139 : f32 to vector<16xf32>
    %swap3A_141 = arith.constant 368 : index
    %swap3A_142 = tpu.vector_load %arg6[%swap3A_141] {strides = array<i32>} : memref<640xf32, #tpu.memory_space<vmem>>, vector<16xf32>,
    %swap3A_143 = vector.shape_cast %swap3A_142 : vector<16xf32> to vector<16xf32>
    %swap3A_144 = vector.shape_cast %broadcast_in_dim3A_140 : vector<16xf32> to vector<16xf32>
    tpu.vector_store %arg6[%swap3A_141], %swap3A_144 {strides = array<i32>} : memref<640xf32, #tpu.memory_space<vmem>>, vector<16xf32>,
    %broadcast_in_dim3A_145 = arith.constant 0.000000e+00 : f32
    %broadcast_in_dim3A_146 = vector.broadcast %broadcast_in_dim3A_145 : f32 to vector<16xf32>
    %swap3A_147 = arith.constant 384 : index
    %swap3A_148 = tpu.vector_load %arg6[%swap3A_147] {strides = array<i32>} : memref<640xf32, #tpu.memory_space<vmem>>, vector<16xf32>,
    %swap3A_149 = vector.shape_cast %swap3A_148 : vector<16xf32> to vector<16xf32>
    %swap3A_150 = vector.shape_cast %broadcast_in_dim3A_146 : vector<16xf32> to vector<16xf32>
    tpu.vector_store %arg6[%swap3A_147], %swap3A_150 {strides = array<i32>} : memref<640xf32, #tpu.memory_space<vmem>>, vector<16xf32>,
    %broadcast_in_dim3A_151 = arith.constant 0.000000e+00 : f32
    %broadcast_in_dim3A_152 = vector.broadcast %broadcast_in_dim3A_151 : f32 to vector<16xf32>
    %swap3A_153 = arith.constant 400 : index
    %swap3A_154 = tpu.vector_load %arg6[%swap3A_153] {strides = array<i32>} : memref<640xf32, #tpu.memory_space<vmem>>, vector<16xf32>,
    %swap3A_155 = vector.shape_cast %swap3A_154 : vector<16xf32> to vector<16xf32>
    %swap3A_156 = vector.shape_cast %broadcast_in_dim3A_152 : vector<16xf32> to vector<16xf32>
    tpu.vector_store %arg6[%swap3A_153], %swap3A_156 {strides = array<i32>} : memref<640xf32, #tpu.memory_space<vmem>>, vector<16xf32>,
    %broadcast_in_dim3A_157 = arith.constant 0.000000e+00 : f32
    %broadcast_in_dim3A_158 = vector.broadcast %broadcast_in_dim3A_157 : f32 to vector<16xf32>
    %swap3A_159 = arith.constant 416 : index
    %swap3A_160 = tpu.vector_load %arg6[%swap3A_159] {strides = array<i32>} : memref<640xf32, #tpu.memory_space<vmem>>, vector<16xf32>,
    %swap3A_161 = vector.shape_cast %swap3A_160 : vector<16xf32> to vector<16xf32>
    %swap3A_162 = vector.shape_cast %broadcast_in_dim3A_158 : vector<16xf32> to vector<16xf32>
    tpu.vector_store %arg6[%swap3A_159], %swap3A_162 {strides = array<i32>} : memref<640xf32, #tpu.memory_space<vmem>>, vector<16xf32>,
    %broadcast_in_dim3A_163 = arith.constant 0.000000e+00 : f32
    %broadcast_in_dim3A_164 = vector.broadcast %broadcast_in_dim3A_163 : f32 to vector<16xf32>
    %swap3A_165 = arith.constant 432 : index
    %swap3A_166 = tpu.vector_load %arg6[%swap3A_165] {strides = array<i32>} : memref<640xf32, #tpu.memory_space<vmem>>, vector<16xf32>,
    %swap3A_167 = vector.shape_cast %swap3A_166 : vector<16xf32> to vector<16xf32>
    %swap3A_168 = vector.shape_cast %broadcast_in_dim3A_164 : vector<16xf32> to vector<16xf32>
    tpu.vector_store %arg6[%swap3A_165], %swap3A_168 {strides = array<i32>} : memref<640xf32, #tpu.memory_space<vmem>>, vector<16xf32>,
    %broadcast_in_dim3A_169 = arith.constant 0.000000e+00 : f32
    %broadcast_in_dim3A_170 = vector.broadcast %broadcast_in_dim3A_169 : f32 to vector<16xf32>
    %swap3A_171 = arith.constant 448 : index
    %swap3A_172 = tpu.vector_load %arg6[%swap3A_171] {strides = array<i32>} : memref<640xf32, #tpu.memory_space<vmem>>, vector<16xf32>,
    %swap3A_173 = vector.shape_cast %swap3A_172 : vector<16xf32> to vector<16xf32>
    %swap3A_174 = vector.shape_cast %broadcast_in_dim3A_170 : vector<16xf32> to vector<16xf32>
    tpu.vector_store %arg6[%swap3A_171], %swap3A_174 {strides = array<i32>} : memref<640xf32, #tpu.memory_space<vmem>>, vector<16xf32>,
    %broadcast_in_dim3A_175 = arith.constant 0.000000e+00 : f32
    %broadcast_in_dim3A_176 = vector.broadcast %broadcast_in_dim3A_175 : f32 to vector<16xf32>
    %swap3A_177 = arith.constant 464 : index
    %swap3A_178 = tpu.vector_load %arg6[%swap3A_177] {strides = array<i32>} : memref<640xf32, #tpu.memory_space<vmem>>, vector<16xf32>,
    %swap3A_179 = vector.shape_cast %swap3A_178 : vector<16xf32> to vector<16xf32>
    %swap3A_180 = vector.shape_cast %broadcast_in_dim3A_176 : vector<16xf32> to vector<16xf32>
    tpu.vector_store %arg6[%swap3A_177], %swap3A_180 {strides = array<i32>} : memref<640xf32, #tpu.memory_space<vmem>>, vector<16xf32>,
    %broadcast_in_dim3A_181 = arith.constant 0.000000e+00 : f32
    %broadcast_in_dim3A_182 = vector.broadcast %broadcast_in_dim3A_181 : f32 to vector<16xf32>
    %swap3A_183 = arith.constant 480 : index
    %swap3A_184 = tpu.vector_load %arg6[%swap3A_183] {strides = array<i32>} : memref<640xf32, #tpu.memory_space<vmem>>, vector<16xf32>,
    %swap3A_185 = vector.shape_cast %swap3A_184 : vector<16xf32> to vector<16xf32>
    %swap3A_186 = vector.shape_cast %broadcast_in_dim3A_182 : vector<16xf32> to vector<16xf32>
    tpu.vector_store %arg6[%swap3A_183], %swap3A_186 {strides = array<i32>} : memref<640xf32, #tpu.memory_space<vmem>>, vector<16xf32>,
    %broadcast_in_dim3A_187 = arith.constant 0.000000e+00 : f32
    %broadcast_in_dim3A_188 = vector.broadcast %broadcast_in_dim3A_187 : f32 to vector<16xf32>
    %swap3A_189 = arith.constant 496 : index
    %swap3A_190 = tpu.vector_load %arg6[%swap3A_189] {strides = array<i32>} : memref<640xf32, #tpu.memory_space<vmem>>, vector<16xf32>,
    %swap3A_191 = vector.shape_cast %swap3A_190 : vector<16xf32> to vector<16xf32>
    %swap3A_192 = vector.shape_cast %broadcast_in_dim3A_188 : vector<16xf32> to vector<16xf32>
    tpu.vector_store %arg6[%swap3A_189], %swap3A_192 {strides = array<i32>} : memref<640xf32, #tpu.memory_space<vmem>>, vector<16xf32>,
    %broadcast_in_dim3A_193 = arith.constant 0.000000e+00 : f32
    %broadcast_in_dim3A_194 = vector.broadcast %broadcast_in_dim3A_193 : f32 to vector<16xf32>
    %swap3A_195 = arith.constant 512 : index
    %swap3A_196 = tpu.vector_load %arg6[%swap3A_195] {strides = array<i32>} : memref<640xf32, #tpu.memory_space<vmem>>, vector<16xf32>,
    %swap3A_197 = vector.shape_cast %swap3A_196 : vector<16xf32> to vector<16xf32>
    %swap3A_198 = vector.shape_cast %broadcast_in_dim3A_194 : vector<16xf32> to vector<16xf32>
    tpu.vector_store %arg6[%swap3A_195], %swap3A_198 {strides = array<i32>} : memref<640xf32, #tpu.memory_space<vmem>>, vector<16xf32>,
    %broadcast_in_dim3A_199 = arith.constant 0.000000e+00 : f32
    %broadcast_in_dim3A_200 = vector.broadcast %broadcast_in_dim3A_199 : f32 to vector<16xf32>
    %swap3A_201 = arith.constant 528 : index
    %swap3A_202 = tpu.vector_load %arg6[%swap3A_201] {strides = array<i32>} : memref<640xf32, #tpu.memory_space<vmem>>, vector<16xf32>,
    %swap3A_203 = vector.shape_cast %swap3A_202 : vector<16xf32> to vector<16xf32>
    %swap3A_204 = vector.shape_cast %broadcast_in_dim3A_200 : vector<16xf32> to vector<16xf32>
    tpu.vector_store %arg6[%swap3A_201], %swap3A_204 {strides = array<i32>} : memref<640xf32, #tpu.memory_space<vmem>>, vector<16xf32>,
    %broadcast_in_dim3A_205 = arith.constant 0.000000e+00 : f32
    %broadcast_in_dim3A_206 = vector.broadcast %broadcast_in_dim3A_205 : f32 to vector<16xf32>
    %swap3A_207 = arith.constant 544 : index
    %swap3A_208 = tpu.vector_load %arg6[%swap3A_207] {strides = array<i32>} : memref<640xf32, #tpu.memory_space<vmem>>, vector<16xf32>,
    %swap3A_209 = vector.shape_cast %swap3A_208 : vector<16xf32> to vector<16xf32>
    %swap3A_210 = vector.shape_cast %broadcast_in_dim3A_206 : vector<16xf32> to vector<16xf32>
    tpu.vector_store %arg6[%swap3A_207], %swap3A_210 {strides = array<i32>} : memref<640xf32, #tpu.memory_space<vmem>>, vector<16xf32>,
    %broadcast_in_dim3A_211 = arith.constant 0.000000e+00 : f32
    %broadcast_in_dim3A_212 = vector.broadcast %broadcast_in_dim3A_211 : f32 to vector<16xf32>
    %swap3A_213 = arith.constant 560 : index
    %swap3A_214 = tpu.vector_load %arg6[%swap3A_213] {strides = array<i32>} : memref<640xf32, #tpu.memory_space<vmem>>, vector<16xf32>,
    %swap3A_215 = vector.shape_cast %swap3A_214 : vector<16xf32> to vector<16xf32>
    %swap3A_216 = vector.shape_cast %broadcast_in_dim3A_212 : vector<16xf32> to vector<16xf32>
    tpu.vector_store %arg6[%swap3A_213], %swap3A_216 {strides = array<i32>} : memref<640xf32, #tpu.memory_space<vmem>>, vector<16xf32>,
    %broadcast_in_dim3A_217 = arith.constant 0.000000e+00 : f32
    %broadcast_in_dim3A_218 = vector.broadcast %broadcast_in_dim3A_217 : f32 to vector<16xf32>
    %swap3A_219 = arith.constant 576 : index
    %swap3A_220 = tpu.vector_load %arg6[%swap3A_219] {strides = array<i32>} : memref<640xf32, #tpu.memory_space<vmem>>, vector<16xf32>,
    %swap3A_221 = vector.shape_cast %swap3A_220 : vector<16xf32> to vector<16xf32>
    %swap3A_222 = vector.shape_cast %broadcast_in_dim3A_218 : vector<16xf32> to vector<16xf32>
    tpu.vector_store %arg6[%swap3A_219], %swap3A_222 {strides = array<i32>} : memref<640xf32, #tpu.memory_space<vmem>>, vector<16xf32>,
    %broadcast_in_dim3A_223 = arith.constant 0.000000e+00 : f32
    %broadcast_in_dim3A_224 = vector.broadcast %broadcast_in_dim3A_223 : f32 to vector<16xf32>
    %swap3A_225 = arith.constant 592 : index
    %swap3A_226 = tpu.vector_load %arg6[%swap3A_225] {strides = array<i32>} : memref<640xf32, #tpu.memory_space<vmem>>, vector<16xf32>,
    %swap3A_227 = vector.shape_cast %swap3A_226 : vector<16xf32> to vector<16xf32>
    %swap3A_228 = vector.shape_cast %broadcast_in_dim3A_224 : vector<16xf32> to vector<16xf32>
    tpu.vector_store %arg6[%swap3A_225], %swap3A_228 {strides = array<i32>} : memref<640xf32, #tpu.memory_space<vmem>>, vector<16xf32>,
    %broadcast_in_dim3A_229 = arith.constant 0.000000e+00 : f32
    %broadcast_in_dim3A_230 = vector.broadcast %broadcast_in_dim3A_229 : f32 to vector<16xf32>
    %swap3A_231 = arith.constant 608 : index
    %swap3A_232 = tpu.vector_load %arg6[%swap3A_231] {strides = array<i32>} : memref<640xf32, #tpu.memory_space<vmem>>, vector<16xf32>,
    %swap3A_233 = vector.shape_cast %swap3A_232 : vector<16xf32> to vector<16xf32>
    %swap3A_234 = vector.shape_cast %broadcast_in_dim3A_230 : vector<16xf32> to vector<16xf32>
    tpu.vector_store %arg6[%swap3A_231], %swap3A_234 {strides = array<i32>} : memref<640xf32, #tpu.memory_space<vmem>>, vector<16xf32>,
    %broadcast_in_dim3A_235 = arith.constant 0.000000e+00 : f32
    %broadcast_in_dim3A_236 = vector.broadcast %broadcast_in_dim3A_235 : f32 to vector<16xf32>
    %swap3A_237 = arith.constant 624 : index
    %swap3A_238 = tpu.vector_load %arg6[%swap3A_237] {strides = array<i32>} : memref<640xf32, #tpu.memory_space<vmem>>, vector<16xf32>,
    %swap3A_239 = vector.shape_cast %swap3A_238 : vector<16xf32> to vector<16xf32>
    %swap3A_240 = vector.shape_cast %broadcast_in_dim3A_236 : vector<16xf32> to vector<16xf32>
    tpu.vector_store %arg6[%swap3A_237], %swap3A_240 {strides = array<i32>} : memref<640xf32, #tpu.memory_space<vmem>>, vector<16xf32>,
    %broadcast_in_dim3A_241 = arith.constant 1.000000e+00 : f32
    %broadcast_in_dim3A_242 = vector.broadcast %broadcast_in_dim3A_241 : f32 to vector<16xf32>
    %swap3A_243 = arith.constant 0 : index
    %swap3A_244 = tpu.vector_load %arg5[%swap3A_243] {strides = array<i32>} : memref<128xf32, #tpu.memory_space<vmem>>, vector<16xf32>,
    %swap3A_245 = vector.shape_cast %swap3A_244 : vector<16xf32> to vector<16xf32>
    %swap3A_246 = vector.shape_cast %broadcast_in_dim3A_242 : vector<16xf32> to vector<16xf32>
    tpu.vector_store %arg5[%swap3A_243], %swap3A_246 {strides = array<i32>} : memref<128xf32, #tpu.memory_space<vmem>>, vector<16xf32>,
    %broadcast_in_dim3A_247 = arith.constant 1.000000e+00 : f32
    %broadcast_in_dim3A_248 = vector.broadcast %broadcast_in_dim3A_247 : f32 to vector<16xf32>
    %swap3A_249 = arith.constant 16 : index
    %swap3A_250 = tpu.vector_load %arg5[%swap3A_249] {strides = array<i32>} : memref<128xf32, #tpu.memory_space<vmem>>, vector<16xf32>,
    %swap3A_251 = vector.shape_cast %swap3A_250 : vector<16xf32> to vector<16xf32>
    %swap3A_252 = vector.shape_cast %broadcast_in_dim3A_248 : vector<16xf32> to vector<16xf32>
    tpu.vector_store %arg5[%swap3A_249], %swap3A_252 {strides = array<i32>} : memref<128xf32, #tpu.memory_space<vmem>>, vector<16xf32>,
    %broadcast_in_dim3A_253 = arith.constant 1.000000e+00 : f32
    %broadcast_in_dim3A_254 = vector.broadcast %broadcast_in_dim3A_253 : f32 to vector<16xf32>
    %swap3A_255 = arith.constant 32 : index
    %swap3A_256 = tpu.vector_load %arg5[%swap3A_255] {strides = array<i32>} : memref<128xf32, #tpu.memory_space<vmem>>, vector<16xf32>,
    %swap3A_257 = vector.shape_cast %swap3A_256 : vector<16xf32> to vector<16xf32>
    %swap3A_258 = vector.shape_cast %broadcast_in_dim3A_254 : vector<16xf32> to vector<16xf32>
    tpu.vector_store %arg5[%swap3A_255], %swap3A_258 {strides = array<i32>} : memref<128xf32, #tpu.memory_space<vmem>>, vector<16xf32>,
    %broadcast_in_dim3A_259 = arith.constant 1.000000e+00 : f32
    %broadcast_in_dim3A_260 = vector.broadcast %broadcast_in_dim3A_259 : f32 to vector<16xf32>
    %swap3A_261 = arith.constant 48 : index
    %swap3A_262 = tpu.vector_load %arg5[%swap3A_261] {strides = array<i32>} : memref<128xf32, #tpu.memory_space<vmem>>, vector<16xf32>,
    %swap3A_263 = vector.shape_cast %swap3A_262 : vector<16xf32> to vector<16xf32>
    %swap3A_264 = vector.shape_cast %broadcast_in_dim3A_260 : vector<16xf32> to vector<16xf32>
    tpu.vector_store %arg5[%swap3A_261], %swap3A_264 {strides = array<i32>} : memref<128xf32, #tpu.memory_space<vmem>>, vector<16xf32>,
    %broadcast_in_dim3A_265 = arith.constant 1.000000e+00 : f32
    %broadcast_in_dim3A_266 = vector.broadcast %broadcast_in_dim3A_265 : f32 to vector<16xf32>
    %swap3A_267 = arith.constant 64 : index
    %swap3A_268 = tpu.vector_load %arg5[%swap3A_267] {strides = array<i32>} : memref<128xf32, #tpu.memory_space<vmem>>, vector<16xf32>,
    %swap3A_269 = vector.shape_cast %swap3A_268 : vector<16xf32> to vector<16xf32>
    %swap3A_270 = vector.shape_cast %broadcast_in_dim3A_266 : vector<16xf32> to vector<16xf32>
    tpu.vector_store %arg5[%swap3A_267], %swap3A_270 {strides = array<i32>} : memref<128xf32, #tpu.memory_space<vmem>>, vector<16xf32>,
    %broadcast_in_dim3A_271 = arith.constant 1.000000e+00 : f32
    %broadcast_in_dim3A_272 = vector.broadcast %broadcast_in_dim3A_271 : f32 to vector<16xf32>
    %swap3A_273 = arith.constant 80 : index
    %swap3A_274 = tpu.vector_load %arg5[%swap3A_273] {strides = array<i32>} : memref<128xf32, #tpu.memory_space<vmem>>, vector<16xf32>,
    %swap3A_275 = vector.shape_cast %swap3A_274 : vector<16xf32> to vector<16xf32>
    %swap3A_276 = vector.shape_cast %broadcast_in_dim3A_272 : vector<16xf32> to vector<16xf32>
    tpu.vector_store %arg5[%swap3A_273], %swap3A_276 {strides = array<i32>} : memref<128xf32, #tpu.memory_space<vmem>>, vector<16xf32>,
    %broadcast_in_dim3A_277 = arith.constant 1.000000e+00 : f32
    %broadcast_in_dim3A_278 = vector.broadcast %broadcast_in_dim3A_277 : f32 to vector<16xf32>
    %swap3A_279 = arith.constant 96 : index
    %swap3A_280 = tpu.vector_load %arg5[%swap3A_279] {strides = array<i32>} : memref<128xf32, #tpu.memory_space<vmem>>, vector<16xf32>,
    %swap3A_281 = vector.shape_cast %swap3A_280 : vector<16xf32> to vector<16xf32>
    %swap3A_282 = vector.shape_cast %broadcast_in_dim3A_278 : vector<16xf32> to vector<16xf32>
    tpu.vector_store %arg5[%swap3A_279], %swap3A_282 {strides = array<i32>} : memref<128xf32, #tpu.memory_space<vmem>>, vector<16xf32>,
    %broadcast_in_dim3A_283 = arith.constant 1.000000e+00 : f32
    %broadcast_in_dim3A_284 = vector.broadcast %broadcast_in_dim3A_283 : f32 to vector<16xf32>
    %swap3A_285 = arith.constant 112 : index
    %swap3A_286 = tpu.vector_load %arg5[%swap3A_285] {strides = array<i32>} : memref<128xf32, #tpu.memory_space<vmem>>, vector<16xf32>,
    %swap3A_287 = vector.shape_cast %swap3A_286 : vector<16xf32> to vector<16xf32>
    %swap3A_288 = vector.shape_cast %broadcast_in_dim3A_284 : vector<16xf32> to vector<16xf32>
    tpu.vector_store %arg5[%swap3A_285], %swap3A_288 {strides = array<i32>} : memref<128xf32, #tpu.memory_space<vmem>>, vector<16xf32>,
    %mul3A_289 = arith.constant 640 : i32
    %mul3A_290 = arith.muli %arg1, %mul3A_289 : i32
    "tpu.region"() ({
      %run_scoped3A = tpu.sem_alloc : memref<!tpu.dma_semaphore, #tpu.memory_space<semaphore_mem>>
      %dma_start3A = tpu.memref_slice %arg7[%mul3A_290] : memref<10240xf32, #tpu.memory_space<vmem_shared>> -> memref<640xf32, #tpu.memory_space<vmem_shared>>
      %dma_start3A_307 = tpu.memref_slice %arg7[%mul3A_290] : memref<10240xf32, #tpu.memory_space<vmem_shared>> -> memref<640xf32, #tpu.memory_space<vmem_shared>>
      tpu.enqueue_dma source(%arg6 : memref<640xf32, #tpu.memory_space<vmem>>) target(%dma_start3A_307 : memref<640xf32, #tpu.memory_space<vmem_shared>>) target_semaphore(%run_scoped3A : memref<!tpu.dma_semaphore, #tpu.memory_space<semaphore_mem>>)
      %dma_wait3A = tpu.memref_slice %arg7[%mul3A_290] : memref<10240xf32, #tpu.memory_space<vmem_shared>> -> memref<640xf32, #tpu.memory_space<vmem_shared>>
      %dma_wait3A_308 = tpu.memref_slice %arg7[%mul3A_290] : memref<10240xf32, #tpu.memory_space<vmem_shared>> -> memref<640xf32, #tpu.memory_space<vmem_shared>>
      tpu.wait_dma2 semaphore(%run_scoped3A : memref<!tpu.dma_semaphore, #tpu.memory_space<semaphore_mem>>) src(%arg6 : memref<640xf32, #tpu.memory_space<vmem>>) dst(%dma_wait3A_308 : memref<640xf32, #tpu.memory_space<vmem_shared>>)
      tpu.yield
    }) : () -> ()
    %barrier3A = arith.constant 0 : index
    tpu.barrier barrier_id(%barrier3A)
    %scan3A = arith.constant 0 : i32
    %scan3A_291 = arith.constant 0 : i32
    %scan3A_292 = arith.constant 80 : i32
    %scan3A_293 = arith.addi %scan3A_291, %scan3A_292 : i32
    %scan3A_294 = arith.constant 1 : i32
    scf.for %scan3A_307 = %scan3A_291 to %scan3A_293 step %scan3A_294  : i32 {
      %dma_start3A = arith.constant 1 : i32
      %dma_start3A_308 = arith.constant 0 : i32
      %dma_start3A_309 = tpu.memref_slice %arg4[%scan3A_307, %dma_start3A, %dma_start3A_308] : memref<80x2x128xi32, #tpu.memory_space<vmem>> -> memref<1x1x128xi32, #tpu.memory_space<vmem>>
      %dma_start3A_310 = tpu.memref_squeeze %dma_start3A_309 : memref<1x1x128xi32, #tpu.memory_space<vmem>> -> memref<128xi32, #tpu.memory_space<vmem>>
      %dma_start3A_311 = arith.constant 0 : i32
      %dma_start3A_312 = tpu.memref_slice %arg7[%dma_start3A_311] : memref<10240xf32, #tpu.memory_space<vmem_shared>> -> memref<10240xf32, #tpu.memory_space<vmem_shared>>
      tpu.enqueue_indirect_dma source(%arg5 : memref<128xf32, #tpu.memory_space<vmem>>) target(%dma_start3A_312 : memref<10240xf32, #tpu.memory_space<vmem_shared>>) offsets(%dma_start3A_310 : memref<128xi32, #tpu.memory_space<vmem>>) semaphore(%arg8 : memref<!tpu.dma_semaphore, #tpu.memory_space<semaphore_mem>>) {add = true}
    }
    %scan3A_295 = arith.constant 80 : i32
    %scan3A_296 = arith.constant 0 : i32
    %scan3A_297 = arith.constant 0 : i32
    %scan3A_298 = arith.constant 80 : i32
    %scan3A_299 = arith.addi %scan3A_297, %scan3A_298 : i32
    %scan3A_300 = arith.constant 1 : i32
    scf.for %scan3A_307 = %scan3A_297 to %scan3A_299 step %scan3A_300  : i32 {
      %dma_wait3A = arith.constant 0 : i32
      %dma_wait3A_308 = tpu.memref_slice %arg3[%arg0, %dma_wait3A] : memref<2x10240xf32, #tpu.memory_space<hbm>> -> memref<1x10240xf32, #tpu.memory_space<hbm>>
      %dma_wait3A_309 = tpu.memref_squeeze %dma_wait3A_308 : memref<1x10240xf32, #tpu.memory_space<hbm>> -> memref<10240xf32, #tpu.memory_space<hbm>>
      %dma_wait3A_310 = arith.constant 0 : i32
      %dma_wait3A_311 = tpu.memref_slice %dma_wait3A_309[%dma_wait3A_310] : memref<10240xf32, #tpu.memory_space<hbm>> -> memref<128xf32, #tpu.memory_space<hbm>>
      %dma_wait3A_312 = arith.constant 0 : i32
      %dma_wait3A_313 = tpu.memref_slice %arg3[%arg0, %dma_wait3A_312] : memref<2x10240xf32, #tpu.memory_space<hbm>> -> memref<1x10240xf32, #tpu.memory_space<hbm>>
      %dma_wait3A_314 = tpu.memref_squeeze %dma_wait3A_313 : memref<1x10240xf32, #tpu.memory_space<hbm>> -> memref<10240xf32, #tpu.memory_space<hbm>>
      %dma_wait3A_315 = arith.constant 0 : i32
      %dma_wait3A_316 = tpu.memref_slice %dma_wait3A_314[%dma_wait3A_315] : memref<10240xf32, #tpu.memory_space<hbm>> -> memref<128xf32, #tpu.memory_space<hbm>>
      tpu.wait_dma2 semaphore(%arg8 : memref<!tpu.dma_semaphore, #tpu.memory_space<semaphore_mem>>) src(%dma_wait3A_316 : memref<128xf32, #tpu.memory_space<hbm>>) dst(%arg5 : memref<128xf32, #tpu.memory_space<vmem>>)
    }
    %scan3A_301 = arith.constant 80 : i32
    %barrier3A_302 = arith.constant 0 : index
    tpu.barrier barrier_id(%barrier3A_302)
    %mul3A_303 = arith.constant 640 : i32
    %mul3A_304 = arith.muli %arg1, %mul3A_303 : i32
    %mul3A_305 = arith.constant 640 : i32
    %mul3A_306 = arith.muli %arg1, %mul3A_305 : i32
    "tpu.region"() ({
      %run_scoped3A = tpu.sem_alloc : memref<!tpu.dma_semaphore, #tpu.memory_space<semaphore_mem>>
      %dma_start3A = arith.constant 0 : i32
      %dma_start3A_307 = tpu.memref_slice %arg3[%arg0, %dma_start3A] : memref<2x10240xf32, #tpu.memory_space<hbm>> -> memref<1x10240xf32, #tpu.memory_space<hbm>>
      %dma_start3A_308 = tpu.memref_squeeze %dma_start3A_307 : memref<1x10240xf32, #tpu.memory_space<hbm>> -> memref<10240xf32, #tpu.memory_space<hbm>>
      %dma_start3A_309 = tpu.memref_slice %dma_start3A_308[%mul3A_306] : memref<10240xf32, #tpu.memory_space<hbm>> -> memref<640xf32, #tpu.memory_space<hbm>>
      %dma_start3A_310 = tpu.memref_slice %arg7[%mul3A_304] : memref<10240xf32, #tpu.memory_space<vmem_shared>> -> memref<640xf32, #tpu.memory_space<vmem_shared>>
      tpu.enqueue_dma source(%dma_start3A_310 : memref<640xf32, #tpu.memory_space<vmem_shared>>) target(%dma_start3A_309 : memref<640xf32, #tpu.memory_space<hbm>>) target_semaphore(%run_scoped3A : memref<!tpu.dma_semaphore, #tpu.memory_space<semaphore_mem>>)
      %dma_wait3A = arith.constant 0 : i32
      %dma_wait3A_311 = tpu.memref_slice %arg3[%arg0, %dma_wait3A] : memref<2x10240xf32, #tpu.memory_space<hbm>> -> memref<1x10240xf32, #tpu.memory_space<hbm>>
      %dma_wait3A_312 = tpu.memref_squeeze %dma_wait3A_311 : memref<1x10240xf32, #tpu.memory_space<hbm>> -> memref<10240xf32, #tpu.memory_space<hbm>>
      %dma_wait3A_313 = tpu.memref_slice %dma_wait3A_312[%mul3A_306] : memref<10240xf32, #tpu.memory_space<hbm>> -> memref<640xf32, #tpu.memory_space<hbm>>
      %dma_wait3A_314 = tpu.memref_slice %arg7[%mul3A_304] : memref<10240xf32, #tpu.memory_space<vmem_shared>> -> memref<640xf32, #tpu.memory_space<vmem_shared>>
      tpu.wait_dma2 semaphore(%run_scoped3A : memref<!tpu.dma_semaphore, #tpu.memory_space<semaphore_mem>>) src(%dma_wait3A_314 : memref<640xf32, #tpu.memory_space<vmem_shared>>) dst(%dma_wait3A_313 : memref<640xf32, #tpu.memory_space<hbm>>)
      tpu.yield
    }) : () -> ()
    return
  }
}

#map = affine_map<(d0, d1) -> (0, 0)>
#map1 = affine_map<(d0, d1) -> (0, 0, 0)>
module attributes {stable_mosaic.version = 14 : i64} {
  func.func @_scatter_kernel(%arg0: i32, %arg1: i32, %arg2: memref<10240x64xf32, #tpu.memory_space<hbm>>, %arg3: memref<10240x64xf32, #tpu.memory_space<hbm>>, %arg4: memref<2560x2x128xi32, #tpu.memory_space<hbm>>, %arg5: memref<2x10240x64xf32, #tpu.memory_space<hbm>>, %arg6: memref<2x10240x64xf32, #tpu.memory_space<hbm>>, %arg7: memref<80x2x128xi32, #tpu.memory_space<vmem>>, %arg8: memref<4x128x64xf32, #tpu.memory_space<vmem>>, %arg9: memref<10240x64xf32, #tpu.memory_space<vmem_shared>>, %arg10: memref<!tpu.dma_semaphore, #tpu.memory_space<semaphore_mem>>, %arg11: memref<!tpu.dma_semaphore, #tpu.memory_space<semaphore_mem>>, %arg12: memref<!tpu.dma_semaphore, #tpu.memory_space<semaphore_mem>>, %arg13: memref<!tpu.dma_semaphore, #tpu.memory_space<semaphore_mem>>, %arg14: memref<!tpu.dma_semaphore, #tpu.memory_space<semaphore_mem>>, %arg15: memref<!tpu.dma_semaphore, #tpu.memory_space<semaphore_mem>>, %arg16: memref<!tpu.dma_semaphore, #tpu.memory_space<semaphore_mem>>, %arg17: memref<!tpu.dma_semaphore, #tpu.memory_space<semaphore_mem>>) attributes {dimension_semantics = [#tpu.dimension_semantics<core_parallel>, #tpu.dimension_semantics<subcore_parallel>], iteration_bounds = array<i64: 2, 16>, scalar_prefetch = 0 : i64, scratch_operands = 11 : i64, tpu.core_type = #tpu.core_type<sc_vector_subcore>, window_params = [{transform_indices = #map}, {transform_indices = #map}, {transform_indices = #map1}, {transform_indices = #map1}, {transform_indices = #map1}]} {
    %mul3A = arith.constant 2 : i32
    %mul3A_0 = arith.muli %arg1, %mul3A : i32
    %add3A = arith.addi %mul3A_0, %arg0 : i32
    %mul3A_1 = arith.constant 80 : i32
    %mul3A_2 = arith.muli %add3A, %mul3A_1 : i32
    "tpu.region"() ({
      %run_scoped3A_230 = tpu.sem_alloc : memref<!tpu.dma_semaphore, #tpu.memory_space<semaphore_mem>>
      %dma_start3A_231 = arith.constant 0 : i32
      %dma_start3A_232 = arith.constant 0 : i32
      %dma_start3A_233 = tpu.memref_slice %arg4[%mul3A_2, %dma_start3A_231, %dma_start3A_232] : memref<2560x2x128xi32, #tpu.memory_space<hbm>> -> memref<80x2x128xi32, #tpu.memory_space<hbm>>
      %dma_start3A_234 = arith.constant 0 : i32
      %dma_start3A_235 = arith.constant 0 : i32
      %dma_start3A_236 = tpu.memref_slice %arg4[%mul3A_2, %dma_start3A_234, %dma_start3A_235] : memref<2560x2x128xi32, #tpu.memory_space<hbm>> -> memref<80x2x128xi32, #tpu.memory_space<hbm>>
      tpu.enqueue_dma source(%dma_start3A_236 : memref<80x2x128xi32, #tpu.memory_space<hbm>>) target(%arg7 : memref<80x2x128xi32, #tpu.memory_space<vmem>>) target_semaphore(%run_scoped3A_230 : memref<!tpu.dma_semaphore, #tpu.memory_space<semaphore_mem>>)
      %dma_wait3A_237 = arith.constant 0 : i32
      %dma_wait3A_238 = arith.constant 0 : i32
      %dma_wait3A_239 = tpu.memref_slice %arg4[%mul3A_2, %dma_wait3A_237, %dma_wait3A_238] : memref<2560x2x128xi32, #tpu.memory_space<hbm>> -> memref<80x2x128xi32, #tpu.memory_space<hbm>>
      %dma_wait3A_240 = arith.constant 0 : i32
      %dma_wait3A_241 = arith.constant 0 : i32
      %dma_wait3A_242 = tpu.memref_slice %arg4[%mul3A_2, %dma_wait3A_240, %dma_wait3A_241] : memref<2560x2x128xi32, #tpu.memory_space<hbm>> -> memref<80x2x128xi32, #tpu.memory_space<hbm>>
      tpu.wait_dma2 semaphore(%run_scoped3A_230 : memref<!tpu.dma_semaphore, #tpu.memory_space<semaphore_mem>>) src(%dma_wait3A_242 : memref<80x2x128xi32, #tpu.memory_space<hbm>>) dst(%arg7 : memref<80x2x128xi32, #tpu.memory_space<vmem>>)
      tpu.yield
    }) : () -> ()
    %scan3A = arith.constant 0 : i32
    %scan3A_3 = arith.constant 0 : i32
    %scan3A_4 = arith.constant 128 : i32
    %scan3A_5 = arith.addi %scan3A_3, %scan3A_4 : i32
    %scan3A_6 = arith.constant 1 : i32
    scf.for %scan3A_230 = %scan3A_3 to %scan3A_5 step %scan3A_6  : i32 {
      %broadcast_in_dim3A = arith.constant 0.000000e+00 : f32
      %broadcast_in_dim3A_231 = vector.broadcast %broadcast_in_dim3A : f32 to vector<16xf32>
      %swap3A = arith.constant 0 : i32
      %swap3A_232 = arith.index_cast %swap3A : i32 to index
      %swap3A_233 = arith.index_cast %scan3A_230 : i32 to index
      %swap3A_234 = arith.constant 0 : index
      %swap3A_235 = tpu.vector_load %arg8[%swap3A_232, %swap3A_233, %swap3A_234] {strides = array<i32>} : memref<4x128x64xf32, #tpu.memory_space<vmem>>, vector<1x1x16xf32>,
      %swap3A_236 = vector.shape_cast %swap3A_235 : vector<1x1x16xf32> to vector<16xf32>
      %swap3A_237 = vector.shape_cast %broadcast_in_dim3A_231 : vector<16xf32> to vector<1x1x16xf32>
      tpu.vector_store %arg8[%swap3A_232, %swap3A_233, %swap3A_234], %swap3A_237 {strides = array<i32>} : memref<4x128x64xf32, #tpu.memory_space<vmem>>, vector<1x1x16xf32>,
      %broadcast_in_dim3A_238 = arith.constant 0.000000e+00 : f32
      %broadcast_in_dim3A_239 = vector.broadcast %broadcast_in_dim3A_238 : f32 to vector<16xf32>
      %swap3A_240 = arith.constant 0 : i32
      %swap3A_241 = arith.index_cast %swap3A_240 : i32 to index
      %swap3A_242 = arith.index_cast %scan3A_230 : i32 to index
      %swap3A_243 = arith.constant 16 : index
      %swap3A_244 = tpu.vector_load %arg8[%swap3A_241, %swap3A_242, %swap3A_243] {strides = array<i32>} : memref<4x128x64xf32, #tpu.memory_space<vmem>>, vector<1x1x16xf32>,
      %swap3A_245 = vector.shape_cast %swap3A_244 : vector<1x1x16xf32> to vector<16xf32>
      %swap3A_246 = vector.shape_cast %broadcast_in_dim3A_239 : vector<16xf32> to vector<1x1x16xf32>
      tpu.vector_store %arg8[%swap3A_241, %swap3A_242, %swap3A_243], %swap3A_246 {strides = array<i32>} : memref<4x128x64xf32, #tpu.memory_space<vmem>>, vector<1x1x16xf32>,
      %broadcast_in_dim3A_247 = arith.constant 0.000000e+00 : f32
      %broadcast_in_dim3A_248 = vector.broadcast %broadcast_in_dim3A_247 : f32 to vector<16xf32>
      %swap3A_249 = arith.constant 0 : i32
      %swap3A_250 = arith.index_cast %swap3A_249 : i32 to index
      %swap3A_251 = arith.index_cast %scan3A_230 : i32 to index
      %swap3A_252 = arith.constant 32 : index
      %swap3A_253 = tpu.vector_load %arg8[%swap3A_250, %swap3A_251, %swap3A_252] {strides = array<i32>} : memref<4x128x64xf32, #tpu.memory_space<vmem>>, vector<1x1x16xf32>,
      %swap3A_254 = vector.shape_cast %swap3A_253 : vector<1x1x16xf32> to vector<16xf32>
      %swap3A_255 = vector.shape_cast %broadcast_in_dim3A_248 : vector<16xf32> to vector<1x1x16xf32>
      tpu.vector_store %arg8[%swap3A_250, %swap3A_251, %swap3A_252], %swap3A_255 {strides = array<i32>} : memref<4x128x64xf32, #tpu.memory_space<vmem>>, vector<1x1x16xf32>,
      %broadcast_in_dim3A_256 = arith.constant 0.000000e+00 : f32
      %broadcast_in_dim3A_257 = vector.broadcast %broadcast_in_dim3A_256 : f32 to vector<16xf32>
      %swap3A_258 = arith.constant 0 : i32
      %swap3A_259 = arith.index_cast %swap3A_258 : i32 to index
      %swap3A_260 = arith.index_cast %scan3A_230 : i32 to index
      %swap3A_261 = arith.constant 48 : index
      %swap3A_262 = tpu.vector_load %arg8[%swap3A_259, %swap3A_260, %swap3A_261] {strides = array<i32>} : memref<4x128x64xf32, #tpu.memory_space<vmem>>, vector<1x1x16xf32>,
      %swap3A_263 = vector.shape_cast %swap3A_262 : vector<1x1x16xf32> to vector<16xf32>
      %swap3A_264 = vector.shape_cast %broadcast_in_dim3A_257 : vector<16xf32> to vector<1x1x16xf32>
      tpu.vector_store %arg8[%swap3A_259, %swap3A_260, %swap3A_261], %swap3A_264 {strides = array<i32>} : memref<4x128x64xf32, #tpu.memory_space<vmem>>, vector<1x1x16xf32>,
    }
    %scan3A_7 = arith.constant 128 : i32
    %mul3A_8 = arith.constant 640 : i32
    %mul3A_9 = arith.muli %arg1, %mul3A_8 : i32
    %add3A_10 = arith.constant 0 : i32
    %add3A_11 = arith.addi %mul3A_9, %add3A_10 : i32
    %run_scoped3A = arith.constant 0 : i32
    "tpu.region"() ({
      %run_scoped3A_230 = tpu.sem_alloc : memref<!tpu.dma_semaphore, #tpu.memory_space<semaphore_mem>>
      %dma_start3A_231 = arith.constant 0 : i32
      %dma_start3A_232 = arith.constant 0 : i32
      %dma_start3A_233 = tpu.memref_slice %arg8[%run_scoped3A, %dma_start3A_231, %dma_start3A_232] : memref<4x128x64xf32, #tpu.memory_space<vmem>> -> memref<1x128x64xf32, #tpu.memory_space<vmem>>
      %dma_start3A_234 = tpu.memref_squeeze %dma_start3A_233 : memref<1x128x64xf32, #tpu.memory_space<vmem>> -> memref<128x64xf32, #tpu.memory_space<vmem>>
      %dma_start3A_235 = arith.constant 0 : i32
      %dma_start3A_236 = tpu.memref_slice %arg9[%add3A_11, %dma_start3A_235] : memref<10240x64xf32, #tpu.memory_space<vmem_shared>> -> memref<128x64xf32, #tpu.memory_space<vmem_shared>>
      %dma_start3A_237 = arith.constant 0 : i32
      %dma_start3A_238 = tpu.memref_slice %arg9[%add3A_11, %dma_start3A_237] : memref<10240x64xf32, #tpu.memory_space<vmem_shared>> -> memref<128x64xf32, #tpu.memory_space<vmem_shared>>
      %dma_start3A_239 = arith.constant 0 : i32
      %dma_start3A_240 = arith.constant 0 : i32
      %dma_start3A_241 = tpu.memref_slice %arg8[%run_scoped3A, %dma_start3A_239, %dma_start3A_240] : memref<4x128x64xf32, #tpu.memory_space<vmem>> -> memref<1x128x64xf32, #tpu.memory_space<vmem>>
      %dma_start3A_242 = tpu.memref_squeeze %dma_start3A_241 : memref<1x128x64xf32, #tpu.memory_space<vmem>> -> memref<128x64xf32, #tpu.memory_space<vmem>>
      tpu.enqueue_dma source(%dma_start3A_242 : memref<128x64xf32, #tpu.memory_space<vmem>>) target(%dma_start3A_238 : memref<128x64xf32, #tpu.memory_space<vmem_shared>>) target_semaphore(%run_scoped3A_230 : memref<!tpu.dma_semaphore, #tpu.memory_space<semaphore_mem>>)
      %dma_wait3A_243 = arith.constant 0 : i32
      %dma_wait3A_244 = arith.constant 0 : i32
      %dma_wait3A_245 = tpu.memref_slice %arg8[%run_scoped3A, %dma_wait3A_243, %dma_wait3A_244] : memref<4x128x64xf32, #tpu.memory_space<vmem>> -> memref<1x128x64xf32, #tpu.memory_space<vmem>>
      %dma_wait3A_246 = tpu.memref_squeeze %dma_wait3A_245 : memref<1x128x64xf32, #tpu.memory_space<vmem>> -> memref<128x64xf32, #tpu.memory_space<vmem>>
      %dma_wait3A_247 = arith.constant 0 : i32
      %dma_wait3A_248 = tpu.memref_slice %arg9[%add3A_11, %dma_wait3A_247] : memref<10240x64xf32, #tpu.memory_space<vmem_shared>> -> memref<128x64xf32, #tpu.memory_space<vmem_shared>>
      %dma_wait3A_249 = arith.constant 0 : i32
      %dma_wait3A_250 = tpu.memref_slice %arg9[%add3A_11, %dma_wait3A_249] : memref<10240x64xf32, #tpu.memory_space<vmem_shared>> -> memref<128x64xf32, #tpu.memory_space<vmem_shared>>
      %dma_wait3A_251 = arith.constant 0 : i32
      %dma_wait3A_252 = arith.constant 0 : i32
      %dma_wait3A_253 = tpu.memref_slice %arg8[%run_scoped3A, %dma_wait3A_251, %dma_wait3A_252] : memref<4x128x64xf32, #tpu.memory_space<vmem>> -> memref<1x128x64xf32, #tpu.memory_space<vmem>>
      %dma_wait3A_254 = tpu.memref_squeeze %dma_wait3A_253 : memref<1x128x64xf32, #tpu.memory_space<vmem>> -> memref<128x64xf32, #tpu.memory_space<vmem>>
      tpu.wait_dma2 semaphore(%run_scoped3A_230 : memref<!tpu.dma_semaphore, #tpu.memory_space<semaphore_mem>>) src(%dma_wait3A_254 : memref<128x64xf32, #tpu.memory_space<vmem>>) dst(%dma_wait3A_250 : memref<128x64xf32, #tpu.memory_space<vmem_shared>>)
      tpu.yield
    }) : () -> ()
    %mul3A_12 = arith.constant 640 : i32
    %mul3A_13 = arith.muli %arg1, %mul3A_12 : i32
    %add3A_14 = arith.constant 128 : i32
    %add3A_15 = arith.addi %mul3A_13, %add3A_14 : i32
    %run_scoped3A_16 = arith.constant 0 : i32
    "tpu.region"() ({
      %run_scoped3A_230 = tpu.sem_alloc : memref<!tpu.dma_semaphore, #tpu.memory_space<semaphore_mem>>
      %dma_start3A_231 = arith.constant 0 : i32
      %dma_start3A_232 = arith.constant 0 : i32
      %dma_start3A_233 = tpu.memref_slice %arg8[%run_scoped3A_16, %dma_start3A_231, %dma_start3A_232] : memref<4x128x64xf32, #tpu.memory_space<vmem>> -> memref<1x128x64xf32, #tpu.memory_space<vmem>>
      %dma_start3A_234 = tpu.memref_squeeze %dma_start3A_233 : memref<1x128x64xf32, #tpu.memory_space<vmem>> -> memref<128x64xf32, #tpu.memory_space<vmem>>
      %dma_start3A_235 = arith.constant 0 : i32
      %dma_start3A_236 = tpu.memref_slice %arg9[%add3A_15, %dma_start3A_235] : memref<10240x64xf32, #tpu.memory_space<vmem_shared>> -> memref<128x64xf32, #tpu.memory_space<vmem_shared>>
      %dma_start3A_237 = arith.constant 0 : i32
      %dma_start3A_238 = tpu.memref_slice %arg9[%add3A_15, %dma_start3A_237] : memref<10240x64xf32, #tpu.memory_space<vmem_shared>> -> memref<128x64xf32, #tpu.memory_space<vmem_shared>>
      %dma_start3A_239 = arith.constant 0 : i32
      %dma_start3A_240 = arith.constant 0 : i32
      %dma_start3A_241 = tpu.memref_slice %arg8[%run_scoped3A_16, %dma_start3A_239, %dma_start3A_240] : memref<4x128x64xf32, #tpu.memory_space<vmem>> -> memref<1x128x64xf32, #tpu.memory_space<vmem>>
      %dma_start3A_242 = tpu.memref_squeeze %dma_start3A_241 : memref<1x128x64xf32, #tpu.memory_space<vmem>> -> memref<128x64xf32, #tpu.memory_space<vmem>>
      tpu.enqueue_dma source(%dma_start3A_242 : memref<128x64xf32, #tpu.memory_space<vmem>>) target(%dma_start3A_238 : memref<128x64xf32, #tpu.memory_space<vmem_shared>>) target_semaphore(%run_scoped3A_230 : memref<!tpu.dma_semaphore, #tpu.memory_space<semaphore_mem>>)
      %dma_wait3A_243 = arith.constant 0 : i32
      %dma_wait3A_244 = arith.constant 0 : i32
      %dma_wait3A_245 = tpu.memref_slice %arg8[%run_scoped3A_16, %dma_wait3A_243, %dma_wait3A_244] : memref<4x128x64xf32, #tpu.memory_space<vmem>> -> memref<1x128x64xf32, #tpu.memory_space<vmem>>
      %dma_wait3A_246 = tpu.memref_squeeze %dma_wait3A_245 : memref<1x128x64xf32, #tpu.memory_space<vmem>> -> memref<128x64xf32, #tpu.memory_space<vmem>>
      %dma_wait3A_247 = arith.constant 0 : i32
      %dma_wait3A_248 = tpu.memref_slice %arg9[%add3A_15, %dma_wait3A_247] : memref<10240x64xf32, #tpu.memory_space<vmem_shared>> -> memref<128x64xf32, #tpu.memory_space<vmem_shared>>
      %dma_wait3A_249 = arith.constant 0 : i32
      %dma_wait3A_250 = tpu.memref_slice %arg9[%add3A_15, %dma_wait3A_249] : memref<10240x64xf32, #tpu.memory_space<vmem_shared>> -> memref<128x64xf32, #tpu.memory_space<vmem_shared>>
      %dma_wait3A_251 = arith.constant 0 : i32
      %dma_wait3A_252 = arith.constant 0 : i32
      %dma_wait3A_253 = tpu.memref_slice %arg8[%run_scoped3A_16, %dma_wait3A_251, %dma_wait3A_252] : memref<4x128x64xf32, #tpu.memory_space<vmem>> -> memref<1x128x64xf32, #tpu.memory_space<vmem>>
      %dma_wait3A_254 = tpu.memref_squeeze %dma_wait3A_253 : memref<1x128x64xf32, #tpu.memory_space<vmem>> -> memref<128x64xf32, #tpu.memory_space<vmem>>
      tpu.wait_dma2 semaphore(%run_scoped3A_230 : memref<!tpu.dma_semaphore, #tpu.memory_space<semaphore_mem>>) src(%dma_wait3A_254 : memref<128x64xf32, #tpu.memory_space<vmem>>) dst(%dma_wait3A_250 : memref<128x64xf32, #tpu.memory_space<vmem_shared>>)
      tpu.yield
    }) : () -> ()
    %mul3A_17 = arith.constant 640 : i32
    %mul3A_18 = arith.muli %arg1, %mul3A_17 : i32
    %add3A_19 = arith.constant 256 : i32
    %add3A_20 = arith.addi %mul3A_18, %add3A_19 : i32
    %run_scoped3A_21 = arith.constant 0 : i32
    "tpu.region"() ({
      %run_scoped3A_230 = tpu.sem_alloc : memref<!tpu.dma_semaphore, #tpu.memory_space<semaphore_mem>>
      %dma_start3A_231 = arith.constant 0 : i32
      %dma_start3A_232 = arith.constant 0 : i32
      %dma_start3A_233 = tpu.memref_slice %arg8[%run_scoped3A_21, %dma_start3A_231, %dma_start3A_232] : memref<4x128x64xf32, #tpu.memory_space<vmem>> -> memref<1x128x64xf32, #tpu.memory_space<vmem>>
      %dma_start3A_234 = tpu.memref_squeeze %dma_start3A_233 : memref<1x128x64xf32, #tpu.memory_space<vmem>> -> memref<128x64xf32, #tpu.memory_space<vmem>>
      %dma_start3A_235 = arith.constant 0 : i32
      %dma_start3A_236 = tpu.memref_slice %arg9[%add3A_20, %dma_start3A_235] : memref<10240x64xf32, #tpu.memory_space<vmem_shared>> -> memref<128x64xf32, #tpu.memory_space<vmem_shared>>
      %dma_start3A_237 = arith.constant 0 : i32
      %dma_start3A_238 = tpu.memref_slice %arg9[%add3A_20, %dma_start3A_237] : memref<10240x64xf32, #tpu.memory_space<vmem_shared>> -> memref<128x64xf32, #tpu.memory_space<vmem_shared>>
      %dma_start3A_239 = arith.constant 0 : i32
      %dma_start3A_240 = arith.constant 0 : i32
      %dma_start3A_241 = tpu.memref_slice %arg8[%run_scoped3A_21, %dma_start3A_239, %dma_start3A_240] : memref<4x128x64xf32, #tpu.memory_space<vmem>> -> memref<1x128x64xf32, #tpu.memory_space<vmem>>
      %dma_start3A_242 = tpu.memref_squeeze %dma_start3A_241 : memref<1x128x64xf32, #tpu.memory_space<vmem>> -> memref<128x64xf32, #tpu.memory_space<vmem>>
      tpu.enqueue_dma source(%dma_start3A_242 : memref<128x64xf32, #tpu.memory_space<vmem>>) target(%dma_start3A_238 : memref<128x64xf32, #tpu.memory_space<vmem_shared>>) target_semaphore(%run_scoped3A_230 : memref<!tpu.dma_semaphore, #tpu.memory_space<semaphore_mem>>)
      %dma_wait3A_243 = arith.constant 0 : i32
      %dma_wait3A_244 = arith.constant 0 : i32
      %dma_wait3A_245 = tpu.memref_slice %arg8[%run_scoped3A_21, %dma_wait3A_243, %dma_wait3A_244] : memref<4x128x64xf32, #tpu.memory_space<vmem>> -> memref<1x128x64xf32, #tpu.memory_space<vmem>>
      %dma_wait3A_246 = tpu.memref_squeeze %dma_wait3A_245 : memref<1x128x64xf32, #tpu.memory_space<vmem>> -> memref<128x64xf32, #tpu.memory_space<vmem>>
      %dma_wait3A_247 = arith.constant 0 : i32
      %dma_wait3A_248 = tpu.memref_slice %arg9[%add3A_20, %dma_wait3A_247] : memref<10240x64xf32, #tpu.memory_space<vmem_shared>> -> memref<128x64xf32, #tpu.memory_space<vmem_shared>>
      %dma_wait3A_249 = arith.constant 0 : i32
      %dma_wait3A_250 = tpu.memref_slice %arg9[%add3A_20, %dma_wait3A_249] : memref<10240x64xf32, #tpu.memory_space<vmem_shared>> -> memref<128x64xf32, #tpu.memory_space<vmem_shared>>
      %dma_wait3A_251 = arith.constant 0 : i32
      %dma_wait3A_252 = arith.constant 0 : i32
      %dma_wait3A_253 = tpu.memref_slice %arg8[%run_scoped3A_21, %dma_wait3A_251, %dma_wait3A_252] : memref<4x128x64xf32, #tpu.memory_space<vmem>> -> memref<1x128x64xf32, #tpu.memory_space<vmem>>
      %dma_wait3A_254 = tpu.memref_squeeze %dma_wait3A_253 : memref<1x128x64xf32, #tpu.memory_space<vmem>> -> memref<128x64xf32, #tpu.memory_space<vmem>>
      tpu.wait_dma2 semaphore(%run_scoped3A_230 : memref<!tpu.dma_semaphore, #tpu.memory_space<semaphore_mem>>) src(%dma_wait3A_254 : memref<128x64xf32, #tpu.memory_space<vmem>>) dst(%dma_wait3A_250 : memref<128x64xf32, #tpu.memory_space<vmem_shared>>)
      tpu.yield
    }) : () -> ()
    %mul3A_22 = arith.constant 640 : i32
    %mul3A_23 = arith.muli %arg1, %mul3A_22 : i32
    %add3A_24 = arith.constant 384 : i32
    %add3A_25 = arith.addi %mul3A_23, %add3A_24 : i32
    %run_scoped3A_26 = arith.constant 0 : i32
    "tpu.region"() ({
      %run_scoped3A_230 = tpu.sem_alloc : memref<!tpu.dma_semaphore, #tpu.memory_space<semaphore_mem>>
      %dma_start3A_231 = arith.constant 0 : i32
      %dma_start3A_232 = arith.constant 0 : i32
      %dma_start3A_233 = tpu.memref_slice %arg8[%run_scoped3A_26, %dma_start3A_231, %dma_start3A_232] : memref<4x128x64xf32, #tpu.memory_space<vmem>> -> memref<1x128x64xf32, #tpu.memory_space<vmem>>
      %dma_start3A_234 = tpu.memref_squeeze %dma_start3A_233 : memref<1x128x64xf32, #tpu.memory_space<vmem>> -> memref<128x64xf32, #tpu.memory_space<vmem>>
      %dma_start3A_235 = arith.constant 0 : i32
      %dma_start3A_236 = tpu.memref_slice %arg9[%add3A_25, %dma_start3A_235] : memref<10240x64xf32, #tpu.memory_space<vmem_shared>> -> memref<128x64xf32, #tpu.memory_space<vmem_shared>>
      %dma_start3A_237 = arith.constant 0 : i32
      %dma_start3A_238 = tpu.memref_slice %arg9[%add3A_25, %dma_start3A_237] : memref<10240x64xf32, #tpu.memory_space<vmem_shared>> -> memref<128x64xf32, #tpu.memory_space<vmem_shared>>
      %dma_start3A_239 = arith.constant 0 : i32
      %dma_start3A_240 = arith.constant 0 : i32
      %dma_start3A_241 = tpu.memref_slice %arg8[%run_scoped3A_26, %dma_start3A_239, %dma_start3A_240] : memref<4x128x64xf32, #tpu.memory_space<vmem>> -> memref<1x128x64xf32, #tpu.memory_space<vmem>>
      %dma_start3A_242 = tpu.memref_squeeze %dma_start3A_241 : memref<1x128x64xf32, #tpu.memory_space<vmem>> -> memref<128x64xf32, #tpu.memory_space<vmem>>
      tpu.enqueue_dma source(%dma_start3A_242 : memref<128x64xf32, #tpu.memory_space<vmem>>) target(%dma_start3A_238 : memref<128x64xf32, #tpu.memory_space<vmem_shared>>) target_semaphore(%run_scoped3A_230 : memref<!tpu.dma_semaphore, #tpu.memory_space<semaphore_mem>>)
      %dma_wait3A_243 = arith.constant 0 : i32
      %dma_wait3A_244 = arith.constant 0 : i32
      %dma_wait3A_245 = tpu.memref_slice %arg8[%run_scoped3A_26, %dma_wait3A_243, %dma_wait3A_244] : memref<4x128x64xf32, #tpu.memory_space<vmem>> -> memref<1x128x64xf32, #tpu.memory_space<vmem>>
      %dma_wait3A_246 = tpu.memref_squeeze %dma_wait3A_245 : memref<1x128x64xf32, #tpu.memory_space<vmem>> -> memref<128x64xf32, #tpu.memory_space<vmem>>
      %dma_wait3A_247 = arith.constant 0 : i32
      %dma_wait3A_248 = tpu.memref_slice %arg9[%add3A_25, %dma_wait3A_247] : memref<10240x64xf32, #tpu.memory_space<vmem_shared>> -> memref<128x64xf32, #tpu.memory_space<vmem_shared>>
      %dma_wait3A_249 = arith.constant 0 : i32
      %dma_wait3A_250 = tpu.memref_slice %arg9[%add3A_25, %dma_wait3A_249] : memref<10240x64xf32, #tpu.memory_space<vmem_shared>> -> memref<128x64xf32, #tpu.memory_space<vmem_shared>>
      %dma_wait3A_251 = arith.constant 0 : i32
      %dma_wait3A_252 = arith.constant 0 : i32
      %dma_wait3A_253 = tpu.memref_slice %arg8[%run_scoped3A_26, %dma_wait3A_251, %dma_wait3A_252] : memref<4x128x64xf32, #tpu.memory_space<vmem>> -> memref<1x128x64xf32, #tpu.memory_space<vmem>>
      %dma_wait3A_254 = tpu.memref_squeeze %dma_wait3A_253 : memref<1x128x64xf32, #tpu.memory_space<vmem>> -> memref<128x64xf32, #tpu.memory_space<vmem>>
      tpu.wait_dma2 semaphore(%run_scoped3A_230 : memref<!tpu.dma_semaphore, #tpu.memory_space<semaphore_mem>>) src(%dma_wait3A_254 : memref<128x64xf32, #tpu.memory_space<vmem>>) dst(%dma_wait3A_250 : memref<128x64xf32, #tpu.memory_space<vmem_shared>>)
      tpu.yield
    }) : () -> ()
    %mul3A_27 = arith.constant 640 : i32
    %mul3A_28 = arith.muli %arg1, %mul3A_27 : i32
    %add3A_29 = arith.constant 512 : i32
    %add3A_30 = arith.addi %mul3A_28, %add3A_29 : i32
    %run_scoped3A_31 = arith.constant 0 : i32
    "tpu.region"() ({
      %run_scoped3A_230 = tpu.sem_alloc : memref<!tpu.dma_semaphore, #tpu.memory_space<semaphore_mem>>
      %dma_start3A_231 = arith.constant 0 : i32
      %dma_start3A_232 = arith.constant 0 : i32
      %dma_start3A_233 = tpu.memref_slice %arg8[%run_scoped3A_31, %dma_start3A_231, %dma_start3A_232] : memref<4x128x64xf32, #tpu.memory_space<vmem>> -> memref<1x128x64xf32, #tpu.memory_space<vmem>>
      %dma_start3A_234 = tpu.memref_squeeze %dma_start3A_233 : memref<1x128x64xf32, #tpu.memory_space<vmem>> -> memref<128x64xf32, #tpu.memory_space<vmem>>
      %dma_start3A_235 = arith.constant 0 : i32
      %dma_start3A_236 = tpu.memref_slice %arg9[%add3A_30, %dma_start3A_235] : memref<10240x64xf32, #tpu.memory_space<vmem_shared>> -> memref<128x64xf32, #tpu.memory_space<vmem_shared>>
      %dma_start3A_237 = arith.constant 0 : i32
      %dma_start3A_238 = tpu.memref_slice %arg9[%add3A_30, %dma_start3A_237] : memref<10240x64xf32, #tpu.memory_space<vmem_shared>> -> memref<128x64xf32, #tpu.memory_space<vmem_shared>>
      %dma_start3A_239 = arith.constant 0 : i32
      %dma_start3A_240 = arith.constant 0 : i32
      %dma_start3A_241 = tpu.memref_slice %arg8[%run_scoped3A_31, %dma_start3A_239, %dma_start3A_240] : memref<4x128x64xf32, #tpu.memory_space<vmem>> -> memref<1x128x64xf32, #tpu.memory_space<vmem>>
      %dma_start3A_242 = tpu.memref_squeeze %dma_start3A_241 : memref<1x128x64xf32, #tpu.memory_space<vmem>> -> memref<128x64xf32, #tpu.memory_space<vmem>>
      tpu.enqueue_dma source(%dma_start3A_242 : memref<128x64xf32, #tpu.memory_space<vmem>>) target(%dma_start3A_238 : memref<128x64xf32, #tpu.memory_space<vmem_shared>>) target_semaphore(%run_scoped3A_230 : memref<!tpu.dma_semaphore, #tpu.memory_space<semaphore_mem>>)
      %dma_wait3A_243 = arith.constant 0 : i32
      %dma_wait3A_244 = arith.constant 0 : i32
      %dma_wait3A_245 = tpu.memref_slice %arg8[%run_scoped3A_31, %dma_wait3A_243, %dma_wait3A_244] : memref<4x128x64xf32, #tpu.memory_space<vmem>> -> memref<1x128x64xf32, #tpu.memory_space<vmem>>
      %dma_wait3A_246 = tpu.memref_squeeze %dma_wait3A_245 : memref<1x128x64xf32, #tpu.memory_space<vmem>> -> memref<128x64xf32, #tpu.memory_space<vmem>>
      %dma_wait3A_247 = arith.constant 0 : i32
      %dma_wait3A_248 = tpu.memref_slice %arg9[%add3A_30, %dma_wait3A_247] : memref<10240x64xf32, #tpu.memory_space<vmem_shared>> -> memref<128x64xf32, #tpu.memory_space<vmem_shared>>
      %dma_wait3A_249 = arith.constant 0 : i32
      %dma_wait3A_250 = tpu.memref_slice %arg9[%add3A_30, %dma_wait3A_249] : memref<10240x64xf32, #tpu.memory_space<vmem_shared>> -> memref<128x64xf32, #tpu.memory_space<vmem_shared>>
      %dma_wait3A_251 = arith.constant 0 : i32
      %dma_wait3A_252 = arith.constant 0 : i32
      %dma_wait3A_253 = tpu.memref_slice %arg8[%run_scoped3A_31, %dma_wait3A_251, %dma_wait3A_252] : memref<4x128x64xf32, #tpu.memory_space<vmem>> -> memref<1x128x64xf32, #tpu.memory_space<vmem>>
      %dma_wait3A_254 = tpu.memref_squeeze %dma_wait3A_253 : memref<1x128x64xf32, #tpu.memory_space<vmem>> -> memref<128x64xf32, #tpu.memory_space<vmem>>
      tpu.wait_dma2 semaphore(%run_scoped3A_230 : memref<!tpu.dma_semaphore, #tpu.memory_space<semaphore_mem>>) src(%dma_wait3A_254 : memref<128x64xf32, #tpu.memory_space<vmem>>) dst(%dma_wait3A_250 : memref<128x64xf32, #tpu.memory_space<vmem_shared>>)
      tpu.yield
    }) : () -> ()
    %barrier3A = arith.constant 0 : index
    tpu.barrier barrier_id(%barrier3A)
    %dma_start3A = arith.constant 0 : i32
    %dma_start3A_32 = arith.constant 0 : i32
    %dma_start3A_33 = arith.constant 0 : i32
    %dma_start3A_34 = arith.constant 0 : i32
    %dma_start3A_35 = arith.constant 0 : i32
    %dma_start3A_36 = tpu.memref_slice %arg8[%dma_start3A_33, %dma_start3A_34, %dma_start3A_35] : memref<4x128x64xf32, #tpu.memory_space<vmem>> -> memref<1x128x64xf32, #tpu.memory_space<vmem>>
    %dma_start3A_37 = tpu.memref_squeeze %dma_start3A_36 : memref<1x128x64xf32, #tpu.memory_space<vmem>> -> memref<128x64xf32, #tpu.memory_space<vmem>>
    %dma_start3A_38 = arith.constant 0 : i32
    %dma_start3A_39 = tpu.memref_slice %arg7[%dma_start3A, %dma_start3A_32, %dma_start3A_38] : memref<80x2x128xi32, #tpu.memory_space<vmem>> -> memref<1x1x128xi32, #tpu.memory_space<vmem>>
    %dma_start3A_40 = tpu.memref_squeeze %dma_start3A_39 : memref<1x1x128xi32, #tpu.memory_space<vmem>> -> memref<128xi32, #tpu.memory_space<vmem>>
    %dma_start3A_41 = arith.constant 0 : i32
    %dma_start3A_42 = arith.constant 0 : i32
    %dma_start3A_43 = tpu.memref_slice %arg2[%dma_start3A_41, %dma_start3A_42] : memref<10240x64xf32, #tpu.memory_space<hbm>> -> memref<10240x64xf32, #tpu.memory_space<hbm>>
    tpu.enqueue_indirect_dma source(%dma_start3A_43 : memref<10240x64xf32, #tpu.memory_space<hbm>>) target(%dma_start3A_37 : memref<128x64xf32, #tpu.memory_space<vmem>>) offsets(%dma_start3A_40 : memref<128xi32, #tpu.memory_space<vmem>>) semaphore(%arg10 : memref<!tpu.dma_semaphore, #tpu.memory_space<semaphore_mem>>)
    %scan3A_44 = arith.constant 0 : i32
    %scan3A_45 = arith.constant 0 : i32
    %scan3A_46 = arith.constant 20 : i32
    %scan3A_47 = arith.addi %scan3A_45, %scan3A_46 : i32
    %scan3A_48 = arith.constant 1 : i32
    scf.for %scan3A_230 = %scan3A_45 to %scan3A_47 step %scan3A_48  : i32 {
      %mul3A_231 = arith.constant 4 : i32
      %mul3A_232 = arith.muli %scan3A_230, %mul3A_231 : i32
      %add3A_233 = arith.constant 0 : i32
      %add3A_234 = arith.addi %mul3A_232, %add3A_233 : i32
      %ge3A = arith.constant 1 : i32
      %ge3A_235 = arith.cmpi sge, %scan3A_230, %ge3A : i32
      %convert_element_type3A = arith.extui %ge3A_235 : i1 to i32
      %cond3A = arith.constant 0 : i32
      %cond3A_236 = arith.cmpi ne, %convert_element_type3A, %cond3A : i32
      scf.if %cond3A_236 {
        %dma_wait3A_413 = arith.constant 0 : i32
        %dma_wait3A_414 = arith.constant 0 : i32
        %dma_wait3A_415 = arith.constant 0 : i32
        %dma_wait3A_416 = tpu.memref_slice %arg8[%dma_wait3A_413, %dma_wait3A_414, %dma_wait3A_415] : memref<4x128x64xf32, #tpu.memory_space<vmem>> -> memref<1x128x64xf32, #tpu.memory_space<vmem>>
        %dma_wait3A_417 = tpu.memref_squeeze %dma_wait3A_416 : memref<1x128x64xf32, #tpu.memory_space<vmem>> -> memref<128x64xf32, #tpu.memory_space<vmem>>
        %dma_wait3A_418 = arith.constant 0 : i32
        %dma_wait3A_419 = arith.constant 0 : i32
        %dma_wait3A_420 = tpu.memref_slice %arg2[%dma_wait3A_418, %dma_wait3A_419] : memref<10240x64xf32, #tpu.memory_space<hbm>> -> memref<128x64xf32, #tpu.memory_space<hbm>>
        %dma_wait3A_421 = arith.constant 0 : i32
        %dma_wait3A_422 = arith.constant 0 : i32
        %dma_wait3A_423 = tpu.memref_slice %arg8[%dma_wait3A_413, %dma_wait3A_421, %dma_wait3A_422] : memref<4x128x64xf32, #tpu.memory_space<vmem>> -> memref<1x128x64xf32, #tpu.memory_space<vmem>>
        %dma_wait3A_424 = tpu.memref_squeeze %dma_wait3A_423 : memref<1x128x64xf32, #tpu.memory_space<vmem>> -> memref<128x64xf32, #tpu.memory_space<vmem>>
        %dma_wait3A_425 = arith.constant 0 : i32
        %dma_wait3A_426 = arith.constant 0 : i32
        %dma_wait3A_427 = tpu.memref_slice %arg2[%dma_wait3A_425, %dma_wait3A_426] : memref<10240x64xf32, #tpu.memory_space<hbm>> -> memref<128x64xf32, #tpu.memory_space<hbm>>
        tpu.wait_dma2 semaphore(%arg15 : memref<!tpu.dma_semaphore, #tpu.memory_space<semaphore_mem>>) src(%dma_wait3A_427 : memref<128x64xf32, #tpu.memory_space<hbm>>) dst(%dma_wait3A_424 : memref<128x64xf32, #tpu.memory_space<vmem>>)
      } else {
      }
      %add3A_237 = arith.constant 1 : i32
      %add3A_238 = arith.addi %add3A_234, %add3A_237 : i32
      %dma_start3A_239 = arith.constant 0 : i32
      %dma_start3A_240 = arith.constant 1 : i32
      %dma_start3A_241 = arith.constant 0 : i32
      %dma_start3A_242 = arith.constant 0 : i32
      %dma_start3A_243 = tpu.memref_slice %arg8[%dma_start3A_240, %dma_start3A_241, %dma_start3A_242] : memref<4x128x64xf32, #tpu.memory_space<vmem>> -> memref<1x128x64xf32, #tpu.memory_space<vmem>>
      %dma_start3A_244 = tpu.memref_squeeze %dma_start3A_243 : memref<1x128x64xf32, #tpu.memory_space<vmem>> -> memref<128x64xf32, #tpu.memory_space<vmem>>
      %dma_start3A_245 = arith.constant 0 : i32
      %dma_start3A_246 = tpu.memref_slice %arg7[%add3A_238, %dma_start3A_239, %dma_start3A_245] : memref<80x2x128xi32, #tpu.memory_space<vmem>> -> memref<1x1x128xi32, #tpu.memory_space<vmem>>
      %dma_start3A_247 = tpu.memref_squeeze %dma_start3A_246 : memref<1x1x128xi32, #tpu.memory_space<vmem>> -> memref<128xi32, #tpu.memory_space<vmem>>
      %dma_start3A_248 = arith.constant 0 : i32
      %dma_start3A_249 = arith.constant 0 : i32
      %dma_start3A_250 = tpu.memref_slice %arg2[%dma_start3A_248, %dma_start3A_249] : memref<10240x64xf32, #tpu.memory_space<hbm>> -> memref<10240x64xf32, #tpu.memory_space<hbm>>
      tpu.enqueue_indirect_dma source(%dma_start3A_250 : memref<10240x64xf32, #tpu.memory_space<hbm>>) target(%dma_start3A_244 : memref<128x64xf32, #tpu.memory_space<vmem>>) offsets(%dma_start3A_247 : memref<128xi32, #tpu.memory_space<vmem>>) semaphore(%arg11 : memref<!tpu.dma_semaphore, #tpu.memory_space<semaphore_mem>>)
      %dma_wait3A_251 = arith.constant 0 : i32
      %dma_wait3A_252 = arith.constant 0 : i32
      %dma_wait3A_253 = arith.constant 0 : i32
      %dma_wait3A_254 = tpu.memref_slice %arg8[%dma_wait3A_251, %dma_wait3A_252, %dma_wait3A_253] : memref<4x128x64xf32, #tpu.memory_space<vmem>> -> memref<1x128x64xf32, #tpu.memory_space<vmem>>
      %dma_wait3A_255 = tpu.memref_squeeze %dma_wait3A_254 : memref<1x128x64xf32, #tpu.memory_space<vmem>> -> memref<128x64xf32, #tpu.memory_space<vmem>>
      %dma_wait3A_256 = arith.constant 0 : i32
      %dma_wait3A_257 = arith.constant 0 : i32
      %dma_wait3A_258 = tpu.memref_slice %arg2[%dma_wait3A_256, %dma_wait3A_257] : memref<10240x64xf32, #tpu.memory_space<hbm>> -> memref<128x64xf32, #tpu.memory_space<hbm>>
      %dma_wait3A_259 = arith.constant 0 : i32
      %dma_wait3A_260 = arith.constant 0 : i32
      %dma_wait3A_261 = tpu.memref_slice %arg8[%dma_wait3A_251, %dma_wait3A_259, %dma_wait3A_260] : memref<4x128x64xf32, #tpu.memory_space<vmem>> -> memref<1x128x64xf32, #tpu.memory_space<vmem>>
      %dma_wait3A_262 = tpu.memref_squeeze %dma_wait3A_261 : memref<1x128x64xf32, #tpu.memory_space<vmem>> -> memref<128x64xf32, #tpu.memory_space<vmem>>
      %dma_wait3A_263 = arith.constant 0 : i32
      %dma_wait3A_264 = arith.constant 0 : i32
      %dma_wait3A_265 = tpu.memref_slice %arg2[%dma_wait3A_263, %dma_wait3A_264] : memref<10240x64xf32, #tpu.memory_space<hbm>> -> memref<128x64xf32, #tpu.memory_space<hbm>>
      tpu.wait_dma2 semaphore(%arg10 : memref<!tpu.dma_semaphore, #tpu.memory_space<semaphore_mem>>) src(%dma_wait3A_265 : memref<128x64xf32, #tpu.memory_space<hbm>>) dst(%dma_wait3A_262 : memref<128x64xf32, #tpu.memory_space<vmem>>)
      %dma_start3A_266 = arith.constant 0 : i32
      %dma_start3A_267 = arith.constant 1 : i32
      %dma_start3A_268 = arith.constant 0 : i32
      %dma_start3A_269 = arith.constant 0 : i32
      %dma_start3A_270 = tpu.memref_slice %arg8[%dma_start3A_266, %dma_start3A_268, %dma_start3A_269] : memref<4x128x64xf32, #tpu.memory_space<vmem>> -> memref<1x128x64xf32, #tpu.memory_space<vmem>>
      %dma_start3A_271 = tpu.memref_squeeze %dma_start3A_270 : memref<1x128x64xf32, #tpu.memory_space<vmem>> -> memref<128x64xf32, #tpu.memory_space<vmem>>
      %dma_start3A_272 = arith.constant 0 : i32
      %dma_start3A_273 = tpu.memref_slice %arg7[%add3A_234, %dma_start3A_267, %dma_start3A_272] : memref<80x2x128xi32, #tpu.memory_space<vmem>> -> memref<1x1x128xi32, #tpu.memory_space<vmem>>
      %dma_start3A_274 = tpu.memref_squeeze %dma_start3A_273 : memref<1x1x128xi32, #tpu.memory_space<vmem>> -> memref<128xi32, #tpu.memory_space<vmem>>
      %dma_start3A_275 = arith.constant 0 : i32
      %dma_start3A_276 = arith.constant 0 : i32
      %dma_start3A_277 = tpu.memref_slice %arg9[%dma_start3A_275, %dma_start3A_276] : memref<10240x64xf32, #tpu.memory_space<vmem_shared>> -> memref<10240x64xf32, #tpu.memory_space<vmem_shared>>
      tpu.enqueue_indirect_dma source(%dma_start3A_271 : memref<128x64xf32, #tpu.memory_space<vmem>>) target(%dma_start3A_277 : memref<10240x64xf32, #tpu.memory_space<vmem_shared>>) offsets(%dma_start3A_274 : memref<128xi32, #tpu.memory_space<vmem>>) semaphore(%arg14 : memref<!tpu.dma_semaphore, #tpu.memory_space<semaphore_mem>>) {add = true}
      %mul3A_278 = arith.constant 4 : i32
      %mul3A_279 = arith.muli %scan3A_230, %mul3A_278 : i32
      %add3A_280 = arith.constant 1 : i32
      %add3A_281 = arith.addi %mul3A_279, %add3A_280 : i32
      %ge3A_282 = arith.constant 1 : i32
      %ge3A_283 = arith.cmpi sge, %scan3A_230, %ge3A_282 : i32
      %convert_element_type3A_284 = arith.extui %ge3A_283 : i1 to i32
      %cond3A_285 = arith.constant 0 : i32
      %cond3A_286 = arith.cmpi ne, %convert_element_type3A_284, %cond3A_285 : i32
      scf.if %cond3A_286 {
        %dma_wait3A_413 = arith.constant 0 : i32
        %dma_wait3A_414 = arith.constant 0 : i32
        %dma_wait3A_415 = arith.constant 0 : i32
        %dma_wait3A_416 = tpu.memref_slice %arg8[%dma_wait3A_413, %dma_wait3A_414, %dma_wait3A_415] : memref<4x128x64xf32, #tpu.memory_space<vmem>> -> memref<1x128x64xf32, #tpu.memory_space<vmem>>
        %dma_wait3A_417 = tpu.memref_squeeze %dma_wait3A_416 : memref<1x128x64xf32, #tpu.memory_space<vmem>> -> memref<128x64xf32, #tpu.memory_space<vmem>>
        %dma_wait3A_418 = arith.constant 0 : i32
        %dma_wait3A_419 = arith.constant 0 : i32
        %dma_wait3A_420 = tpu.memref_slice %arg2[%dma_wait3A_418, %dma_wait3A_419] : memref<10240x64xf32, #tpu.memory_space<hbm>> -> memref<128x64xf32, #tpu.memory_space<hbm>>
        %dma_wait3A_421 = arith.constant 0 : i32
        %dma_wait3A_422 = arith.constant 0 : i32
        %dma_wait3A_423 = tpu.memref_slice %arg8[%dma_wait3A_413, %dma_wait3A_421, %dma_wait3A_422] : memref<4x128x64xf32, #tpu.memory_space<vmem>> -> memref<1x128x64xf32, #tpu.memory_space<vmem>>
        %dma_wait3A_424 = tpu.memref_squeeze %dma_wait3A_423 : memref<1x128x64xf32, #tpu.memory_space<vmem>> -> memref<128x64xf32, #tpu.memory_space<vmem>>
        %dma_wait3A_425 = arith.constant 0 : i32
        %dma_wait3A_426 = arith.constant 0 : i32
        %dma_wait3A_427 = tpu.memref_slice %arg2[%dma_wait3A_425, %dma_wait3A_426] : memref<10240x64xf32, #tpu.memory_space<hbm>> -> memref<128x64xf32, #tpu.memory_space<hbm>>
        tpu.wait_dma2 semaphore(%arg16 : memref<!tpu.dma_semaphore, #tpu.memory_space<semaphore_mem>>) src(%dma_wait3A_427 : memref<128x64xf32, #tpu.memory_space<hbm>>) dst(%dma_wait3A_424 : memref<128x64xf32, #tpu.memory_space<vmem>>)
      } else {
      }
      %add3A_287 = arith.constant 1 : i32
      %add3A_288 = arith.addi %add3A_281, %add3A_287 : i32
      %dma_start3A_289 = arith.constant 0 : i32
      %dma_start3A_290 = arith.constant 2 : i32
      %dma_start3A_291 = arith.constant 0 : i32
      %dma_start3A_292 = arith.constant 0 : i32
      %dma_start3A_293 = tpu.memref_slice %arg8[%dma_start3A_290, %dma_start3A_291, %dma_start3A_292] : memref<4x128x64xf32, #tpu.memory_space<vmem>> -> memref<1x128x64xf32, #tpu.memory_space<vmem>>
      %dma_start3A_294 = tpu.memref_squeeze %dma_start3A_293 : memref<1x128x64xf32, #tpu.memory_space<vmem>> -> memref<128x64xf32, #tpu.memory_space<vmem>>
      %dma_start3A_295 = arith.constant 0 : i32
      %dma_start3A_296 = tpu.memref_slice %arg7[%add3A_288, %dma_start3A_289, %dma_start3A_295] : memref<80x2x128xi32, #tpu.memory_space<vmem>> -> memref<1x1x128xi32, #tpu.memory_space<vmem>>
      %dma_start3A_297 = tpu.memref_squeeze %dma_start3A_296 : memref<1x1x128xi32, #tpu.memory_space<vmem>> -> memref<128xi32, #tpu.memory_space<vmem>>
      %dma_start3A_298 = arith.constant 0 : i32
      %dma_start3A_299 = arith.constant 0 : i32
      %dma_start3A_300 = tpu.memref_slice %arg2[%dma_start3A_298, %dma_start3A_299] : memref<10240x64xf32, #tpu.memory_space<hbm>> -> memref<10240x64xf32, #tpu.memory_space<hbm>>
      tpu.enqueue_indirect_dma source(%dma_start3A_300 : memref<10240x64xf32, #tpu.memory_space<hbm>>) target(%dma_start3A_294 : memref<128x64xf32, #tpu.memory_space<vmem>>) offsets(%dma_start3A_297 : memref<128xi32, #tpu.memory_space<vmem>>) semaphore(%arg12 : memref<!tpu.dma_semaphore, #tpu.memory_space<semaphore_mem>>)
      %dma_wait3A_301 = arith.constant 0 : i32
      %dma_wait3A_302 = arith.constant 0 : i32
      %dma_wait3A_303 = arith.constant 0 : i32
      %dma_wait3A_304 = tpu.memref_slice %arg8[%dma_wait3A_301, %dma_wait3A_302, %dma_wait3A_303] : memref<4x128x64xf32, #tpu.memory_space<vmem>> -> memref<1x128x64xf32, #tpu.memory_space<vmem>>
      %dma_wait3A_305 = tpu.memref_squeeze %dma_wait3A_304 : memref<1x128x64xf32, #tpu.memory_space<vmem>> -> memref<128x64xf32, #tpu.memory_space<vmem>>
      %dma_wait3A_306 = arith.constant 0 : i32
      %dma_wait3A_307 = arith.constant 0 : i32
      %dma_wait3A_308 = tpu.memref_slice %arg2[%dma_wait3A_306, %dma_wait3A_307] : memref<10240x64xf32, #tpu.memory_space<hbm>> -> memref<128x64xf32, #tpu.memory_space<hbm>>
      %dma_wait3A_309 = arith.constant 0 : i32
      %dma_wait3A_310 = arith.constant 0 : i32
      %dma_wait3A_311 = tpu.memref_slice %arg8[%dma_wait3A_301, %dma_wait3A_309, %dma_wait3A_310] : memref<4x128x64xf32, #tpu.memory_space<vmem>> -> memref<1x128x64xf32, #tpu.memory_space<vmem>>
      %dma_wait3A_312 = tpu.memref_squeeze %dma_wait3A_311 : memref<1x128x64xf32, #tpu.memory_space<vmem>> -> memref<128x64xf32, #tpu.memory_space<vmem>>
      %dma_wait3A_313 = arith.constant 0 : i32
      %dma_wait3A_314 = arith.constant 0 : i32
      %dma_wait3A_315 = tpu.memref_slice %arg2[%dma_wait3A_313, %dma_wait3A_314] : memref<10240x64xf32, #tpu.memory_space<hbm>> -> memref<128x64xf32, #tpu.memory_space<hbm>>
      tpu.wait_dma2 semaphore(%arg11 : memref<!tpu.dma_semaphore, #tpu.memory_space<semaphore_mem>>) src(%dma_wait3A_315 : memref<128x64xf32, #tpu.memory_space<hbm>>) dst(%dma_wait3A_312 : memref<128x64xf32, #tpu.memory_space<vmem>>)
      %dma_start3A_316 = arith.constant 1 : i32
      %dma_start3A_317 = arith.constant 1 : i32
      %dma_start3A_318 = arith.constant 0 : i32
      %dma_start3A_319 = arith.constant 0 : i32
      %dma_start3A_320 = tpu.memref_slice %arg8[%dma_start3A_316, %dma_start3A_318, %dma_start3A_319] : memref<4x128x64xf32, #tpu.memory_space<vmem>> -> memref<1x128x64xf32, #tpu.memory_space<vmem>>
      %dma_start3A_321 = tpu.memref_squeeze %dma_start3A_320 : memref<1x128x64xf32, #tpu.memory_space<vmem>> -> memref<128x64xf32, #tpu.memory_space<vmem>>
      %dma_start3A_322 = arith.constant 0 : i32
      %dma_start3A_323 = tpu.memref_slice %arg7[%add3A_281, %dma_start3A_317, %dma_start3A_322] : memref<80x2x128xi32, #tpu.memory_space<vmem>> -> memref<1x1x128xi32, #tpu.memory_space<vmem>>
      %dma_start3A_324 = tpu.memref_squeeze %dma_start3A_323 : memref<1x1x128xi32, #tpu.memory_space<vmem>> -> memref<128xi32, #tpu.memory_space<vmem>>
      %dma_start3A_325 = arith.constant 0 : i32
      %dma_start3A_326 = arith.constant 0 : i32
      %dma_start3A_327 = tpu.memref_slice %arg9[%dma_start3A_325, %dma_start3A_326] : memref<10240x64xf32, #tpu.memory_space<vmem_shared>> -> memref<10240x64xf32, #tpu.memory_space<vmem_shared>>
      tpu.enqueue_indirect_dma source(%dma_start3A_321 : memref<128x64xf32, #tpu.memory_space<vmem>>) target(%dma_start3A_327 : memref<10240x64xf32, #tpu.memory_space<vmem_shared>>) offsets(%dma_start3A_324 : memref<128xi32, #tpu.memory_space<vmem>>) semaphore(%arg15 : memref<!tpu.dma_semaphore, #tpu.memory_space<semaphore_mem>>) {add = true}
      %mul3A_328 = arith.constant 4 : i32
      %mul3A_329 = arith.muli %scan3A_230, %mul3A_328 : i32
      %add3A_330 = arith.constant 2 : i32
      %add3A_331 = arith.addi %mul3A_329, %add3A_330 : i32
      %ge3A_332 = arith.constant 1 : i32
      %ge3A_333 = arith.cmpi sge, %scan3A_230, %ge3A_332 : i32
      %convert_element_type3A_334 = arith.extui %ge3A_333 : i1 to i32
      %cond3A_335 = arith.constant 0 : i32
      %cond3A_336 = arith.cmpi ne, %convert_element_type3A_334, %cond3A_335 : i32
      scf.if %cond3A_336 {
        %dma_wait3A_413 = arith.constant 0 : i32
        %dma_wait3A_414 = arith.constant 0 : i32
        %dma_wait3A_415 = arith.constant 0 : i32
        %dma_wait3A_416 = tpu.memref_slice %arg8[%dma_wait3A_413, %dma_wait3A_414, %dma_wait3A_415] : memref<4x128x64xf32, #tpu.memory_space<vmem>> -> memref<1x128x64xf32, #tpu.memory_space<vmem>>
        %dma_wait3A_417 = tpu.memref_squeeze %dma_wait3A_416 : memref<1x128x64xf32, #tpu.memory_space<vmem>> -> memref<128x64xf32, #tpu.memory_space<vmem>>
        %dma_wait3A_418 = arith.constant 0 : i32
        %dma_wait3A_419 = arith.constant 0 : i32
        %dma_wait3A_420 = tpu.memref_slice %arg2[%dma_wait3A_418, %dma_wait3A_419] : memref<10240x64xf32, #tpu.memory_space<hbm>> -> memref<128x64xf32, #tpu.memory_space<hbm>>
        %dma_wait3A_421 = arith.constant 0 : i32
        %dma_wait3A_422 = arith.constant 0 : i32
        %dma_wait3A_423 = tpu.memref_slice %arg8[%dma_wait3A_413, %dma_wait3A_421, %dma_wait3A_422] : memref<4x128x64xf32, #tpu.memory_space<vmem>> -> memref<1x128x64xf32, #tpu.memory_space<vmem>>
        %dma_wait3A_424 = tpu.memref_squeeze %dma_wait3A_423 : memref<1x128x64xf32, #tpu.memory_space<vmem>> -> memref<128x64xf32, #tpu.memory_space<vmem>>
        %dma_wait3A_425 = arith.constant 0 : i32
        %dma_wait3A_426 = arith.constant 0 : i32
        %dma_wait3A_427 = tpu.memref_slice %arg2[%dma_wait3A_425, %dma_wait3A_426] : memref<10240x64xf32, #tpu.memory_space<hbm>> -> memref<128x64xf32, #tpu.memory_space<hbm>>
        tpu.wait_dma2 semaphore(%arg17 : memref<!tpu.dma_semaphore, #tpu.memory_space<semaphore_mem>>) src(%dma_wait3A_427 : memref<128x64xf32, #tpu.memory_space<hbm>>) dst(%dma_wait3A_424 : memref<128x64xf32, #tpu.memory_space<vmem>>)
      } else {
      }
      %add3A_337 = arith.constant 1 : i32
      %add3A_338 = arith.addi %add3A_331, %add3A_337 : i32
      %dma_start3A_339 = arith.constant 0 : i32
      %dma_start3A_340 = arith.constant 3 : i32
      %dma_start3A_341 = arith.constant 0 : i32
      %dma_start3A_342 = arith.constant 0 : i32
      %dma_start3A_343 = tpu.memref_slice %arg8[%dma_start3A_340, %dma_start3A_341, %dma_start3A_342] : memref<4x128x64xf32, #tpu.memory_space<vmem>> -> memref<1x128x64xf32, #tpu.memory_space<vmem>>
      %dma_start3A_344 = tpu.memref_squeeze %dma_start3A_343 : memref<1x128x64xf32, #tpu.memory_space<vmem>> -> memref<128x64xf32, #tpu.memory_space<vmem>>
      %dma_start3A_345 = arith.constant 0 : i32
      %dma_start3A_346 = tpu.memref_slice %arg7[%add3A_338, %dma_start3A_339, %dma_start3A_345] : memref<80x2x128xi32, #tpu.memory_space<vmem>> -> memref<1x1x128xi32, #tpu.memory_space<vmem>>
      %dma_start3A_347 = tpu.memref_squeeze %dma_start3A_346 : memref<1x1x128xi32, #tpu.memory_space<vmem>> -> memref<128xi32, #tpu.memory_space<vmem>>
      %dma_start3A_348 = arith.constant 0 : i32
      %dma_start3A_349 = arith.constant 0 : i32
      %dma_start3A_350 = tpu.memref_slice %arg2[%dma_start3A_348, %dma_start3A_349] : memref<10240x64xf32, #tpu.memory_space<hbm>> -> memref<10240x64xf32, #tpu.memory_space<hbm>>
      tpu.enqueue_indirect_dma source(%dma_start3A_350 : memref<10240x64xf32, #tpu.memory_space<hbm>>) target(%dma_start3A_344 : memref<128x64xf32, #tpu.memory_space<vmem>>) offsets(%dma_start3A_347 : memref<128xi32, #tpu.memory_space<vmem>>) semaphore(%arg13 : memref<!tpu.dma_semaphore, #tpu.memory_space<semaphore_mem>>)
      %dma_wait3A_351 = arith.constant 0 : i32
      %dma_wait3A_352 = arith.constant 0 : i32
      %dma_wait3A_353 = arith.constant 0 : i32
      %dma_wait3A_354 = tpu.memref_slice %arg8[%dma_wait3A_351, %dma_wait3A_352, %dma_wait3A_353] : memref<4x128x64xf32, #tpu.memory_space<vmem>> -> memref<1x128x64xf32, #tpu.memory_space<vmem>>
      %dma_wait3A_355 = tpu.memref_squeeze %dma_wait3A_354 : memref<1x128x64xf32, #tpu.memory_space<vmem>> -> memref<128x64xf32, #tpu.memory_space<vmem>>
      %dma_wait3A_356 = arith.constant 0 : i32
      %dma_wait3A_357 = arith.constant 0 : i32
      %dma_wait3A_358 = tpu.memref_slice %arg2[%dma_wait3A_356, %dma_wait3A_357] : memref<10240x64xf32, #tpu.memory_space<hbm>> -> memref<128x64xf32, #tpu.memory_space<hbm>>
      %dma_wait3A_359 = arith.constant 0 : i32
      %dma_wait3A_360 = arith.constant 0 : i32
      %dma_wait3A_361 = tpu.memref_slice %arg8[%dma_wait3A_351, %dma_wait3A_359, %dma_wait3A_360] : memref<4x128x64xf32, #tpu.memory_space<vmem>> -> memref<1x128x64xf32, #tpu.memory_space<vmem>>
      %dma_wait3A_362 = tpu.memref_squeeze %dma_wait3A_361 : memref<1x128x64xf32, #tpu.memory_space<vmem>> -> memref<128x64xf32, #tpu.memory_space<vmem>>
      %dma_wait3A_363 = arith.constant 0 : i32
      %dma_wait3A_364 = arith.constant 0 : i32
      %dma_wait3A_365 = tpu.memref_slice %arg2[%dma_wait3A_363, %dma_wait3A_364] : memref<10240x64xf32, #tpu.memory_space<hbm>> -> memref<128x64xf32, #tpu.memory_space<hbm>>
      tpu.wait_dma2 semaphore(%arg12 : memref<!tpu.dma_semaphore, #tpu.memory_space<semaphore_mem>>) src(%dma_wait3A_365 : memref<128x64xf32, #tpu.memory_space<hbm>>) dst(%dma_wait3A_362 : memref<128x64xf32, #tpu.memory_space<vmem>>)
      %dma_start3A_366 = arith.constant 2 : i32
      %dma_start3A_367 = arith.constant 1 : i32
      %dma_start3A_368 = arith.constant 0 : i32
      %dma_start3A_369 = arith.constant 0 : i32
      %dma_start3A_370 = tpu.memref_slice %arg8[%dma_start3A_366, %dma_start3A_368, %dma_start3A_369] : memref<4x128x64xf32, #tpu.memory_space<vmem>> -> memref<1x128x64xf32, #tpu.memory_space<vmem>>
      %dma_start3A_371 = tpu.memref_squeeze %dma_start3A_370 : memref<1x128x64xf32, #tpu.memory_space<vmem>> -> memref<128x64xf32, #tpu.memory_space<vmem>>
      %dma_start3A_372 = arith.constant 0 : i32
      %dma_start3A_373 = tpu.memref_slice %arg7[%add3A_331, %dma_start3A_367, %dma_start3A_372] : memref<80x2x128xi32, #tpu.memory_space<vmem>> -> memref<1x1x128xi32, #tpu.memory_space<vmem>>
      %dma_start3A_374 = tpu.memref_squeeze %dma_start3A_373 : memref<1x1x128xi32, #tpu.memory_space<vmem>> -> memref<128xi32, #tpu.memory_space<vmem>>
      %dma_start3A_375 = arith.constant 0 : i32
      %dma_start3A_376 = arith.constant 0 : i32
      %dma_start3A_377 = tpu.memref_slice %arg9[%dma_start3A_375, %dma_start3A_376] : memref<10240x64xf32, #tpu.memory_space<vmem_shared>> -> memref<10240x64xf32, #tpu.memory_space<vmem_shared>>
      tpu.enqueue_indirect_dma source(%dma_start3A_371 : memref<128x64xf32, #tpu.memory_space<vmem>>) target(%dma_start3A_377 : memref<10240x64xf32, #tpu.memory_space<vmem_shared>>) offsets(%dma_start3A_374 : memref<128xi32, #tpu.memory_space<vmem>>) semaphore(%arg16 : memref<!tpu.dma_semaphore, #tpu.memory_space<semaphore_mem>>) {add = true}
      %mul3A_378 = arith.constant 4 : i32
      %mul3A_379 = arith.muli %scan3A_230, %mul3A_378 : i32
      %add3A_380 = arith.constant 3 : i32
      %add3A_381 = arith.addi %mul3A_379, %add3A_380 : i32
      %le3A = arith.constant 18 : i32
      %le3A_382 = arith.cmpi sle, %scan3A_230, %le3A : i32
      %convert_element_type3A_383 = arith.extui %le3A_382 : i1 to i32
      %cond3A_384 = arith.constant 0 : i32
      %cond3A_385 = arith.cmpi ne, %convert_element_type3A_383, %cond3A_384 : i32
      scf.if %cond3A_385 {
        %dma_wait3A_413 = arith.constant 0 : i32
        %dma_wait3A_414 = arith.constant 0 : i32
        %dma_wait3A_415 = arith.constant 0 : i32
        %dma_wait3A_416 = tpu.memref_slice %arg8[%dma_wait3A_413, %dma_wait3A_414, %dma_wait3A_415] : memref<4x128x64xf32, #tpu.memory_space<vmem>> -> memref<1x128x64xf32, #tpu.memory_space<vmem>>
        %dma_wait3A_417 = tpu.memref_squeeze %dma_wait3A_416 : memref<1x128x64xf32, #tpu.memory_space<vmem>> -> memref<128x64xf32, #tpu.memory_space<vmem>>
        %dma_wait3A_418 = arith.constant 0 : i32
        %dma_wait3A_419 = arith.constant 0 : i32
        %dma_wait3A_420 = tpu.memref_slice %arg2[%dma_wait3A_418, %dma_wait3A_419] : memref<10240x64xf32, #tpu.memory_space<hbm>> -> memref<128x64xf32, #tpu.memory_space<hbm>>
        %dma_wait3A_421 = arith.constant 0 : i32
        %dma_wait3A_422 = arith.constant 0 : i32
        %dma_wait3A_423 = tpu.memref_slice %arg8[%dma_wait3A_413, %dma_wait3A_421, %dma_wait3A_422] : memref<4x128x64xf32, #tpu.memory_space<vmem>> -> memref<1x128x64xf32, #tpu.memory_space<vmem>>
        %dma_wait3A_424 = tpu.memref_squeeze %dma_wait3A_423 : memref<1x128x64xf32, #tpu.memory_space<vmem>> -> memref<128x64xf32, #tpu.memory_space<vmem>>
        %dma_wait3A_425 = arith.constant 0 : i32
        %dma_wait3A_426 = arith.constant 0 : i32
        %dma_wait3A_427 = tpu.memref_slice %arg2[%dma_wait3A_425, %dma_wait3A_426] : memref<10240x64xf32, #tpu.memory_space<hbm>> -> memref<128x64xf32, #tpu.memory_space<hbm>>
        tpu.wait_dma2 semaphore(%arg14 : memref<!tpu.dma_semaphore, #tpu.memory_space<semaphore_mem>>) src(%dma_wait3A_427 : memref<128x64xf32, #tpu.memory_space<hbm>>) dst(%dma_wait3A_424 : memref<128x64xf32, #tpu.memory_space<vmem>>)
        %add3A_428 = arith.constant 1 : i32
        %add3A_429 = arith.addi %add3A_381, %add3A_428 : i32
        %dma_start3A_430 = arith.constant 0 : i32
        %dma_start3A_431 = arith.constant 0 : i32
        %dma_start3A_432 = arith.constant 0 : i32
        %dma_start3A_433 = arith.constant 0 : i32
        %dma_start3A_434 = tpu.memref_slice %arg8[%dma_start3A_431, %dma_start3A_432, %dma_start3A_433] : memref<4x128x64xf32, #tpu.memory_space<vmem>> -> memref<1x128x64xf32, #tpu.memory_space<vmem>>
        %dma_start3A_435 = tpu.memref_squeeze %dma_start3A_434 : memref<1x128x64xf32, #tpu.memory_space<vmem>> -> memref<128x64xf32, #tpu.memory_space<vmem>>
        %dma_start3A_436 = arith.constant 0 : i32
        %dma_start3A_437 = tpu.memref_slice %arg7[%add3A_429, %dma_start3A_430, %dma_start3A_436] : memref<80x2x128xi32, #tpu.memory_space<vmem>> -> memref<1x1x128xi32, #tpu.memory_space<vmem>>
        %dma_start3A_438 = tpu.memref_squeeze %dma_start3A_437 : memref<1x1x128xi32, #tpu.memory_space<vmem>> -> memref<128xi32, #tpu.memory_space<vmem>>
        %dma_start3A_439 = arith.constant 0 : i32
        %dma_start3A_440 = arith.constant 0 : i32
        %dma_start3A_441 = tpu.memref_slice %arg2[%dma_start3A_439, %dma_start3A_440] : memref<10240x64xf32, #tpu.memory_space<hbm>> -> memref<10240x64xf32, #tpu.memory_space<hbm>>
        tpu.enqueue_indirect_dma source(%dma_start3A_441 : memref<10240x64xf32, #tpu.memory_space<hbm>>) target(%dma_start3A_435 : memref<128x64xf32, #tpu.memory_space<vmem>>) offsets(%dma_start3A_438 : memref<128xi32, #tpu.memory_space<vmem>>) semaphore(%arg10 : memref<!tpu.dma_semaphore, #tpu.memory_space<semaphore_mem>>)
      } else {
      }
      %dma_wait3A_386 = arith.constant 0 : i32
      %dma_wait3A_387 = arith.constant 0 : i32
      %dma_wait3A_388 = arith.constant 0 : i32
      %dma_wait3A_389 = tpu.memref_slice %arg8[%dma_wait3A_386, %dma_wait3A_387, %dma_wait3A_388] : memref<4x128x64xf32, #tpu.memory_space<vmem>> -> memref<1x128x64xf32, #tpu.memory_space<vmem>>
      %dma_wait3A_390 = tpu.memref_squeeze %dma_wait3A_389 : memref<1x128x64xf32, #tpu.memory_space<vmem>> -> memref<128x64xf32, #tpu.memory_space<vmem>>
      %dma_wait3A_391 = arith.constant 0 : i32
      %dma_wait3A_392 = arith.constant 0 : i32
      %dma_wait3A_393 = tpu.memref_slice %arg2[%dma_wait3A_391, %dma_wait3A_392] : memref<10240x64xf32, #tpu.memory_space<hbm>> -> memref<128x64xf32, #tpu.memory_space<hbm>>
      %dma_wait3A_394 = arith.constant 0 : i32
      %dma_wait3A_395 = arith.constant 0 : i32
      %dma_wait3A_396 = tpu.memref_slice %arg8[%dma_wait3A_386, %dma_wait3A_394, %dma_wait3A_395] : memref<4x128x64xf32, #tpu.memory_space<vmem>> -> memref<1x128x64xf32, #tpu.memory_space<vmem>>
      %dma_wait3A_397 = tpu.memref_squeeze %dma_wait3A_396 : memref<1x128x64xf32, #tpu.memory_space<vmem>> -> memref<128x64xf32, #tpu.memory_space<vmem>>
      %dma_wait3A_398 = arith.constant 0 : i32
      %dma_wait3A_399 = arith.constant 0 : i32
      %dma_wait3A_400 = tpu.memref_slice %arg2[%dma_wait3A_398, %dma_wait3A_399] : memref<10240x64xf32, #tpu.memory_space<hbm>> -> memref<128x64xf32, #tpu.memory_space<hbm>>
      tpu.wait_dma2 semaphore(%arg13 : memref<!tpu.dma_semaphore, #tpu.memory_space<semaphore_mem>>) src(%dma_wait3A_400 : memref<128x64xf32, #tpu.memory_space<hbm>>) dst(%dma_wait3A_397 : memref<128x64xf32, #tpu.memory_space<vmem>>)
      %dma_start3A_401 = arith.constant 3 : i32
      %dma_start3A_402 = arith.constant 1 : i32
      %dma_start3A_403 = arith.constant 0 : i32
      %dma_start3A_404 = arith.constant 0 : i32
      %dma_start3A_405 = tpu.memref_slice %arg8[%dma_start3A_401, %dma_start3A_403, %dma_start3A_404] : memref<4x128x64xf32, #tpu.memory_space<vmem>> -> memref<1x128x64xf32, #tpu.memory_space<vmem>>
      %dma_start3A_406 = tpu.memref_squeeze %dma_start3A_405 : memref<1x128x64xf32, #tpu.memory_space<vmem>> -> memref<128x64xf32, #tpu.memory_space<vmem>>
      %dma_start3A_407 = arith.constant 0 : i32
      %dma_start3A_408 = tpu.memref_slice %arg7[%add3A_381, %dma_start3A_402, %dma_start3A_407] : memref<80x2x128xi32, #tpu.memory_space<vmem>> -> memref<1x1x128xi32, #tpu.memory_space<vmem>>
      %dma_start3A_409 = tpu.memref_squeeze %dma_start3A_408 : memref<1x1x128xi32, #tpu.memory_space<vmem>> -> memref<128xi32, #tpu.memory_space<vmem>>
      %dma_start3A_410 = arith.constant 0 : i32
      %dma_start3A_411 = arith.constant 0 : i32
      %dma_start3A_412 = tpu.memref_slice %arg9[%dma_start3A_410, %dma_start3A_411] : memref<10240x64xf32, #tpu.memory_space<vmem_shared>> -> memref<10240x64xf32, #tpu.memory_space<vmem_shared>>
      tpu.enqueue_indirect_dma source(%dma_start3A_406 : memref<128x64xf32, #tpu.memory_space<vmem>>) target(%dma_start3A_412 : memref<10240x64xf32, #tpu.memory_space<vmem_shared>>) offsets(%dma_start3A_409 : memref<128xi32, #tpu.memory_space<vmem>>) semaphore(%arg17 : memref<!tpu.dma_semaphore, #tpu.memory_space<semaphore_mem>>) {add = true}
    }
    %scan3A_49 = arith.constant 20 : i32
    %dma_wait3A = arith.constant 0 : i32
    %dma_wait3A_50 = arith.constant 0 : i32
    %dma_wait3A_51 = arith.constant 0 : i32
    %dma_wait3A_52 = tpu.memref_slice %arg8[%dma_wait3A, %dma_wait3A_50, %dma_wait3A_51] : memref<4x128x64xf32, #tpu.memory_space<vmem>> -> memref<1x128x64xf32, #tpu.memory_space<vmem>>
    %dma_wait3A_53 = tpu.memref_squeeze %dma_wait3A_52 : memref<1x128x64xf32, #tpu.memory_space<vmem>> -> memref<128x64xf32, #tpu.memory_space<vmem>>
    %dma_wait3A_54 = arith.constant 0 : i32
    %dma_wait3A_55 = arith.constant 0 : i32
    %dma_wait3A_56 = tpu.memref_slice %arg2[%dma_wait3A_54, %dma_wait3A_55] : memref<10240x64xf32, #tpu.memory_space<hbm>> -> memref<128x64xf32, #tpu.memory_space<hbm>>
    %dma_wait3A_57 = arith.constant 0 : i32
    %dma_wait3A_58 = arith.constant 0 : i32
    %dma_wait3A_59 = tpu.memref_slice %arg8[%dma_wait3A, %dma_wait3A_57, %dma_wait3A_58] : memref<4x128x64xf32, #tpu.memory_space<vmem>> -> memref<1x128x64xf32, #tpu.memory_space<vmem>>
    %dma_wait3A_60 = tpu.memref_squeeze %dma_wait3A_59 : memref<1x128x64xf32, #tpu.memory_space<vmem>> -> memref<128x64xf32, #tpu.memory_space<vmem>>
    %dma_wait3A_61 = arith.constant 0 : i32
    %dma_wait3A_62 = arith.constant 0 : i32
    %dma_wait3A_63 = tpu.memref_slice %arg2[%dma_wait3A_61, %dma_wait3A_62] : memref<10240x64xf32, #tpu.memory_space<hbm>> -> memref<128x64xf32, #tpu.memory_space<hbm>>
    tpu.wait_dma2 semaphore(%arg14 : memref<!tpu.dma_semaphore, #tpu.memory_space<semaphore_mem>>) src(%dma_wait3A_63 : memref<128x64xf32, #tpu.memory_space<hbm>>) dst(%dma_wait3A_60 : memref<128x64xf32, #tpu.memory_space<vmem>>)
    %dma_wait3A_64 = arith.constant 0 : i32
    %dma_wait3A_65 = arith.constant 0 : i32
    %dma_wait3A_66 = arith.constant 0 : i32
    %dma_wait3A_67 = tpu.memref_slice %arg8[%dma_wait3A_64, %dma_wait3A_65, %dma_wait3A_66] : memref<4x128x64xf32, #tpu.memory_space<vmem>> -> memref<1x128x64xf32, #tpu.memory_space<vmem>>
    %dma_wait3A_68 = tpu.memref_squeeze %dma_wait3A_67 : memref<1x128x64xf32, #tpu.memory_space<vmem>> -> memref<128x64xf32, #tpu.memory_space<vmem>>
    %dma_wait3A_69 = arith.constant 0 : i32
    %dma_wait3A_70 = arith.constant 0 : i32
    %dma_wait3A_71 = tpu.memref_slice %arg2[%dma_wait3A_69, %dma_wait3A_70] : memref<10240x64xf32, #tpu.memory_space<hbm>> -> memref<128x64xf32, #tpu.memory_space<hbm>>
    %dma_wait3A_72 = arith.constant 0 : i32
    %dma_wait3A_73 = arith.constant 0 : i32
    %dma_wait3A_74 = tpu.memref_slice %arg8[%dma_wait3A_64, %dma_wait3A_72, %dma_wait3A_73] : memref<4x128x64xf32, #tpu.memory_space<vmem>> -> memref<1x128x64xf32, #tpu.memory_space<vmem>>
    %dma_wait3A_75 = tpu.memref_squeeze %dma_wait3A_74 : memref<1x128x64xf32, #tpu.memory_space<vmem>> -> memref<128x64xf32, #tpu.memory_space<vmem>>
    %dma_wait3A_76 = arith.constant 0 : i32
    %dma_wait3A_77 = arith.constant 0 : i32
    %dma_wait3A_78 = tpu.memref_slice %arg2[%dma_wait3A_76, %dma_wait3A_77] : memref<10240x64xf32, #tpu.memory_space<hbm>> -> memref<128x64xf32, #tpu.memory_space<hbm>>
    tpu.wait_dma2 semaphore(%arg15 : memref<!tpu.dma_semaphore, #tpu.memory_space<semaphore_mem>>) src(%dma_wait3A_78 : memref<128x64xf32, #tpu.memory_space<hbm>>) dst(%dma_wait3A_75 : memref<128x64xf32, #tpu.memory_space<vmem>>)
    %dma_wait3A_79 = arith.constant 0 : i32
    %dma_wait3A_80 = arith.constant 0 : i32
    %dma_wait3A_81 = arith.constant 0 : i32
    %dma_wait3A_82 = tpu.memref_slice %arg8[%dma_wait3A_79, %dma_wait3A_80, %dma_wait3A_81] : memref<4x128x64xf32, #tpu.memory_space<vmem>> -> memref<1x128x64xf32, #tpu.memory_space<vmem>>
    %dma_wait3A_83 = tpu.memref_squeeze %dma_wait3A_82 : memref<1x128x64xf32, #tpu.memory_space<vmem>> -> memref<128x64xf32, #tpu.memory_space<vmem>>
    %dma_wait3A_84 = arith.constant 0 : i32
    %dma_wait3A_85 = arith.constant 0 : i32
    %dma_wait3A_86 = tpu.memref_slice %arg2[%dma_wait3A_84, %dma_wait3A_85] : memref<10240x64xf32, #tpu.memory_space<hbm>> -> memref<128x64xf32, #tpu.memory_space<hbm>>
    %dma_wait3A_87 = arith.constant 0 : i32
    %dma_wait3A_88 = arith.constant 0 : i32
    %dma_wait3A_89 = tpu.memref_slice %arg8[%dma_wait3A_79, %dma_wait3A_87, %dma_wait3A_88] : memref<4x128x64xf32, #tpu.memory_space<vmem>> -> memref<1x128x64xf32, #tpu.memory_space<vmem>>
    %dma_wait3A_90 = tpu.memref_squeeze %dma_wait3A_89 : memref<1x128x64xf32, #tpu.memory_space<vmem>> -> memref<128x64xf32, #tpu.memory_space<vmem>>
    %dma_wait3A_91 = arith.constant 0 : i32
    %dma_wait3A_92 = arith.constant 0 : i32
    %dma_wait3A_93 = tpu.memref_slice %arg2[%dma_wait3A_91, %dma_wait3A_92] : memref<10240x64xf32, #tpu.memory_space<hbm>> -> memref<128x64xf32, #tpu.memory_space<hbm>>
    tpu.wait_dma2 semaphore(%arg16 : memref<!tpu.dma_semaphore, #tpu.memory_space<semaphore_mem>>) src(%dma_wait3A_93 : memref<128x64xf32, #tpu.memory_space<hbm>>) dst(%dma_wait3A_90 : memref<128x64xf32, #tpu.memory_space<vmem>>)
    %dma_wait3A_94 = arith.constant 0 : i32
    %dma_wait3A_95 = arith.constant 0 : i32
    %dma_wait3A_96 = arith.constant 0 : i32
    %dma_wait3A_97 = tpu.memref_slice %arg8[%dma_wait3A_94, %dma_wait3A_95, %dma_wait3A_96] : memref<4x128x64xf32, #tpu.memory_space<vmem>> -> memref<1x128x64xf32, #tpu.memory_space<vmem>>
    %dma_wait3A_98 = tpu.memref_squeeze %dma_wait3A_97 : memref<1x128x64xf32, #tpu.memory_space<vmem>> -> memref<128x64xf32, #tpu.memory_space<vmem>>
    %dma_wait3A_99 = arith.constant 0 : i32
    %dma_wait3A_100 = arith.constant 0 : i32
    %dma_wait3A_101 = tpu.memref_slice %arg2[%dma_wait3A_99, %dma_wait3A_100] : memref<10240x64xf32, #tpu.memory_space<hbm>> -> memref<128x64xf32, #tpu.memory_space<hbm>>
    %dma_wait3A_102 = arith.constant 0 : i32
    %dma_wait3A_103 = arith.constant 0 : i32
    %dma_wait3A_104 = tpu.memref_slice %arg8[%dma_wait3A_94, %dma_wait3A_102, %dma_wait3A_103] : memref<4x128x64xf32, #tpu.memory_space<vmem>> -> memref<1x128x64xf32, #tpu.memory_space<vmem>>
    %dma_wait3A_105 = tpu.memref_squeeze %dma_wait3A_104 : memref<1x128x64xf32, #tpu.memory_space<vmem>> -> memref<128x64xf32, #tpu.memory_space<vmem>>
    %dma_wait3A_106 = arith.constant 0 : i32
    %dma_wait3A_107 = arith.constant 0 : i32
    %dma_wait3A_108 = tpu.memref_slice %arg2[%dma_wait3A_106, %dma_wait3A_107] : memref<10240x64xf32, #tpu.memory_space<hbm>> -> memref<128x64xf32, #tpu.memory_space<hbm>>
    tpu.wait_dma2 semaphore(%arg17 : memref<!tpu.dma_semaphore, #tpu.memory_space<semaphore_mem>>) src(%dma_wait3A_108 : memref<128x64xf32, #tpu.memory_space<hbm>>) dst(%dma_wait3A_105 : memref<128x64xf32, #tpu.memory_space<vmem>>)
    %barrier3A_109 = arith.constant 0 : index
    tpu.barrier barrier_id(%barrier3A_109)
    %mul3A_110 = arith.constant 640 : i32
    %mul3A_111 = arith.muli %arg1, %mul3A_110 : i32
    %mul3A_112 = arith.constant 640 : i32
    %mul3A_113 = arith.muli %arg1, %mul3A_112 : i32
    "tpu.region"() ({
      %run_scoped3A_230 = tpu.sem_alloc : memref<!tpu.dma_semaphore, #tpu.memory_space<semaphore_mem>>
      %dma_start3A_231 = arith.constant 0 : i32
      %dma_start3A_232 = arith.constant 0 : i32
      %dma_start3A_233 = tpu.memref_slice %arg5[%arg0, %dma_start3A_231, %dma_start3A_232] : memref<2x10240x64xf32, #tpu.memory_space<hbm>> -> memref<1x10240x64xf32, #tpu.memory_space<hbm>>
      %dma_start3A_234 = tpu.memref_squeeze %dma_start3A_233 : memref<1x10240x64xf32, #tpu.memory_space<hbm>> -> memref<10240x64xf32, #tpu.memory_space<hbm>>
      %dma_start3A_235 = arith.constant 0 : i32
      %dma_start3A_236 = tpu.memref_slice %dma_start3A_234[%mul3A_113, %dma_start3A_235] : memref<10240x64xf32, #tpu.memory_space<hbm>> -> memref<640x64xf32, #tpu.memory_space<hbm>>
      %dma_start3A_237 = arith.constant 0 : i32
      %dma_start3A_238 = tpu.memref_slice %arg9[%mul3A_111, %dma_start3A_237] : memref<10240x64xf32, #tpu.memory_space<vmem_shared>> -> memref<640x64xf32, #tpu.memory_space<vmem_shared>>
      tpu.enqueue_dma source(%dma_start3A_238 : memref<640x64xf32, #tpu.memory_space<vmem_shared>>) target(%dma_start3A_236 : memref<640x64xf32, #tpu.memory_space<hbm>>) target_semaphore(%run_scoped3A_230 : memref<!tpu.dma_semaphore, #tpu.memory_space<semaphore_mem>>)
      %dma_wait3A_239 = arith.constant 0 : i32
      %dma_wait3A_240 = arith.constant 0 : i32
      %dma_wait3A_241 = tpu.memref_slice %arg5[%arg0, %dma_wait3A_239, %dma_wait3A_240] : memref<2x10240x64xf32, #tpu.memory_space<hbm>> -> memref<1x10240x64xf32, #tpu.memory_space<hbm>>
      %dma_wait3A_242 = tpu.memref_squeeze %dma_wait3A_241 : memref<1x10240x64xf32, #tpu.memory_space<hbm>> -> memref<10240x64xf32, #tpu.memory_space<hbm>>
      %dma_wait3A_243 = arith.constant 0 : i32
      %dma_wait3A_244 = tpu.memref_slice %dma_wait3A_242[%mul3A_113, %dma_wait3A_243] : memref<10240x64xf32, #tpu.memory_space<hbm>> -> memref<640x64xf32, #tpu.memory_space<hbm>>
      %dma_wait3A_245 = arith.constant 0 : i32
      %dma_wait3A_246 = tpu.memref_slice %arg9[%mul3A_111, %dma_wait3A_245] : memref<10240x64xf32, #tpu.memory_space<vmem_shared>> -> memref<640x64xf32, #tpu.memory_space<vmem_shared>>
      tpu.wait_dma2 semaphore(%run_scoped3A_230 : memref<!tpu.dma_semaphore, #tpu.memory_space<semaphore_mem>>) src(%dma_wait3A_246 : memref<640x64xf32, #tpu.memory_space<vmem_shared>>) dst(%dma_wait3A_244 : memref<640x64xf32, #tpu.memory_space<hbm>>)
      tpu.yield
    }) : () -> ()
    %scan3A_114 = arith.constant 0 : i32
    %scan3A_115 = arith.constant 0 : i32
    %scan3A_116 = arith.constant 128 : i32
    %scan3A_117 = arith.addi %scan3A_115, %scan3A_116 : i32
    %scan3A_118 = arith.constant 1 : i32
    scf.for %scan3A_230 = %scan3A_115 to %scan3A_117 step %scan3A_118  : i32 {
      %broadcast_in_dim3A = arith.constant 0.000000e+00 : f32
      %broadcast_in_dim3A_231 = vector.broadcast %broadcast_in_dim3A : f32 to vector<16xf32>
      %swap3A = arith.constant 0 : i32
      %swap3A_232 = arith.index_cast %swap3A : i32 to index
      %swap3A_233 = arith.index_cast %scan3A_230 : i32 to index
      %swap3A_234 = arith.constant 0 : index
      %swap3A_235 = tpu.vector_load %arg8[%swap3A_232, %swap3A_233, %swap3A_234] {strides = array<i32>} : memref<4x128x64xf32, #tpu.memory_space<vmem>>, vector<1x1x16xf32>,
      %swap3A_236 = vector.shape_cast %swap3A_235 : vector<1x1x16xf32> to vector<16xf32>
      %swap3A_237 = vector.shape_cast %broadcast_in_dim3A_231 : vector<16xf32> to vector<1x1x16xf32>
      tpu.vector_store %arg8[%swap3A_232, %swap3A_233, %swap3A_234], %swap3A_237 {strides = array<i32>} : memref<4x128x64xf32, #tpu.memory_space<vmem>>, vector<1x1x16xf32>,
      %broadcast_in_dim3A_238 = arith.constant 0.000000e+00 : f32
      %broadcast_in_dim3A_239 = vector.broadcast %broadcast_in_dim3A_238 : f32 to vector<16xf32>
      %swap3A_240 = arith.constant 0 : i32
      %swap3A_241 = arith.index_cast %swap3A_240 : i32 to index
      %swap3A_242 = arith.index_cast %scan3A_230 : i32 to index
      %swap3A_243 = arith.constant 16 : index
      %swap3A_244 = tpu.vector_load %arg8[%swap3A_241, %swap3A_242, %swap3A_243] {strides = array<i32>} : memref<4x128x64xf32, #tpu.memory_space<vmem>>, vector<1x1x16xf32>,
      %swap3A_245 = vector.shape_cast %swap3A_244 : vector<1x1x16xf32> to vector<16xf32>
      %swap3A_246 = vector.shape_cast %broadcast_in_dim3A_239 : vector<16xf32> to vector<1x1x16xf32>
      tpu.vector_store %arg8[%swap3A_241, %swap3A_242, %swap3A_243], %swap3A_246 {strides = array<i32>} : memref<4x128x64xf32, #tpu.memory_space<vmem>>, vector<1x1x16xf32>,
      %broadcast_in_dim3A_247 = arith.constant 0.000000e+00 : f32
      %broadcast_in_dim3A_248 = vector.broadcast %broadcast_in_dim3A_247 : f32 to vector<16xf32>
      %swap3A_249 = arith.constant 0 : i32
      %swap3A_250 = arith.index_cast %swap3A_249 : i32 to index
      %swap3A_251 = arith.index_cast %scan3A_230 : i32 to index
      %swap3A_252 = arith.constant 32 : index
      %swap3A_253 = tpu.vector_load %arg8[%swap3A_250, %swap3A_251, %swap3A_252] {strides = array<i32>} : memref<4x128x64xf32, #tpu.memory_space<vmem>>, vector<1x1x16xf32>,
      %swap3A_254 = vector.shape_cast %swap3A_253 : vector<1x1x16xf32> to vector<16xf32>
      %swap3A_255 = vector.shape_cast %broadcast_in_dim3A_248 : vector<16xf32> to vector<1x1x16xf32>
      tpu.vector_store %arg8[%swap3A_250, %swap3A_251, %swap3A_252], %swap3A_255 {strides = array<i32>} : memref<4x128x64xf32, #tpu.memory_space<vmem>>, vector<1x1x16xf32>,
      %broadcast_in_dim3A_256 = arith.constant 0.000000e+00 : f32
      %broadcast_in_dim3A_257 = vector.broadcast %broadcast_in_dim3A_256 : f32 to vector<16xf32>
      %swap3A_258 = arith.constant 0 : i32
      %swap3A_259 = arith.index_cast %swap3A_258 : i32 to index
      %swap3A_260 = arith.index_cast %scan3A_230 : i32 to index
      %swap3A_261 = arith.constant 48 : index
      %swap3A_262 = tpu.vector_load %arg8[%swap3A_259, %swap3A_260, %swap3A_261] {strides = array<i32>} : memref<4x128x64xf32, #tpu.memory_space<vmem>>, vector<1x1x16xf32>,
      %swap3A_263 = vector.shape_cast %swap3A_262 : vector<1x1x16xf32> to vector<16xf32>
      %swap3A_264 = vector.shape_cast %broadcast_in_dim3A_257 : vector<16xf32> to vector<1x1x16xf32>
      tpu.vector_store %arg8[%swap3A_259, %swap3A_260, %swap3A_261], %swap3A_264 {strides = array<i32>} : memref<4x128x64xf32, #tpu.memory_space<vmem>>, vector<1x1x16xf32>,
    }
    %scan3A_119 = arith.constant 128 : i32
    %mul3A_120 = arith.constant 640 : i32
    %mul3A_121 = arith.muli %arg1, %mul3A_120 : i32
    %add3A_122 = arith.constant 0 : i32
    %add3A_123 = arith.addi %mul3A_121, %add3A_122 : i32
    %run_scoped3A_124 = arith.constant 0 : i32
    "tpu.region"() ({
      %run_scoped3A_230 = tpu.sem_alloc : memref<!tpu.dma_semaphore, #tpu.memory_space<semaphore_mem>>
      %dma_start3A_231 = arith.constant 0 : i32
      %dma_start3A_232 = arith.constant 0 : i32
      %dma_start3A_233 = tpu.memref_slice %arg8[%run_scoped3A_124, %dma_start3A_231, %dma_start3A_232] : memref<4x128x64xf32, #tpu.memory_space<vmem>> -> memref<1x128x64xf32, #tpu.memory_space<vmem>>
      %dma_start3A_234 = tpu.memref_squeeze %dma_start3A_233 : memref<1x128x64xf32, #tpu.memory_space<vmem>> -> memref<128x64xf32, #tpu.memory_space<vmem>>
      %dma_start3A_235 = arith.constant 0 : i32
      %dma_start3A_236 = tpu.memref_slice %arg9[%add3A_123, %dma_start3A_235] : memref<10240x64xf32, #tpu.memory_space<vmem_shared>> -> memref<128x64xf32, #tpu.memory_space<vmem_shared>>
      %dma_start3A_237 = arith.constant 0 : i32
      %dma_start3A_238 = tpu.memref_slice %arg9[%add3A_123, %dma_start3A_237] : memref<10240x64xf32, #tpu.memory_space<vmem_shared>> -> memref<128x64xf32, #tpu.memory_space<vmem_shared>>
      %dma_start3A_239 = arith.constant 0 : i32
      %dma_start3A_240 = arith.constant 0 : i32
      %dma_start3A_241 = tpu.memref_slice %arg8[%run_scoped3A_124, %dma_start3A_239, %dma_start3A_240] : memref<4x128x64xf32, #tpu.memory_space<vmem>> -> memref<1x128x64xf32, #tpu.memory_space<vmem>>
      %dma_start3A_242 = tpu.memref_squeeze %dma_start3A_241 : memref<1x128x64xf32, #tpu.memory_space<vmem>> -> memref<128x64xf32, #tpu.memory_space<vmem>>
      tpu.enqueue_dma source(%dma_start3A_242 : memref<128x64xf32, #tpu.memory_space<vmem>>) target(%dma_start3A_238 : memref<128x64xf32, #tpu.memory_space<vmem_shared>>) target_semaphore(%run_scoped3A_230 : memref<!tpu.dma_semaphore, #tpu.memory_space<semaphore_mem>>)
      %dma_wait3A_243 = arith.constant 0 : i32
      %dma_wait3A_244 = arith.constant 0 : i32
      %dma_wait3A_245 = tpu.memref_slice %arg8[%run_scoped3A_124, %dma_wait3A_243, %dma_wait3A_244] : memref<4x128x64xf32, #tpu.memory_space<vmem>> -> memref<1x128x64xf32, #tpu.memory_space<vmem>>
      %dma_wait3A_246 = tpu.memref_squeeze %dma_wait3A_245 : memref<1x128x64xf32, #tpu.memory_space<vmem>> -> memref<128x64xf32, #tpu.memory_space<vmem>>
      %dma_wait3A_247 = arith.constant 0 : i32
      %dma_wait3A_248 = tpu.memref_slice %arg9[%add3A_123, %dma_wait3A_247] : memref<10240x64xf32, #tpu.memory_space<vmem_shared>> -> memref<128x64xf32, #tpu.memory_space<vmem_shared>>
      %dma_wait3A_249 = arith.constant 0 : i32
      %dma_wait3A_250 = tpu.memref_slice %arg9[%add3A_123, %dma_wait3A_249] : memref<10240x64xf32, #tpu.memory_space<vmem_shared>> -> memref<128x64xf32, #tpu.memory_space<vmem_shared>>
      %dma_wait3A_251 = arith.constant 0 : i32
      %dma_wait3A_252 = arith.constant 0 : i32
      %dma_wait3A_253 = tpu.memref_slice %arg8[%run_scoped3A_124, %dma_wait3A_251, %dma_wait3A_252] : memref<4x128x64xf32, #tpu.memory_space<vmem>> -> memref<1x128x64xf32, #tpu.memory_space<vmem>>
      %dma_wait3A_254 = tpu.memref_squeeze %dma_wait3A_253 : memref<1x128x64xf32, #tpu.memory_space<vmem>> -> memref<128x64xf32, #tpu.memory_space<vmem>>
      tpu.wait_dma2 semaphore(%run_scoped3A_230 : memref<!tpu.dma_semaphore, #tpu.memory_space<semaphore_mem>>) src(%dma_wait3A_254 : memref<128x64xf32, #tpu.memory_space<vmem>>) dst(%dma_wait3A_250 : memref<128x64xf32, #tpu.memory_space<vmem_shared>>)
      tpu.yield
    }) : () -> ()
    %mul3A_125 = arith.constant 640 : i32
    %mul3A_126 = arith.muli %arg1, %mul3A_125 : i32
    %add3A_127 = arith.constant 128 : i32
    %add3A_128 = arith.addi %mul3A_126, %add3A_127 : i32
    %run_scoped3A_129 = arith.constant 0 : i32
    "tpu.region"() ({
      %run_scoped3A_230 = tpu.sem_alloc : memref<!tpu.dma_semaphore, #tpu.memory_space<semaphore_mem>>
      %dma_start3A_231 = arith.constant 0 : i32
      %dma_start3A_232 = arith.constant 0 : i32
      %dma_start3A_233 = tpu.memref_slice %arg8[%run_scoped3A_129, %dma_start3A_231, %dma_start3A_232] : memref<4x128x64xf32, #tpu.memory_space<vmem>> -> memref<1x128x64xf32, #tpu.memory_space<vmem>>
      %dma_start3A_234 = tpu.memref_squeeze %dma_start3A_233 : memref<1x128x64xf32, #tpu.memory_space<vmem>> -> memref<128x64xf32, #tpu.memory_space<vmem>>
      %dma_start3A_235 = arith.constant 0 : i32
      %dma_start3A_236 = tpu.memref_slice %arg9[%add3A_128, %dma_start3A_235] : memref<10240x64xf32, #tpu.memory_space<vmem_shared>> -> memref<128x64xf32, #tpu.memory_space<vmem_shared>>
      %dma_start3A_237 = arith.constant 0 : i32
      %dma_start3A_238 = tpu.memref_slice %arg9[%add3A_128, %dma_start3A_237] : memref<10240x64xf32, #tpu.memory_space<vmem_shared>> -> memref<128x64xf32, #tpu.memory_space<vmem_shared>>
      %dma_start3A_239 = arith.constant 0 : i32
      %dma_start3A_240 = arith.constant 0 : i32
      %dma_start3A_241 = tpu.memref_slice %arg8[%run_scoped3A_129, %dma_start3A_239, %dma_start3A_240] : memref<4x128x64xf32, #tpu.memory_space<vmem>> -> memref<1x128x64xf32, #tpu.memory_space<vmem>>
      %dma_start3A_242 = tpu.memref_squeeze %dma_start3A_241 : memref<1x128x64xf32, #tpu.memory_space<vmem>> -> memref<128x64xf32, #tpu.memory_space<vmem>>
      tpu.enqueue_dma source(%dma_start3A_242 : memref<128x64xf32, #tpu.memory_space<vmem>>) target(%dma_start3A_238 : memref<128x64xf32, #tpu.memory_space<vmem_shared>>) target_semaphore(%run_scoped3A_230 : memref<!tpu.dma_semaphore, #tpu.memory_space<semaphore_mem>>)
      %dma_wait3A_243 = arith.constant 0 : i32
      %dma_wait3A_244 = arith.constant 0 : i32
      %dma_wait3A_245 = tpu.memref_slice %arg8[%run_scoped3A_129, %dma_wait3A_243, %dma_wait3A_244] : memref<4x128x64xf32, #tpu.memory_space<vmem>> -> memref<1x128x64xf32, #tpu.memory_space<vmem>>
      %dma_wait3A_246 = tpu.memref_squeeze %dma_wait3A_245 : memref<1x128x64xf32, #tpu.memory_space<vmem>> -> memref<128x64xf32, #tpu.memory_space<vmem>>
      %dma_wait3A_247 = arith.constant 0 : i32
      %dma_wait3A_248 = tpu.memref_slice %arg9[%add3A_128, %dma_wait3A_247] : memref<10240x64xf32, #tpu.memory_space<vmem_shared>> -> memref<128x64xf32, #tpu.memory_space<vmem_shared>>
      %dma_wait3A_249 = arith.constant 0 : i32
      %dma_wait3A_250 = tpu.memref_slice %arg9[%add3A_128, %dma_wait3A_249] : memref<10240x64xf32, #tpu.memory_space<vmem_shared>> -> memref<128x64xf32, #tpu.memory_space<vmem_shared>>
      %dma_wait3A_251 = arith.constant 0 : i32
      %dma_wait3A_252 = arith.constant 0 : i32
      %dma_wait3A_253 = tpu.memref_slice %arg8[%run_scoped3A_129, %dma_wait3A_251, %dma_wait3A_252] : memref<4x128x64xf32, #tpu.memory_space<vmem>> -> memref<1x128x64xf32, #tpu.memory_space<vmem>>
      %dma_wait3A_254 = tpu.memref_squeeze %dma_wait3A_253 : memref<1x128x64xf32, #tpu.memory_space<vmem>> -> memref<128x64xf32, #tpu.memory_space<vmem>>
      tpu.wait_dma2 semaphore(%run_scoped3A_230 : memref<!tpu.dma_semaphore, #tpu.memory_space<semaphore_mem>>) src(%dma_wait3A_254 : memref<128x64xf32, #tpu.memory_space<vmem>>) dst(%dma_wait3A_250 : memref<128x64xf32, #tpu.memory_space<vmem_shared>>)
      tpu.yield
    }) : () -> ()
    %mul3A_130 = arith.constant 640 : i32
    %mul3A_131 = arith.muli %arg1, %mul3A_130 : i32
    %add3A_132 = arith.constant 256 : i32
    %add3A_133 = arith.addi %mul3A_131, %add3A_132 : i32
    %run_scoped3A_134 = arith.constant 0 : i32
    "tpu.region"() ({
      %run_scoped3A_230 = tpu.sem_alloc : memref<!tpu.dma_semaphore, #tpu.memory_space<semaphore_mem>>
      %dma_start3A_231 = arith.constant 0 : i32
      %dma_start3A_232 = arith.constant 0 : i32
      %dma_start3A_233 = tpu.memref_slice %arg8[%run_scoped3A_134, %dma_start3A_231, %dma_start3A_232] : memref<4x128x64xf32, #tpu.memory_space<vmem>> -> memref<1x128x64xf32, #tpu.memory_space<vmem>>
      %dma_start3A_234 = tpu.memref_squeeze %dma_start3A_233 : memref<1x128x64xf32, #tpu.memory_space<vmem>> -> memref<128x64xf32, #tpu.memory_space<vmem>>
      %dma_start3A_235 = arith.constant 0 : i32
      %dma_start3A_236 = tpu.memref_slice %arg9[%add3A_133, %dma_start3A_235] : memref<10240x64xf32, #tpu.memory_space<vmem_shared>> -> memref<128x64xf32, #tpu.memory_space<vmem_shared>>
      %dma_start3A_237 = arith.constant 0 : i32
      %dma_start3A_238 = tpu.memref_slice %arg9[%add3A_133, %dma_start3A_237] : memref<10240x64xf32, #tpu.memory_space<vmem_shared>> -> memref<128x64xf32, #tpu.memory_space<vmem_shared>>
      %dma_start3A_239 = arith.constant 0 : i32
      %dma_start3A_240 = arith.constant 0 : i32
      %dma_start3A_241 = tpu.memref_slice %arg8[%run_scoped3A_134, %dma_start3A_239, %dma_start3A_240] : memref<4x128x64xf32, #tpu.memory_space<vmem>> -> memref<1x128x64xf32, #tpu.memory_space<vmem>>
      %dma_start3A_242 = tpu.memref_squeeze %dma_start3A_241 : memref<1x128x64xf32, #tpu.memory_space<vmem>> -> memref<128x64xf32, #tpu.memory_space<vmem>>
      tpu.enqueue_dma source(%dma_start3A_242 : memref<128x64xf32, #tpu.memory_space<vmem>>) target(%dma_start3A_238 : memref<128x64xf32, #tpu.memory_space<vmem_shared>>) target_semaphore(%run_scoped3A_230 : memref<!tpu.dma_semaphore, #tpu.memory_space<semaphore_mem>>)
      %dma_wait3A_243 = arith.constant 0 : i32
      %dma_wait3A_244 = arith.constant 0 : i32
      %dma_wait3A_245 = tpu.memref_slice %arg8[%run_scoped3A_134, %dma_wait3A_243, %dma_wait3A_244] : memref<4x128x64xf32, #tpu.memory_space<vmem>> -> memref<1x128x64xf32, #tpu.memory_space<vmem>>
      %dma_wait3A_246 = tpu.memref_squeeze %dma_wait3A_245 : memref<1x128x64xf32, #tpu.memory_space<vmem>> -> memref<128x64xf32, #tpu.memory_space<vmem>>
      %dma_wait3A_247 = arith.constant 0 : i32
      %dma_wait3A_248 = tpu.memref_slice %arg9[%add3A_133, %dma_wait3A_247] : memref<10240x64xf32, #tpu.memory_space<vmem_shared>> -> memref<128x64xf32, #tpu.memory_space<vmem_shared>>
      %dma_wait3A_249 = arith.constant 0 : i32
      %dma_wait3A_250 = tpu.memref_slice %arg9[%add3A_133, %dma_wait3A_249] : memref<10240x64xf32, #tpu.memory_space<vmem_shared>> -> memref<128x64xf32, #tpu.memory_space<vmem_shared>>
      %dma_wait3A_251 = arith.constant 0 : i32
      %dma_wait3A_252 = arith.constant 0 : i32
      %dma_wait3A_253 = tpu.memref_slice %arg8[%run_scoped3A_134, %dma_wait3A_251, %dma_wait3A_252] : memref<4x128x64xf32, #tpu.memory_space<vmem>> -> memref<1x128x64xf32, #tpu.memory_space<vmem>>
      %dma_wait3A_254 = tpu.memref_squeeze %dma_wait3A_253 : memref<1x128x64xf32, #tpu.memory_space<vmem>> -> memref<128x64xf32, #tpu.memory_space<vmem>>
      tpu.wait_dma2 semaphore(%run_scoped3A_230 : memref<!tpu.dma_semaphore, #tpu.memory_space<semaphore_mem>>) src(%dma_wait3A_254 : memref<128x64xf32, #tpu.memory_space<vmem>>) dst(%dma_wait3A_250 : memref<128x64xf32, #tpu.memory_space<vmem_shared>>)
      tpu.yield
    }) : () -> ()
    %mul3A_135 = arith.constant 640 : i32
    %mul3A_136 = arith.muli %arg1, %mul3A_135 : i32
    %add3A_137 = arith.constant 384 : i32
    %add3A_138 = arith.addi %mul3A_136, %add3A_137 : i32
    %run_scoped3A_139 = arith.constant 0 : i32
    "tpu.region"() ({
      %run_scoped3A_230 = tpu.sem_alloc : memref<!tpu.dma_semaphore, #tpu.memory_space<semaphore_mem>>
      %dma_start3A_231 = arith.constant 0 : i32
      %dma_start3A_232 = arith.constant 0 : i32
      %dma_start3A_233 = tpu.memref_slice %arg8[%run_scoped3A_139, %dma_start3A_231, %dma_start3A_232] : memref<4x128x64xf32, #tpu.memory_space<vmem>> -> memref<1x128x64xf32, #tpu.memory_space<vmem>>
      %dma_start3A_234 = tpu.memref_squeeze %dma_start3A_233 : memref<1x128x64xf32, #tpu.memory_space<vmem>> -> memref<128x64xf32, #tpu.memory_space<vmem>>
      %dma_start3A_235 = arith.constant 0 : i32
      %dma_start3A_236 = tpu.memref_slice %arg9[%add3A_138, %dma_start3A_235] : memref<10240x64xf32, #tpu.memory_space<vmem_shared>> -> memref<128x64xf32, #tpu.memory_space<vmem_shared>>
      %dma_start3A_237 = arith.constant 0 : i32
      %dma_start3A_238 = tpu.memref_slice %arg9[%add3A_138, %dma_start3A_237] : memref<10240x64xf32, #tpu.memory_space<vmem_shared>> -> memref<128x64xf32, #tpu.memory_space<vmem_shared>>
      %dma_start3A_239 = arith.constant 0 : i32
      %dma_start3A_240 = arith.constant 0 : i32
      %dma_start3A_241 = tpu.memref_slice %arg8[%run_scoped3A_139, %dma_start3A_239, %dma_start3A_240] : memref<4x128x64xf32, #tpu.memory_space<vmem>> -> memref<1x128x64xf32, #tpu.memory_space<vmem>>
      %dma_start3A_242 = tpu.memref_squeeze %dma_start3A_241 : memref<1x128x64xf32, #tpu.memory_space<vmem>> -> memref<128x64xf32, #tpu.memory_space<vmem>>
      tpu.enqueue_dma source(%dma_start3A_242 : memref<128x64xf32, #tpu.memory_space<vmem>>) target(%dma_start3A_238 : memref<128x64xf32, #tpu.memory_space<vmem_shared>>) target_semaphore(%run_scoped3A_230 : memref<!tpu.dma_semaphore, #tpu.memory_space<semaphore_mem>>)
      %dma_wait3A_243 = arith.constant 0 : i32
      %dma_wait3A_244 = arith.constant 0 : i32
      %dma_wait3A_245 = tpu.memref_slice %arg8[%run_scoped3A_139, %dma_wait3A_243, %dma_wait3A_244] : memref<4x128x64xf32, #tpu.memory_space<vmem>> -> memref<1x128x64xf32, #tpu.memory_space<vmem>>
      %dma_wait3A_246 = tpu.memref_squeeze %dma_wait3A_245 : memref<1x128x64xf32, #tpu.memory_space<vmem>> -> memref<128x64xf32, #tpu.memory_space<vmem>>
      %dma_wait3A_247 = arith.constant 0 : i32
      %dma_wait3A_248 = tpu.memref_slice %arg9[%add3A_138, %dma_wait3A_247] : memref<10240x64xf32, #tpu.memory_space<vmem_shared>> -> memref<128x64xf32, #tpu.memory_space<vmem_shared>>
      %dma_wait3A_249 = arith.constant 0 : i32
      %dma_wait3A_250 = tpu.memref_slice %arg9[%add3A_138, %dma_wait3A_249] : memref<10240x64xf32, #tpu.memory_space<vmem_shared>> -> memref<128x64xf32, #tpu.memory_space<vmem_shared>>
      %dma_wait3A_251 = arith.constant 0 : i32
      %dma_wait3A_252 = arith.constant 0 : i32
      %dma_wait3A_253 = tpu.memref_slice %arg8[%run_scoped3A_139, %dma_wait3A_251, %dma_wait3A_252] : memref<4x128x64xf32, #tpu.memory_space<vmem>> -> memref<1x128x64xf32, #tpu.memory_space<vmem>>
      %dma_wait3A_254 = tpu.memref_squeeze %dma_wait3A_253 : memref<1x128x64xf32, #tpu.memory_space<vmem>> -> memref<128x64xf32, #tpu.memory_space<vmem>>
      tpu.wait_dma2 semaphore(%run_scoped3A_230 : memref<!tpu.dma_semaphore, #tpu.memory_space<semaphore_mem>>) src(%dma_wait3A_254 : memref<128x64xf32, #tpu.memory_space<vmem>>) dst(%dma_wait3A_250 : memref<128x64xf32, #tpu.memory_space<vmem_shared>>)
      tpu.yield
    }) : () -> ()
    %mul3A_140 = arith.constant 640 : i32
    %mul3A_141 = arith.muli %arg1, %mul3A_140 : i32
    %add3A_142 = arith.constant 512 : i32
    %add3A_143 = arith.addi %mul3A_141, %add3A_142 : i32
    %run_scoped3A_144 = arith.constant 0 : i32
    "tpu.region"() ({
      %run_scoped3A_230 = tpu.sem_alloc : memref<!tpu.dma_semaphore, #tpu.memory_space<semaphore_mem>>
      %dma_start3A_231 = arith.constant 0 : i32
      %dma_start3A_232 = arith.constant 0 : i32
      %dma_start3A_233 = tpu.memref_slice %arg8[%run_scoped3A_144, %dma_start3A_231, %dma_start3A_232] : memref<4x128x64xf32, #tpu.memory_space<vmem>> -> memref<1x128x64xf32, #tpu.memory_space<vmem>>
      %dma_start3A_234 = tpu.memref_squeeze %dma_start3A_233 : memref<1x128x64xf32, #tpu.memory_space<vmem>> -> memref<128x64xf32, #tpu.memory_space<vmem>>
      %dma_start3A_235 = arith.constant 0 : i32
      %dma_start3A_236 = tpu.memref_slice %arg9[%add3A_143, %dma_start3A_235] : memref<10240x64xf32, #tpu.memory_space<vmem_shared>> -> memref<128x64xf32, #tpu.memory_space<vmem_shared>>
      %dma_start3A_237 = arith.constant 0 : i32
      %dma_start3A_238 = tpu.memref_slice %arg9[%add3A_143, %dma_start3A_237] : memref<10240x64xf32, #tpu.memory_space<vmem_shared>> -> memref<128x64xf32, #tpu.memory_space<vmem_shared>>
      %dma_start3A_239 = arith.constant 0 : i32
      %dma_start3A_240 = arith.constant 0 : i32
      %dma_start3A_241 = tpu.memref_slice %arg8[%run_scoped3A_144, %dma_start3A_239, %dma_start3A_240] : memref<4x128x64xf32, #tpu.memory_space<vmem>> -> memref<1x128x64xf32, #tpu.memory_space<vmem>>
      %dma_start3A_242 = tpu.memref_squeeze %dma_start3A_241 : memref<1x128x64xf32, #tpu.memory_space<vmem>> -> memref<128x64xf32, #tpu.memory_space<vmem>>
      tpu.enqueue_dma source(%dma_start3A_242 : memref<128x64xf32, #tpu.memory_space<vmem>>) target(%dma_start3A_238 : memref<128x64xf32, #tpu.memory_space<vmem_shared>>) target_semaphore(%run_scoped3A_230 : memref<!tpu.dma_semaphore, #tpu.memory_space<semaphore_mem>>)
      %dma_wait3A_243 = arith.constant 0 : i32
      %dma_wait3A_244 = arith.constant 0 : i32
      %dma_wait3A_245 = tpu.memref_slice %arg8[%run_scoped3A_144, %dma_wait3A_243, %dma_wait3A_244] : memref<4x128x64xf32, #tpu.memory_space<vmem>> -> memref<1x128x64xf32, #tpu.memory_space<vmem>>
      %dma_wait3A_246 = tpu.memref_squeeze %dma_wait3A_245 : memref<1x128x64xf32, #tpu.memory_space<vmem>> -> memref<128x64xf32, #tpu.memory_space<vmem>>
      %dma_wait3A_247 = arith.constant 0 : i32
      %dma_wait3A_248 = tpu.memref_slice %arg9[%add3A_143, %dma_wait3A_247] : memref<10240x64xf32, #tpu.memory_space<vmem_shared>> -> memref<128x64xf32, #tpu.memory_space<vmem_shared>>
      %dma_wait3A_249 = arith.constant 0 : i32
      %dma_wait3A_250 = tpu.memref_slice %arg9[%add3A_143, %dma_wait3A_249] : memref<10240x64xf32, #tpu.memory_space<vmem_shared>> -> memref<128x64xf32, #tpu.memory_space<vmem_shared>>
      %dma_wait3A_251 = arith.constant 0 : i32
      %dma_wait3A_252 = arith.constant 0 : i32
      %dma_wait3A_253 = tpu.memref_slice %arg8[%run_scoped3A_144, %dma_wait3A_251, %dma_wait3A_252] : memref<4x128x64xf32, #tpu.memory_space<vmem>> -> memref<1x128x64xf32, #tpu.memory_space<vmem>>
      %dma_wait3A_254 = tpu.memref_squeeze %dma_wait3A_253 : memref<1x128x64xf32, #tpu.memory_space<vmem>> -> memref<128x64xf32, #tpu.memory_space<vmem>>
      tpu.wait_dma2 semaphore(%run_scoped3A_230 : memref<!tpu.dma_semaphore, #tpu.memory_space<semaphore_mem>>) src(%dma_wait3A_254 : memref<128x64xf32, #tpu.memory_space<vmem>>) dst(%dma_wait3A_250 : memref<128x64xf32, #tpu.memory_space<vmem_shared>>)
      tpu.yield
    }) : () -> ()
    %barrier3A_145 = arith.constant 0 : index
    tpu.barrier barrier_id(%barrier3A_145)
    %dma_start3A_146 = arith.constant 0 : i32
    %dma_start3A_147 = arith.constant 0 : i32
    %dma_start3A_148 = arith.constant 0 : i32
    %dma_start3A_149 = arith.constant 0 : i32
    %dma_start3A_150 = arith.constant 0 : i32
    %dma_start3A_151 = tpu.memref_slice %arg8[%dma_start3A_148, %dma_start3A_149, %dma_start3A_150] : memref<4x128x64xf32, #tpu.memory_space<vmem>> -> memref<1x128x64xf32, #tpu.memory_space<vmem>>
    %dma_start3A_152 = tpu.memref_squeeze %dma_start3A_151 : memref<1x128x64xf32, #tpu.memory_space<vmem>> -> memref<128x64xf32, #tpu.memory_space<vmem>>
    %dma_start3A_153 = arith.constant 0 : i32
    %dma_start3A_154 = tpu.memref_slice %arg7[%dma_start3A_146, %dma_start3A_147, %dma_start3A_153] : memref<80x2x128xi32, #tpu.memory_space<vmem>> -> memref<1x1x128xi32, #tpu.memory_space<vmem>>
    %dma_start3A_155 = tpu.memref_squeeze %dma_start3A_154 : memref<1x1x128xi32, #tpu.memory_space<vmem>> -> memref<128xi32, #tpu.memory_space<vmem>>
    %dma_start3A_156 = arith.constant 0 : i32
    %dma_start3A_157 = arith.constant 0 : i32
    %dma_start3A_158 = tpu.memref_slice %arg3[%dma_start3A_156, %dma_start3A_157] : memref<10240x64xf32, #tpu.memory_space<hbm>> -> memref<10240x64xf32, #tpu.memory_space<hbm>>
    tpu.enqueue_indirect_dma source(%dma_start3A_158 : memref<10240x64xf32, #tpu.memory_space<hbm>>) target(%dma_start3A_152 : memref<128x64xf32, #tpu.memory_space<vmem>>) offsets(%dma_start3A_155 : memref<128xi32, #tpu.memory_space<vmem>>) semaphore(%arg10 : memref<!tpu.dma_semaphore, #tpu.memory_space<semaphore_mem>>)
    %scan3A_159 = arith.constant 0 : i32
    %scan3A_160 = arith.constant 0 : i32
    %scan3A_161 = arith.constant 20 : i32
    %scan3A_162 = arith.addi %scan3A_160, %scan3A_161 : i32
    %scan3A_163 = arith.constant 1 : i32
    scf.for %scan3A_230 = %scan3A_160 to %scan3A_162 step %scan3A_163  : i32 {
      %mul3A_231 = arith.constant 4 : i32
      %mul3A_232 = arith.muli %scan3A_230, %mul3A_231 : i32
      %add3A_233 = arith.constant 0 : i32
      %add3A_234 = arith.addi %mul3A_232, %add3A_233 : i32
      %ge3A = arith.constant 1 : i32
      %ge3A_235 = arith.cmpi sge, %scan3A_230, %ge3A : i32
      %convert_element_type3A = arith.extui %ge3A_235 : i1 to i32
      %cond3A = arith.constant 0 : i32
      %cond3A_236 = arith.cmpi ne, %convert_element_type3A, %cond3A : i32
      scf.if %cond3A_236 {
        %dma_wait3A_413 = arith.constant 0 : i32
        %dma_wait3A_414 = arith.constant 0 : i32
        %dma_wait3A_415 = arith.constant 0 : i32
        %dma_wait3A_416 = tpu.memref_slice %arg8[%dma_wait3A_413, %dma_wait3A_414, %dma_wait3A_415] : memref<4x128x64xf32, #tpu.memory_space<vmem>> -> memref<1x128x64xf32, #tpu.memory_space<vmem>>
        %dma_wait3A_417 = tpu.memref_squeeze %dma_wait3A_416 : memref<1x128x64xf32, #tpu.memory_space<vmem>> -> memref<128x64xf32, #tpu.memory_space<vmem>>
        %dma_wait3A_418 = arith.constant 0 : i32
        %dma_wait3A_419 = arith.constant 0 : i32
        %dma_wait3A_420 = tpu.memref_slice %arg2[%dma_wait3A_418, %dma_wait3A_419] : memref<10240x64xf32, #tpu.memory_space<hbm>> -> memref<128x64xf32, #tpu.memory_space<hbm>>
        %dma_wait3A_421 = arith.constant 0 : i32
        %dma_wait3A_422 = arith.constant 0 : i32
        %dma_wait3A_423 = tpu.memref_slice %arg8[%dma_wait3A_413, %dma_wait3A_421, %dma_wait3A_422] : memref<4x128x64xf32, #tpu.memory_space<vmem>> -> memref<1x128x64xf32, #tpu.memory_space<vmem>>
        %dma_wait3A_424 = tpu.memref_squeeze %dma_wait3A_423 : memref<1x128x64xf32, #tpu.memory_space<vmem>> -> memref<128x64xf32, #tpu.memory_space<vmem>>
        %dma_wait3A_425 = arith.constant 0 : i32
        %dma_wait3A_426 = arith.constant 0 : i32
        %dma_wait3A_427 = tpu.memref_slice %arg2[%dma_wait3A_425, %dma_wait3A_426] : memref<10240x64xf32, #tpu.memory_space<hbm>> -> memref<128x64xf32, #tpu.memory_space<hbm>>
        tpu.wait_dma2 semaphore(%arg15 : memref<!tpu.dma_semaphore, #tpu.memory_space<semaphore_mem>>) src(%dma_wait3A_427 : memref<128x64xf32, #tpu.memory_space<hbm>>) dst(%dma_wait3A_424 : memref<128x64xf32, #tpu.memory_space<vmem>>)
      } else {
      }
      %add3A_237 = arith.constant 1 : i32
      %add3A_238 = arith.addi %add3A_234, %add3A_237 : i32
      %dma_start3A_239 = arith.constant 0 : i32
      %dma_start3A_240 = arith.constant 1 : i32
      %dma_start3A_241 = arith.constant 0 : i32
      %dma_start3A_242 = arith.constant 0 : i32
      %dma_start3A_243 = tpu.memref_slice %arg8[%dma_start3A_240, %dma_start3A_241, %dma_start3A_242] : memref<4x128x64xf32, #tpu.memory_space<vmem>> -> memref<1x128x64xf32, #tpu.memory_space<vmem>>
      %dma_start3A_244 = tpu.memref_squeeze %dma_start3A_243 : memref<1x128x64xf32, #tpu.memory_space<vmem>> -> memref<128x64xf32, #tpu.memory_space<vmem>>
      %dma_start3A_245 = arith.constant 0 : i32
      %dma_start3A_246 = tpu.memref_slice %arg7[%add3A_238, %dma_start3A_239, %dma_start3A_245] : memref<80x2x128xi32, #tpu.memory_space<vmem>> -> memref<1x1x128xi32, #tpu.memory_space<vmem>>
      %dma_start3A_247 = tpu.memref_squeeze %dma_start3A_246 : memref<1x1x128xi32, #tpu.memory_space<vmem>> -> memref<128xi32, #tpu.memory_space<vmem>>
      %dma_start3A_248 = arith.constant 0 : i32
      %dma_start3A_249 = arith.constant 0 : i32
      %dma_start3A_250 = tpu.memref_slice %arg3[%dma_start3A_248, %dma_start3A_249] : memref<10240x64xf32, #tpu.memory_space<hbm>> -> memref<10240x64xf32, #tpu.memory_space<hbm>>
      tpu.enqueue_indirect_dma source(%dma_start3A_250 : memref<10240x64xf32, #tpu.memory_space<hbm>>) target(%dma_start3A_244 : memref<128x64xf32, #tpu.memory_space<vmem>>) offsets(%dma_start3A_247 : memref<128xi32, #tpu.memory_space<vmem>>) semaphore(%arg11 : memref<!tpu.dma_semaphore, #tpu.memory_space<semaphore_mem>>)
      %dma_wait3A_251 = arith.constant 0 : i32
      %dma_wait3A_252 = arith.constant 0 : i32
      %dma_wait3A_253 = arith.constant 0 : i32
      %dma_wait3A_254 = tpu.memref_slice %arg8[%dma_wait3A_251, %dma_wait3A_252, %dma_wait3A_253] : memref<4x128x64xf32, #tpu.memory_space<vmem>> -> memref<1x128x64xf32, #tpu.memory_space<vmem>>
      %dma_wait3A_255 = tpu.memref_squeeze %dma_wait3A_254 : memref<1x128x64xf32, #tpu.memory_space<vmem>> -> memref<128x64xf32, #tpu.memory_space<vmem>>
      %dma_wait3A_256 = arith.constant 0 : i32
      %dma_wait3A_257 = arith.constant 0 : i32
      %dma_wait3A_258 = tpu.memref_slice %arg2[%dma_wait3A_256, %dma_wait3A_257] : memref<10240x64xf32, #tpu.memory_space<hbm>> -> memref<128x64xf32, #tpu.memory_space<hbm>>
      %dma_wait3A_259 = arith.constant 0 : i32
      %dma_wait3A_260 = arith.constant 0 : i32
      %dma_wait3A_261 = tpu.memref_slice %arg8[%dma_wait3A_251, %dma_wait3A_259, %dma_wait3A_260] : memref<4x128x64xf32, #tpu.memory_space<vmem>> -> memref<1x128x64xf32, #tpu.memory_space<vmem>>
      %dma_wait3A_262 = tpu.memref_squeeze %dma_wait3A_261 : memref<1x128x64xf32, #tpu.memory_space<vmem>> -> memref<128x64xf32, #tpu.memory_space<vmem>>
      %dma_wait3A_263 = arith.constant 0 : i32
      %dma_wait3A_264 = arith.constant 0 : i32
      %dma_wait3A_265 = tpu.memref_slice %arg2[%dma_wait3A_263, %dma_wait3A_264] : memref<10240x64xf32, #tpu.memory_space<hbm>> -> memref<128x64xf32, #tpu.memory_space<hbm>>
      tpu.wait_dma2 semaphore(%arg10 : memref<!tpu.dma_semaphore, #tpu.memory_space<semaphore_mem>>) src(%dma_wait3A_265 : memref<128x64xf32, #tpu.memory_space<hbm>>) dst(%dma_wait3A_262 : memref<128x64xf32, #tpu.memory_space<vmem>>)
      %dma_start3A_266 = arith.constant 0 : i32
      %dma_start3A_267 = arith.constant 1 : i32
      %dma_start3A_268 = arith.constant 0 : i32
      %dma_start3A_269 = arith.constant 0 : i32
      %dma_start3A_270 = tpu.memref_slice %arg8[%dma_start3A_266, %dma_start3A_268, %dma_start3A_269] : memref<4x128x64xf32, #tpu.memory_space<vmem>> -> memref<1x128x64xf32, #tpu.memory_space<vmem>>
      %dma_start3A_271 = tpu.memref_squeeze %dma_start3A_270 : memref<1x128x64xf32, #tpu.memory_space<vmem>> -> memref<128x64xf32, #tpu.memory_space<vmem>>
      %dma_start3A_272 = arith.constant 0 : i32
      %dma_start3A_273 = tpu.memref_slice %arg7[%add3A_234, %dma_start3A_267, %dma_start3A_272] : memref<80x2x128xi32, #tpu.memory_space<vmem>> -> memref<1x1x128xi32, #tpu.memory_space<vmem>>
      %dma_start3A_274 = tpu.memref_squeeze %dma_start3A_273 : memref<1x1x128xi32, #tpu.memory_space<vmem>> -> memref<128xi32, #tpu.memory_space<vmem>>
      %dma_start3A_275 = arith.constant 0 : i32
      %dma_start3A_276 = arith.constant 0 : i32
      %dma_start3A_277 = tpu.memref_slice %arg9[%dma_start3A_275, %dma_start3A_276] : memref<10240x64xf32, #tpu.memory_space<vmem_shared>> -> memref<10240x64xf32, #tpu.memory_space<vmem_shared>>
      tpu.enqueue_indirect_dma source(%dma_start3A_271 : memref<128x64xf32, #tpu.memory_space<vmem>>) target(%dma_start3A_277 : memref<10240x64xf32, #tpu.memory_space<vmem_shared>>) offsets(%dma_start3A_274 : memref<128xi32, #tpu.memory_space<vmem>>) semaphore(%arg14 : memref<!tpu.dma_semaphore, #tpu.memory_space<semaphore_mem>>) {add = true}
      %mul3A_278 = arith.constant 4 : i32
      %mul3A_279 = arith.muli %scan3A_230, %mul3A_278 : i32
      %add3A_280 = arith.constant 1 : i32
      %add3A_281 = arith.addi %mul3A_279, %add3A_280 : i32
      %ge3A_282 = arith.constant 1 : i32
      %ge3A_283 = arith.cmpi sge, %scan3A_230, %ge3A_282 : i32
      %convert_element_type3A_284 = arith.extui %ge3A_283 : i1 to i32
      %cond3A_285 = arith.constant 0 : i32
      %cond3A_286 = arith.cmpi ne, %convert_element_type3A_284, %cond3A_285 : i32
      scf.if %cond3A_286 {
        %dma_wait3A_413 = arith.constant 0 : i32
        %dma_wait3A_414 = arith.constant 0 : i32
        %dma_wait3A_415 = arith.constant 0 : i32
        %dma_wait3A_416 = tpu.memref_slice %arg8[%dma_wait3A_413, %dma_wait3A_414, %dma_wait3A_415] : memref<4x128x64xf32, #tpu.memory_space<vmem>> -> memref<1x128x64xf32, #tpu.memory_space<vmem>>
        %dma_wait3A_417 = tpu.memref_squeeze %dma_wait3A_416 : memref<1x128x64xf32, #tpu.memory_space<vmem>> -> memref<128x64xf32, #tpu.memory_space<vmem>>
        %dma_wait3A_418 = arith.constant 0 : i32
        %dma_wait3A_419 = arith.constant 0 : i32
        %dma_wait3A_420 = tpu.memref_slice %arg2[%dma_wait3A_418, %dma_wait3A_419] : memref<10240x64xf32, #tpu.memory_space<hbm>> -> memref<128x64xf32, #tpu.memory_space<hbm>>
        %dma_wait3A_421 = arith.constant 0 : i32
        %dma_wait3A_422 = arith.constant 0 : i32
        %dma_wait3A_423 = tpu.memref_slice %arg8[%dma_wait3A_413, %dma_wait3A_421, %dma_wait3A_422] : memref<4x128x64xf32, #tpu.memory_space<vmem>> -> memref<1x128x64xf32, #tpu.memory_space<vmem>>
        %dma_wait3A_424 = tpu.memref_squeeze %dma_wait3A_423 : memref<1x128x64xf32, #tpu.memory_space<vmem>> -> memref<128x64xf32, #tpu.memory_space<vmem>>
        %dma_wait3A_425 = arith.constant 0 : i32
        %dma_wait3A_426 = arith.constant 0 : i32
        %dma_wait3A_427 = tpu.memref_slice %arg2[%dma_wait3A_425, %dma_wait3A_426] : memref<10240x64xf32, #tpu.memory_space<hbm>> -> memref<128x64xf32, #tpu.memory_space<hbm>>
        tpu.wait_dma2 semaphore(%arg16 : memref<!tpu.dma_semaphore, #tpu.memory_space<semaphore_mem>>) src(%dma_wait3A_427 : memref<128x64xf32, #tpu.memory_space<hbm>>) dst(%dma_wait3A_424 : memref<128x64xf32, #tpu.memory_space<vmem>>)
      } else {
      }
      %add3A_287 = arith.constant 1 : i32
      %add3A_288 = arith.addi %add3A_281, %add3A_287 : i32
      %dma_start3A_289 = arith.constant 0 : i32
      %dma_start3A_290 = arith.constant 2 : i32
      %dma_start3A_291 = arith.constant 0 : i32
      %dma_start3A_292 = arith.constant 0 : i32
      %dma_start3A_293 = tpu.memref_slice %arg8[%dma_start3A_290, %dma_start3A_291, %dma_start3A_292] : memref<4x128x64xf32, #tpu.memory_space<vmem>> -> memref<1x128x64xf32, #tpu.memory_space<vmem>>
      %dma_start3A_294 = tpu.memref_squeeze %dma_start3A_293 : memref<1x128x64xf32, #tpu.memory_space<vmem>> -> memref<128x64xf32, #tpu.memory_space<vmem>>
      %dma_start3A_295 = arith.constant 0 : i32
      %dma_start3A_296 = tpu.memref_slice %arg7[%add3A_288, %dma_start3A_289, %dma_start3A_295] : memref<80x2x128xi32, #tpu.memory_space<vmem>> -> memref<1x1x128xi32, #tpu.memory_space<vmem>>
      %dma_start3A_297 = tpu.memref_squeeze %dma_start3A_296 : memref<1x1x128xi32, #tpu.memory_space<vmem>> -> memref<128xi32, #tpu.memory_space<vmem>>
      %dma_start3A_298 = arith.constant 0 : i32
      %dma_start3A_299 = arith.constant 0 : i32
      %dma_start3A_300 = tpu.memref_slice %arg3[%dma_start3A_298, %dma_start3A_299] : memref<10240x64xf32, #tpu.memory_space<hbm>> -> memref<10240x64xf32, #tpu.memory_space<hbm>>
      tpu.enqueue_indirect_dma source(%dma_start3A_300 : memref<10240x64xf32, #tpu.memory_space<hbm>>) target(%dma_start3A_294 : memref<128x64xf32, #tpu.memory_space<vmem>>) offsets(%dma_start3A_297 : memref<128xi32, #tpu.memory_space<vmem>>) semaphore(%arg12 : memref<!tpu.dma_semaphore, #tpu.memory_space<semaphore_mem>>)
      %dma_wait3A_301 = arith.constant 0 : i32
      %dma_wait3A_302 = arith.constant 0 : i32
      %dma_wait3A_303 = arith.constant 0 : i32
      %dma_wait3A_304 = tpu.memref_slice %arg8[%dma_wait3A_301, %dma_wait3A_302, %dma_wait3A_303] : memref<4x128x64xf32, #tpu.memory_space<vmem>> -> memref<1x128x64xf32, #tpu.memory_space<vmem>>
      %dma_wait3A_305 = tpu.memref_squeeze %dma_wait3A_304 : memref<1x128x64xf32, #tpu.memory_space<vmem>> -> memref<128x64xf32, #tpu.memory_space<vmem>>
      %dma_wait3A_306 = arith.constant 0 : i32
      %dma_wait3A_307 = arith.constant 0 : i32
      %dma_wait3A_308 = tpu.memref_slice %arg2[%dma_wait3A_306, %dma_wait3A_307] : memref<10240x64xf32, #tpu.memory_space<hbm>> -> memref<128x64xf32, #tpu.memory_space<hbm>>
      %dma_wait3A_309 = arith.constant 0 : i32
      %dma_wait3A_310 = arith.constant 0 : i32
      %dma_wait3A_311 = tpu.memref_slice %arg8[%dma_wait3A_301, %dma_wait3A_309, %dma_wait3A_310] : memref<4x128x64xf32, #tpu.memory_space<vmem>> -> memref<1x128x64xf32, #tpu.memory_space<vmem>>
      %dma_wait3A_312 = tpu.memref_squeeze %dma_wait3A_311 : memref<1x128x64xf32, #tpu.memory_space<vmem>> -> memref<128x64xf32, #tpu.memory_space<vmem>>
      %dma_wait3A_313 = arith.constant 0 : i32
      %dma_wait3A_314 = arith.constant 0 : i32
      %dma_wait3A_315 = tpu.memref_slice %arg2[%dma_wait3A_313, %dma_wait3A_314] : memref<10240x64xf32, #tpu.memory_space<hbm>> -> memref<128x64xf32, #tpu.memory_space<hbm>>
      tpu.wait_dma2 semaphore(%arg11 : memref<!tpu.dma_semaphore, #tpu.memory_space<semaphore_mem>>) src(%dma_wait3A_315 : memref<128x64xf32, #tpu.memory_space<hbm>>) dst(%dma_wait3A_312 : memref<128x64xf32, #tpu.memory_space<vmem>>)
      %dma_start3A_316 = arith.constant 1 : i32
      %dma_start3A_317 = arith.constant 1 : i32
      %dma_start3A_318 = arith.constant 0 : i32
      %dma_start3A_319 = arith.constant 0 : i32
      %dma_start3A_320 = tpu.memref_slice %arg8[%dma_start3A_316, %dma_start3A_318, %dma_start3A_319] : memref<4x128x64xf32, #tpu.memory_space<vmem>> -> memref<1x128x64xf32, #tpu.memory_space<vmem>>
      %dma_start3A_321 = tpu.memref_squeeze %dma_start3A_320 : memref<1x128x64xf32, #tpu.memory_space<vmem>> -> memref<128x64xf32, #tpu.memory_space<vmem>>
      %dma_start3A_322 = arith.constant 0 : i32
      %dma_start3A_323 = tpu.memref_slice %arg7[%add3A_281, %dma_start3A_317, %dma_start3A_322] : memref<80x2x128xi32, #tpu.memory_space<vmem>> -> memref<1x1x128xi32, #tpu.memory_space<vmem>>
      %dma_start3A_324 = tpu.memref_squeeze %dma_start3A_323 : memref<1x1x128xi32, #tpu.memory_space<vmem>> -> memref<128xi32, #tpu.memory_space<vmem>>
      %dma_start3A_325 = arith.constant 0 : i32
      %dma_start3A_326 = arith.constant 0 : i32
      %dma_start3A_327 = tpu.memref_slice %arg9[%dma_start3A_325, %dma_start3A_326] : memref<10240x64xf32, #tpu.memory_space<vmem_shared>> -> memref<10240x64xf32, #tpu.memory_space<vmem_shared>>
      tpu.enqueue_indirect_dma source(%dma_start3A_321 : memref<128x64xf32, #tpu.memory_space<vmem>>) target(%dma_start3A_327 : memref<10240x64xf32, #tpu.memory_space<vmem_shared>>) offsets(%dma_start3A_324 : memref<128xi32, #tpu.memory_space<vmem>>) semaphore(%arg15 : memref<!tpu.dma_semaphore, #tpu.memory_space<semaphore_mem>>) {add = true}
      %mul3A_328 = arith.constant 4 : i32
      %mul3A_329 = arith.muli %scan3A_230, %mul3A_328 : i32
      %add3A_330 = arith.constant 2 : i32
      %add3A_331 = arith.addi %mul3A_329, %add3A_330 : i32
      %ge3A_332 = arith.constant 1 : i32
      %ge3A_333 = arith.cmpi sge, %scan3A_230, %ge3A_332 : i32
      %convert_element_type3A_334 = arith.extui %ge3A_333 : i1 to i32
      %cond3A_335 = arith.constant 0 : i32
      %cond3A_336 = arith.cmpi ne, %convert_element_type3A_334, %cond3A_335 : i32
      scf.if %cond3A_336 {
        %dma_wait3A_413 = arith.constant 0 : i32
        %dma_wait3A_414 = arith.constant 0 : i32
        %dma_wait3A_415 = arith.constant 0 : i32
        %dma_wait3A_416 = tpu.memref_slice %arg8[%dma_wait3A_413, %dma_wait3A_414, %dma_wait3A_415] : memref<4x128x64xf32, #tpu.memory_space<vmem>> -> memref<1x128x64xf32, #tpu.memory_space<vmem>>
        %dma_wait3A_417 = tpu.memref_squeeze %dma_wait3A_416 : memref<1x128x64xf32, #tpu.memory_space<vmem>> -> memref<128x64xf32, #tpu.memory_space<vmem>>
        %dma_wait3A_418 = arith.constant 0 : i32
        %dma_wait3A_419 = arith.constant 0 : i32
        %dma_wait3A_420 = tpu.memref_slice %arg2[%dma_wait3A_418, %dma_wait3A_419] : memref<10240x64xf32, #tpu.memory_space<hbm>> -> memref<128x64xf32, #tpu.memory_space<hbm>>
        %dma_wait3A_421 = arith.constant 0 : i32
        %dma_wait3A_422 = arith.constant 0 : i32
        %dma_wait3A_423 = tpu.memref_slice %arg8[%dma_wait3A_413, %dma_wait3A_421, %dma_wait3A_422] : memref<4x128x64xf32, #tpu.memory_space<vmem>> -> memref<1x128x64xf32, #tpu.memory_space<vmem>>
        %dma_wait3A_424 = tpu.memref_squeeze %dma_wait3A_423 : memref<1x128x64xf32, #tpu.memory_space<vmem>> -> memref<128x64xf32, #tpu.memory_space<vmem>>
        %dma_wait3A_425 = arith.constant 0 : i32
        %dma_wait3A_426 = arith.constant 0 : i32
        %dma_wait3A_427 = tpu.memref_slice %arg2[%dma_wait3A_425, %dma_wait3A_426] : memref<10240x64xf32, #tpu.memory_space<hbm>> -> memref<128x64xf32, #tpu.memory_space<hbm>>
        tpu.wait_dma2 semaphore(%arg17 : memref<!tpu.dma_semaphore, #tpu.memory_space<semaphore_mem>>) src(%dma_wait3A_427 : memref<128x64xf32, #tpu.memory_space<hbm>>) dst(%dma_wait3A_424 : memref<128x64xf32, #tpu.memory_space<vmem>>)
      } else {
      }
      %add3A_337 = arith.constant 1 : i32
      %add3A_338 = arith.addi %add3A_331, %add3A_337 : i32
      %dma_start3A_339 = arith.constant 0 : i32
      %dma_start3A_340 = arith.constant 3 : i32
      %dma_start3A_341 = arith.constant 0 : i32
      %dma_start3A_342 = arith.constant 0 : i32
      %dma_start3A_343 = tpu.memref_slice %arg8[%dma_start3A_340, %dma_start3A_341, %dma_start3A_342] : memref<4x128x64xf32, #tpu.memory_space<vmem>> -> memref<1x128x64xf32, #tpu.memory_space<vmem>>
      %dma_start3A_344 = tpu.memref_squeeze %dma_start3A_343 : memref<1x128x64xf32, #tpu.memory_space<vmem>> -> memref<128x64xf32, #tpu.memory_space<vmem>>
      %dma_start3A_345 = arith.constant 0 : i32
      %dma_start3A_346 = tpu.memref_slice %arg7[%add3A_338, %dma_start3A_339, %dma_start3A_345] : memref<80x2x128xi32, #tpu.memory_space<vmem>> -> memref<1x1x128xi32, #tpu.memory_space<vmem>>
      %dma_start3A_347 = tpu.memref_squeeze %dma_start3A_346 : memref<1x1x128xi32, #tpu.memory_space<vmem>> -> memref<128xi32, #tpu.memory_space<vmem>>
      %dma_start3A_348 = arith.constant 0 : i32
      %dma_start3A_349 = arith.constant 0 : i32
      %dma_start3A_350 = tpu.memref_slice %arg3[%dma_start3A_348, %dma_start3A_349] : memref<10240x64xf32, #tpu.memory_space<hbm>> -> memref<10240x64xf32, #tpu.memory_space<hbm>>
      tpu.enqueue_indirect_dma source(%dma_start3A_350 : memref<10240x64xf32, #tpu.memory_space<hbm>>) target(%dma_start3A_344 : memref<128x64xf32, #tpu.memory_space<vmem>>) offsets(%dma_start3A_347 : memref<128xi32, #tpu.memory_space<vmem>>) semaphore(%arg13 : memref<!tpu.dma_semaphore, #tpu.memory_space<semaphore_mem>>)
      %dma_wait3A_351 = arith.constant 0 : i32
      %dma_wait3A_352 = arith.constant 0 : i32
      %dma_wait3A_353 = arith.constant 0 : i32
      %dma_wait3A_354 = tpu.memref_slice %arg8[%dma_wait3A_351, %dma_wait3A_352, %dma_wait3A_353] : memref<4x128x64xf32, #tpu.memory_space<vmem>> -> memref<1x128x64xf32, #tpu.memory_space<vmem>>
      %dma_wait3A_355 = tpu.memref_squeeze %dma_wait3A_354 : memref<1x128x64xf32, #tpu.memory_space<vmem>> -> memref<128x64xf32, #tpu.memory_space<vmem>>
      %dma_wait3A_356 = arith.constant 0 : i32
      %dma_wait3A_357 = arith.constant 0 : i32
      %dma_wait3A_358 = tpu.memref_slice %arg2[%dma_wait3A_356, %dma_wait3A_357] : memref<10240x64xf32, #tpu.memory_space<hbm>> -> memref<128x64xf32, #tpu.memory_space<hbm>>
      %dma_wait3A_359 = arith.constant 0 : i32
      %dma_wait3A_360 = arith.constant 0 : i32
      %dma_wait3A_361 = tpu.memref_slice %arg8[%dma_wait3A_351, %dma_wait3A_359, %dma_wait3A_360] : memref<4x128x64xf32, #tpu.memory_space<vmem>> -> memref<1x128x64xf32, #tpu.memory_space<vmem>>
      %dma_wait3A_362 = tpu.memref_squeeze %dma_wait3A_361 : memref<1x128x64xf32, #tpu.memory_space<vmem>> -> memref<128x64xf32, #tpu.memory_space<vmem>>
      %dma_wait3A_363 = arith.constant 0 : i32
      %dma_wait3A_364 = arith.constant 0 : i32
      %dma_wait3A_365 = tpu.memref_slice %arg2[%dma_wait3A_363, %dma_wait3A_364] : memref<10240x64xf32, #tpu.memory_space<hbm>> -> memref<128x64xf32, #tpu.memory_space<hbm>>
      tpu.wait_dma2 semaphore(%arg12 : memref<!tpu.dma_semaphore, #tpu.memory_space<semaphore_mem>>) src(%dma_wait3A_365 : memref<128x64xf32, #tpu.memory_space<hbm>>) dst(%dma_wait3A_362 : memref<128x64xf32, #tpu.memory_space<vmem>>)
      %dma_start3A_366 = arith.constant 2 : i32
      %dma_start3A_367 = arith.constant 1 : i32
      %dma_start3A_368 = arith.constant 0 : i32
      %dma_start3A_369 = arith.constant 0 : i32
      %dma_start3A_370 = tpu.memref_slice %arg8[%dma_start3A_366, %dma_start3A_368, %dma_start3A_369] : memref<4x128x64xf32, #tpu.memory_space<vmem>> -> memref<1x128x64xf32, #tpu.memory_space<vmem>>
      %dma_start3A_371 = tpu.memref_squeeze %dma_start3A_370 : memref<1x128x64xf32, #tpu.memory_space<vmem>> -> memref<128x64xf32, #tpu.memory_space<vmem>>
      %dma_start3A_372 = arith.constant 0 : i32
      %dma_start3A_373 = tpu.memref_slice %arg7[%add3A_331, %dma_start3A_367, %dma_start3A_372] : memref<80x2x128xi32, #tpu.memory_space<vmem>> -> memref<1x1x128xi32, #tpu.memory_space<vmem>>
      %dma_start3A_374 = tpu.memref_squeeze %dma_start3A_373 : memref<1x1x128xi32, #tpu.memory_space<vmem>> -> memref<128xi32, #tpu.memory_space<vmem>>
      %dma_start3A_375 = arith.constant 0 : i32
      %dma_start3A_376 = arith.constant 0 : i32
      %dma_start3A_377 = tpu.memref_slice %arg9[%dma_start3A_375, %dma_start3A_376] : memref<10240x64xf32, #tpu.memory_space<vmem_shared>> -> memref<10240x64xf32, #tpu.memory_space<vmem_shared>>
      tpu.enqueue_indirect_dma source(%dma_start3A_371 : memref<128x64xf32, #tpu.memory_space<vmem>>) target(%dma_start3A_377 : memref<10240x64xf32, #tpu.memory_space<vmem_shared>>) offsets(%dma_start3A_374 : memref<128xi32, #tpu.memory_space<vmem>>) semaphore(%arg16 : memref<!tpu.dma_semaphore, #tpu.memory_space<semaphore_mem>>) {add = true}
      %mul3A_378 = arith.constant 4 : i32
      %mul3A_379 = arith.muli %scan3A_230, %mul3A_378 : i32
      %add3A_380 = arith.constant 3 : i32
      %add3A_381 = arith.addi %mul3A_379, %add3A_380 : i32
      %le3A = arith.constant 18 : i32
      %le3A_382 = arith.cmpi sle, %scan3A_230, %le3A : i32
      %convert_element_type3A_383 = arith.extui %le3A_382 : i1 to i32
      %cond3A_384 = arith.constant 0 : i32
      %cond3A_385 = arith.cmpi ne, %convert_element_type3A_383, %cond3A_384 : i32
      scf.if %cond3A_385 {
        %dma_wait3A_413 = arith.constant 0 : i32
        %dma_wait3A_414 = arith.constant 0 : i32
        %dma_wait3A_415 = arith.constant 0 : i32
        %dma_wait3A_416 = tpu.memref_slice %arg8[%dma_wait3A_413, %dma_wait3A_414, %dma_wait3A_415] : memref<4x128x64xf32, #tpu.memory_space<vmem>> -> memref<1x128x64xf32, #tpu.memory_space<vmem>>
        %dma_wait3A_417 = tpu.memref_squeeze %dma_wait3A_416 : memref<1x128x64xf32, #tpu.memory_space<vmem>> -> memref<128x64xf32, #tpu.memory_space<vmem>>
        %dma_wait3A_418 = arith.constant 0 : i32
        %dma_wait3A_419 = arith.constant 0 : i32
        %dma_wait3A_420 = tpu.memref_slice %arg2[%dma_wait3A_418, %dma_wait3A_419] : memref<10240x64xf32, #tpu.memory_space<hbm>> -> memref<128x64xf32, #tpu.memory_space<hbm>>
        %dma_wait3A_421 = arith.constant 0 : i32
        %dma_wait3A_422 = arith.constant 0 : i32
        %dma_wait3A_423 = tpu.memref_slice %arg8[%dma_wait3A_413, %dma_wait3A_421, %dma_wait3A_422] : memref<4x128x64xf32, #tpu.memory_space<vmem>> -> memref<1x128x64xf32, #tpu.memory_space<vmem>>
        %dma_wait3A_424 = tpu.memref_squeeze %dma_wait3A_423 : memref<1x128x64xf32, #tpu.memory_space<vmem>> -> memref<128x64xf32, #tpu.memory_space<vmem>>
        %dma_wait3A_425 = arith.constant 0 : i32
        %dma_wait3A_426 = arith.constant 0 : i32
        %dma_wait3A_427 = tpu.memref_slice %arg2[%dma_wait3A_425, %dma_wait3A_426] : memref<10240x64xf32, #tpu.memory_space<hbm>> -> memref<128x64xf32, #tpu.memory_space<hbm>>
        tpu.wait_dma2 semaphore(%arg14 : memref<!tpu.dma_semaphore, #tpu.memory_space<semaphore_mem>>) src(%dma_wait3A_427 : memref<128x64xf32, #tpu.memory_space<hbm>>) dst(%dma_wait3A_424 : memref<128x64xf32, #tpu.memory_space<vmem>>)
        %add3A_428 = arith.constant 1 : i32
        %add3A_429 = arith.addi %add3A_381, %add3A_428 : i32
        %dma_start3A_430 = arith.constant 0 : i32
        %dma_start3A_431 = arith.constant 0 : i32
        %dma_start3A_432 = arith.constant 0 : i32
        %dma_start3A_433 = arith.constant 0 : i32
        %dma_start3A_434 = tpu.memref_slice %arg8[%dma_start3A_431, %dma_start3A_432, %dma_start3A_433] : memref<4x128x64xf32, #tpu.memory_space<vmem>> -> memref<1x128x64xf32, #tpu.memory_space<vmem>>
        %dma_start3A_435 = tpu.memref_squeeze %dma_start3A_434 : memref<1x128x64xf32, #tpu.memory_space<vmem>> -> memref<128x64xf32, #tpu.memory_space<vmem>>
        %dma_start3A_436 = arith.constant 0 : i32
        %dma_start3A_437 = tpu.memref_slice %arg7[%add3A_429, %dma_start3A_430, %dma_start3A_436] : memref<80x2x128xi32, #tpu.memory_space<vmem>> -> memref<1x1x128xi32, #tpu.memory_space<vmem>>
        %dma_start3A_438 = tpu.memref_squeeze %dma_start3A_437 : memref<1x1x128xi32, #tpu.memory_space<vmem>> -> memref<128xi32, #tpu.memory_space<vmem>>
        %dma_start3A_439 = arith.constant 0 : i32
        %dma_start3A_440 = arith.constant 0 : i32
        %dma_start3A_441 = tpu.memref_slice %arg3[%dma_start3A_439, %dma_start3A_440] : memref<10240x64xf32, #tpu.memory_space<hbm>> -> memref<10240x64xf32, #tpu.memory_space<hbm>>
        tpu.enqueue_indirect_dma source(%dma_start3A_441 : memref<10240x64xf32, #tpu.memory_space<hbm>>) target(%dma_start3A_435 : memref<128x64xf32, #tpu.memory_space<vmem>>) offsets(%dma_start3A_438 : memref<128xi32, #tpu.memory_space<vmem>>) semaphore(%arg10 : memref<!tpu.dma_semaphore, #tpu.memory_space<semaphore_mem>>)
      } else {
      }
      %dma_wait3A_386 = arith.constant 0 : i32
      %dma_wait3A_387 = arith.constant 0 : i32
      %dma_wait3A_388 = arith.constant 0 : i32
      %dma_wait3A_389 = tpu.memref_slice %arg8[%dma_wait3A_386, %dma_wait3A_387, %dma_wait3A_388] : memref<4x128x64xf32, #tpu.memory_space<vmem>> -> memref<1x128x64xf32, #tpu.memory_space<vmem>>
      %dma_wait3A_390 = tpu.memref_squeeze %dma_wait3A_389 : memref<1x128x64xf32, #tpu.memory_space<vmem>> -> memref<128x64xf32, #tpu.memory_space<vmem>>
      %dma_wait3A_391 = arith.constant 0 : i32
      %dma_wait3A_392 = arith.constant 0 : i32
      %dma_wait3A_393 = tpu.memref_slice %arg2[%dma_wait3A_391, %dma_wait3A_392] : memref<10240x64xf32, #tpu.memory_space<hbm>> -> memref<128x64xf32, #tpu.memory_space<hbm>>
      %dma_wait3A_394 = arith.constant 0 : i32
      %dma_wait3A_395 = arith.constant 0 : i32
      %dma_wait3A_396 = tpu.memref_slice %arg8[%dma_wait3A_386, %dma_wait3A_394, %dma_wait3A_395] : memref<4x128x64xf32, #tpu.memory_space<vmem>> -> memref<1x128x64xf32, #tpu.memory_space<vmem>>
      %dma_wait3A_397 = tpu.memref_squeeze %dma_wait3A_396 : memref<1x128x64xf32, #tpu.memory_space<vmem>> -> memref<128x64xf32, #tpu.memory_space<vmem>>
      %dma_wait3A_398 = arith.constant 0 : i32
      %dma_wait3A_399 = arith.constant 0 : i32
      %dma_wait3A_400 = tpu.memref_slice %arg2[%dma_wait3A_398, %dma_wait3A_399] : memref<10240x64xf32, #tpu.memory_space<hbm>> -> memref<128x64xf32, #tpu.memory_space<hbm>>
      tpu.wait_dma2 semaphore(%arg13 : memref<!tpu.dma_semaphore, #tpu.memory_space<semaphore_mem>>) src(%dma_wait3A_400 : memref<128x64xf32, #tpu.memory_space<hbm>>) dst(%dma_wait3A_397 : memref<128x64xf32, #tpu.memory_space<vmem>>)
      %dma_start3A_401 = arith.constant 3 : i32
      %dma_start3A_402 = arith.constant 1 : i32
      %dma_start3A_403 = arith.constant 0 : i32
      %dma_start3A_404 = arith.constant 0 : i32
      %dma_start3A_405 = tpu.memref_slice %arg8[%dma_start3A_401, %dma_start3A_403, %dma_start3A_404] : memref<4x128x64xf32, #tpu.memory_space<vmem>> -> memref<1x128x64xf32, #tpu.memory_space<vmem>>
      %dma_start3A_406 = tpu.memref_squeeze %dma_start3A_405 : memref<1x128x64xf32, #tpu.memory_space<vmem>> -> memref<128x64xf32, #tpu.memory_space<vmem>>
      %dma_start3A_407 = arith.constant 0 : i32
      %dma_start3A_408 = tpu.memref_slice %arg7[%add3A_381, %dma_start3A_402, %dma_start3A_407] : memref<80x2x128xi32, #tpu.memory_space<vmem>> -> memref<1x1x128xi32, #tpu.memory_space<vmem>>
      %dma_start3A_409 = tpu.memref_squeeze %dma_start3A_408 : memref<1x1x128xi32, #tpu.memory_space<vmem>> -> memref<128xi32, #tpu.memory_space<vmem>>
      %dma_start3A_410 = arith.constant 0 : i32
      %dma_start3A_411 = arith.constant 0 : i32
      %dma_start3A_412 = tpu.memref_slice %arg9[%dma_start3A_410, %dma_start3A_411] : memref<10240x64xf32, #tpu.memory_space<vmem_shared>> -> memref<10240x64xf32, #tpu.memory_space<vmem_shared>>
      tpu.enqueue_indirect_dma source(%dma_start3A_406 : memref<128x64xf32, #tpu.memory_space<vmem>>) target(%dma_start3A_412 : memref<10240x64xf32, #tpu.memory_space<vmem_shared>>) offsets(%dma_start3A_409 : memref<128xi32, #tpu.memory_space<vmem>>) semaphore(%arg17 : memref<!tpu.dma_semaphore, #tpu.memory_space<semaphore_mem>>) {add = true}
    }
    %scan3A_164 = arith.constant 20 : i32
    %dma_wait3A_165 = arith.constant 0 : i32
    %dma_wait3A_166 = arith.constant 0 : i32
    %dma_wait3A_167 = arith.constant 0 : i32
    %dma_wait3A_168 = tpu.memref_slice %arg8[%dma_wait3A_165, %dma_wait3A_166, %dma_wait3A_167] : memref<4x128x64xf32, #tpu.memory_space<vmem>> -> memref<1x128x64xf32, #tpu.memory_space<vmem>>
    %dma_wait3A_169 = tpu.memref_squeeze %dma_wait3A_168 : memref<1x128x64xf32, #tpu.memory_space<vmem>> -> memref<128x64xf32, #tpu.memory_space<vmem>>
    %dma_wait3A_170 = arith.constant 0 : i32
    %dma_wait3A_171 = arith.constant 0 : i32
    %dma_wait3A_172 = tpu.memref_slice %arg2[%dma_wait3A_170, %dma_wait3A_171] : memref<10240x64xf32, #tpu.memory_space<hbm>> -> memref<128x64xf32, #tpu.memory_space<hbm>>
    %dma_wait3A_173 = arith.constant 0 : i32
    %dma_wait3A_174 = arith.constant 0 : i32
    %dma_wait3A_175 = tpu.memref_slice %arg8[%dma_wait3A_165, %dma_wait3A_173, %dma_wait3A_174] : memref<4x128x64xf32, #tpu.memory_space<vmem>> -> memref<1x128x64xf32, #tpu.memory_space<vmem>>
    %dma_wait3A_176 = tpu.memref_squeeze %dma_wait3A_175 : memref<1x128x64xf32, #tpu.memory_space<vmem>> -> memref<128x64xf32, #tpu.memory_space<vmem>>
    %dma_wait3A_177 = arith.constant 0 : i32
    %dma_wait3A_178 = arith.constant 0 : i32
    %dma_wait3A_179 = tpu.memref_slice %arg2[%dma_wait3A_177, %dma_wait3A_178] : memref<10240x64xf32, #tpu.memory_space<hbm>> -> memref<128x64xf32, #tpu.memory_space<hbm>>
    tpu.wait_dma2 semaphore(%arg14 : memref<!tpu.dma_semaphore, #tpu.memory_space<semaphore_mem>>) src(%dma_wait3A_179 : memref<128x64xf32, #tpu.memory_space<hbm>>) dst(%dma_wait3A_176 : memref<128x64xf32, #tpu.memory_space<vmem>>)
    %dma_wait3A_180 = arith.constant 0 : i32
    %dma_wait3A_181 = arith.constant 0 : i32
    %dma_wait3A_182 = arith.constant 0 : i32
    %dma_wait3A_183 = tpu.memref_slice %arg8[%dma_wait3A_180, %dma_wait3A_181, %dma_wait3A_182] : memref<4x128x64xf32, #tpu.memory_space<vmem>> -> memref<1x128x64xf32, #tpu.memory_space<vmem>>
    %dma_wait3A_184 = tpu.memref_squeeze %dma_wait3A_183 : memref<1x128x64xf32, #tpu.memory_space<vmem>> -> memref<128x64xf32, #tpu.memory_space<vmem>>
    %dma_wait3A_185 = arith.constant 0 : i32
    %dma_wait3A_186 = arith.constant 0 : i32
    %dma_wait3A_187 = tpu.memref_slice %arg2[%dma_wait3A_185, %dma_wait3A_186] : memref<10240x64xf32, #tpu.memory_space<hbm>> -> memref<128x64xf32, #tpu.memory_space<hbm>>
    %dma_wait3A_188 = arith.constant 0 : i32
    %dma_wait3A_189 = arith.constant 0 : i32
    %dma_wait3A_190 = tpu.memref_slice %arg8[%dma_wait3A_180, %dma_wait3A_188, %dma_wait3A_189] : memref<4x128x64xf32, #tpu.memory_space<vmem>> -> memref<1x128x64xf32, #tpu.memory_space<vmem>>
    %dma_wait3A_191 = tpu.memref_squeeze %dma_wait3A_190 : memref<1x128x64xf32, #tpu.memory_space<vmem>> -> memref<128x64xf32, #tpu.memory_space<vmem>>
    %dma_wait3A_192 = arith.constant 0 : i32
    %dma_wait3A_193 = arith.constant 0 : i32
    %dma_wait3A_194 = tpu.memref_slice %arg2[%dma_wait3A_192, %dma_wait3A_193] : memref<10240x64xf32, #tpu.memory_space<hbm>> -> memref<128x64xf32, #tpu.memory_space<hbm>>
    tpu.wait_dma2 semaphore(%arg15 : memref<!tpu.dma_semaphore, #tpu.memory_space<semaphore_mem>>) src(%dma_wait3A_194 : memref<128x64xf32, #tpu.memory_space<hbm>>) dst(%dma_wait3A_191 : memref<128x64xf32, #tpu.memory_space<vmem>>)
    %dma_wait3A_195 = arith.constant 0 : i32
    %dma_wait3A_196 = arith.constant 0 : i32
    %dma_wait3A_197 = arith.constant 0 : i32
    %dma_wait3A_198 = tpu.memref_slice %arg8[%dma_wait3A_195, %dma_wait3A_196, %dma_wait3A_197] : memref<4x128x64xf32, #tpu.memory_space<vmem>> -> memref<1x128x64xf32, #tpu.memory_space<vmem>>
    %dma_wait3A_199 = tpu.memref_squeeze %dma_wait3A_198 : memref<1x128x64xf32, #tpu.memory_space<vmem>> -> memref<128x64xf32, #tpu.memory_space<vmem>>
    %dma_wait3A_200 = arith.constant 0 : i32
    %dma_wait3A_201 = arith.constant 0 : i32
    %dma_wait3A_202 = tpu.memref_slice %arg2[%dma_wait3A_200, %dma_wait3A_201] : memref<10240x64xf32, #tpu.memory_space<hbm>> -> memref<128x64xf32, #tpu.memory_space<hbm>>
    %dma_wait3A_203 = arith.constant 0 : i32
    %dma_wait3A_204 = arith.constant 0 : i32
    %dma_wait3A_205 = tpu.memref_slice %arg8[%dma_wait3A_195, %dma_wait3A_203, %dma_wait3A_204] : memref<4x128x64xf32, #tpu.memory_space<vmem>> -> memref<1x128x64xf32, #tpu.memory_space<vmem>>
    %dma_wait3A_206 = tpu.memref_squeeze %dma_wait3A_205 : memref<1x128x64xf32, #tpu.memory_space<vmem>> -> memref<128x64xf32, #tpu.memory_space<vmem>>
    %dma_wait3A_207 = arith.constant 0 : i32
    %dma_wait3A_208 = arith.constant 0 : i32
    %dma_wait3A_209 = tpu.memref_slice %arg2[%dma_wait3A_207, %dma_wait3A_208] : memref<10240x64xf32, #tpu.memory_space<hbm>> -> memref<128x64xf32, #tpu.memory_space<hbm>>
    tpu.wait_dma2 semaphore(%arg16 : memref<!tpu.dma_semaphore, #tpu.memory_space<semaphore_mem>>) src(%dma_wait3A_209 : memref<128x64xf32, #tpu.memory_space<hbm>>) dst(%dma_wait3A_206 : memref<128x64xf32, #tpu.memory_space<vmem>>)
    %dma_wait3A_210 = arith.constant 0 : i32
    %dma_wait3A_211 = arith.constant 0 : i32
    %dma_wait3A_212 = arith.constant 0 : i32
    %dma_wait3A_213 = tpu.memref_slice %arg8[%dma_wait3A_210, %dma_wait3A_211, %dma_wait3A_212] : memref<4x128x64xf32, #tpu.memory_space<vmem>> -> memref<1x128x64xf32, #tpu.memory_space<vmem>>
    %dma_wait3A_214 = tpu.memref_squeeze %dma_wait3A_213 : memref<1x128x64xf32, #tpu.memory_space<vmem>> -> memref<128x64xf32, #tpu.memory_space<vmem>>
    %dma_wait3A_215 = arith.constant 0 : i32
    %dma_wait3A_216 = arith.constant 0 : i32
    %dma_wait3A_217 = tpu.memref_slice %arg2[%dma_wait3A_215, %dma_wait3A_216] : memref<10240x64xf32, #tpu.memory_space<hbm>> -> memref<128x64xf32, #tpu.memory_space<hbm>>
    %dma_wait3A_218 = arith.constant 0 : i32
    %dma_wait3A_219 = arith.constant 0 : i32
    %dma_wait3A_220 = tpu.memref_slice %arg8[%dma_wait3A_210, %dma_wait3A_218, %dma_wait3A_219] : memref<4x128x64xf32, #tpu.memory_space<vmem>> -> memref<1x128x64xf32, #tpu.memory_space<vmem>>
    %dma_wait3A_221 = tpu.memref_squeeze %dma_wait3A_220 : memref<1x128x64xf32, #tpu.memory_space<vmem>> -> memref<128x64xf32, #tpu.memory_space<vmem>>
    %dma_wait3A_222 = arith.constant 0 : i32
    %dma_wait3A_223 = arith.constant 0 : i32
    %dma_wait3A_224 = tpu.memref_slice %arg2[%dma_wait3A_222, %dma_wait3A_223] : memref<10240x64xf32, #tpu.memory_space<hbm>> -> memref<128x64xf32, #tpu.memory_space<hbm>>
    tpu.wait_dma2 semaphore(%arg17 : memref<!tpu.dma_semaphore, #tpu.memory_space<semaphore_mem>>) src(%dma_wait3A_224 : memref<128x64xf32, #tpu.memory_space<hbm>>) dst(%dma_wait3A_221 : memref<128x64xf32, #tpu.memory_space<vmem>>)
    %barrier3A_225 = arith.constant 0 : index
    tpu.barrier barrier_id(%barrier3A_225)
    %mul3A_226 = arith.constant 640 : i32
    %mul3A_227 = arith.muli %arg1, %mul3A_226 : i32
    %mul3A_228 = arith.constant 640 : i32
    %mul3A_229 = arith.muli %arg1, %mul3A_228 : i32
    "tpu.region"() ({
      %run_scoped3A_230 = tpu.sem_alloc : memref<!tpu.dma_semaphore, #tpu.memory_space<semaphore_mem>>
      %dma_start3A_231 = arith.constant 0 : i32
      %dma_start3A_232 = arith.constant 0 : i32
      %dma_start3A_233 = tpu.memref_slice %arg6[%arg0, %dma_start3A_231, %dma_start3A_232] : memref<2x10240x64xf32, #tpu.memory_space<hbm>> -> memref<1x10240x64xf32, #tpu.memory_space<hbm>>
      %dma_start3A_234 = tpu.memref_squeeze %dma_start3A_233 : memref<1x10240x64xf32, #tpu.memory_space<hbm>> -> memref<10240x64xf32, #tpu.memory_space<hbm>>
      %dma_start3A_235 = arith.constant 0 : i32
      %dma_start3A_236 = tpu.memref_slice %dma_start3A_234[%mul3A_229, %dma_start3A_235] : memref<10240x64xf32, #tpu.memory_space<hbm>> -> memref<640x64xf32, #tpu.memory_space<hbm>>
      %dma_start3A_237 = arith.constant 0 : i32
      %dma_start3A_238 = tpu.memref_slice %arg9[%mul3A_227, %dma_start3A_237] : memref<10240x64xf32, #tpu.memory_space<vmem_shared>> -> memref<640x64xf32, #tpu.memory_space<vmem_shared>>
      tpu.enqueue_dma source(%dma_start3A_238 : memref<640x64xf32, #tpu.memory_space<vmem_shared>>) target(%dma_start3A_236 : memref<640x64xf32, #tpu.memory_space<hbm>>) target_semaphore(%run_scoped3A_230 : memref<!tpu.dma_semaphore, #tpu.memory_space<semaphore_mem>>)
      %dma_wait3A_239 = arith.constant 0 : i32
      %dma_wait3A_240 = arith.constant 0 : i32
      %dma_wait3A_241 = tpu.memref_slice %arg6[%arg0, %dma_wait3A_239, %dma_wait3A_240] : memref<2x10240x64xf32, #tpu.memory_space<hbm>> -> memref<1x10240x64xf32, #tpu.memory_space<hbm>>
      %dma_wait3A_242 = tpu.memref_squeeze %dma_wait3A_241 : memref<1x10240x64xf32, #tpu.memory_space<hbm>> -> memref<10240x64xf32, #tpu.memory_space<hbm>>
      %dma_wait3A_243 = arith.constant 0 : i32
      %dma_wait3A_244 = tpu.memref_slice %dma_wait3A_242[%mul3A_229, %dma_wait3A_243] : memref<10240x64xf32, #tpu.memory_space<hbm>> -> memref<640x64xf32, #tpu.memory_space<hbm>>
      %dma_wait3A_245 = arith.constant 0 : i32
      %dma_wait3A_246 = tpu.memref_slice %arg9[%mul3A_227, %dma_wait3A_245] : memref<10240x64xf32, #tpu.memory_space<vmem_shared>> -> memref<640x64xf32, #tpu.memory_space<vmem_shared>>
      tpu.wait_dma2 semaphore(%run_scoped3A_230 : memref<!tpu.dma_semaphore, #tpu.memory_space<semaphore_mem>>) src(%dma_wait3A_246 : memref<640x64xf32, #tpu.memory_space<vmem_shared>>) dst(%dma_wait3A_244 : memref<640x64xf32, #tpu.memory_space<hbm>>)
      tpu.yield
    }) : () -> ()
    return
  }
}

#map = affine_map<(d0, d1) -> (0, 0)>
#map1 = affine_map<(d0, d1) -> (0, 0, 0)>
module attributes {stable_mosaic.version = 14 : i64} {
  func.func @_scatter_kernel(%arg0: i32, %arg1: i32, %arg2: memref<10240x64xf32, #tpu.memory_space<hbm>>, %arg3: memref<10240x64xf32, #tpu.memory_space<hbm>>, %arg4: memref<2560x2x128xi32, #tpu.memory_space<hbm>>, %arg5: memref<2x10240x64xf32, #tpu.memory_space<hbm>>, %arg6: memref<2x10240x64xf32, #tpu.memory_space<hbm>>, %arg7: memref<80x2x128xi32, #tpu.memory_space<vmem>>, %arg8: memref<4x128x64xf32, #tpu.memory_space<vmem>>, %arg9: memref<10240x64xf32, #tpu.memory_space<vmem_shared>>, %arg10: memref<!tpu.dma_semaphore, #tpu.memory_space<semaphore_mem>>, %arg11: memref<!tpu.dma_semaphore, #tpu.memory_space<semaphore_mem>>, %arg12: memref<!tpu.dma_semaphore, #tpu.memory_space<semaphore_mem>>, %arg13: memref<!tpu.dma_semaphore, #tpu.memory_space<semaphore_mem>>, %arg14: memref<!tpu.dma_semaphore, #tpu.memory_space<semaphore_mem>>, %arg15: memref<!tpu.dma_semaphore, #tpu.memory_space<semaphore_mem>>, %arg16: memref<!tpu.dma_semaphore, #tpu.memory_space<semaphore_mem>>, %arg17: memref<!tpu.dma_semaphore, #tpu.memory_space<semaphore_mem>>) attributes {dimension_semantics = [#tpu.dimension_semantics<core_parallel>, #tpu.dimension_semantics<subcore_parallel>], iteration_bounds = array<i64: 2, 16>, scalar_prefetch = 0 : i64, scratch_operands = 11 : i64, tpu.core_type = #tpu.core_type<sc_vector_subcore>, window_params = [{transform_indices = #map}, {transform_indices = #map}, {transform_indices = #map1}, {transform_indices = #map1}, {transform_indices = #map1}]} {
    %mul3A = arith.constant 2 : i32
    %mul3A_0 = arith.muli %arg1, %mul3A : i32
    %add3A = arith.addi %mul3A_0, %arg0 : i32
    %mul3A_1 = arith.constant 80 : i32
    %mul3A_2 = arith.muli %add3A, %mul3A_1 : i32
    "tpu.region"() ({
      %run_scoped3A_230 = tpu.sem_alloc : memref<!tpu.dma_semaphore, #tpu.memory_space<semaphore_mem>>
      %dma_start3A_231 = arith.constant 0 : i32
      %dma_start3A_232 = arith.constant 0 : i32
      %dma_start3A_233 = tpu.memref_slice %arg4[%mul3A_2, %dma_start3A_231, %dma_start3A_232] : memref<2560x2x128xi32, #tpu.memory_space<hbm>> -> memref<80x2x128xi32, #tpu.memory_space<hbm>>
      %dma_start3A_234 = arith.constant 0 : i32
      %dma_start3A_235 = arith.constant 0 : i32
      %dma_start3A_236 = tpu.memref_slice %arg4[%mul3A_2, %dma_start3A_234, %dma_start3A_235] : memref<2560x2x128xi32, #tpu.memory_space<hbm>> -> memref<80x2x128xi32, #tpu.memory_space<hbm>>
      tpu.enqueue_dma source(%dma_start3A_236 : memref<80x2x128xi32, #tpu.memory_space<hbm>>) target(%arg7 : memref<80x2x128xi32, #tpu.memory_space<vmem>>) target_semaphore(%run_scoped3A_230 : memref<!tpu.dma_semaphore, #tpu.memory_space<semaphore_mem>>)
      %dma_wait3A_237 = arith.constant 0 : i32
      %dma_wait3A_238 = arith.constant 0 : i32
      %dma_wait3A_239 = tpu.memref_slice %arg4[%mul3A_2, %dma_wait3A_237, %dma_wait3A_238] : memref<2560x2x128xi32, #tpu.memory_space<hbm>> -> memref<80x2x128xi32, #tpu.memory_space<hbm>>
      %dma_wait3A_240 = arith.constant 0 : i32
      %dma_wait3A_241 = arith.constant 0 : i32
      %dma_wait3A_242 = tpu.memref_slice %arg4[%mul3A_2, %dma_wait3A_240, %dma_wait3A_241] : memref<2560x2x128xi32, #tpu.memory_space<hbm>> -> memref<80x2x128xi32, #tpu.memory_space<hbm>>
      tpu.wait_dma2 semaphore(%run_scoped3A_230 : memref<!tpu.dma_semaphore, #tpu.memory_space<semaphore_mem>>) src(%dma_wait3A_242 : memref<80x2x128xi32, #tpu.memory_space<hbm>>) dst(%arg7 : memref<80x2x128xi32, #tpu.memory_space<vmem>>)
      tpu.yield
    }) : () -> ()
    %scan3A = arith.constant 0 : i32
    %scan3A_3 = arith.constant 0 : i32
    %scan3A_4 = arith.constant 128 : i32
    %scan3A_5 = arith.addi %scan3A_3, %scan3A_4 : i32
    %scan3A_6 = arith.constant 1 : i32
    scf.for %scan3A_230 = %scan3A_3 to %scan3A_5 step %scan3A_6  : i32 {
      %broadcast_in_dim3A = arith.constant 0.000000e+00 : f32
      %broadcast_in_dim3A_231 = vector.broadcast %broadcast_in_dim3A : f32 to vector<16xf32>
      %swap3A = arith.constant 0 : i32
      %swap3A_232 = arith.index_cast %swap3A : i32 to index
      %swap3A_233 = arith.index_cast %scan3A_230 : i32 to index
      %swap3A_234 = arith.constant 0 : index
      %swap3A_235 = tpu.vector_load %arg8[%swap3A_232, %swap3A_233, %swap3A_234] {strides = array<i32>} : memref<4x128x64xf32, #tpu.memory_space<vmem>>, vector<1x1x16xf32>,
      %swap3A_236 = vector.shape_cast %swap3A_235 : vector<1x1x16xf32> to vector<16xf32>
      %swap3A_237 = vector.shape_cast %broadcast_in_dim3A_231 : vector<16xf32> to vector<1x1x16xf32>
      tpu.vector_store %arg8[%swap3A_232, %swap3A_233, %swap3A_234], %swap3A_237 {strides = array<i32>} : memref<4x128x64xf32, #tpu.memory_space<vmem>>, vector<1x1x16xf32>,
      %broadcast_in_dim3A_238 = arith.constant 0.000000e+00 : f32
      %broadcast_in_dim3A_239 = vector.broadcast %broadcast_in_dim3A_238 : f32 to vector<16xf32>
      %swap3A_240 = arith.constant 0 : i32
      %swap3A_241 = arith.index_cast %swap3A_240 : i32 to index
      %swap3A_242 = arith.index_cast %scan3A_230 : i32 to index
      %swap3A_243 = arith.constant 16 : index
      %swap3A_244 = tpu.vector_load %arg8[%swap3A_241, %swap3A_242, %swap3A_243] {strides = array<i32>} : memref<4x128x64xf32, #tpu.memory_space<vmem>>, vector<1x1x16xf32>,
      %swap3A_245 = vector.shape_cast %swap3A_244 : vector<1x1x16xf32> to vector<16xf32>
      %swap3A_246 = vector.shape_cast %broadcast_in_dim3A_239 : vector<16xf32> to vector<1x1x16xf32>
      tpu.vector_store %arg8[%swap3A_241, %swap3A_242, %swap3A_243], %swap3A_246 {strides = array<i32>} : memref<4x128x64xf32, #tpu.memory_space<vmem>>, vector<1x1x16xf32>,
      %broadcast_in_dim3A_247 = arith.constant 0.000000e+00 : f32
      %broadcast_in_dim3A_248 = vector.broadcast %broadcast_in_dim3A_247 : f32 to vector<16xf32>
      %swap3A_249 = arith.constant 0 : i32
      %swap3A_250 = arith.index_cast %swap3A_249 : i32 to index
      %swap3A_251 = arith.index_cast %scan3A_230 : i32 to index
      %swap3A_252 = arith.constant 32 : index
      %swap3A_253 = tpu.vector_load %arg8[%swap3A_250, %swap3A_251, %swap3A_252] {strides = array<i32>} : memref<4x128x64xf32, #tpu.memory_space<vmem>>, vector<1x1x16xf32>,
      %swap3A_254 = vector.shape_cast %swap3A_253 : vector<1x1x16xf32> to vector<16xf32>
      %swap3A_255 = vector.shape_cast %broadcast_in_dim3A_248 : vector<16xf32> to vector<1x1x16xf32>
      tpu.vector_store %arg8[%swap3A_250, %swap3A_251, %swap3A_252], %swap3A_255 {strides = array<i32>} : memref<4x128x64xf32, #tpu.memory_space<vmem>>, vector<1x1x16xf32>,
      %broadcast_in_dim3A_256 = arith.constant 0.000000e+00 : f32
      %broadcast_in_dim3A_257 = vector.broadcast %broadcast_in_dim3A_256 : f32 to vector<16xf32>
      %swap3A_258 = arith.constant 0 : i32
      %swap3A_259 = arith.index_cast %swap3A_258 : i32 to index
      %swap3A_260 = arith.index_cast %scan3A_230 : i32 to index
      %swap3A_261 = arith.constant 48 : index
      %swap3A_262 = tpu.vector_load %arg8[%swap3A_259, %swap3A_260, %swap3A_261] {strides = array<i32>} : memref<4x128x64xf32, #tpu.memory_space<vmem>>, vector<1x1x16xf32>,
      %swap3A_263 = vector.shape_cast %swap3A_262 : vector<1x1x16xf32> to vector<16xf32>
      %swap3A_264 = vector.shape_cast %broadcast_in_dim3A_257 : vector<16xf32> to vector<1x1x16xf32>
      tpu.vector_store %arg8[%swap3A_259, %swap3A_260, %swap3A_261], %swap3A_264 {strides = array<i32>} : memref<4x128x64xf32, #tpu.memory_space<vmem>>, vector<1x1x16xf32>,
    }
    %scan3A_7 = arith.constant 128 : i32
    %mul3A_8 = arith.constant 640 : i32
    %mul3A_9 = arith.muli %arg1, %mul3A_8 : i32
    %add3A_10 = arith.constant 0 : i32
    %add3A_11 = arith.addi %mul3A_9, %add3A_10 : i32
    %run_scoped3A = arith.constant 0 : i32
    "tpu.region"() ({
      %run_scoped3A_230 = tpu.sem_alloc : memref<!tpu.dma_semaphore, #tpu.memory_space<semaphore_mem>>
      %dma_start3A_231 = arith.constant 0 : i32
      %dma_start3A_232 = arith.constant 0 : i32
      %dma_start3A_233 = tpu.memref_slice %arg8[%run_scoped3A, %dma_start3A_231, %dma_start3A_232] : memref<4x128x64xf32, #tpu.memory_space<vmem>> -> memref<1x128x64xf32, #tpu.memory_space<vmem>>
      %dma_start3A_234 = tpu.memref_squeeze %dma_start3A_233 : memref<1x128x64xf32, #tpu.memory_space<vmem>> -> memref<128x64xf32, #tpu.memory_space<vmem>>
      %dma_start3A_235 = arith.constant 0 : i32
      %dma_start3A_236 = tpu.memref_slice %arg9[%add3A_11, %dma_start3A_235] : memref<10240x64xf32, #tpu.memory_space<vmem_shared>> -> memref<128x64xf32, #tpu.memory_space<vmem_shared>>
      %dma_start3A_237 = arith.constant 0 : i32
      %dma_start3A_238 = tpu.memref_slice %arg9[%add3A_11, %dma_start3A_237] : memref<10240x64xf32, #tpu.memory_space<vmem_shared>> -> memref<128x64xf32, #tpu.memory_space<vmem_shared>>
      %dma_start3A_239 = arith.constant 0 : i32
      %dma_start3A_240 = arith.constant 0 : i32
      %dma_start3A_241 = tpu.memref_slice %arg8[%run_scoped3A, %dma_start3A_239, %dma_start3A_240] : memref<4x128x64xf32, #tpu.memory_space<vmem>> -> memref<1x128x64xf32, #tpu.memory_space<vmem>>
      %dma_start3A_242 = tpu.memref_squeeze %dma_start3A_241 : memref<1x128x64xf32, #tpu.memory_space<vmem>> -> memref<128x64xf32, #tpu.memory_space<vmem>>
      tpu.enqueue_dma source(%dma_start3A_242 : memref<128x64xf32, #tpu.memory_space<vmem>>) target(%dma_start3A_238 : memref<128x64xf32, #tpu.memory_space<vmem_shared>>) target_semaphore(%run_scoped3A_230 : memref<!tpu.dma_semaphore, #tpu.memory_space<semaphore_mem>>)
      %dma_wait3A_243 = arith.constant 0 : i32
      %dma_wait3A_244 = arith.constant 0 : i32
      %dma_wait3A_245 = tpu.memref_slice %arg8[%run_scoped3A, %dma_wait3A_243, %dma_wait3A_244] : memref<4x128x64xf32, #tpu.memory_space<vmem>> -> memref<1x128x64xf32, #tpu.memory_space<vmem>>
      %dma_wait3A_246 = tpu.memref_squeeze %dma_wait3A_245 : memref<1x128x64xf32, #tpu.memory_space<vmem>> -> memref<128x64xf32, #tpu.memory_space<vmem>>
      %dma_wait3A_247 = arith.constant 0 : i32
      %dma_wait3A_248 = tpu.memref_slice %arg9[%add3A_11, %dma_wait3A_247] : memref<10240x64xf32, #tpu.memory_space<vmem_shared>> -> memref<128x64xf32, #tpu.memory_space<vmem_shared>>
      %dma_wait3A_249 = arith.constant 0 : i32
      %dma_wait3A_250 = tpu.memref_slice %arg9[%add3A_11, %dma_wait3A_249] : memref<10240x64xf32, #tpu.memory_space<vmem_shared>> -> memref<128x64xf32, #tpu.memory_space<vmem_shared>>
      %dma_wait3A_251 = arith.constant 0 : i32
      %dma_wait3A_252 = arith.constant 0 : i32
      %dma_wait3A_253 = tpu.memref_slice %arg8[%run_scoped3A, %dma_wait3A_251, %dma_wait3A_252] : memref<4x128x64xf32, #tpu.memory_space<vmem>> -> memref<1x128x64xf32, #tpu.memory_space<vmem>>
      %dma_wait3A_254 = tpu.memref_squeeze %dma_wait3A_253 : memref<1x128x64xf32, #tpu.memory_space<vmem>> -> memref<128x64xf32, #tpu.memory_space<vmem>>
      tpu.wait_dma2 semaphore(%run_scoped3A_230 : memref<!tpu.dma_semaphore, #tpu.memory_space<semaphore_mem>>) src(%dma_wait3A_254 : memref<128x64xf32, #tpu.memory_space<vmem>>) dst(%dma_wait3A_250 : memref<128x64xf32, #tpu.memory_space<vmem_shared>>)
      tpu.yield
    }) : () -> ()
    %mul3A_12 = arith.constant 640 : i32
    %mul3A_13 = arith.muli %arg1, %mul3A_12 : i32
    %add3A_14 = arith.constant 128 : i32
    %add3A_15 = arith.addi %mul3A_13, %add3A_14 : i32
    %run_scoped3A_16 = arith.constant 0 : i32
    "tpu.region"() ({
      %run_scoped3A_230 = tpu.sem_alloc : memref<!tpu.dma_semaphore, #tpu.memory_space<semaphore_mem>>
      %dma_start3A_231 = arith.constant 0 : i32
      %dma_start3A_232 = arith.constant 0 : i32
      %dma_start3A_233 = tpu.memref_slice %arg8[%run_scoped3A_16, %dma_start3A_231, %dma_start3A_232] : memref<4x128x64xf32, #tpu.memory_space<vmem>> -> memref<1x128x64xf32, #tpu.memory_space<vmem>>
      %dma_start3A_234 = tpu.memref_squeeze %dma_start3A_233 : memref<1x128x64xf32, #tpu.memory_space<vmem>> -> memref<128x64xf32, #tpu.memory_space<vmem>>
      %dma_start3A_235 = arith.constant 0 : i32
      %dma_start3A_236 = tpu.memref_slice %arg9[%add3A_15, %dma_start3A_235] : memref<10240x64xf32, #tpu.memory_space<vmem_shared>> -> memref<128x64xf32, #tpu.memory_space<vmem_shared>>
      %dma_start3A_237 = arith.constant 0 : i32
      %dma_start3A_238 = tpu.memref_slice %arg9[%add3A_15, %dma_start3A_237] : memref<10240x64xf32, #tpu.memory_space<vmem_shared>> -> memref<128x64xf32, #tpu.memory_space<vmem_shared>>
      %dma_start3A_239 = arith.constant 0 : i32
      %dma_start3A_240 = arith.constant 0 : i32
      %dma_start3A_241 = tpu.memref_slice %arg8[%run_scoped3A_16, %dma_start3A_239, %dma_start3A_240] : memref<4x128x64xf32, #tpu.memory_space<vmem>> -> memref<1x128x64xf32, #tpu.memory_space<vmem>>
      %dma_start3A_242 = tpu.memref_squeeze %dma_start3A_241 : memref<1x128x64xf32, #tpu.memory_space<vmem>> -> memref<128x64xf32, #tpu.memory_space<vmem>>
      tpu.enqueue_dma source(%dma_start3A_242 : memref<128x64xf32, #tpu.memory_space<vmem>>) target(%dma_start3A_238 : memref<128x64xf32, #tpu.memory_space<vmem_shared>>) target_semaphore(%run_scoped3A_230 : memref<!tpu.dma_semaphore, #tpu.memory_space<semaphore_mem>>)
      %dma_wait3A_243 = arith.constant 0 : i32
      %dma_wait3A_244 = arith.constant 0 : i32
      %dma_wait3A_245 = tpu.memref_slice %arg8[%run_scoped3A_16, %dma_wait3A_243, %dma_wait3A_244] : memref<4x128x64xf32, #tpu.memory_space<vmem>> -> memref<1x128x64xf32, #tpu.memory_space<vmem>>
      %dma_wait3A_246 = tpu.memref_squeeze %dma_wait3A_245 : memref<1x128x64xf32, #tpu.memory_space<vmem>> -> memref<128x64xf32, #tpu.memory_space<vmem>>
      %dma_wait3A_247 = arith.constant 0 : i32
      %dma_wait3A_248 = tpu.memref_slice %arg9[%add3A_15, %dma_wait3A_247] : memref<10240x64xf32, #tpu.memory_space<vmem_shared>> -> memref<128x64xf32, #tpu.memory_space<vmem_shared>>
      %dma_wait3A_249 = arith.constant 0 : i32
      %dma_wait3A_250 = tpu.memref_slice %arg9[%add3A_15, %dma_wait3A_249] : memref<10240x64xf32, #tpu.memory_space<vmem_shared>> -> memref<128x64xf32, #tpu.memory_space<vmem_shared>>
      %dma_wait3A_251 = arith.constant 0 : i32
      %dma_wait3A_252 = arith.constant 0 : i32
      %dma_wait3A_253 = tpu.memref_slice %arg8[%run_scoped3A_16, %dma_wait3A_251, %dma_wait3A_252] : memref<4x128x64xf32, #tpu.memory_space<vmem>> -> memref<1x128x64xf32, #tpu.memory_space<vmem>>
      %dma_wait3A_254 = tpu.memref_squeeze %dma_wait3A_253 : memref<1x128x64xf32, #tpu.memory_space<vmem>> -> memref<128x64xf32, #tpu.memory_space<vmem>>
      tpu.wait_dma2 semaphore(%run_scoped3A_230 : memref<!tpu.dma_semaphore, #tpu.memory_space<semaphore_mem>>) src(%dma_wait3A_254 : memref<128x64xf32, #tpu.memory_space<vmem>>) dst(%dma_wait3A_250 : memref<128x64xf32, #tpu.memory_space<vmem_shared>>)
      tpu.yield
    }) : () -> ()
    %mul3A_17 = arith.constant 640 : i32
    %mul3A_18 = arith.muli %arg1, %mul3A_17 : i32
    %add3A_19 = arith.constant 256 : i32
    %add3A_20 = arith.addi %mul3A_18, %add3A_19 : i32
    %run_scoped3A_21 = arith.constant 0 : i32
    "tpu.region"() ({
      %run_scoped3A_230 = tpu.sem_alloc : memref<!tpu.dma_semaphore, #tpu.memory_space<semaphore_mem>>
      %dma_start3A_231 = arith.constant 0 : i32
      %dma_start3A_232 = arith.constant 0 : i32
      %dma_start3A_233 = tpu.memref_slice %arg8[%run_scoped3A_21, %dma_start3A_231, %dma_start3A_232] : memref<4x128x64xf32, #tpu.memory_space<vmem>> -> memref<1x128x64xf32, #tpu.memory_space<vmem>>
      %dma_start3A_234 = tpu.memref_squeeze %dma_start3A_233 : memref<1x128x64xf32, #tpu.memory_space<vmem>> -> memref<128x64xf32, #tpu.memory_space<vmem>>
      %dma_start3A_235 = arith.constant 0 : i32
      %dma_start3A_236 = tpu.memref_slice %arg9[%add3A_20, %dma_start3A_235] : memref<10240x64xf32, #tpu.memory_space<vmem_shared>> -> memref<128x64xf32, #tpu.memory_space<vmem_shared>>
      %dma_start3A_237 = arith.constant 0 : i32
      %dma_start3A_238 = tpu.memref_slice %arg9[%add3A_20, %dma_start3A_237] : memref<10240x64xf32, #tpu.memory_space<vmem_shared>> -> memref<128x64xf32, #tpu.memory_space<vmem_shared>>
      %dma_start3A_239 = arith.constant 0 : i32
      %dma_start3A_240 = arith.constant 0 : i32
      %dma_start3A_241 = tpu.memref_slice %arg8[%run_scoped3A_21, %dma_start3A_239, %dma_start3A_240] : memref<4x128x64xf32, #tpu.memory_space<vmem>> -> memref<1x128x64xf32, #tpu.memory_space<vmem>>
      %dma_start3A_242 = tpu.memref_squeeze %dma_start3A_241 : memref<1x128x64xf32, #tpu.memory_space<vmem>> -> memref<128x64xf32, #tpu.memory_space<vmem>>
      tpu.enqueue_dma source(%dma_start3A_242 : memref<128x64xf32, #tpu.memory_space<vmem>>) target(%dma_start3A_238 : memref<128x64xf32, #tpu.memory_space<vmem_shared>>) target_semaphore(%run_scoped3A_230 : memref<!tpu.dma_semaphore, #tpu.memory_space<semaphore_mem>>)
      %dma_wait3A_243 = arith.constant 0 : i32
      %dma_wait3A_244 = arith.constant 0 : i32
      %dma_wait3A_245 = tpu.memref_slice %arg8[%run_scoped3A_21, %dma_wait3A_243, %dma_wait3A_244] : memref<4x128x64xf32, #tpu.memory_space<vmem>> -> memref<1x128x64xf32, #tpu.memory_space<vmem>>
      %dma_wait3A_246 = tpu.memref_squeeze %dma_wait3A_245 : memref<1x128x64xf32, #tpu.memory_space<vmem>> -> memref<128x64xf32, #tpu.memory_space<vmem>>
      %dma_wait3A_247 = arith.constant 0 : i32
      %dma_wait3A_248 = tpu.memref_slice %arg9[%add3A_20, %dma_wait3A_247] : memref<10240x64xf32, #tpu.memory_space<vmem_shared>> -> memref<128x64xf32, #tpu.memory_space<vmem_shared>>
      %dma_wait3A_249 = arith.constant 0 : i32
      %dma_wait3A_250 = tpu.memref_slice %arg9[%add3A_20, %dma_wait3A_249] : memref<10240x64xf32, #tpu.memory_space<vmem_shared>> -> memref<128x64xf32, #tpu.memory_space<vmem_shared>>
      %dma_wait3A_251 = arith.constant 0 : i32
      %dma_wait3A_252 = arith.constant 0 : i32
      %dma_wait3A_253 = tpu.memref_slice %arg8[%run_scoped3A_21, %dma_wait3A_251, %dma_wait3A_252] : memref<4x128x64xf32, #tpu.memory_space<vmem>> -> memref<1x128x64xf32, #tpu.memory_space<vmem>>
      %dma_wait3A_254 = tpu.memref_squeeze %dma_wait3A_253 : memref<1x128x64xf32, #tpu.memory_space<vmem>> -> memref<128x64xf32, #tpu.memory_space<vmem>>
      tpu.wait_dma2 semaphore(%run_scoped3A_230 : memref<!tpu.dma_semaphore, #tpu.memory_space<semaphore_mem>>) src(%dma_wait3A_254 : memref<128x64xf32, #tpu.memory_space<vmem>>) dst(%dma_wait3A_250 : memref<128x64xf32, #tpu.memory_space<vmem_shared>>)
      tpu.yield
    }) : () -> ()
    %mul3A_22 = arith.constant 640 : i32
    %mul3A_23 = arith.muli %arg1, %mul3A_22 : i32
    %add3A_24 = arith.constant 384 : i32
    %add3A_25 = arith.addi %mul3A_23, %add3A_24 : i32
    %run_scoped3A_26 = arith.constant 0 : i32
    "tpu.region"() ({
      %run_scoped3A_230 = tpu.sem_alloc : memref<!tpu.dma_semaphore, #tpu.memory_space<semaphore_mem>>
      %dma_start3A_231 = arith.constant 0 : i32
      %dma_start3A_232 = arith.constant 0 : i32
      %dma_start3A_233 = tpu.memref_slice %arg8[%run_scoped3A_26, %dma_start3A_231, %dma_start3A_232] : memref<4x128x64xf32, #tpu.memory_space<vmem>> -> memref<1x128x64xf32, #tpu.memory_space<vmem>>
      %dma_start3A_234 = tpu.memref_squeeze %dma_start3A_233 : memref<1x128x64xf32, #tpu.memory_space<vmem>> -> memref<128x64xf32, #tpu.memory_space<vmem>>
      %dma_start3A_235 = arith.constant 0 : i32
      %dma_start3A_236 = tpu.memref_slice %arg9[%add3A_25, %dma_start3A_235] : memref<10240x64xf32, #tpu.memory_space<vmem_shared>> -> memref<128x64xf32, #tpu.memory_space<vmem_shared>>
      %dma_start3A_237 = arith.constant 0 : i32
      %dma_start3A_238 = tpu.memref_slice %arg9[%add3A_25, %dma_start3A_237] : memref<10240x64xf32, #tpu.memory_space<vmem_shared>> -> memref<128x64xf32, #tpu.memory_space<vmem_shared>>
      %dma_start3A_239 = arith.constant 0 : i32
      %dma_start3A_240 = arith.constant 0 : i32
      %dma_start3A_241 = tpu.memref_slice %arg8[%run_scoped3A_26, %dma_start3A_239, %dma_start3A_240] : memref<4x128x64xf32, #tpu.memory_space<vmem>> -> memref<1x128x64xf32, #tpu.memory_space<vmem>>
      %dma_start3A_242 = tpu.memref_squeeze %dma_start3A_241 : memref<1x128x64xf32, #tpu.memory_space<vmem>> -> memref<128x64xf32, #tpu.memory_space<vmem>>
      tpu.enqueue_dma source(%dma_start3A_242 : memref<128x64xf32, #tpu.memory_space<vmem>>) target(%dma_start3A_238 : memref<128x64xf32, #tpu.memory_space<vmem_shared>>) target_semaphore(%run_scoped3A_230 : memref<!tpu.dma_semaphore, #tpu.memory_space<semaphore_mem>>)
      %dma_wait3A_243 = arith.constant 0 : i32
      %dma_wait3A_244 = arith.constant 0 : i32
      %dma_wait3A_245 = tpu.memref_slice %arg8[%run_scoped3A_26, %dma_wait3A_243, %dma_wait3A_244] : memref<4x128x64xf32, #tpu.memory_space<vmem>> -> memref<1x128x64xf32, #tpu.memory_space<vmem>>
      %dma_wait3A_246 = tpu.memref_squeeze %dma_wait3A_245 : memref<1x128x64xf32, #tpu.memory_space<vmem>> -> memref<128x64xf32, #tpu.memory_space<vmem>>
      %dma_wait3A_247 = arith.constant 0 : i32
      %dma_wait3A_248 = tpu.memref_slice %arg9[%add3A_25, %dma_wait3A_247] : memref<10240x64xf32, #tpu.memory_space<vmem_shared>> -> memref<128x64xf32, #tpu.memory_space<vmem_shared>>
      %dma_wait3A_249 = arith.constant 0 : i32
      %dma_wait3A_250 = tpu.memref_slice %arg9[%add3A_25, %dma_wait3A_249] : memref<10240x64xf32, #tpu.memory_space<vmem_shared>> -> memref<128x64xf32, #tpu.memory_space<vmem_shared>>
      %dma_wait3A_251 = arith.constant 0 : i32
      %dma_wait3A_252 = arith.constant 0 : i32
      %dma_wait3A_253 = tpu.memref_slice %arg8[%run_scoped3A_26, %dma_wait3A_251, %dma_wait3A_252] : memref<4x128x64xf32, #tpu.memory_space<vmem>> -> memref<1x128x64xf32, #tpu.memory_space<vmem>>
      %dma_wait3A_254 = tpu.memref_squeeze %dma_wait3A_253 : memref<1x128x64xf32, #tpu.memory_space<vmem>> -> memref<128x64xf32, #tpu.memory_space<vmem>>
      tpu.wait_dma2 semaphore(%run_scoped3A_230 : memref<!tpu.dma_semaphore, #tpu.memory_space<semaphore_mem>>) src(%dma_wait3A_254 : memref<128x64xf32, #tpu.memory_space<vmem>>) dst(%dma_wait3A_250 : memref<128x64xf32, #tpu.memory_space<vmem_shared>>)
      tpu.yield
    }) : () -> ()
    %mul3A_27 = arith.constant 640 : i32
    %mul3A_28 = arith.muli %arg1, %mul3A_27 : i32
    %add3A_29 = arith.constant 512 : i32
    %add3A_30 = arith.addi %mul3A_28, %add3A_29 : i32
    %run_scoped3A_31 = arith.constant 0 : i32
    "tpu.region"() ({
      %run_scoped3A_230 = tpu.sem_alloc : memref<!tpu.dma_semaphore, #tpu.memory_space<semaphore_mem>>
      %dma_start3A_231 = arith.constant 0 : i32
      %dma_start3A_232 = arith.constant 0 : i32
      %dma_start3A_233 = tpu.memref_slice %arg8[%run_scoped3A_31, %dma_start3A_231, %dma_start3A_232] : memref<4x128x64xf32, #tpu.memory_space<vmem>> -> memref<1x128x64xf32, #tpu.memory_space<vmem>>
      %dma_start3A_234 = tpu.memref_squeeze %dma_start3A_233 : memref<1x128x64xf32, #tpu.memory_space<vmem>> -> memref<128x64xf32, #tpu.memory_space<vmem>>
      %dma_start3A_235 = arith.constant 0 : i32
      %dma_start3A_236 = tpu.memref_slice %arg9[%add3A_30, %dma_start3A_235] : memref<10240x64xf32, #tpu.memory_space<vmem_shared>> -> memref<128x64xf32, #tpu.memory_space<vmem_shared>>
      %dma_start3A_237 = arith.constant 0 : i32
      %dma_start3A_238 = tpu.memref_slice %arg9[%add3A_30, %dma_start3A_237] : memref<10240x64xf32, #tpu.memory_space<vmem_shared>> -> memref<128x64xf32, #tpu.memory_space<vmem_shared>>
      %dma_start3A_239 = arith.constant 0 : i32
      %dma_start3A_240 = arith.constant 0 : i32
      %dma_start3A_241 = tpu.memref_slice %arg8[%run_scoped3A_31, %dma_start3A_239, %dma_start3A_240] : memref<4x128x64xf32, #tpu.memory_space<vmem>> -> memref<1x128x64xf32, #tpu.memory_space<vmem>>
      %dma_start3A_242 = tpu.memref_squeeze %dma_start3A_241 : memref<1x128x64xf32, #tpu.memory_space<vmem>> -> memref<128x64xf32, #tpu.memory_space<vmem>>
      tpu.enqueue_dma source(%dma_start3A_242 : memref<128x64xf32, #tpu.memory_space<vmem>>) target(%dma_start3A_238 : memref<128x64xf32, #tpu.memory_space<vmem_shared>>) target_semaphore(%run_scoped3A_230 : memref<!tpu.dma_semaphore, #tpu.memory_space<semaphore_mem>>)
      %dma_wait3A_243 = arith.constant 0 : i32
      %dma_wait3A_244 = arith.constant 0 : i32
      %dma_wait3A_245 = tpu.memref_slice %arg8[%run_scoped3A_31, %dma_wait3A_243, %dma_wait3A_244] : memref<4x128x64xf32, #tpu.memory_space<vmem>> -> memref<1x128x64xf32, #tpu.memory_space<vmem>>
      %dma_wait3A_246 = tpu.memref_squeeze %dma_wait3A_245 : memref<1x128x64xf32, #tpu.memory_space<vmem>> -> memref<128x64xf32, #tpu.memory_space<vmem>>
      %dma_wait3A_247 = arith.constant 0 : i32
      %dma_wait3A_248 = tpu.memref_slice %arg9[%add3A_30, %dma_wait3A_247] : memref<10240x64xf32, #tpu.memory_space<vmem_shared>> -> memref<128x64xf32, #tpu.memory_space<vmem_shared>>
      %dma_wait3A_249 = arith.constant 0 : i32
      %dma_wait3A_250 = tpu.memref_slice %arg9[%add3A_30, %dma_wait3A_249] : memref<10240x64xf32, #tpu.memory_space<vmem_shared>> -> memref<128x64xf32, #tpu.memory_space<vmem_shared>>
      %dma_wait3A_251 = arith.constant 0 : i32
      %dma_wait3A_252 = arith.constant 0 : i32
      %dma_wait3A_253 = tpu.memref_slice %arg8[%run_scoped3A_31, %dma_wait3A_251, %dma_wait3A_252] : memref<4x128x64xf32, #tpu.memory_space<vmem>> -> memref<1x128x64xf32, #tpu.memory_space<vmem>>
      %dma_wait3A_254 = tpu.memref_squeeze %dma_wait3A_253 : memref<1x128x64xf32, #tpu.memory_space<vmem>> -> memref<128x64xf32, #tpu.memory_space<vmem>>
      tpu.wait_dma2 semaphore(%run_scoped3A_230 : memref<!tpu.dma_semaphore, #tpu.memory_space<semaphore_mem>>) src(%dma_wait3A_254 : memref<128x64xf32, #tpu.memory_space<vmem>>) dst(%dma_wait3A_250 : memref<128x64xf32, #tpu.memory_space<vmem_shared>>)
      tpu.yield
    }) : () -> ()
    %barrier3A = arith.constant 0 : index
    tpu.barrier barrier_id(%barrier3A)
    %dma_start3A = arith.constant 0 : i32
    %dma_start3A_32 = arith.constant 0 : i32
    %dma_start3A_33 = arith.constant 0 : i32
    %dma_start3A_34 = arith.constant 0 : i32
    %dma_start3A_35 = arith.constant 0 : i32
    %dma_start3A_36 = tpu.memref_slice %arg8[%dma_start3A_33, %dma_start3A_34, %dma_start3A_35] : memref<4x128x64xf32, #tpu.memory_space<vmem>> -> memref<1x128x64xf32, #tpu.memory_space<vmem>>
    %dma_start3A_37 = tpu.memref_squeeze %dma_start3A_36 : memref<1x128x64xf32, #tpu.memory_space<vmem>> -> memref<128x64xf32, #tpu.memory_space<vmem>>
    %dma_start3A_38 = arith.constant 0 : i32
    %dma_start3A_39 = tpu.memref_slice %arg7[%dma_start3A, %dma_start3A_32, %dma_start3A_38] : memref<80x2x128xi32, #tpu.memory_space<vmem>> -> memref<1x1x128xi32, #tpu.memory_space<vmem>>
    %dma_start3A_40 = tpu.memref_squeeze %dma_start3A_39 : memref<1x1x128xi32, #tpu.memory_space<vmem>> -> memref<128xi32, #tpu.memory_space<vmem>>
    %dma_start3A_41 = arith.constant 0 : i32
    %dma_start3A_42 = arith.constant 0 : i32
    %dma_start3A_43 = tpu.memref_slice %arg2[%dma_start3A_41, %dma_start3A_42] : memref<10240x64xf32, #tpu.memory_space<hbm>> -> memref<10240x64xf32, #tpu.memory_space<hbm>>
    tpu.enqueue_indirect_dma source(%dma_start3A_43 : memref<10240x64xf32, #tpu.memory_space<hbm>>) target(%dma_start3A_37 : memref<128x64xf32, #tpu.memory_space<vmem>>) offsets(%dma_start3A_40 : memref<128xi32, #tpu.memory_space<vmem>>) semaphore(%arg10 : memref<!tpu.dma_semaphore, #tpu.memory_space<semaphore_mem>>)
    %scan3A_44 = arith.constant 0 : i32
    %scan3A_45 = arith.constant 0 : i32
    %scan3A_46 = arith.constant 20 : i32
    %scan3A_47 = arith.addi %scan3A_45, %scan3A_46 : i32
    %scan3A_48 = arith.constant 1 : i32
    scf.for %scan3A_230 = %scan3A_45 to %scan3A_47 step %scan3A_48  : i32 {
      %mul3A_231 = arith.constant 4 : i32
      %mul3A_232 = arith.muli %scan3A_230, %mul3A_231 : i32
      %add3A_233 = arith.constant 0 : i32
      %add3A_234 = arith.addi %mul3A_232, %add3A_233 : i32
      %ge3A = arith.constant 1 : i32
      %ge3A_235 = arith.cmpi sge, %scan3A_230, %ge3A : i32
      %convert_element_type3A = arith.extui %ge3A_235 : i1 to i32
      %cond3A = arith.constant 0 : i32
      %cond3A_236 = arith.cmpi ne, %convert_element_type3A, %cond3A : i32
      scf.if %cond3A_236 {
        %dma_wait3A_413 = arith.constant 0 : i32
        %dma_wait3A_414 = arith.constant 0 : i32
        %dma_wait3A_415 = arith.constant 0 : i32
        %dma_wait3A_416 = tpu.memref_slice %arg8[%dma_wait3A_413, %dma_wait3A_414, %dma_wait3A_415] : memref<4x128x64xf32, #tpu.memory_space<vmem>> -> memref<1x128x64xf32, #tpu.memory_space<vmem>>
        %dma_wait3A_417 = tpu.memref_squeeze %dma_wait3A_416 : memref<1x128x64xf32, #tpu.memory_space<vmem>> -> memref<128x64xf32, #tpu.memory_space<vmem>>
        %dma_wait3A_418 = arith.constant 0 : i32
        %dma_wait3A_419 = arith.constant 0 : i32
        %dma_wait3A_420 = tpu.memref_slice %arg2[%dma_wait3A_418, %dma_wait3A_419] : memref<10240x64xf32, #tpu.memory_space<hbm>> -> memref<128x64xf32, #tpu.memory_space<hbm>>
        %dma_wait3A_421 = arith.constant 0 : i32
        %dma_wait3A_422 = arith.constant 0 : i32
        %dma_wait3A_423 = tpu.memref_slice %arg8[%dma_wait3A_413, %dma_wait3A_421, %dma_wait3A_422] : memref<4x128x64xf32, #tpu.memory_space<vmem>> -> memref<1x128x64xf32, #tpu.memory_space<vmem>>
        %dma_wait3A_424 = tpu.memref_squeeze %dma_wait3A_423 : memref<1x128x64xf32, #tpu.memory_space<vmem>> -> memref<128x64xf32, #tpu.memory_space<vmem>>
        %dma_wait3A_425 = arith.constant 0 : i32
        %dma_wait3A_426 = arith.constant 0 : i32
        %dma_wait3A_427 = tpu.memref_slice %arg2[%dma_wait3A_425, %dma_wait3A_426] : memref<10240x64xf32, #tpu.memory_space<hbm>> -> memref<128x64xf32, #tpu.memory_space<hbm>>
        tpu.wait_dma2 semaphore(%arg15 : memref<!tpu.dma_semaphore, #tpu.memory_space<semaphore_mem>>) src(%dma_wait3A_427 : memref<128x64xf32, #tpu.memory_space<hbm>>) dst(%dma_wait3A_424 : memref<128x64xf32, #tpu.memory_space<vmem>>)
      } else {
      }
      %add3A_237 = arith.constant 1 : i32
      %add3A_238 = arith.addi %add3A_234, %add3A_237 : i32
      %dma_start3A_239 = arith.constant 0 : i32
      %dma_start3A_240 = arith.constant 1 : i32
      %dma_start3A_241 = arith.constant 0 : i32
      %dma_start3A_242 = arith.constant 0 : i32
      %dma_start3A_243 = tpu.memref_slice %arg8[%dma_start3A_240, %dma_start3A_241, %dma_start3A_242] : memref<4x128x64xf32, #tpu.memory_space<vmem>> -> memref<1x128x64xf32, #tpu.memory_space<vmem>>
      %dma_start3A_244 = tpu.memref_squeeze %dma_start3A_243 : memref<1x128x64xf32, #tpu.memory_space<vmem>> -> memref<128x64xf32, #tpu.memory_space<vmem>>
      %dma_start3A_245 = arith.constant 0 : i32
      %dma_start3A_246 = tpu.memref_slice %arg7[%add3A_238, %dma_start3A_239, %dma_start3A_245] : memref<80x2x128xi32, #tpu.memory_space<vmem>> -> memref<1x1x128xi32, #tpu.memory_space<vmem>>
      %dma_start3A_247 = tpu.memref_squeeze %dma_start3A_246 : memref<1x1x128xi32, #tpu.memory_space<vmem>> -> memref<128xi32, #tpu.memory_space<vmem>>
      %dma_start3A_248 = arith.constant 0 : i32
      %dma_start3A_249 = arith.constant 0 : i32
      %dma_start3A_250 = tpu.memref_slice %arg2[%dma_start3A_248, %dma_start3A_249] : memref<10240x64xf32, #tpu.memory_space<hbm>> -> memref<10240x64xf32, #tpu.memory_space<hbm>>
      tpu.enqueue_indirect_dma source(%dma_start3A_250 : memref<10240x64xf32, #tpu.memory_space<hbm>>) target(%dma_start3A_244 : memref<128x64xf32, #tpu.memory_space<vmem>>) offsets(%dma_start3A_247 : memref<128xi32, #tpu.memory_space<vmem>>) semaphore(%arg11 : memref<!tpu.dma_semaphore, #tpu.memory_space<semaphore_mem>>)
      %dma_wait3A_251 = arith.constant 0 : i32
      %dma_wait3A_252 = arith.constant 0 : i32
      %dma_wait3A_253 = arith.constant 0 : i32
      %dma_wait3A_254 = tpu.memref_slice %arg8[%dma_wait3A_251, %dma_wait3A_252, %dma_wait3A_253] : memref<4x128x64xf32, #tpu.memory_space<vmem>> -> memref<1x128x64xf32, #tpu.memory_space<vmem>>
      %dma_wait3A_255 = tpu.memref_squeeze %dma_wait3A_254 : memref<1x128x64xf32, #tpu.memory_space<vmem>> -> memref<128x64xf32, #tpu.memory_space<vmem>>
      %dma_wait3A_256 = arith.constant 0 : i32
      %dma_wait3A_257 = arith.constant 0 : i32
      %dma_wait3A_258 = tpu.memref_slice %arg2[%dma_wait3A_256, %dma_wait3A_257] : memref<10240x64xf32, #tpu.memory_space<hbm>> -> memref<128x64xf32, #tpu.memory_space<hbm>>
      %dma_wait3A_259 = arith.constant 0 : i32
      %dma_wait3A_260 = arith.constant 0 : i32
      %dma_wait3A_261 = tpu.memref_slice %arg8[%dma_wait3A_251, %dma_wait3A_259, %dma_wait3A_260] : memref<4x128x64xf32, #tpu.memory_space<vmem>> -> memref<1x128x64xf32, #tpu.memory_space<vmem>>
      %dma_wait3A_262 = tpu.memref_squeeze %dma_wait3A_261 : memref<1x128x64xf32, #tpu.memory_space<vmem>> -> memref<128x64xf32, #tpu.memory_space<vmem>>
      %dma_wait3A_263 = arith.constant 0 : i32
      %dma_wait3A_264 = arith.constant 0 : i32
      %dma_wait3A_265 = tpu.memref_slice %arg2[%dma_wait3A_263, %dma_wait3A_264] : memref<10240x64xf32, #tpu.memory_space<hbm>> -> memref<128x64xf32, #tpu.memory_space<hbm>>
      tpu.wait_dma2 semaphore(%arg10 : memref<!tpu.dma_semaphore, #tpu.memory_space<semaphore_mem>>) src(%dma_wait3A_265 : memref<128x64xf32, #tpu.memory_space<hbm>>) dst(%dma_wait3A_262 : memref<128x64xf32, #tpu.memory_space<vmem>>)
      %dma_start3A_266 = arith.constant 0 : i32
      %dma_start3A_267 = arith.constant 1 : i32
      %dma_start3A_268 = arith.constant 0 : i32
      %dma_start3A_269 = arith.constant 0 : i32
      %dma_start3A_270 = tpu.memref_slice %arg8[%dma_start3A_266, %dma_start3A_268, %dma_start3A_269] : memref<4x128x64xf32, #tpu.memory_space<vmem>> -> memref<1x128x64xf32, #tpu.memory_space<vmem>>
      %dma_start3A_271 = tpu.memref_squeeze %dma_start3A_270 : memref<1x128x64xf32, #tpu.memory_space<vmem>> -> memref<128x64xf32, #tpu.memory_space<vmem>>
      %dma_start3A_272 = arith.constant 0 : i32
      %dma_start3A_273 = tpu.memref_slice %arg7[%add3A_234, %dma_start3A_267, %dma_start3A_272] : memref<80x2x128xi32, #tpu.memory_space<vmem>> -> memref<1x1x128xi32, #tpu.memory_space<vmem>>
      %dma_start3A_274 = tpu.memref_squeeze %dma_start3A_273 : memref<1x1x128xi32, #tpu.memory_space<vmem>> -> memref<128xi32, #tpu.memory_space<vmem>>
      %dma_start3A_275 = arith.constant 0 : i32
      %dma_start3A_276 = arith.constant 0 : i32
      %dma_start3A_277 = tpu.memref_slice %arg9[%dma_start3A_275, %dma_start3A_276] : memref<10240x64xf32, #tpu.memory_space<vmem_shared>> -> memref<10240x64xf32, #tpu.memory_space<vmem_shared>>
      tpu.enqueue_indirect_dma source(%dma_start3A_271 : memref<128x64xf32, #tpu.memory_space<vmem>>) target(%dma_start3A_277 : memref<10240x64xf32, #tpu.memory_space<vmem_shared>>) offsets(%dma_start3A_274 : memref<128xi32, #tpu.memory_space<vmem>>) semaphore(%arg14 : memref<!tpu.dma_semaphore, #tpu.memory_space<semaphore_mem>>) {add = true}
      %mul3A_278 = arith.constant 4 : i32
      %mul3A_279 = arith.muli %scan3A_230, %mul3A_278 : i32
      %add3A_280 = arith.constant 1 : i32
      %add3A_281 = arith.addi %mul3A_279, %add3A_280 : i32
      %ge3A_282 = arith.constant 1 : i32
      %ge3A_283 = arith.cmpi sge, %scan3A_230, %ge3A_282 : i32
      %convert_element_type3A_284 = arith.extui %ge3A_283 : i1 to i32
      %cond3A_285 = arith.constant 0 : i32
      %cond3A_286 = arith.cmpi ne, %convert_element_type3A_284, %cond3A_285 : i32
      scf.if %cond3A_286 {
        %dma_wait3A_413 = arith.constant 0 : i32
        %dma_wait3A_414 = arith.constant 0 : i32
        %dma_wait3A_415 = arith.constant 0 : i32
        %dma_wait3A_416 = tpu.memref_slice %arg8[%dma_wait3A_413, %dma_wait3A_414, %dma_wait3A_415] : memref<4x128x64xf32, #tpu.memory_space<vmem>> -> memref<1x128x64xf32, #tpu.memory_space<vmem>>
        %dma_wait3A_417 = tpu.memref_squeeze %dma_wait3A_416 : memref<1x128x64xf32, #tpu.memory_space<vmem>> -> memref<128x64xf32, #tpu.memory_space<vmem>>
        %dma_wait3A_418 = arith.constant 0 : i32
        %dma_wait3A_419 = arith.constant 0 : i32
        %dma_wait3A_420 = tpu.memref_slice %arg2[%dma_wait3A_418, %dma_wait3A_419] : memref<10240x64xf32, #tpu.memory_space<hbm>> -> memref<128x64xf32, #tpu.memory_space<hbm>>
        %dma_wait3A_421 = arith.constant 0 : i32
        %dma_wait3A_422 = arith.constant 0 : i32
        %dma_wait3A_423 = tpu.memref_slice %arg8[%dma_wait3A_413, %dma_wait3A_421, %dma_wait3A_422] : memref<4x128x64xf32, #tpu.memory_space<vmem>> -> memref<1x128x64xf32, #tpu.memory_space<vmem>>
        %dma_wait3A_424 = tpu.memref_squeeze %dma_wait3A_423 : memref<1x128x64xf32, #tpu.memory_space<vmem>> -> memref<128x64xf32, #tpu.memory_space<vmem>>
        %dma_wait3A_425 = arith.constant 0 : i32
        %dma_wait3A_426 = arith.constant 0 : i32
        %dma_wait3A_427 = tpu.memref_slice %arg2[%dma_wait3A_425, %dma_wait3A_426] : memref<10240x64xf32, #tpu.memory_space<hbm>> -> memref<128x64xf32, #tpu.memory_space<hbm>>
        tpu.wait_dma2 semaphore(%arg16 : memref<!tpu.dma_semaphore, #tpu.memory_space<semaphore_mem>>) src(%dma_wait3A_427 : memref<128x64xf32, #tpu.memory_space<hbm>>) dst(%dma_wait3A_424 : memref<128x64xf32, #tpu.memory_space<vmem>>)
      } else {
      }
      %add3A_287 = arith.constant 1 : i32
      %add3A_288 = arith.addi %add3A_281, %add3A_287 : i32
      %dma_start3A_289 = arith.constant 0 : i32
      %dma_start3A_290 = arith.constant 2 : i32
      %dma_start3A_291 = arith.constant 0 : i32
      %dma_start3A_292 = arith.constant 0 : i32
      %dma_start3A_293 = tpu.memref_slice %arg8[%dma_start3A_290, %dma_start3A_291, %dma_start3A_292] : memref<4x128x64xf32, #tpu.memory_space<vmem>> -> memref<1x128x64xf32, #tpu.memory_space<vmem>>
      %dma_start3A_294 = tpu.memref_squeeze %dma_start3A_293 : memref<1x128x64xf32, #tpu.memory_space<vmem>> -> memref<128x64xf32, #tpu.memory_space<vmem>>
      %dma_start3A_295 = arith.constant 0 : i32
      %dma_start3A_296 = tpu.memref_slice %arg7[%add3A_288, %dma_start3A_289, %dma_start3A_295] : memref<80x2x128xi32, #tpu.memory_space<vmem>> -> memref<1x1x128xi32, #tpu.memory_space<vmem>>
      %dma_start3A_297 = tpu.memref_squeeze %dma_start3A_296 : memref<1x1x128xi32, #tpu.memory_space<vmem>> -> memref<128xi32, #tpu.memory_space<vmem>>
      %dma_start3A_298 = arith.constant 0 : i32
      %dma_start3A_299 = arith.constant 0 : i32
      %dma_start3A_300 = tpu.memref_slice %arg2[%dma_start3A_298, %dma_start3A_299] : memref<10240x64xf32, #tpu.memory_space<hbm>> -> memref<10240x64xf32, #tpu.memory_space<hbm>>
      tpu.enqueue_indirect_dma source(%dma_start3A_300 : memref<10240x64xf32, #tpu.memory_space<hbm>>) target(%dma_start3A_294 : memref<128x64xf32, #tpu.memory_space<vmem>>) offsets(%dma_start3A_297 : memref<128xi32, #tpu.memory_space<vmem>>) semaphore(%arg12 : memref<!tpu.dma_semaphore, #tpu.memory_space<semaphore_mem>>)
      %dma_wait3A_301 = arith.constant 0 : i32
      %dma_wait3A_302 = arith.constant 0 : i32
      %dma_wait3A_303 = arith.constant 0 : i32
      %dma_wait3A_304 = tpu.memref_slice %arg8[%dma_wait3A_301, %dma_wait3A_302, %dma_wait3A_303] : memref<4x128x64xf32, #tpu.memory_space<vmem>> -> memref<1x128x64xf32, #tpu.memory_space<vmem>>
      %dma_wait3A_305 = tpu.memref_squeeze %dma_wait3A_304 : memref<1x128x64xf32, #tpu.memory_space<vmem>> -> memref<128x64xf32, #tpu.memory_space<vmem>>
      %dma_wait3A_306 = arith.constant 0 : i32
      %dma_wait3A_307 = arith.constant 0 : i32
      %dma_wait3A_308 = tpu.memref_slice %arg2[%dma_wait3A_306, %dma_wait3A_307] : memref<10240x64xf32, #tpu.memory_space<hbm>> -> memref<128x64xf32, #tpu.memory_space<hbm>>
      %dma_wait3A_309 = arith.constant 0 : i32
      %dma_wait3A_310 = arith.constant 0 : i32
      %dma_wait3A_311 = tpu.memref_slice %arg8[%dma_wait3A_301, %dma_wait3A_309, %dma_wait3A_310] : memref<4x128x64xf32, #tpu.memory_space<vmem>> -> memref<1x128x64xf32, #tpu.memory_space<vmem>>
      %dma_wait3A_312 = tpu.memref_squeeze %dma_wait3A_311 : memref<1x128x64xf32, #tpu.memory_space<vmem>> -> memref<128x64xf32, #tpu.memory_space<vmem>>
      %dma_wait3A_313 = arith.constant 0 : i32
      %dma_wait3A_314 = arith.constant 0 : i32
      %dma_wait3A_315 = tpu.memref_slice %arg2[%dma_wait3A_313, %dma_wait3A_314] : memref<10240x64xf32, #tpu.memory_space<hbm>> -> memref<128x64xf32, #tpu.memory_space<hbm>>
      tpu.wait_dma2 semaphore(%arg11 : memref<!tpu.dma_semaphore, #tpu.memory_space<semaphore_mem>>) src(%dma_wait3A_315 : memref<128x64xf32, #tpu.memory_space<hbm>>) dst(%dma_wait3A_312 : memref<128x64xf32, #tpu.memory_space<vmem>>)
      %dma_start3A_316 = arith.constant 1 : i32
      %dma_start3A_317 = arith.constant 1 : i32
      %dma_start3A_318 = arith.constant 0 : i32
      %dma_start3A_319 = arith.constant 0 : i32
      %dma_start3A_320 = tpu.memref_slice %arg8[%dma_start3A_316, %dma_start3A_318, %dma_start3A_319] : memref<4x128x64xf32, #tpu.memory_space<vmem>> -> memref<1x128x64xf32, #tpu.memory_space<vmem>>
      %dma_start3A_321 = tpu.memref_squeeze %dma_start3A_320 : memref<1x128x64xf32, #tpu.memory_space<vmem>> -> memref<128x64xf32, #tpu.memory_space<vmem>>
      %dma_start3A_322 = arith.constant 0 : i32
      %dma_start3A_323 = tpu.memref_slice %arg7[%add3A_281, %dma_start3A_317, %dma_start3A_322] : memref<80x2x128xi32, #tpu.memory_space<vmem>> -> memref<1x1x128xi32, #tpu.memory_space<vmem>>
      %dma_start3A_324 = tpu.memref_squeeze %dma_start3A_323 : memref<1x1x128xi32, #tpu.memory_space<vmem>> -> memref<128xi32, #tpu.memory_space<vmem>>
      %dma_start3A_325 = arith.constant 0 : i32
      %dma_start3A_326 = arith.constant 0 : i32
      %dma_start3A_327 = tpu.memref_slice %arg9[%dma_start3A_325, %dma_start3A_326] : memref<10240x64xf32, #tpu.memory_space<vmem_shared>> -> memref<10240x64xf32, #tpu.memory_space<vmem_shared>>
      tpu.enqueue_indirect_dma source(%dma_start3A_321 : memref<128x64xf32, #tpu.memory_space<vmem>>) target(%dma_start3A_327 : memref<10240x64xf32, #tpu.memory_space<vmem_shared>>) offsets(%dma_start3A_324 : memref<128xi32, #tpu.memory_space<vmem>>) semaphore(%arg15 : memref<!tpu.dma_semaphore, #tpu.memory_space<semaphore_mem>>) {add = true}
      %mul3A_328 = arith.constant 4 : i32
      %mul3A_329 = arith.muli %scan3A_230, %mul3A_328 : i32
      %add3A_330 = arith.constant 2 : i32
      %add3A_331 = arith.addi %mul3A_329, %add3A_330 : i32
      %ge3A_332 = arith.constant 1 : i32
      %ge3A_333 = arith.cmpi sge, %scan3A_230, %ge3A_332 : i32
      %convert_element_type3A_334 = arith.extui %ge3A_333 : i1 to i32
      %cond3A_335 = arith.constant 0 : i32
      %cond3A_336 = arith.cmpi ne, %convert_element_type3A_334, %cond3A_335 : i32
      scf.if %cond3A_336 {
        %dma_wait3A_413 = arith.constant 0 : i32
        %dma_wait3A_414 = arith.constant 0 : i32
        %dma_wait3A_415 = arith.constant 0 : i32
        %dma_wait3A_416 = tpu.memref_slice %arg8[%dma_wait3A_413, %dma_wait3A_414, %dma_wait3A_415] : memref<4x128x64xf32, #tpu.memory_space<vmem>> -> memref<1x128x64xf32, #tpu.memory_space<vmem>>
        %dma_wait3A_417 = tpu.memref_squeeze %dma_wait3A_416 : memref<1x128x64xf32, #tpu.memory_space<vmem>> -> memref<128x64xf32, #tpu.memory_space<vmem>>
        %dma_wait3A_418 = arith.constant 0 : i32
        %dma_wait3A_419 = arith.constant 0 : i32
        %dma_wait3A_420 = tpu.memref_slice %arg2[%dma_wait3A_418, %dma_wait3A_419] : memref<10240x64xf32, #tpu.memory_space<hbm>> -> memref<128x64xf32, #tpu.memory_space<hbm>>
        %dma_wait3A_421 = arith.constant 0 : i32
        %dma_wait3A_422 = arith.constant 0 : i32
        %dma_wait3A_423 = tpu.memref_slice %arg8[%dma_wait3A_413, %dma_wait3A_421, %dma_wait3A_422] : memref<4x128x64xf32, #tpu.memory_space<vmem>> -> memref<1x128x64xf32, #tpu.memory_space<vmem>>
        %dma_wait3A_424 = tpu.memref_squeeze %dma_wait3A_423 : memref<1x128x64xf32, #tpu.memory_space<vmem>> -> memref<128x64xf32, #tpu.memory_space<vmem>>
        %dma_wait3A_425 = arith.constant 0 : i32
        %dma_wait3A_426 = arith.constant 0 : i32
        %dma_wait3A_427 = tpu.memref_slice %arg2[%dma_wait3A_425, %dma_wait3A_426] : memref<10240x64xf32, #tpu.memory_space<hbm>> -> memref<128x64xf32, #tpu.memory_space<hbm>>
        tpu.wait_dma2 semaphore(%arg17 : memref<!tpu.dma_semaphore, #tpu.memory_space<semaphore_mem>>) src(%dma_wait3A_427 : memref<128x64xf32, #tpu.memory_space<hbm>>) dst(%dma_wait3A_424 : memref<128x64xf32, #tpu.memory_space<vmem>>)
      } else {
      }
      %add3A_337 = arith.constant 1 : i32
      %add3A_338 = arith.addi %add3A_331, %add3A_337 : i32
      %dma_start3A_339 = arith.constant 0 : i32
      %dma_start3A_340 = arith.constant 3 : i32
      %dma_start3A_341 = arith.constant 0 : i32
      %dma_start3A_342 = arith.constant 0 : i32
      %dma_start3A_343 = tpu.memref_slice %arg8[%dma_start3A_340, %dma_start3A_341, %dma_start3A_342] : memref<4x128x64xf32, #tpu.memory_space<vmem>> -> memref<1x128x64xf32, #tpu.memory_space<vmem>>
      %dma_start3A_344 = tpu.memref_squeeze %dma_start3A_343 : memref<1x128x64xf32, #tpu.memory_space<vmem>> -> memref<128x64xf32, #tpu.memory_space<vmem>>
      %dma_start3A_345 = arith.constant 0 : i32
      %dma_start3A_346 = tpu.memref_slice %arg7[%add3A_338, %dma_start3A_339, %dma_start3A_345] : memref<80x2x128xi32, #tpu.memory_space<vmem>> -> memref<1x1x128xi32, #tpu.memory_space<vmem>>
      %dma_start3A_347 = tpu.memref_squeeze %dma_start3A_346 : memref<1x1x128xi32, #tpu.memory_space<vmem>> -> memref<128xi32, #tpu.memory_space<vmem>>
      %dma_start3A_348 = arith.constant 0 : i32
      %dma_start3A_349 = arith.constant 0 : i32
      %dma_start3A_350 = tpu.memref_slice %arg2[%dma_start3A_348, %dma_start3A_349] : memref<10240x64xf32, #tpu.memory_space<hbm>> -> memref<10240x64xf32, #tpu.memory_space<hbm>>
      tpu.enqueue_indirect_dma source(%dma_start3A_350 : memref<10240x64xf32, #tpu.memory_space<hbm>>) target(%dma_start3A_344 : memref<128x64xf32, #tpu.memory_space<vmem>>) offsets(%dma_start3A_347 : memref<128xi32, #tpu.memory_space<vmem>>) semaphore(%arg13 : memref<!tpu.dma_semaphore, #tpu.memory_space<semaphore_mem>>)
      %dma_wait3A_351 = arith.constant 0 : i32
      %dma_wait3A_352 = arith.constant 0 : i32
      %dma_wait3A_353 = arith.constant 0 : i32
      %dma_wait3A_354 = tpu.memref_slice %arg8[%dma_wait3A_351, %dma_wait3A_352, %dma_wait3A_353] : memref<4x128x64xf32, #tpu.memory_space<vmem>> -> memref<1x128x64xf32, #tpu.memory_space<vmem>>
      %dma_wait3A_355 = tpu.memref_squeeze %dma_wait3A_354 : memref<1x128x64xf32, #tpu.memory_space<vmem>> -> memref<128x64xf32, #tpu.memory_space<vmem>>
      %dma_wait3A_356 = arith.constant 0 : i32
      %dma_wait3A_357 = arith.constant 0 : i32
      %dma_wait3A_358 = tpu.memref_slice %arg2[%dma_wait3A_356, %dma_wait3A_357] : memref<10240x64xf32, #tpu.memory_space<hbm>> -> memref<128x64xf32, #tpu.memory_space<hbm>>
      %dma_wait3A_359 = arith.constant 0 : i32
      %dma_wait3A_360 = arith.constant 0 : i32
      %dma_wait3A_361 = tpu.memref_slice %arg8[%dma_wait3A_351, %dma_wait3A_359, %dma_wait3A_360] : memref<4x128x64xf32, #tpu.memory_space<vmem>> -> memref<1x128x64xf32, #tpu.memory_space<vmem>>
      %dma_wait3A_362 = tpu.memref_squeeze %dma_wait3A_361 : memref<1x128x64xf32, #tpu.memory_space<vmem>> -> memref<128x64xf32, #tpu.memory_space<vmem>>
      %dma_wait3A_363 = arith.constant 0 : i32
      %dma_wait3A_364 = arith.constant 0 : i32
      %dma_wait3A_365 = tpu.memref_slice %arg2[%dma_wait3A_363, %dma_wait3A_364] : memref<10240x64xf32, #tpu.memory_space<hbm>> -> memref<128x64xf32, #tpu.memory_space<hbm>>
      tpu.wait_dma2 semaphore(%arg12 : memref<!tpu.dma_semaphore, #tpu.memory_space<semaphore_mem>>) src(%dma_wait3A_365 : memref<128x64xf32, #tpu.memory_space<hbm>>) dst(%dma_wait3A_362 : memref<128x64xf32, #tpu.memory_space<vmem>>)
      %dma_start3A_366 = arith.constant 2 : i32
      %dma_start3A_367 = arith.constant 1 : i32
      %dma_start3A_368 = arith.constant 0 : i32
      %dma_start3A_369 = arith.constant 0 : i32
      %dma_start3A_370 = tpu.memref_slice %arg8[%dma_start3A_366, %dma_start3A_368, %dma_start3A_369] : memref<4x128x64xf32, #tpu.memory_space<vmem>> -> memref<1x128x64xf32, #tpu.memory_space<vmem>>
      %dma_start3A_371 = tpu.memref_squeeze %dma_start3A_370 : memref<1x128x64xf32, #tpu.memory_space<vmem>> -> memref<128x64xf32, #tpu.memory_space<vmem>>
      %dma_start3A_372 = arith.constant 0 : i32
      %dma_start3A_373 = tpu.memref_slice %arg7[%add3A_331, %dma_start3A_367, %dma_start3A_372] : memref<80x2x128xi32, #tpu.memory_space<vmem>> -> memref<1x1x128xi32, #tpu.memory_space<vmem>>
      %dma_start3A_374 = tpu.memref_squeeze %dma_start3A_373 : memref<1x1x128xi32, #tpu.memory_space<vmem>> -> memref<128xi32, #tpu.memory_space<vmem>>
      %dma_start3A_375 = arith.constant 0 : i32
      %dma_start3A_376 = arith.constant 0 : i32
      %dma_start3A_377 = tpu.memref_slice %arg9[%dma_start3A_375, %dma_start3A_376] : memref<10240x64xf32, #tpu.memory_space<vmem_shared>> -> memref<10240x64xf32, #tpu.memory_space<vmem_shared>>
      tpu.enqueue_indirect_dma source(%dma_start3A_371 : memref<128x64xf32, #tpu.memory_space<vmem>>) target(%dma_start3A_377 : memref<10240x64xf32, #tpu.memory_space<vmem_shared>>) offsets(%dma_start3A_374 : memref<128xi32, #tpu.memory_space<vmem>>) semaphore(%arg16 : memref<!tpu.dma_semaphore, #tpu.memory_space<semaphore_mem>>) {add = true}
      %mul3A_378 = arith.constant 4 : i32
      %mul3A_379 = arith.muli %scan3A_230, %mul3A_378 : i32
      %add3A_380 = arith.constant 3 : i32
      %add3A_381 = arith.addi %mul3A_379, %add3A_380 : i32
      %le3A = arith.constant 18 : i32
      %le3A_382 = arith.cmpi sle, %scan3A_230, %le3A : i32
      %convert_element_type3A_383 = arith.extui %le3A_382 : i1 to i32
      %cond3A_384 = arith.constant 0 : i32
      %cond3A_385 = arith.cmpi ne, %convert_element_type3A_383, %cond3A_384 : i32
      scf.if %cond3A_385 {
        %dma_wait3A_413 = arith.constant 0 : i32
        %dma_wait3A_414 = arith.constant 0 : i32
        %dma_wait3A_415 = arith.constant 0 : i32
        %dma_wait3A_416 = tpu.memref_slice %arg8[%dma_wait3A_413, %dma_wait3A_414, %dma_wait3A_415] : memref<4x128x64xf32, #tpu.memory_space<vmem>> -> memref<1x128x64xf32, #tpu.memory_space<vmem>>
        %dma_wait3A_417 = tpu.memref_squeeze %dma_wait3A_416 : memref<1x128x64xf32, #tpu.memory_space<vmem>> -> memref<128x64xf32, #tpu.memory_space<vmem>>
        %dma_wait3A_418 = arith.constant 0 : i32
        %dma_wait3A_419 = arith.constant 0 : i32
        %dma_wait3A_420 = tpu.memref_slice %arg2[%dma_wait3A_418, %dma_wait3A_419] : memref<10240x64xf32, #tpu.memory_space<hbm>> -> memref<128x64xf32, #tpu.memory_space<hbm>>
        %dma_wait3A_421 = arith.constant 0 : i32
        %dma_wait3A_422 = arith.constant 0 : i32
        %dma_wait3A_423 = tpu.memref_slice %arg8[%dma_wait3A_413, %dma_wait3A_421, %dma_wait3A_422] : memref<4x128x64xf32, #tpu.memory_space<vmem>> -> memref<1x128x64xf32, #tpu.memory_space<vmem>>
        %dma_wait3A_424 = tpu.memref_squeeze %dma_wait3A_423 : memref<1x128x64xf32, #tpu.memory_space<vmem>> -> memref<128x64xf32, #tpu.memory_space<vmem>>
        %dma_wait3A_425 = arith.constant 0 : i32
        %dma_wait3A_426 = arith.constant 0 : i32
        %dma_wait3A_427 = tpu.memref_slice %arg2[%dma_wait3A_425, %dma_wait3A_426] : memref<10240x64xf32, #tpu.memory_space<hbm>> -> memref<128x64xf32, #tpu.memory_space<hbm>>
        tpu.wait_dma2 semaphore(%arg14 : memref<!tpu.dma_semaphore, #tpu.memory_space<semaphore_mem>>) src(%dma_wait3A_427 : memref<128x64xf32, #tpu.memory_space<hbm>>) dst(%dma_wait3A_424 : memref<128x64xf32, #tpu.memory_space<vmem>>)
        %add3A_428 = arith.constant 1 : i32
        %add3A_429 = arith.addi %add3A_381, %add3A_428 : i32
        %dma_start3A_430 = arith.constant 0 : i32
        %dma_start3A_431 = arith.constant 0 : i32
        %dma_start3A_432 = arith.constant 0 : i32
        %dma_start3A_433 = arith.constant 0 : i32
        %dma_start3A_434 = tpu.memref_slice %arg8[%dma_start3A_431, %dma_start3A_432, %dma_start3A_433] : memref<4x128x64xf32, #tpu.memory_space<vmem>> -> memref<1x128x64xf32, #tpu.memory_space<vmem>>
        %dma_start3A_435 = tpu.memref_squeeze %dma_start3A_434 : memref<1x128x64xf32, #tpu.memory_space<vmem>> -> memref<128x64xf32, #tpu.memory_space<vmem>>
        %dma_start3A_436 = arith.constant 0 : i32
        %dma_start3A_437 = tpu.memref_slice %arg7[%add3A_429, %dma_start3A_430, %dma_start3A_436] : memref<80x2x128xi32, #tpu.memory_space<vmem>> -> memref<1x1x128xi32, #tpu.memory_space<vmem>>
        %dma_start3A_438 = tpu.memref_squeeze %dma_start3A_437 : memref<1x1x128xi32, #tpu.memory_space<vmem>> -> memref<128xi32, #tpu.memory_space<vmem>>
        %dma_start3A_439 = arith.constant 0 : i32
        %dma_start3A_440 = arith.constant 0 : i32
        %dma_start3A_441 = tpu.memref_slice %arg2[%dma_start3A_439, %dma_start3A_440] : memref<10240x64xf32, #tpu.memory_space<hbm>> -> memref<10240x64xf32, #tpu.memory_space<hbm>>
        tpu.enqueue_indirect_dma source(%dma_start3A_441 : memref<10240x64xf32, #tpu.memory_space<hbm>>) target(%dma_start3A_435 : memref<128x64xf32, #tpu.memory_space<vmem>>) offsets(%dma_start3A_438 : memref<128xi32, #tpu.memory_space<vmem>>) semaphore(%arg10 : memref<!tpu.dma_semaphore, #tpu.memory_space<semaphore_mem>>)
      } else {
      }
      %dma_wait3A_386 = arith.constant 0 : i32
      %dma_wait3A_387 = arith.constant 0 : i32
      %dma_wait3A_388 = arith.constant 0 : i32
      %dma_wait3A_389 = tpu.memref_slice %arg8[%dma_wait3A_386, %dma_wait3A_387, %dma_wait3A_388] : memref<4x128x64xf32, #tpu.memory_space<vmem>> -> memref<1x128x64xf32, #tpu.memory_space<vmem>>
      %dma_wait3A_390 = tpu.memref_squeeze %dma_wait3A_389 : memref<1x128x64xf32, #tpu.memory_space<vmem>> -> memref<128x64xf32, #tpu.memory_space<vmem>>
      %dma_wait3A_391 = arith.constant 0 : i32
      %dma_wait3A_392 = arith.constant 0 : i32
      %dma_wait3A_393 = tpu.memref_slice %arg2[%dma_wait3A_391, %dma_wait3A_392] : memref<10240x64xf32, #tpu.memory_space<hbm>> -> memref<128x64xf32, #tpu.memory_space<hbm>>
      %dma_wait3A_394 = arith.constant 0 : i32
      %dma_wait3A_395 = arith.constant 0 : i32
      %dma_wait3A_396 = tpu.memref_slice %arg8[%dma_wait3A_386, %dma_wait3A_394, %dma_wait3A_395] : memref<4x128x64xf32, #tpu.memory_space<vmem>> -> memref<1x128x64xf32, #tpu.memory_space<vmem>>
      %dma_wait3A_397 = tpu.memref_squeeze %dma_wait3A_396 : memref<1x128x64xf32, #tpu.memory_space<vmem>> -> memref<128x64xf32, #tpu.memory_space<vmem>>
      %dma_wait3A_398 = arith.constant 0 : i32
      %dma_wait3A_399 = arith.constant 0 : i32
      %dma_wait3A_400 = tpu.memref_slice %arg2[%dma_wait3A_398, %dma_wait3A_399] : memref<10240x64xf32, #tpu.memory_space<hbm>> -> memref<128x64xf32, #tpu.memory_space<hbm>>
      tpu.wait_dma2 semaphore(%arg13 : memref<!tpu.dma_semaphore, #tpu.memory_space<semaphore_mem>>) src(%dma_wait3A_400 : memref<128x64xf32, #tpu.memory_space<hbm>>) dst(%dma_wait3A_397 : memref<128x64xf32, #tpu.memory_space<vmem>>)
      %dma_start3A_401 = arith.constant 3 : i32
      %dma_start3A_402 = arith.constant 1 : i32
      %dma_start3A_403 = arith.constant 0 : i32
      %dma_start3A_404 = arith.constant 0 : i32
      %dma_start3A_405 = tpu.memref_slice %arg8[%dma_start3A_401, %dma_start3A_403, %dma_start3A_404] : memref<4x128x64xf32, #tpu.memory_space<vmem>> -> memref<1x128x64xf32, #tpu.memory_space<vmem>>
      %dma_start3A_406 = tpu.memref_squeeze %dma_start3A_405 : memref<1x128x64xf32, #tpu.memory_space<vmem>> -> memref<128x64xf32, #tpu.memory_space<vmem>>
      %dma_start3A_407 = arith.constant 0 : i32
      %dma_start3A_408 = tpu.memref_slice %arg7[%add3A_381, %dma_start3A_402, %dma_start3A_407] : memref<80x2x128xi32, #tpu.memory_space<vmem>> -> memref<1x1x128xi32, #tpu.memory_space<vmem>>
      %dma_start3A_409 = tpu.memref_squeeze %dma_start3A_408 : memref<1x1x128xi32, #tpu.memory_space<vmem>> -> memref<128xi32, #tpu.memory_space<vmem>>
      %dma_start3A_410 = arith.constant 0 : i32
      %dma_start3A_411 = arith.constant 0 : i32
      %dma_start3A_412 = tpu.memref_slice %arg9[%dma_start3A_410, %dma_start3A_411] : memref<10240x64xf32, #tpu.memory_space<vmem_shared>> -> memref<10240x64xf32, #tpu.memory_space<vmem_shared>>
      tpu.enqueue_indirect_dma source(%dma_start3A_406 : memref<128x64xf32, #tpu.memory_space<vmem>>) target(%dma_start3A_412 : memref<10240x64xf32, #tpu.memory_space<vmem_shared>>) offsets(%dma_start3A_409 : memref<128xi32, #tpu.memory_space<vmem>>) semaphore(%arg17 : memref<!tpu.dma_semaphore, #tpu.memory_space<semaphore_mem>>) {add = true}
    }
    %scan3A_49 = arith.constant 20 : i32
    %dma_wait3A = arith.constant 0 : i32
    %dma_wait3A_50 = arith.constant 0 : i32
    %dma_wait3A_51 = arith.constant 0 : i32
    %dma_wait3A_52 = tpu.memref_slice %arg8[%dma_wait3A, %dma_wait3A_50, %dma_wait3A_51] : memref<4x128x64xf32, #tpu.memory_space<vmem>> -> memref<1x128x64xf32, #tpu.memory_space<vmem>>
    %dma_wait3A_53 = tpu.memref_squeeze %dma_wait3A_52 : memref<1x128x64xf32, #tpu.memory_space<vmem>> -> memref<128x64xf32, #tpu.memory_space<vmem>>
    %dma_wait3A_54 = arith.constant 0 : i32
    %dma_wait3A_55 = arith.constant 0 : i32
    %dma_wait3A_56 = tpu.memref_slice %arg2[%dma_wait3A_54, %dma_wait3A_55] : memref<10240x64xf32, #tpu.memory_space<hbm>> -> memref<128x64xf32, #tpu.memory_space<hbm>>
    %dma_wait3A_57 = arith.constant 0 : i32
    %dma_wait3A_58 = arith.constant 0 : i32
    %dma_wait3A_59 = tpu.memref_slice %arg8[%dma_wait3A, %dma_wait3A_57, %dma_wait3A_58] : memref<4x128x64xf32, #tpu.memory_space<vmem>> -> memref<1x128x64xf32, #tpu.memory_space<vmem>>
    %dma_wait3A_60 = tpu.memref_squeeze %dma_wait3A_59 : memref<1x128x64xf32, #tpu.memory_space<vmem>> -> memref<128x64xf32, #tpu.memory_space<vmem>>
    %dma_wait3A_61 = arith.constant 0 : i32
    %dma_wait3A_62 = arith.constant 0 : i32
    %dma_wait3A_63 = tpu.memref_slice %arg2[%dma_wait3A_61, %dma_wait3A_62] : memref<10240x64xf32, #tpu.memory_space<hbm>> -> memref<128x64xf32, #tpu.memory_space<hbm>>
    tpu.wait_dma2 semaphore(%arg14 : memref<!tpu.dma_semaphore, #tpu.memory_space<semaphore_mem>>) src(%dma_wait3A_63 : memref<128x64xf32, #tpu.memory_space<hbm>>) dst(%dma_wait3A_60 : memref<128x64xf32, #tpu.memory_space<vmem>>)
    %dma_wait3A_64 = arith.constant 0 : i32
    %dma_wait3A_65 = arith.constant 0 : i32
    %dma_wait3A_66 = arith.constant 0 : i32
    %dma_wait3A_67 = tpu.memref_slice %arg8[%dma_wait3A_64, %dma_wait3A_65, %dma_wait3A_66] : memref<4x128x64xf32, #tpu.memory_space<vmem>> -> memref<1x128x64xf32, #tpu.memory_space<vmem>>
    %dma_wait3A_68 = tpu.memref_squeeze %dma_wait3A_67 : memref<1x128x64xf32, #tpu.memory_space<vmem>> -> memref<128x64xf32, #tpu.memory_space<vmem>>
    %dma_wait3A_69 = arith.constant 0 : i32
    %dma_wait3A_70 = arith.constant 0 : i32
    %dma_wait3A_71 = tpu.memref_slice %arg2[%dma_wait3A_69, %dma_wait3A_70] : memref<10240x64xf32, #tpu.memory_space<hbm>> -> memref<128x64xf32, #tpu.memory_space<hbm>>
    %dma_wait3A_72 = arith.constant 0 : i32
    %dma_wait3A_73 = arith.constant 0 : i32
    %dma_wait3A_74 = tpu.memref_slice %arg8[%dma_wait3A_64, %dma_wait3A_72, %dma_wait3A_73] : memref<4x128x64xf32, #tpu.memory_space<vmem>> -> memref<1x128x64xf32, #tpu.memory_space<vmem>>
    %dma_wait3A_75 = tpu.memref_squeeze %dma_wait3A_74 : memref<1x128x64xf32, #tpu.memory_space<vmem>> -> memref<128x64xf32, #tpu.memory_space<vmem>>
    %dma_wait3A_76 = arith.constant 0 : i32
    %dma_wait3A_77 = arith.constant 0 : i32
    %dma_wait3A_78 = tpu.memref_slice %arg2[%dma_wait3A_76, %dma_wait3A_77] : memref<10240x64xf32, #tpu.memory_space<hbm>> -> memref<128x64xf32, #tpu.memory_space<hbm>>
    tpu.wait_dma2 semaphore(%arg15 : memref<!tpu.dma_semaphore, #tpu.memory_space<semaphore_mem>>) src(%dma_wait3A_78 : memref<128x64xf32, #tpu.memory_space<hbm>>) dst(%dma_wait3A_75 : memref<128x64xf32, #tpu.memory_space<vmem>>)
    %dma_wait3A_79 = arith.constant 0 : i32
    %dma_wait3A_80 = arith.constant 0 : i32
    %dma_wait3A_81 = arith.constant 0 : i32
    %dma_wait3A_82 = tpu.memref_slice %arg8[%dma_wait3A_79, %dma_wait3A_80, %dma_wait3A_81] : memref<4x128x64xf32, #tpu.memory_space<vmem>> -> memref<1x128x64xf32, #tpu.memory_space<vmem>>
    %dma_wait3A_83 = tpu.memref_squeeze %dma_wait3A_82 : memref<1x128x64xf32, #tpu.memory_space<vmem>> -> memref<128x64xf32, #tpu.memory_space<vmem>>
    %dma_wait3A_84 = arith.constant 0 : i32
    %dma_wait3A_85 = arith.constant 0 : i32
    %dma_wait3A_86 = tpu.memref_slice %arg2[%dma_wait3A_84, %dma_wait3A_85] : memref<10240x64xf32, #tpu.memory_space<hbm>> -> memref<128x64xf32, #tpu.memory_space<hbm>>
    %dma_wait3A_87 = arith.constant 0 : i32
    %dma_wait3A_88 = arith.constant 0 : i32
    %dma_wait3A_89 = tpu.memref_slice %arg8[%dma_wait3A_79, %dma_wait3A_87, %dma_wait3A_88] : memref<4x128x64xf32, #tpu.memory_space<vmem>> -> memref<1x128x64xf32, #tpu.memory_space<vmem>>
    %dma_wait3A_90 = tpu.memref_squeeze %dma_wait3A_89 : memref<1x128x64xf32, #tpu.memory_space<vmem>> -> memref<128x64xf32, #tpu.memory_space<vmem>>
    %dma_wait3A_91 = arith.constant 0 : i32
    %dma_wait3A_92 = arith.constant 0 : i32
    %dma_wait3A_93 = tpu.memref_slice %arg2[%dma_wait3A_91, %dma_wait3A_92] : memref<10240x64xf32, #tpu.memory_space<hbm>> -> memref<128x64xf32, #tpu.memory_space<hbm>>
    tpu.wait_dma2 semaphore(%arg16 : memref<!tpu.dma_semaphore, #tpu.memory_space<semaphore_mem>>) src(%dma_wait3A_93 : memref<128x64xf32, #tpu.memory_space<hbm>>) dst(%dma_wait3A_90 : memref<128x64xf32, #tpu.memory_space<vmem>>)
    %dma_wait3A_94 = arith.constant 0 : i32
    %dma_wait3A_95 = arith.constant 0 : i32
    %dma_wait3A_96 = arith.constant 0 : i32
    %dma_wait3A_97 = tpu.memref_slice %arg8[%dma_wait3A_94, %dma_wait3A_95, %dma_wait3A_96] : memref<4x128x64xf32, #tpu.memory_space<vmem>> -> memref<1x128x64xf32, #tpu.memory_space<vmem>>
    %dma_wait3A_98 = tpu.memref_squeeze %dma_wait3A_97 : memref<1x128x64xf32, #tpu.memory_space<vmem>> -> memref<128x64xf32, #tpu.memory_space<vmem>>
    %dma_wait3A_99 = arith.constant 0 : i32
    %dma_wait3A_100 = arith.constant 0 : i32
    %dma_wait3A_101 = tpu.memref_slice %arg2[%dma_wait3A_99, %dma_wait3A_100] : memref<10240x64xf32, #tpu.memory_space<hbm>> -> memref<128x64xf32, #tpu.memory_space<hbm>>
    %dma_wait3A_102 = arith.constant 0 : i32
    %dma_wait3A_103 = arith.constant 0 : i32
    %dma_wait3A_104 = tpu.memref_slice %arg8[%dma_wait3A_94, %dma_wait3A_102, %dma_wait3A_103] : memref<4x128x64xf32, #tpu.memory_space<vmem>> -> memref<1x128x64xf32, #tpu.memory_space<vmem>>
    %dma_wait3A_105 = tpu.memref_squeeze %dma_wait3A_104 : memref<1x128x64xf32, #tpu.memory_space<vmem>> -> memref<128x64xf32, #tpu.memory_space<vmem>>
    %dma_wait3A_106 = arith.constant 0 : i32
    %dma_wait3A_107 = arith.constant 0 : i32
    %dma_wait3A_108 = tpu.memref_slice %arg2[%dma_wait3A_106, %dma_wait3A_107] : memref<10240x64xf32, #tpu.memory_space<hbm>> -> memref<128x64xf32, #tpu.memory_space<hbm>>
    tpu.wait_dma2 semaphore(%arg17 : memref<!tpu.dma_semaphore, #tpu.memory_space<semaphore_mem>>) src(%dma_wait3A_108 : memref<128x64xf32, #tpu.memory_space<hbm>>) dst(%dma_wait3A_105 : memref<128x64xf32, #tpu.memory_space<vmem>>)
    %barrier3A_109 = arith.constant 0 : index
    tpu.barrier barrier_id(%barrier3A_109)
    %mul3A_110 = arith.constant 640 : i32
    %mul3A_111 = arith.muli %arg1, %mul3A_110 : i32
    %mul3A_112 = arith.constant 640 : i32
    %mul3A_113 = arith.muli %arg1, %mul3A_112 : i32
    "tpu.region"() ({
      %run_scoped3A_230 = tpu.sem_alloc : memref<!tpu.dma_semaphore, #tpu.memory_space<semaphore_mem>>
      %dma_start3A_231 = arith.constant 0 : i32
      %dma_start3A_232 = arith.constant 0 : i32
      %dma_start3A_233 = tpu.memref_slice %arg5[%arg0, %dma_start3A_231, %dma_start3A_232] : memref<2x10240x64xf32, #tpu.memory_space<hbm>> -> memref<1x10240x64xf32, #tpu.memory_space<hbm>>
      %dma_start3A_234 = tpu.memref_squeeze %dma_start3A_233 : memref<1x10240x64xf32, #tpu.memory_space<hbm>> -> memref<10240x64xf32, #tpu.memory_space<hbm>>
      %dma_start3A_235 = arith.constant 0 : i32
      %dma_start3A_236 = tpu.memref_slice %dma_start3A_234[%mul3A_113, %dma_start3A_235] : memref<10240x64xf32, #tpu.memory_space<hbm>> -> memref<640x64xf32, #tpu.memory_space<hbm>>
      %dma_start3A_237 = arith.constant 0 : i32
      %dma_start3A_238 = tpu.memref_slice %arg9[%mul3A_111, %dma_start3A_237] : memref<10240x64xf32, #tpu.memory_space<vmem_shared>> -> memref<640x64xf32, #tpu.memory_space<vmem_shared>>
      tpu.enqueue_dma source(%dma_start3A_238 : memref<640x64xf32, #tpu.memory_space<vmem_shared>>) target(%dma_start3A_236 : memref<640x64xf32, #tpu.memory_space<hbm>>) target_semaphore(%run_scoped3A_230 : memref<!tpu.dma_semaphore, #tpu.memory_space<semaphore_mem>>)
      %dma_wait3A_239 = arith.constant 0 : i32
      %dma_wait3A_240 = arith.constant 0 : i32
      %dma_wait3A_241 = tpu.memref_slice %arg5[%arg0, %dma_wait3A_239, %dma_wait3A_240] : memref<2x10240x64xf32, #tpu.memory_space<hbm>> -> memref<1x10240x64xf32, #tpu.memory_space<hbm>>
      %dma_wait3A_242 = tpu.memref_squeeze %dma_wait3A_241 : memref<1x10240x64xf32, #tpu.memory_space<hbm>> -> memref<10240x64xf32, #tpu.memory_space<hbm>>
      %dma_wait3A_243 = arith.constant 0 : i32
      %dma_wait3A_244 = tpu.memref_slice %dma_wait3A_242[%mul3A_113, %dma_wait3A_243] : memref<10240x64xf32, #tpu.memory_space<hbm>> -> memref<640x64xf32, #tpu.memory_space<hbm>>
      %dma_wait3A_245 = arith.constant 0 : i32
      %dma_wait3A_246 = tpu.memref_slice %arg9[%mul3A_111, %dma_wait3A_245] : memref<10240x64xf32, #tpu.memory_space<vmem_shared>> -> memref<640x64xf32, #tpu.memory_space<vmem_shared>>
      tpu.wait_dma2 semaphore(%run_scoped3A_230 : memref<!tpu.dma_semaphore, #tpu.memory_space<semaphore_mem>>) src(%dma_wait3A_246 : memref<640x64xf32, #tpu.memory_space<vmem_shared>>) dst(%dma_wait3A_244 : memref<640x64xf32, #tpu.memory_space<hbm>>)
      tpu.yield
    }) : () -> ()
    %scan3A_114 = arith.constant 0 : i32
    %scan3A_115 = arith.constant 0 : i32
    %scan3A_116 = arith.constant 128 : i32
    %scan3A_117 = arith.addi %scan3A_115, %scan3A_116 : i32
    %scan3A_118 = arith.constant 1 : i32
    scf.for %scan3A_230 = %scan3A_115 to %scan3A_117 step %scan3A_118  : i32 {
      %broadcast_in_dim3A = arith.constant 0.000000e+00 : f32
      %broadcast_in_dim3A_231 = vector.broadcast %broadcast_in_dim3A : f32 to vector<16xf32>
      %swap3A = arith.constant 0 : i32
      %swap3A_232 = arith.index_cast %swap3A : i32 to index
      %swap3A_233 = arith.index_cast %scan3A_230 : i32 to index
      %swap3A_234 = arith.constant 0 : index
      %swap3A_235 = tpu.vector_load %arg8[%swap3A_232, %swap3A_233, %swap3A_234] {strides = array<i32>} : memref<4x128x64xf32, #tpu.memory_space<vmem>>, vector<1x1x16xf32>,
      %swap3A_236 = vector.shape_cast %swap3A_235 : vector<1x1x16xf32> to vector<16xf32>
      %swap3A_237 = vector.shape_cast %broadcast_in_dim3A_231 : vector<16xf32> to vector<1x1x16xf32>
      tpu.vector_store %arg8[%swap3A_232, %swap3A_233, %swap3A_234], %swap3A_237 {strides = array<i32>} : memref<4x128x64xf32, #tpu.memory_space<vmem>>, vector<1x1x16xf32>,
      %broadcast_in_dim3A_238 = arith.constant 0.000000e+00 : f32
      %broadcast_in_dim3A_239 = vector.broadcast %broadcast_in_dim3A_238 : f32 to vector<16xf32>
      %swap3A_240 = arith.constant 0 : i32
      %swap3A_241 = arith.index_cast %swap3A_240 : i32 to index
      %swap3A_242 = arith.index_cast %scan3A_230 : i32 to index
      %swap3A_243 = arith.constant 16 : index
      %swap3A_244 = tpu.vector_load %arg8[%swap3A_241, %swap3A_242, %swap3A_243] {strides = array<i32>} : memref<4x128x64xf32, #tpu.memory_space<vmem>>, vector<1x1x16xf32>,
      %swap3A_245 = vector.shape_cast %swap3A_244 : vector<1x1x16xf32> to vector<16xf32>
      %swap3A_246 = vector.shape_cast %broadcast_in_dim3A_239 : vector<16xf32> to vector<1x1x16xf32>
      tpu.vector_store %arg8[%swap3A_241, %swap3A_242, %swap3A_243], %swap3A_246 {strides = array<i32>} : memref<4x128x64xf32, #tpu.memory_space<vmem>>, vector<1x1x16xf32>,
      %broadcast_in_dim3A_247 = arith.constant 0.000000e+00 : f32
      %broadcast_in_dim3A_248 = vector.broadcast %broadcast_in_dim3A_247 : f32 to vector<16xf32>
      %swap3A_249 = arith.constant 0 : i32
      %swap3A_250 = arith.index_cast %swap3A_249 : i32 to index
      %swap3A_251 = arith.index_cast %scan3A_230 : i32 to index
      %swap3A_252 = arith.constant 32 : index
      %swap3A_253 = tpu.vector_load %arg8[%swap3A_250, %swap3A_251, %swap3A_252] {strides = array<i32>} : memref<4x128x64xf32, #tpu.memory_space<vmem>>, vector<1x1x16xf32>,
      %swap3A_254 = vector.shape_cast %swap3A_253 : vector<1x1x16xf32> to vector<16xf32>
      %swap3A_255 = vector.shape_cast %broadcast_in_dim3A_248 : vector<16xf32> to vector<1x1x16xf32>
      tpu.vector_store %arg8[%swap3A_250, %swap3A_251, %swap3A_252], %swap3A_255 {strides = array<i32>} : memref<4x128x64xf32, #tpu.memory_space<vmem>>, vector<1x1x16xf32>,
      %broadcast_in_dim3A_256 = arith.constant 0.000000e+00 : f32
      %broadcast_in_dim3A_257 = vector.broadcast %broadcast_in_dim3A_256 : f32 to vector<16xf32>
      %swap3A_258 = arith.constant 0 : i32
      %swap3A_259 = arith.index_cast %swap3A_258 : i32 to index
      %swap3A_260 = arith.index_cast %scan3A_230 : i32 to index
      %swap3A_261 = arith.constant 48 : index
      %swap3A_262 = tpu.vector_load %arg8[%swap3A_259, %swap3A_260, %swap3A_261] {strides = array<i32>} : memref<4x128x64xf32, #tpu.memory_space<vmem>>, vector<1x1x16xf32>,
      %swap3A_263 = vector.shape_cast %swap3A_262 : vector<1x1x16xf32> to vector<16xf32>
      %swap3A_264 = vector.shape_cast %broadcast_in_dim3A_257 : vector<16xf32> to vector<1x1x16xf32>
      tpu.vector_store %arg8[%swap3A_259, %swap3A_260, %swap3A_261], %swap3A_264 {strides = array<i32>} : memref<4x128x64xf32, #tpu.memory_space<vmem>>, vector<1x1x16xf32>,
    }
    %scan3A_119 = arith.constant 128 : i32
    %mul3A_120 = arith.constant 640 : i32
    %mul3A_121 = arith.muli %arg1, %mul3A_120 : i32
    %add3A_122 = arith.constant 0 : i32
    %add3A_123 = arith.addi %mul3A_121, %add3A_122 : i32
    %run_scoped3A_124 = arith.constant 0 : i32
    "tpu.region"() ({
      %run_scoped3A_230 = tpu.sem_alloc : memref<!tpu.dma_semaphore, #tpu.memory_space<semaphore_mem>>
      %dma_start3A_231 = arith.constant 0 : i32
      %dma_start3A_232 = arith.constant 0 : i32
      %dma_start3A_233 = tpu.memref_slice %arg8[%run_scoped3A_124, %dma_start3A_231, %dma_start3A_232] : memref<4x128x64xf32, #tpu.memory_space<vmem>> -> memref<1x128x64xf32, #tpu.memory_space<vmem>>
      %dma_start3A_234 = tpu.memref_squeeze %dma_start3A_233 : memref<1x128x64xf32, #tpu.memory_space<vmem>> -> memref<128x64xf32, #tpu.memory_space<vmem>>
      %dma_start3A_235 = arith.constant 0 : i32
      %dma_start3A_236 = tpu.memref_slice %arg9[%add3A_123, %dma_start3A_235] : memref<10240x64xf32, #tpu.memory_space<vmem_shared>> -> memref<128x64xf32, #tpu.memory_space<vmem_shared>>
      %dma_start3A_237 = arith.constant 0 : i32
      %dma_start3A_238 = tpu.memref_slice %arg9[%add3A_123, %dma_start3A_237] : memref<10240x64xf32, #tpu.memory_space<vmem_shared>> -> memref<128x64xf32, #tpu.memory_space<vmem_shared>>
      %dma_start3A_239 = arith.constant 0 : i32
      %dma_start3A_240 = arith.constant 0 : i32
      %dma_start3A_241 = tpu.memref_slice %arg8[%run_scoped3A_124, %dma_start3A_239, %dma_start3A_240] : memref<4x128x64xf32, #tpu.memory_space<vmem>> -> memref<1x128x64xf32, #tpu.memory_space<vmem>>
      %dma_start3A_242 = tpu.memref_squeeze %dma_start3A_241 : memref<1x128x64xf32, #tpu.memory_space<vmem>> -> memref<128x64xf32, #tpu.memory_space<vmem>>
      tpu.enqueue_dma source(%dma_start3A_242 : memref<128x64xf32, #tpu.memory_space<vmem>>) target(%dma_start3A_238 : memref<128x64xf32, #tpu.memory_space<vmem_shared>>) target_semaphore(%run_scoped3A_230 : memref<!tpu.dma_semaphore, #tpu.memory_space<semaphore_mem>>)
      %dma_wait3A_243 = arith.constant 0 : i32
      %dma_wait3A_244 = arith.constant 0 : i32
      %dma_wait3A_245 = tpu.memref_slice %arg8[%run_scoped3A_124, %dma_wait3A_243, %dma_wait3A_244] : memref<4x128x64xf32, #tpu.memory_space<vmem>> -> memref<1x128x64xf32, #tpu.memory_space<vmem>>
      %dma_wait3A_246 = tpu.memref_squeeze %dma_wait3A_245 : memref<1x128x64xf32, #tpu.memory_space<vmem>> -> memref<128x64xf32, #tpu.memory_space<vmem>>
      %dma_wait3A_247 = arith.constant 0 : i32
      %dma_wait3A_248 = tpu.memref_slice %arg9[%add3A_123, %dma_wait3A_247] : memref<10240x64xf32, #tpu.memory_space<vmem_shared>> -> memref<128x64xf32, #tpu.memory_space<vmem_shared>>
      %dma_wait3A_249 = arith.constant 0 : i32
      %dma_wait3A_250 = tpu.memref_slice %arg9[%add3A_123, %dma_wait3A_249] : memref<10240x64xf32, #tpu.memory_space<vmem_shared>> -> memref<128x64xf32, #tpu.memory_space<vmem_shared>>
      %dma_wait3A_251 = arith.constant 0 : i32
      %dma_wait3A_252 = arith.constant 0 : i32
      %dma_wait3A_253 = tpu.memref_slice %arg8[%run_scoped3A_124, %dma_wait3A_251, %dma_wait3A_252] : memref<4x128x64xf32, #tpu.memory_space<vmem>> -> memref<1x128x64xf32, #tpu.memory_space<vmem>>
      %dma_wait3A_254 = tpu.memref_squeeze %dma_wait3A_253 : memref<1x128x64xf32, #tpu.memory_space<vmem>> -> memref<128x64xf32, #tpu.memory_space<vmem>>
      tpu.wait_dma2 semaphore(%run_scoped3A_230 : memref<!tpu.dma_semaphore, #tpu.memory_space<semaphore_mem>>) src(%dma_wait3A_254 : memref<128x64xf32, #tpu.memory_space<vmem>>) dst(%dma_wait3A_250 : memref<128x64xf32, #tpu.memory_space<vmem_shared>>)
      tpu.yield
    }) : () -> ()
    %mul3A_125 = arith.constant 640 : i32
    %mul3A_126 = arith.muli %arg1, %mul3A_125 : i32
    %add3A_127 = arith.constant 128 : i32
    %add3A_128 = arith.addi %mul3A_126, %add3A_127 : i32
    %run_scoped3A_129 = arith.constant 0 : i32
    "tpu.region"() ({
      %run_scoped3A_230 = tpu.sem_alloc : memref<!tpu.dma_semaphore, #tpu.memory_space<semaphore_mem>>
      %dma_start3A_231 = arith.constant 0 : i32
      %dma_start3A_232 = arith.constant 0 : i32
      %dma_start3A_233 = tpu.memref_slice %arg8[%run_scoped3A_129, %dma_start3A_231, %dma_start3A_232] : memref<4x128x64xf32, #tpu.memory_space<vmem>> -> memref<1x128x64xf32, #tpu.memory_space<vmem>>
      %dma_start3A_234 = tpu.memref_squeeze %dma_start3A_233 : memref<1x128x64xf32, #tpu.memory_space<vmem>> -> memref<128x64xf32, #tpu.memory_space<vmem>>
      %dma_start3A_235 = arith.constant 0 : i32
      %dma_start3A_236 = tpu.memref_slice %arg9[%add3A_128, %dma_start3A_235] : memref<10240x64xf32, #tpu.memory_space<vmem_shared>> -> memref<128x64xf32, #tpu.memory_space<vmem_shared>>
      %dma_start3A_237 = arith.constant 0 : i32
      %dma_start3A_238 = tpu.memref_slice %arg9[%add3A_128, %dma_start3A_237] : memref<10240x64xf32, #tpu.memory_space<vmem_shared>> -> memref<128x64xf32, #tpu.memory_space<vmem_shared>>
      %dma_start3A_239 = arith.constant 0 : i32
      %dma_start3A_240 = arith.constant 0 : i32
      %dma_start3A_241 = tpu.memref_slice %arg8[%run_scoped3A_129, %dma_start3A_239, %dma_start3A_240] : memref<4x128x64xf32, #tpu.memory_space<vmem>> -> memref<1x128x64xf32, #tpu.memory_space<vmem>>
      %dma_start3A_242 = tpu.memref_squeeze %dma_start3A_241 : memref<1x128x64xf32, #tpu.memory_space<vmem>> -> memref<128x64xf32, #tpu.memory_space<vmem>>
      tpu.enqueue_dma source(%dma_start3A_242 : memref<128x64xf32, #tpu.memory_space<vmem>>) target(%dma_start3A_238 : memref<128x64xf32, #tpu.memory_space<vmem_shared>>) target_semaphore(%run_scoped3A_230 : memref<!tpu.dma_semaphore, #tpu.memory_space<semaphore_mem>>)
      %dma_wait3A_243 = arith.constant 0 : i32
      %dma_wait3A_244 = arith.constant 0 : i32
      %dma_wait3A_245 = tpu.memref_slice %arg8[%run_scoped3A_129, %dma_wait3A_243, %dma_wait3A_244] : memref<4x128x64xf32, #tpu.memory_space<vmem>> -> memref<1x128x64xf32, #tpu.memory_space<vmem>>
      %dma_wait3A_246 = tpu.memref_squeeze %dma_wait3A_245 : memref<1x128x64xf32, #tpu.memory_space<vmem>> -> memref<128x64xf32, #tpu.memory_space<vmem>>
      %dma_wait3A_247 = arith.constant 0 : i32
      %dma_wait3A_248 = tpu.memref_slice %arg9[%add3A_128, %dma_wait3A_247] : memref<10240x64xf32, #tpu.memory_space<vmem_shared>> -> memref<128x64xf32, #tpu.memory_space<vmem_shared>>
      %dma_wait3A_249 = arith.constant 0 : i32
      %dma_wait3A_250 = tpu.memref_slice %arg9[%add3A_128, %dma_wait3A_249] : memref<10240x64xf32, #tpu.memory_space<vmem_shared>> -> memref<128x64xf32, #tpu.memory_space<vmem_shared>>
      %dma_wait3A_251 = arith.constant 0 : i32
      %dma_wait3A_252 = arith.constant 0 : i32
      %dma_wait3A_253 = tpu.memref_slice %arg8[%run_scoped3A_129, %dma_wait3A_251, %dma_wait3A_252] : memref<4x128x64xf32, #tpu.memory_space<vmem>> -> memref<1x128x64xf32, #tpu.memory_space<vmem>>
      %dma_wait3A_254 = tpu.memref_squeeze %dma_wait3A_253 : memref<1x128x64xf32, #tpu.memory_space<vmem>> -> memref<128x64xf32, #tpu.memory_space<vmem>>
      tpu.wait_dma2 semaphore(%run_scoped3A_230 : memref<!tpu.dma_semaphore, #tpu.memory_space<semaphore_mem>>) src(%dma_wait3A_254 : memref<128x64xf32, #tpu.memory_space<vmem>>) dst(%dma_wait3A_250 : memref<128x64xf32, #tpu.memory_space<vmem_shared>>)
      tpu.yield
    }) : () -> ()
    %mul3A_130 = arith.constant 640 : i32
    %mul3A_131 = arith.muli %arg1, %mul3A_130 : i32
    %add3A_132 = arith.constant 256 : i32
    %add3A_133 = arith.addi %mul3A_131, %add3A_132 : i32
    %run_scoped3A_134 = arith.constant 0 : i32
    "tpu.region"() ({
      %run_scoped3A_230 = tpu.sem_alloc : memref<!tpu.dma_semaphore, #tpu.memory_space<semaphore_mem>>
      %dma_start3A_231 = arith.constant 0 : i32
      %dma_start3A_232 = arith.constant 0 : i32
      %dma_start3A_233 = tpu.memref_slice %arg8[%run_scoped3A_134, %dma_start3A_231, %dma_start3A_232] : memref<4x128x64xf32, #tpu.memory_space<vmem>> -> memref<1x128x64xf32, #tpu.memory_space<vmem>>
      %dma_start3A_234 = tpu.memref_squeeze %dma_start3A_233 : memref<1x128x64xf32, #tpu.memory_space<vmem>> -> memref<128x64xf32, #tpu.memory_space<vmem>>
      %dma_start3A_235 = arith.constant 0 : i32
      %dma_start3A_236 = tpu.memref_slice %arg9[%add3A_133, %dma_start3A_235] : memref<10240x64xf32, #tpu.memory_space<vmem_shared>> -> memref<128x64xf32, #tpu.memory_space<vmem_shared>>
      %dma_start3A_237 = arith.constant 0 : i32
      %dma_start3A_238 = tpu.memref_slice %arg9[%add3A_133, %dma_start3A_237] : memref<10240x64xf32, #tpu.memory_space<vmem_shared>> -> memref<128x64xf32, #tpu.memory_space<vmem_shared>>
      %dma_start3A_239 = arith.constant 0 : i32
      %dma_start3A_240 = arith.constant 0 : i32
      %dma_start3A_241 = tpu.memref_slice %arg8[%run_scoped3A_134, %dma_start3A_239, %dma_start3A_240] : memref<4x128x64xf32, #tpu.memory_space<vmem>> -> memref<1x128x64xf32, #tpu.memory_space<vmem>>
      %dma_start3A_242 = tpu.memref_squeeze %dma_start3A_241 : memref<1x128x64xf32, #tpu.memory_space<vmem>> -> memref<128x64xf32, #tpu.memory_space<vmem>>
      tpu.enqueue_dma source(%dma_start3A_242 : memref<128x64xf32, #tpu.memory_space<vmem>>) target(%dma_start3A_238 : memref<128x64xf32, #tpu.memory_space<vmem_shared>>) target_semaphore(%run_scoped3A_230 : memref<!tpu.dma_semaphore, #tpu.memory_space<semaphore_mem>>)
      %dma_wait3A_243 = arith.constant 0 : i32
      %dma_wait3A_244 = arith.constant 0 : i32
      %dma_wait3A_245 = tpu.memref_slice %arg8[%run_scoped3A_134, %dma_wait3A_243, %dma_wait3A_244] : memref<4x128x64xf32, #tpu.memory_space<vmem>> -> memref<1x128x64xf32, #tpu.memory_space<vmem>>
      %dma_wait3A_246 = tpu.memref_squeeze %dma_wait3A_245 : memref<1x128x64xf32, #tpu.memory_space<vmem>> -> memref<128x64xf32, #tpu.memory_space<vmem>>
      %dma_wait3A_247 = arith.constant 0 : i32
      %dma_wait3A_248 = tpu.memref_slice %arg9[%add3A_133, %dma_wait3A_247] : memref<10240x64xf32, #tpu.memory_space<vmem_shared>> -> memref<128x64xf32, #tpu.memory_space<vmem_shared>>
      %dma_wait3A_249 = arith.constant 0 : i32
      %dma_wait3A_250 = tpu.memref_slice %arg9[%add3A_133, %dma_wait3A_249] : memref<10240x64xf32, #tpu.memory_space<vmem_shared>> -> memref<128x64xf32, #tpu.memory_space<vmem_shared>>
      %dma_wait3A_251 = arith.constant 0 : i32
      %dma_wait3A_252 = arith.constant 0 : i32
      %dma_wait3A_253 = tpu.memref_slice %arg8[%run_scoped3A_134, %dma_wait3A_251, %dma_wait3A_252] : memref<4x128x64xf32, #tpu.memory_space<vmem>> -> memref<1x128x64xf32, #tpu.memory_space<vmem>>
      %dma_wait3A_254 = tpu.memref_squeeze %dma_wait3A_253 : memref<1x128x64xf32, #tpu.memory_space<vmem>> -> memref<128x64xf32, #tpu.memory_space<vmem>>
      tpu.wait_dma2 semaphore(%run_scoped3A_230 : memref<!tpu.dma_semaphore, #tpu.memory_space<semaphore_mem>>) src(%dma_wait3A_254 : memref<128x64xf32, #tpu.memory_space<vmem>>) dst(%dma_wait3A_250 : memref<128x64xf32, #tpu.memory_space<vmem_shared>>)
      tpu.yield
    }) : () -> ()
    %mul3A_135 = arith.constant 640 : i32
    %mul3A_136 = arith.muli %arg1, %mul3A_135 : i32
    %add3A_137 = arith.constant 384 : i32
    %add3A_138 = arith.addi %mul3A_136, %add3A_137 : i32
    %run_scoped3A_139 = arith.constant 0 : i32
    "tpu.region"() ({
      %run_scoped3A_230 = tpu.sem_alloc : memref<!tpu.dma_semaphore, #tpu.memory_space<semaphore_mem>>
      %dma_start3A_231 = arith.constant 0 : i32
      %dma_start3A_232 = arith.constant 0 : i32
      %dma_start3A_233 = tpu.memref_slice %arg8[%run_scoped3A_139, %dma_start3A_231, %dma_start3A_232] : memref<4x128x64xf32, #tpu.memory_space<vmem>> -> memref<1x128x64xf32, #tpu.memory_space<vmem>>
      %dma_start3A_234 = tpu.memref_squeeze %dma_start3A_233 : memref<1x128x64xf32, #tpu.memory_space<vmem>> -> memref<128x64xf32, #tpu.memory_space<vmem>>
      %dma_start3A_235 = arith.constant 0 : i32
      %dma_start3A_236 = tpu.memref_slice %arg9[%add3A_138, %dma_start3A_235] : memref<10240x64xf32, #tpu.memory_space<vmem_shared>> -> memref<128x64xf32, #tpu.memory_space<vmem_shared>>
      %dma_start3A_237 = arith.constant 0 : i32
      %dma_start3A_238 = tpu.memref_slice %arg9[%add3A_138, %dma_start3A_237] : memref<10240x64xf32, #tpu.memory_space<vmem_shared>> -> memref<128x64xf32, #tpu.memory_space<vmem_shared>>
      %dma_start3A_239 = arith.constant 0 : i32
      %dma_start3A_240 = arith.constant 0 : i32
      %dma_start3A_241 = tpu.memref_slice %arg8[%run_scoped3A_139, %dma_start3A_239, %dma_start3A_240] : memref<4x128x64xf32, #tpu.memory_space<vmem>> -> memref<1x128x64xf32, #tpu.memory_space<vmem>>
      %dma_start3A_242 = tpu.memref_squeeze %dma_start3A_241 : memref<1x128x64xf32, #tpu.memory_space<vmem>> -> memref<128x64xf32, #tpu.memory_space<vmem>>
      tpu.enqueue_dma source(%dma_start3A_242 : memref<128x64xf32, #tpu.memory_space<vmem>>) target(%dma_start3A_238 : memref<128x64xf32, #tpu.memory_space<vmem_shared>>) target_semaphore(%run_scoped3A_230 : memref<!tpu.dma_semaphore, #tpu.memory_space<semaphore_mem>>)
      %dma_wait3A_243 = arith.constant 0 : i32
      %dma_wait3A_244 = arith.constant 0 : i32
      %dma_wait3A_245 = tpu.memref_slice %arg8[%run_scoped3A_139, %dma_wait3A_243, %dma_wait3A_244] : memref<4x128x64xf32, #tpu.memory_space<vmem>> -> memref<1x128x64xf32, #tpu.memory_space<vmem>>
      %dma_wait3A_246 = tpu.memref_squeeze %dma_wait3A_245 : memref<1x128x64xf32, #tpu.memory_space<vmem>> -> memref<128x64xf32, #tpu.memory_space<vmem>>
      %dma_wait3A_247 = arith.constant 0 : i32
      %dma_wait3A_248 = tpu.memref_slice %arg9[%add3A_138, %dma_wait3A_247] : memref<10240x64xf32, #tpu.memory_space<vmem_shared>> -> memref<128x64xf32, #tpu.memory_space<vmem_shared>>
      %dma_wait3A_249 = arith.constant 0 : i32
      %dma_wait3A_250 = tpu.memref_slice %arg9[%add3A_138, %dma_wait3A_249] : memref<10240x64xf32, #tpu.memory_space<vmem_shared>> -> memref<128x64xf32, #tpu.memory_space<vmem_shared>>
      %dma_wait3A_251 = arith.constant 0 : i32
      %dma_wait3A_252 = arith.constant 0 : i32
      %dma_wait3A_253 = tpu.memref_slice %arg8[%run_scoped3A_139, %dma_wait3A_251, %dma_wait3A_252] : memref<4x128x64xf32, #tpu.memory_space<vmem>> -> memref<1x128x64xf32, #tpu.memory_space<vmem>>
      %dma_wait3A_254 = tpu.memref_squeeze %dma_wait3A_253 : memref<1x128x64xf32, #tpu.memory_space<vmem>> -> memref<128x64xf32, #tpu.memory_space<vmem>>
      tpu.wait_dma2 semaphore(%run_scoped3A_230 : memref<!tpu.dma_semaphore, #tpu.memory_space<semaphore_mem>>) src(%dma_wait3A_254 : memref<128x64xf32, #tpu.memory_space<vmem>>) dst(%dma_wait3A_250 : memref<128x64xf32, #tpu.memory_space<vmem_shared>>)
      tpu.yield
    }) : () -> ()
    %mul3A_140 = arith.constant 640 : i32
    %mul3A_141 = arith.muli %arg1, %mul3A_140 : i32
    %add3A_142 = arith.constant 512 : i32
    %add3A_143 = arith.addi %mul3A_141, %add3A_142 : i32
    %run_scoped3A_144 = arith.constant 0 : i32
    "tpu.region"() ({
      %run_scoped3A_230 = tpu.sem_alloc : memref<!tpu.dma_semaphore, #tpu.memory_space<semaphore_mem>>
      %dma_start3A_231 = arith.constant 0 : i32
      %dma_start3A_232 = arith.constant 0 : i32
      %dma_start3A_233 = tpu.memref_slice %arg8[%run_scoped3A_144, %dma_start3A_231, %dma_start3A_232] : memref<4x128x64xf32, #tpu.memory_space<vmem>> -> memref<1x128x64xf32, #tpu.memory_space<vmem>>
      %dma_start3A_234 = tpu.memref_squeeze %dma_start3A_233 : memref<1x128x64xf32, #tpu.memory_space<vmem>> -> memref<128x64xf32, #tpu.memory_space<vmem>>
      %dma_start3A_235 = arith.constant 0 : i32
      %dma_start3A_236 = tpu.memref_slice %arg9[%add3A_143, %dma_start3A_235] : memref<10240x64xf32, #tpu.memory_space<vmem_shared>> -> memref<128x64xf32, #tpu.memory_space<vmem_shared>>
      %dma_start3A_237 = arith.constant 0 : i32
      %dma_start3A_238 = tpu.memref_slice %arg9[%add3A_143, %dma_start3A_237] : memref<10240x64xf32, #tpu.memory_space<vmem_shared>> -> memref<128x64xf32, #tpu.memory_space<vmem_shared>>
      %dma_start3A_239 = arith.constant 0 : i32
      %dma_start3A_240 = arith.constant 0 : i32
      %dma_start3A_241 = tpu.memref_slice %arg8[%run_scoped3A_144, %dma_start3A_239, %dma_start3A_240] : memref<4x128x64xf32, #tpu.memory_space<vmem>> -> memref<1x128x64xf32, #tpu.memory_space<vmem>>
      %dma_start3A_242 = tpu.memref_squeeze %dma_start3A_241 : memref<1x128x64xf32, #tpu.memory_space<vmem>> -> memref<128x64xf32, #tpu.memory_space<vmem>>
      tpu.enqueue_dma source(%dma_start3A_242 : memref<128x64xf32, #tpu.memory_space<vmem>>) target(%dma_start3A_238 : memref<128x64xf32, #tpu.memory_space<vmem_shared>>) target_semaphore(%run_scoped3A_230 : memref<!tpu.dma_semaphore, #tpu.memory_space<semaphore_mem>>)
      %dma_wait3A_243 = arith.constant 0 : i32
      %dma_wait3A_244 = arith.constant 0 : i32
      %dma_wait3A_245 = tpu.memref_slice %arg8[%run_scoped3A_144, %dma_wait3A_243, %dma_wait3A_244] : memref<4x128x64xf32, #tpu.memory_space<vmem>> -> memref<1x128x64xf32, #tpu.memory_space<vmem>>
      %dma_wait3A_246 = tpu.memref_squeeze %dma_wait3A_245 : memref<1x128x64xf32, #tpu.memory_space<vmem>> -> memref<128x64xf32, #tpu.memory_space<vmem>>
      %dma_wait3A_247 = arith.constant 0 : i32
      %dma_wait3A_248 = tpu.memref_slice %arg9[%add3A_143, %dma_wait3A_247] : memref<10240x64xf32, #tpu.memory_space<vmem_shared>> -> memref<128x64xf32, #tpu.memory_space<vmem_shared>>
      %dma_wait3A_249 = arith.constant 0 : i32
      %dma_wait3A_250 = tpu.memref_slice %arg9[%add3A_143, %dma_wait3A_249] : memref<10240x64xf32, #tpu.memory_space<vmem_shared>> -> memref<128x64xf32, #tpu.memory_space<vmem_shared>>
      %dma_wait3A_251 = arith.constant 0 : i32
      %dma_wait3A_252 = arith.constant 0 : i32
      %dma_wait3A_253 = tpu.memref_slice %arg8[%run_scoped3A_144, %dma_wait3A_251, %dma_wait3A_252] : memref<4x128x64xf32, #tpu.memory_space<vmem>> -> memref<1x128x64xf32, #tpu.memory_space<vmem>>
      %dma_wait3A_254 = tpu.memref_squeeze %dma_wait3A_253 : memref<1x128x64xf32, #tpu.memory_space<vmem>> -> memref<128x64xf32, #tpu.memory_space<vmem>>
      tpu.wait_dma2 semaphore(%run_scoped3A_230 : memref<!tpu.dma_semaphore, #tpu.memory_space<semaphore_mem>>) src(%dma_wait3A_254 : memref<128x64xf32, #tpu.memory_space<vmem>>) dst(%dma_wait3A_250 : memref<128x64xf32, #tpu.memory_space<vmem_shared>>)
      tpu.yield
    }) : () -> ()
    %barrier3A_145 = arith.constant 0 : index
    tpu.barrier barrier_id(%barrier3A_145)
    %dma_start3A_146 = arith.constant 0 : i32
    %dma_start3A_147 = arith.constant 0 : i32
    %dma_start3A_148 = arith.constant 0 : i32
    %dma_start3A_149 = arith.constant 0 : i32
    %dma_start3A_150 = arith.constant 0 : i32
    %dma_start3A_151 = tpu.memref_slice %arg8[%dma_start3A_148, %dma_start3A_149, %dma_start3A_150] : memref<4x128x64xf32, #tpu.memory_space<vmem>> -> memref<1x128x64xf32, #tpu.memory_space<vmem>>
    %dma_start3A_152 = tpu.memref_squeeze %dma_start3A_151 : memref<1x128x64xf32, #tpu.memory_space<vmem>> -> memref<128x64xf32, #tpu.memory_space<vmem>>
    %dma_start3A_153 = arith.constant 0 : i32
    %dma_start3A_154 = tpu.memref_slice %arg7[%dma_start3A_146, %dma_start3A_147, %dma_start3A_153] : memref<80x2x128xi32, #tpu.memory_space<vmem>> -> memref<1x1x128xi32, #tpu.memory_space<vmem>>
    %dma_start3A_155 = tpu.memref_squeeze %dma_start3A_154 : memref<1x1x128xi32, #tpu.memory_space<vmem>> -> memref<128xi32, #tpu.memory_space<vmem>>
    %dma_start3A_156 = arith.constant 0 : i32
    %dma_start3A_157 = arith.constant 0 : i32
    %dma_start3A_158 = tpu.memref_slice %arg3[%dma_start3A_156, %dma_start3A_157] : memref<10240x64xf32, #tpu.memory_space<hbm>> -> memref<10240x64xf32, #tpu.memory_space<hbm>>
    tpu.enqueue_indirect_dma source(%dma_start3A_158 : memref<10240x64xf32, #tpu.memory_space<hbm>>) target(%dma_start3A_152 : memref<128x64xf32, #tpu.memory_space<vmem>>) offsets(%dma_start3A_155 : memref<128xi32, #tpu.memory_space<vmem>>) semaphore(%arg10 : memref<!tpu.dma_semaphore, #tpu.memory_space<semaphore_mem>>)
    %scan3A_159 = arith.constant 0 : i32
    %scan3A_160 = arith.constant 0 : i32
    %scan3A_161 = arith.constant 20 : i32
    %scan3A_162 = arith.addi %scan3A_160, %scan3A_161 : i32
    %scan3A_163 = arith.constant 1 : i32
    scf.for %scan3A_230 = %scan3A_160 to %scan3A_162 step %scan3A_163  : i32 {
      %mul3A_231 = arith.constant 4 : i32
      %mul3A_232 = arith.muli %scan3A_230, %mul3A_231 : i32
      %add3A_233 = arith.constant 0 : i32
      %add3A_234 = arith.addi %mul3A_232, %add3A_233 : i32
      %ge3A = arith.constant 1 : i32
      %ge3A_235 = arith.cmpi sge, %scan3A_230, %ge3A : i32
      %convert_element_type3A = arith.extui %ge3A_235 : i1 to i32
      %cond3A = arith.constant 0 : i32
      %cond3A_236 = arith.cmpi ne, %convert_element_type3A, %cond3A : i32
      scf.if %cond3A_236 {
        %dma_wait3A_413 = arith.constant 0 : i32
        %dma_wait3A_414 = arith.constant 0 : i32
        %dma_wait3A_415 = arith.constant 0 : i32
        %dma_wait3A_416 = tpu.memref_slice %arg8[%dma_wait3A_413, %dma_wait3A_414, %dma_wait3A_415] : memref<4x128x64xf32, #tpu.memory_space<vmem>> -> memref<1x128x64xf32, #tpu.memory_space<vmem>>
        %dma_wait3A_417 = tpu.memref_squeeze %dma_wait3A_416 : memref<1x128x64xf32, #tpu.memory_space<vmem>> -> memref<128x64xf32, #tpu.memory_space<vmem>>
        %dma_wait3A_418 = arith.constant 0 : i32
        %dma_wait3A_419 = arith.constant 0 : i32
        %dma_wait3A_420 = tpu.memref_slice %arg2[%dma_wait3A_418, %dma_wait3A_419] : memref<10240x64xf32, #tpu.memory_space<hbm>> -> memref<128x64xf32, #tpu.memory_space<hbm>>
        %dma_wait3A_421 = arith.constant 0 : i32
        %dma_wait3A_422 = arith.constant 0 : i32
        %dma_wait3A_423 = tpu.memref_slice %arg8[%dma_wait3A_413, %dma_wait3A_421, %dma_wait3A_422] : memref<4x128x64xf32, #tpu.memory_space<vmem>> -> memref<1x128x64xf32, #tpu.memory_space<vmem>>
        %dma_wait3A_424 = tpu.memref_squeeze %dma_wait3A_423 : memref<1x128x64xf32, #tpu.memory_space<vmem>> -> memref<128x64xf32, #tpu.memory_space<vmem>>
        %dma_wait3A_425 = arith.constant 0 : i32
        %dma_wait3A_426 = arith.constant 0 : i32
        %dma_wait3A_427 = tpu.memref_slice %arg2[%dma_wait3A_425, %dma_wait3A_426] : memref<10240x64xf32, #tpu.memory_space<hbm>> -> memref<128x64xf32, #tpu.memory_space<hbm>>
        tpu.wait_dma2 semaphore(%arg15 : memref<!tpu.dma_semaphore, #tpu.memory_space<semaphore_mem>>) src(%dma_wait3A_427 : memref<128x64xf32, #tpu.memory_space<hbm>>) dst(%dma_wait3A_424 : memref<128x64xf32, #tpu.memory_space<vmem>>)
      } else {
      }
      %add3A_237 = arith.constant 1 : i32
      %add3A_238 = arith.addi %add3A_234, %add3A_237 : i32
      %dma_start3A_239 = arith.constant 0 : i32
      %dma_start3A_240 = arith.constant 1 : i32
      %dma_start3A_241 = arith.constant 0 : i32
      %dma_start3A_242 = arith.constant 0 : i32
      %dma_start3A_243 = tpu.memref_slice %arg8[%dma_start3A_240, %dma_start3A_241, %dma_start3A_242] : memref<4x128x64xf32, #tpu.memory_space<vmem>> -> memref<1x128x64xf32, #tpu.memory_space<vmem>>
      %dma_start3A_244 = tpu.memref_squeeze %dma_start3A_243 : memref<1x128x64xf32, #tpu.memory_space<vmem>> -> memref<128x64xf32, #tpu.memory_space<vmem>>
      %dma_start3A_245 = arith.constant 0 : i32
      %dma_start3A_246 = tpu.memref_slice %arg7[%add3A_238, %dma_start3A_239, %dma_start3A_245] : memref<80x2x128xi32, #tpu.memory_space<vmem>> -> memref<1x1x128xi32, #tpu.memory_space<vmem>>
      %dma_start3A_247 = tpu.memref_squeeze %dma_start3A_246 : memref<1x1x128xi32, #tpu.memory_space<vmem>> -> memref<128xi32, #tpu.memory_space<vmem>>
      %dma_start3A_248 = arith.constant 0 : i32
      %dma_start3A_249 = arith.constant 0 : i32
      %dma_start3A_250 = tpu.memref_slice %arg3[%dma_start3A_248, %dma_start3A_249] : memref<10240x64xf32, #tpu.memory_space<hbm>> -> memref<10240x64xf32, #tpu.memory_space<hbm>>
      tpu.enqueue_indirect_dma source(%dma_start3A_250 : memref<10240x64xf32, #tpu.memory_space<hbm>>) target(%dma_start3A_244 : memref<128x64xf32, #tpu.memory_space<vmem>>) offsets(%dma_start3A_247 : memref<128xi32, #tpu.memory_space<vmem>>) semaphore(%arg11 : memref<!tpu.dma_semaphore, #tpu.memory_space<semaphore_mem>>)
      %dma_wait3A_251 = arith.constant 0 : i32
      %dma_wait3A_252 = arith.constant 0 : i32
      %dma_wait3A_253 = arith.constant 0 : i32
      %dma_wait3A_254 = tpu.memref_slice %arg8[%dma_wait3A_251, %dma_wait3A_252, %dma_wait3A_253] : memref<4x128x64xf32, #tpu.memory_space<vmem>> -> memref<1x128x64xf32, #tpu.memory_space<vmem>>
      %dma_wait3A_255 = tpu.memref_squeeze %dma_wait3A_254 : memref<1x128x64xf32, #tpu.memory_space<vmem>> -> memref<128x64xf32, #tpu.memory_space<vmem>>
      %dma_wait3A_256 = arith.constant 0 : i32
      %dma_wait3A_257 = arith.constant 0 : i32
      %dma_wait3A_258 = tpu.memref_slice %arg2[%dma_wait3A_256, %dma_wait3A_257] : memref<10240x64xf32, #tpu.memory_space<hbm>> -> memref<128x64xf32, #tpu.memory_space<hbm>>
      %dma_wait3A_259 = arith.constant 0 : i32
      %dma_wait3A_260 = arith.constant 0 : i32
      %dma_wait3A_261 = tpu.memref_slice %arg8[%dma_wait3A_251, %dma_wait3A_259, %dma_wait3A_260] : memref<4x128x64xf32, #tpu.memory_space<vmem>> -> memref<1x128x64xf32, #tpu.memory_space<vmem>>
      %dma_wait3A_262 = tpu.memref_squeeze %dma_wait3A_261 : memref<1x128x64xf32, #tpu.memory_space<vmem>> -> memref<128x64xf32, #tpu.memory_space<vmem>>
      %dma_wait3A_263 = arith.constant 0 : i32
      %dma_wait3A_264 = arith.constant 0 : i32
      %dma_wait3A_265 = tpu.memref_slice %arg2[%dma_wait3A_263, %dma_wait3A_264] : memref<10240x64xf32, #tpu.memory_space<hbm>> -> memref<128x64xf32, #tpu.memory_space<hbm>>
      tpu.wait_dma2 semaphore(%arg10 : memref<!tpu.dma_semaphore, #tpu.memory_space<semaphore_mem>>) src(%dma_wait3A_265 : memref<128x64xf32, #tpu.memory_space<hbm>>) dst(%dma_wait3A_262 : memref<128x64xf32, #tpu.memory_space<vmem>>)
      %dma_start3A_266 = arith.constant 0 : i32
      %dma_start3A_267 = arith.constant 1 : i32
      %dma_start3A_268 = arith.constant 0 : i32
      %dma_start3A_269 = arith.constant 0 : i32
      %dma_start3A_270 = tpu.memref_slice %arg8[%dma_start3A_266, %dma_start3A_268, %dma_start3A_269] : memref<4x128x64xf32, #tpu.memory_space<vmem>> -> memref<1x128x64xf32, #tpu.memory_space<vmem>>
      %dma_start3A_271 = tpu.memref_squeeze %dma_start3A_270 : memref<1x128x64xf32, #tpu.memory_space<vmem>> -> memref<128x64xf32, #tpu.memory_space<vmem>>
      %dma_start3A_272 = arith.constant 0 : i32
      %dma_start3A_273 = tpu.memref_slice %arg7[%add3A_234, %dma_start3A_267, %dma_start3A_272] : memref<80x2x128xi32, #tpu.memory_space<vmem>> -> memref<1x1x128xi32, #tpu.memory_space<vmem>>
      %dma_start3A_274 = tpu.memref_squeeze %dma_start3A_273 : memref<1x1x128xi32, #tpu.memory_space<vmem>> -> memref<128xi32, #tpu.memory_space<vmem>>
      %dma_start3A_275 = arith.constant 0 : i32
      %dma_start3A_276 = arith.constant 0 : i32
      %dma_start3A_277 = tpu.memref_slice %arg9[%dma_start3A_275, %dma_start3A_276] : memref<10240x64xf32, #tpu.memory_space<vmem_shared>> -> memref<10240x64xf32, #tpu.memory_space<vmem_shared>>
      tpu.enqueue_indirect_dma source(%dma_start3A_271 : memref<128x64xf32, #tpu.memory_space<vmem>>) target(%dma_start3A_277 : memref<10240x64xf32, #tpu.memory_space<vmem_shared>>) offsets(%dma_start3A_274 : memref<128xi32, #tpu.memory_space<vmem>>) semaphore(%arg14 : memref<!tpu.dma_semaphore, #tpu.memory_space<semaphore_mem>>) {add = true}
      %mul3A_278 = arith.constant 4 : i32
      %mul3A_279 = arith.muli %scan3A_230, %mul3A_278 : i32
      %add3A_280 = arith.constant 1 : i32
      %add3A_281 = arith.addi %mul3A_279, %add3A_280 : i32
      %ge3A_282 = arith.constant 1 : i32
      %ge3A_283 = arith.cmpi sge, %scan3A_230, %ge3A_282 : i32
      %convert_element_type3A_284 = arith.extui %ge3A_283 : i1 to i32
      %cond3A_285 = arith.constant 0 : i32
      %cond3A_286 = arith.cmpi ne, %convert_element_type3A_284, %cond3A_285 : i32
      scf.if %cond3A_286 {
        %dma_wait3A_413 = arith.constant 0 : i32
        %dma_wait3A_414 = arith.constant 0 : i32
        %dma_wait3A_415 = arith.constant 0 : i32
        %dma_wait3A_416 = tpu.memref_slice %arg8[%dma_wait3A_413, %dma_wait3A_414, %dma_wait3A_415] : memref<4x128x64xf32, #tpu.memory_space<vmem>> -> memref<1x128x64xf32, #tpu.memory_space<vmem>>
        %dma_wait3A_417 = tpu.memref_squeeze %dma_wait3A_416 : memref<1x128x64xf32, #tpu.memory_space<vmem>> -> memref<128x64xf32, #tpu.memory_space<vmem>>
        %dma_wait3A_418 = arith.constant 0 : i32
        %dma_wait3A_419 = arith.constant 0 : i32
        %dma_wait3A_420 = tpu.memref_slice %arg2[%dma_wait3A_418, %dma_wait3A_419] : memref<10240x64xf32, #tpu.memory_space<hbm>> -> memref<128x64xf32, #tpu.memory_space<hbm>>
        %dma_wait3A_421 = arith.constant 0 : i32
        %dma_wait3A_422 = arith.constant 0 : i32
        %dma_wait3A_423 = tpu.memref_slice %arg8[%dma_wait3A_413, %dma_wait3A_421, %dma_wait3A_422] : memref<4x128x64xf32, #tpu.memory_space<vmem>> -> memref<1x128x64xf32, #tpu.memory_space<vmem>>
        %dma_wait3A_424 = tpu.memref_squeeze %dma_wait3A_423 : memref<1x128x64xf32, #tpu.memory_space<vmem>> -> memref<128x64xf32, #tpu.memory_space<vmem>>
        %dma_wait3A_425 = arith.constant 0 : i32
        %dma_wait3A_426 = arith.constant 0 : i32
        %dma_wait3A_427 = tpu.memref_slice %arg2[%dma_wait3A_425, %dma_wait3A_426] : memref<10240x64xf32, #tpu.memory_space<hbm>> -> memref<128x64xf32, #tpu.memory_space<hbm>>
        tpu.wait_dma2 semaphore(%arg16 : memref<!tpu.dma_semaphore, #tpu.memory_space<semaphore_mem>>) src(%dma_wait3A_427 : memref<128x64xf32, #tpu.memory_space<hbm>>) dst(%dma_wait3A_424 : memref<128x64xf32, #tpu.memory_space<vmem>>)
      } else {
      }
      %add3A_287 = arith.constant 1 : i32
      %add3A_288 = arith.addi %add3A_281, %add3A_287 : i32
      %dma_start3A_289 = arith.constant 0 : i32
      %dma_start3A_290 = arith.constant 2 : i32
      %dma_start3A_291 = arith.constant 0 : i32
      %dma_start3A_292 = arith.constant 0 : i32
      %dma_start3A_293 = tpu.memref_slice %arg8[%dma_start3A_290, %dma_start3A_291, %dma_start3A_292] : memref<4x128x64xf32, #tpu.memory_space<vmem>> -> memref<1x128x64xf32, #tpu.memory_space<vmem>>
      %dma_start3A_294 = tpu.memref_squeeze %dma_start3A_293 : memref<1x128x64xf32, #tpu.memory_space<vmem>> -> memref<128x64xf32, #tpu.memory_space<vmem>>
      %dma_start3A_295 = arith.constant 0 : i32
      %dma_start3A_296 = tpu.memref_slice %arg7[%add3A_288, %dma_start3A_289, %dma_start3A_295] : memref<80x2x128xi32, #tpu.memory_space<vmem>> -> memref<1x1x128xi32, #tpu.memory_space<vmem>>
      %dma_start3A_297 = tpu.memref_squeeze %dma_start3A_296 : memref<1x1x128xi32, #tpu.memory_space<vmem>> -> memref<128xi32, #tpu.memory_space<vmem>>
      %dma_start3A_298 = arith.constant 0 : i32
      %dma_start3A_299 = arith.constant 0 : i32
      %dma_start3A_300 = tpu.memref_slice %arg3[%dma_start3A_298, %dma_start3A_299] : memref<10240x64xf32, #tpu.memory_space<hbm>> -> memref<10240x64xf32, #tpu.memory_space<hbm>>
      tpu.enqueue_indirect_dma source(%dma_start3A_300 : memref<10240x64xf32, #tpu.memory_space<hbm>>) target(%dma_start3A_294 : memref<128x64xf32, #tpu.memory_space<vmem>>) offsets(%dma_start3A_297 : memref<128xi32, #tpu.memory_space<vmem>>) semaphore(%arg12 : memref<!tpu.dma_semaphore, #tpu.memory_space<semaphore_mem>>)
      %dma_wait3A_301 = arith.constant 0 : i32
      %dma_wait3A_302 = arith.constant 0 : i32
      %dma_wait3A_303 = arith.constant 0 : i32
      %dma_wait3A_304 = tpu.memref_slice %arg8[%dma_wait3A_301, %dma_wait3A_302, %dma_wait3A_303] : memref<4x128x64xf32, #tpu.memory_space<vmem>> -> memref<1x128x64xf32, #tpu.memory_space<vmem>>
      %dma_wait3A_305 = tpu.memref_squeeze %dma_wait3A_304 : memref<1x128x64xf32, #tpu.memory_space<vmem>> -> memref<128x64xf32, #tpu.memory_space<vmem>>
      %dma_wait3A_306 = arith.constant 0 : i32
      %dma_wait3A_307 = arith.constant 0 : i32
      %dma_wait3A_308 = tpu.memref_slice %arg2[%dma_wait3A_306, %dma_wait3A_307] : memref<10240x64xf32, #tpu.memory_space<hbm>> -> memref<128x64xf32, #tpu.memory_space<hbm>>
      %dma_wait3A_309 = arith.constant 0 : i32
      %dma_wait3A_310 = arith.constant 0 : i32
      %dma_wait3A_311 = tpu.memref_slice %arg8[%dma_wait3A_301, %dma_wait3A_309, %dma_wait3A_310] : memref<4x128x64xf32, #tpu.memory_space<vmem>> -> memref<1x128x64xf32, #tpu.memory_space<vmem>>
      %dma_wait3A_312 = tpu.memref_squeeze %dma_wait3A_311 : memref<1x128x64xf32, #tpu.memory_space<vmem>> -> memref<128x64xf32, #tpu.memory_space<vmem>>
      %dma_wait3A_313 = arith.constant 0 : i32
      %dma_wait3A_314 = arith.constant 0 : i32
      %dma_wait3A_315 = tpu.memref_slice %arg2[%dma_wait3A_313, %dma_wait3A_314] : memref<10240x64xf32, #tpu.memory_space<hbm>> -> memref<128x64xf32, #tpu.memory_space<hbm>>
      tpu.wait_dma2 semaphore(%arg11 : memref<!tpu.dma_semaphore, #tpu.memory_space<semaphore_mem>>) src(%dma_wait3A_315 : memref<128x64xf32, #tpu.memory_space<hbm>>) dst(%dma_wait3A_312 : memref<128x64xf32, #tpu.memory_space<vmem>>)
      %dma_start3A_316 = arith.constant 1 : i32
      %dma_start3A_317 = arith.constant 1 : i32
      %dma_start3A_318 = arith.constant 0 : i32
      %dma_start3A_319 = arith.constant 0 : i32
      %dma_start3A_320 = tpu.memref_slice %arg8[%dma_start3A_316, %dma_start3A_318, %dma_start3A_319] : memref<4x128x64xf32, #tpu.memory_space<vmem>> -> memref<1x128x64xf32, #tpu.memory_space<vmem>>
      %dma_start3A_321 = tpu.memref_squeeze %dma_start3A_320 : memref<1x128x64xf32, #tpu.memory_space<vmem>> -> memref<128x64xf32, #tpu.memory_space<vmem>>
      %dma_start3A_322 = arith.constant 0 : i32
      %dma_start3A_323 = tpu.memref_slice %arg7[%add3A_281, %dma_start3A_317, %dma_start3A_322] : memref<80x2x128xi32, #tpu.memory_space<vmem>> -> memref<1x1x128xi32, #tpu.memory_space<vmem>>
      %dma_start3A_324 = tpu.memref_squeeze %dma_start3A_323 : memref<1x1x128xi32, #tpu.memory_space<vmem>> -> memref<128xi32, #tpu.memory_space<vmem>>
      %dma_start3A_325 = arith.constant 0 : i32
      %dma_start3A_326 = arith.constant 0 : i32
      %dma_start3A_327 = tpu.memref_slice %arg9[%dma_start3A_325, %dma_start3A_326] : memref<10240x64xf32, #tpu.memory_space<vmem_shared>> -> memref<10240x64xf32, #tpu.memory_space<vmem_shared>>
      tpu.enqueue_indirect_dma source(%dma_start3A_321 : memref<128x64xf32, #tpu.memory_space<vmem>>) target(%dma_start3A_327 : memref<10240x64xf32, #tpu.memory_space<vmem_shared>>) offsets(%dma_start3A_324 : memref<128xi32, #tpu.memory_space<vmem>>) semaphore(%arg15 : memref<!tpu.dma_semaphore, #tpu.memory_space<semaphore_mem>>) {add = true}
      %mul3A_328 = arith.constant 4 : i32
      %mul3A_329 = arith.muli %scan3A_230, %mul3A_328 : i32
      %add3A_330 = arith.constant 2 : i32
      %add3A_331 = arith.addi %mul3A_329, %add3A_330 : i32
      %ge3A_332 = arith.constant 1 : i32
      %ge3A_333 = arith.cmpi sge, %scan3A_230, %ge3A_332 : i32
      %convert_element_type3A_334 = arith.extui %ge3A_333 : i1 to i32
      %cond3A_335 = arith.constant 0 : i32
      %cond3A_336 = arith.cmpi ne, %convert_element_type3A_334, %cond3A_335 : i32
      scf.if %cond3A_336 {
        %dma_wait3A_413 = arith.constant 0 : i32
        %dma_wait3A_414 = arith.constant 0 : i32
        %dma_wait3A_415 = arith.constant 0 : i32
        %dma_wait3A_416 = tpu.memref_slice %arg8[%dma_wait3A_413, %dma_wait3A_414, %dma_wait3A_415] : memref<4x128x64xf32, #tpu.memory_space<vmem>> -> memref<1x128x64xf32, #tpu.memory_space<vmem>>
        %dma_wait3A_417 = tpu.memref_squeeze %dma_wait3A_416 : memref<1x128x64xf32, #tpu.memory_space<vmem>> -> memref<128x64xf32, #tpu.memory_space<vmem>>
        %dma_wait3A_418 = arith.constant 0 : i32
        %dma_wait3A_419 = arith.constant 0 : i32
        %dma_wait3A_420 = tpu.memref_slice %arg2[%dma_wait3A_418, %dma_wait3A_419] : memref<10240x64xf32, #tpu.memory_space<hbm>> -> memref<128x64xf32, #tpu.memory_space<hbm>>
        %dma_wait3A_421 = arith.constant 0 : i32
        %dma_wait3A_422 = arith.constant 0 : i32
        %dma_wait3A_423 = tpu.memref_slice %arg8[%dma_wait3A_413, %dma_wait3A_421, %dma_wait3A_422] : memref<4x128x64xf32, #tpu.memory_space<vmem>> -> memref<1x128x64xf32, #tpu.memory_space<vmem>>
        %dma_wait3A_424 = tpu.memref_squeeze %dma_wait3A_423 : memref<1x128x64xf32, #tpu.memory_space<vmem>> -> memref<128x64xf32, #tpu.memory_space<vmem>>
        %dma_wait3A_425 = arith.constant 0 : i32
        %dma_wait3A_426 = arith.constant 0 : i32
        %dma_wait3A_427 = tpu.memref_slice %arg2[%dma_wait3A_425, %dma_wait3A_426] : memref<10240x64xf32, #tpu.memory_space<hbm>> -> memref<128x64xf32, #tpu.memory_space<hbm>>
        tpu.wait_dma2 semaphore(%arg17 : memref<!tpu.dma_semaphore, #tpu.memory_space<semaphore_mem>>) src(%dma_wait3A_427 : memref<128x64xf32, #tpu.memory_space<hbm>>) dst(%dma_wait3A_424 : memref<128x64xf32, #tpu.memory_space<vmem>>)
      } else {
      }
      %add3A_337 = arith.constant 1 : i32
      %add3A_338 = arith.addi %add3A_331, %add3A_337 : i32
      %dma_start3A_339 = arith.constant 0 : i32
      %dma_start3A_340 = arith.constant 3 : i32
      %dma_start3A_341 = arith.constant 0 : i32
      %dma_start3A_342 = arith.constant 0 : i32
      %dma_start3A_343 = tpu.memref_slice %arg8[%dma_start3A_340, %dma_start3A_341, %dma_start3A_342] : memref<4x128x64xf32, #tpu.memory_space<vmem>> -> memref<1x128x64xf32, #tpu.memory_space<vmem>>
      %dma_start3A_344 = tpu.memref_squeeze %dma_start3A_343 : memref<1x128x64xf32, #tpu.memory_space<vmem>> -> memref<128x64xf32, #tpu.memory_space<vmem>>
      %dma_start3A_345 = arith.constant 0 : i32
      %dma_start3A_346 = tpu.memref_slice %arg7[%add3A_338, %dma_start3A_339, %dma_start3A_345] : memref<80x2x128xi32, #tpu.memory_space<vmem>> -> memref<1x1x128xi32, #tpu.memory_space<vmem>>
      %dma_start3A_347 = tpu.memref_squeeze %dma_start3A_346 : memref<1x1x128xi32, #tpu.memory_space<vmem>> -> memref<128xi32, #tpu.memory_space<vmem>>
      %dma_start3A_348 = arith.constant 0 : i32
      %dma_start3A_349 = arith.constant 0 : i32
      %dma_start3A_350 = tpu.memref_slice %arg3[%dma_start3A_348, %dma_start3A_349] : memref<10240x64xf32, #tpu.memory_space<hbm>> -> memref<10240x64xf32, #tpu.memory_space<hbm>>
      tpu.enqueue_indirect_dma source(%dma_start3A_350 : memref<10240x64xf32, #tpu.memory_space<hbm>>) target(%dma_start3A_344 : memref<128x64xf32, #tpu.memory_space<vmem>>) offsets(%dma_start3A_347 : memref<128xi32, #tpu.memory_space<vmem>>) semaphore(%arg13 : memref<!tpu.dma_semaphore, #tpu.memory_space<semaphore_mem>>)
      %dma_wait3A_351 = arith.constant 0 : i32
      %dma_wait3A_352 = arith.constant 0 : i32
      %dma_wait3A_353 = arith.constant 0 : i32
      %dma_wait3A_354 = tpu.memref_slice %arg8[%dma_wait3A_351, %dma_wait3A_352, %dma_wait3A_353] : memref<4x128x64xf32, #tpu.memory_space<vmem>> -> memref<1x128x64xf32, #tpu.memory_space<vmem>>
      %dma_wait3A_355 = tpu.memref_squeeze %dma_wait3A_354 : memref<1x128x64xf32, #tpu.memory_space<vmem>> -> memref<128x64xf32, #tpu.memory_space<vmem>>
      %dma_wait3A_356 = arith.constant 0 : i32
      %dma_wait3A_357 = arith.constant 0 : i32
      %dma_wait3A_358 = tpu.memref_slice %arg2[%dma_wait3A_356, %dma_wait3A_357] : memref<10240x64xf32, #tpu.memory_space<hbm>> -> memref<128x64xf32, #tpu.memory_space<hbm>>
      %dma_wait3A_359 = arith.constant 0 : i32
      %dma_wait3A_360 = arith.constant 0 : i32
      %dma_wait3A_361 = tpu.memref_slice %arg8[%dma_wait3A_351, %dma_wait3A_359, %dma_wait3A_360] : memref<4x128x64xf32, #tpu.memory_space<vmem>> -> memref<1x128x64xf32, #tpu.memory_space<vmem>>
      %dma_wait3A_362 = tpu.memref_squeeze %dma_wait3A_361 : memref<1x128x64xf32, #tpu.memory_space<vmem>> -> memref<128x64xf32, #tpu.memory_space<vmem>>
      %dma_wait3A_363 = arith.constant 0 : i32
      %dma_wait3A_364 = arith.constant 0 : i32
      %dma_wait3A_365 = tpu.memref_slice %arg2[%dma_wait3A_363, %dma_wait3A_364] : memref<10240x64xf32, #tpu.memory_space<hbm>> -> memref<128x64xf32, #tpu.memory_space<hbm>>
      tpu.wait_dma2 semaphore(%arg12 : memref<!tpu.dma_semaphore, #tpu.memory_space<semaphore_mem>>) src(%dma_wait3A_365 : memref<128x64xf32, #tpu.memory_space<hbm>>) dst(%dma_wait3A_362 : memref<128x64xf32, #tpu.memory_space<vmem>>)
      %dma_start3A_366 = arith.constant 2 : i32
      %dma_start3A_367 = arith.constant 1 : i32
      %dma_start3A_368 = arith.constant 0 : i32
      %dma_start3A_369 = arith.constant 0 : i32
      %dma_start3A_370 = tpu.memref_slice %arg8[%dma_start3A_366, %dma_start3A_368, %dma_start3A_369] : memref<4x128x64xf32, #tpu.memory_space<vmem>> -> memref<1x128x64xf32, #tpu.memory_space<vmem>>
      %dma_start3A_371 = tpu.memref_squeeze %dma_start3A_370 : memref<1x128x64xf32, #tpu.memory_space<vmem>> -> memref<128x64xf32, #tpu.memory_space<vmem>>
      %dma_start3A_372 = arith.constant 0 : i32
      %dma_start3A_373 = tpu.memref_slice %arg7[%add3A_331, %dma_start3A_367, %dma_start3A_372] : memref<80x2x128xi32, #tpu.memory_space<vmem>> -> memref<1x1x128xi32, #tpu.memory_space<vmem>>
      %dma_start3A_374 = tpu.memref_squeeze %dma_start3A_373 : memref<1x1x128xi32, #tpu.memory_space<vmem>> -> memref<128xi32, #tpu.memory_space<vmem>>
      %dma_start3A_375 = arith.constant 0 : i32
      %dma_start3A_376 = arith.constant 0 : i32
      %dma_start3A_377 = tpu.memref_slice %arg9[%dma_start3A_375, %dma_start3A_376] : memref<10240x64xf32, #tpu.memory_space<vmem_shared>> -> memref<10240x64xf32, #tpu.memory_space<vmem_shared>>
      tpu.enqueue_indirect_dma source(%dma_start3A_371 : memref<128x64xf32, #tpu.memory_space<vmem>>) target(%dma_start3A_377 : memref<10240x64xf32, #tpu.memory_space<vmem_shared>>) offsets(%dma_start3A_374 : memref<128xi32, #tpu.memory_space<vmem>>) semaphore(%arg16 : memref<!tpu.dma_semaphore, #tpu.memory_space<semaphore_mem>>) {add = true}
      %mul3A_378 = arith.constant 4 : i32
      %mul3A_379 = arith.muli %scan3A_230, %mul3A_378 : i32
      %add3A_380 = arith.constant 3 : i32
      %add3A_381 = arith.addi %mul3A_379, %add3A_380 : i32
      %le3A = arith.constant 18 : i32
      %le3A_382 = arith.cmpi sle, %scan3A_230, %le3A : i32
      %convert_element_type3A_383 = arith.extui %le3A_382 : i1 to i32
      %cond3A_384 = arith.constant 0 : i32
      %cond3A_385 = arith.cmpi ne, %convert_element_type3A_383, %cond3A_384 : i32
      scf.if %cond3A_385 {
        %dma_wait3A_413 = arith.constant 0 : i32
        %dma_wait3A_414 = arith.constant 0 : i32
        %dma_wait3A_415 = arith.constant 0 : i32
        %dma_wait3A_416 = tpu.memref_slice %arg8[%dma_wait3A_413, %dma_wait3A_414, %dma_wait3A_415] : memref<4x128x64xf32, #tpu.memory_space<vmem>> -> memref<1x128x64xf32, #tpu.memory_space<vmem>>
        %dma_wait3A_417 = tpu.memref_squeeze %dma_wait3A_416 : memref<1x128x64xf32, #tpu.memory_space<vmem>> -> memref<128x64xf32, #tpu.memory_space<vmem>>
        %dma_wait3A_418 = arith.constant 0 : i32
        %dma_wait3A_419 = arith.constant 0 : i32
        %dma_wait3A_420 = tpu.memref_slice %arg2[%dma_wait3A_418, %dma_wait3A_419] : memref<10240x64xf32, #tpu.memory_space<hbm>> -> memref<128x64xf32, #tpu.memory_space<hbm>>
        %dma_wait3A_421 = arith.constant 0 : i32
        %dma_wait3A_422 = arith.constant 0 : i32
        %dma_wait3A_423 = tpu.memref_slice %arg8[%dma_wait3A_413, %dma_wait3A_421, %dma_wait3A_422] : memref<4x128x64xf32, #tpu.memory_space<vmem>> -> memref<1x128x64xf32, #tpu.memory_space<vmem>>
        %dma_wait3A_424 = tpu.memref_squeeze %dma_wait3A_423 : memref<1x128x64xf32, #tpu.memory_space<vmem>> -> memref<128x64xf32, #tpu.memory_space<vmem>>
        %dma_wait3A_425 = arith.constant 0 : i32
        %dma_wait3A_426 = arith.constant 0 : i32
        %dma_wait3A_427 = tpu.memref_slice %arg2[%dma_wait3A_425, %dma_wait3A_426] : memref<10240x64xf32, #tpu.memory_space<hbm>> -> memref<128x64xf32, #tpu.memory_space<hbm>>
        tpu.wait_dma2 semaphore(%arg14 : memref<!tpu.dma_semaphore, #tpu.memory_space<semaphore_mem>>) src(%dma_wait3A_427 : memref<128x64xf32, #tpu.memory_space<hbm>>) dst(%dma_wait3A_424 : memref<128x64xf32, #tpu.memory_space<vmem>>)
        %add3A_428 = arith.constant 1 : i32
        %add3A_429 = arith.addi %add3A_381, %add3A_428 : i32
        %dma_start3A_430 = arith.constant 0 : i32
        %dma_start3A_431 = arith.constant 0 : i32
        %dma_start3A_432 = arith.constant 0 : i32
        %dma_start3A_433 = arith.constant 0 : i32
        %dma_start3A_434 = tpu.memref_slice %arg8[%dma_start3A_431, %dma_start3A_432, %dma_start3A_433] : memref<4x128x64xf32, #tpu.memory_space<vmem>> -> memref<1x128x64xf32, #tpu.memory_space<vmem>>
        %dma_start3A_435 = tpu.memref_squeeze %dma_start3A_434 : memref<1x128x64xf32, #tpu.memory_space<vmem>> -> memref<128x64xf32, #tpu.memory_space<vmem>>
        %dma_start3A_436 = arith.constant 0 : i32
        %dma_start3A_437 = tpu.memref_slice %arg7[%add3A_429, %dma_start3A_430, %dma_start3A_436] : memref<80x2x128xi32, #tpu.memory_space<vmem>> -> memref<1x1x128xi32, #tpu.memory_space<vmem>>
        %dma_start3A_438 = tpu.memref_squeeze %dma_start3A_437 : memref<1x1x128xi32, #tpu.memory_space<vmem>> -> memref<128xi32, #tpu.memory_space<vmem>>
        %dma_start3A_439 = arith.constant 0 : i32
        %dma_start3A_440 = arith.constant 0 : i32
        %dma_start3A_441 = tpu.memref_slice %arg3[%dma_start3A_439, %dma_start3A_440] : memref<10240x64xf32, #tpu.memory_space<hbm>> -> memref<10240x64xf32, #tpu.memory_space<hbm>>
        tpu.enqueue_indirect_dma source(%dma_start3A_441 : memref<10240x64xf32, #tpu.memory_space<hbm>>) target(%dma_start3A_435 : memref<128x64xf32, #tpu.memory_space<vmem>>) offsets(%dma_start3A_438 : memref<128xi32, #tpu.memory_space<vmem>>) semaphore(%arg10 : memref<!tpu.dma_semaphore, #tpu.memory_space<semaphore_mem>>)
      } else {
      }
      %dma_wait3A_386 = arith.constant 0 : i32
      %dma_wait3A_387 = arith.constant 0 : i32
      %dma_wait3A_388 = arith.constant 0 : i32
      %dma_wait3A_389 = tpu.memref_slice %arg8[%dma_wait3A_386, %dma_wait3A_387, %dma_wait3A_388] : memref<4x128x64xf32, #tpu.memory_space<vmem>> -> memref<1x128x64xf32, #tpu.memory_space<vmem>>
      %dma_wait3A_390 = tpu.memref_squeeze %dma_wait3A_389 : memref<1x128x64xf32, #tpu.memory_space<vmem>> -> memref<128x64xf32, #tpu.memory_space<vmem>>
      %dma_wait3A_391 = arith.constant 0 : i32
      %dma_wait3A_392 = arith.constant 0 : i32
      %dma_wait3A_393 = tpu.memref_slice %arg2[%dma_wait3A_391, %dma_wait3A_392] : memref<10240x64xf32, #tpu.memory_space<hbm>> -> memref<128x64xf32, #tpu.memory_space<hbm>>
      %dma_wait3A_394 = arith.constant 0 : i32
      %dma_wait3A_395 = arith.constant 0 : i32
      %dma_wait3A_396 = tpu.memref_slice %arg8[%dma_wait3A_386, %dma_wait3A_394, %dma_wait3A_395] : memref<4x128x64xf32, #tpu.memory_space<vmem>> -> memref<1x128x64xf32, #tpu.memory_space<vmem>>
      %dma_wait3A_397 = tpu.memref_squeeze %dma_wait3A_396 : memref<1x128x64xf32, #tpu.memory_space<vmem>> -> memref<128x64xf32, #tpu.memory_space<vmem>>
      %dma_wait3A_398 = arith.constant 0 : i32
      %dma_wait3A_399 = arith.constant 0 : i32
      %dma_wait3A_400 = tpu.memref_slice %arg2[%dma_wait3A_398, %dma_wait3A_399] : memref<10240x64xf32, #tpu.memory_space<hbm>> -> memref<128x64xf32, #tpu.memory_space<hbm>>
      tpu.wait_dma2 semaphore(%arg13 : memref<!tpu.dma_semaphore, #tpu.memory_space<semaphore_mem>>) src(%dma_wait3A_400 : memref<128x64xf32, #tpu.memory_space<hbm>>) dst(%dma_wait3A_397 : memref<128x64xf32, #tpu.memory_space<vmem>>)
      %dma_start3A_401 = arith.constant 3 : i32
      %dma_start3A_402 = arith.constant 1 : i32
      %dma_start3A_403 = arith.constant 0 : i32
      %dma_start3A_404 = arith.constant 0 : i32
      %dma_start3A_405 = tpu.memref_slice %arg8[%dma_start3A_401, %dma_start3A_403, %dma_start3A_404] : memref<4x128x64xf32, #tpu.memory_space<vmem>> -> memref<1x128x64xf32, #tpu.memory_space<vmem>>
      %dma_start3A_406 = tpu.memref_squeeze %dma_start3A_405 : memref<1x128x64xf32, #tpu.memory_space<vmem>> -> memref<128x64xf32, #tpu.memory_space<vmem>>
      %dma_start3A_407 = arith.constant 0 : i32
      %dma_start3A_408 = tpu.memref_slice %arg7[%add3A_381, %dma_start3A_402, %dma_start3A_407] : memref<80x2x128xi32, #tpu.memory_space<vmem>> -> memref<1x1x128xi32, #tpu.memory_space<vmem>>
      %dma_start3A_409 = tpu.memref_squeeze %dma_start3A_408 : memref<1x1x128xi32, #tpu.memory_space<vmem>> -> memref<128xi32, #tpu.memory_space<vmem>>
      %dma_start3A_410 = arith.constant 0 : i32
      %dma_start3A_411 = arith.constant 0 : i32
      %dma_start3A_412 = tpu.memref_slice %arg9[%dma_start3A_410, %dma_start3A_411] : memref<10240x64xf32, #tpu.memory_space<vmem_shared>> -> memref<10240x64xf32, #tpu.memory_space<vmem_shared>>
      tpu.enqueue_indirect_dma source(%dma_start3A_406 : memref<128x64xf32, #tpu.memory_space<vmem>>) target(%dma_start3A_412 : memref<10240x64xf32, #tpu.memory_space<vmem_shared>>) offsets(%dma_start3A_409 : memref<128xi32, #tpu.memory_space<vmem>>) semaphore(%arg17 : memref<!tpu.dma_semaphore, #tpu.memory_space<semaphore_mem>>) {add = true}
    }
    %scan3A_164 = arith.constant 20 : i32
    %dma_wait3A_165 = arith.constant 0 : i32
    %dma_wait3A_166 = arith.constant 0 : i32
    %dma_wait3A_167 = arith.constant 0 : i32
    %dma_wait3A_168 = tpu.memref_slice %arg8[%dma_wait3A_165, %dma_wait3A_166, %dma_wait3A_167] : memref<4x128x64xf32, #tpu.memory_space<vmem>> -> memref<1x128x64xf32, #tpu.memory_space<vmem>>
    %dma_wait3A_169 = tpu.memref_squeeze %dma_wait3A_168 : memref<1x128x64xf32, #tpu.memory_space<vmem>> -> memref<128x64xf32, #tpu.memory_space<vmem>>
    %dma_wait3A_170 = arith.constant 0 : i32
    %dma_wait3A_171 = arith.constant 0 : i32
    %dma_wait3A_172 = tpu.memref_slice %arg2[%dma_wait3A_170, %dma_wait3A_171] : memref<10240x64xf32, #tpu.memory_space<hbm>> -> memref<128x64xf32, #tpu.memory_space<hbm>>
    %dma_wait3A_173 = arith.constant 0 : i32
    %dma_wait3A_174 = arith.constant 0 : i32
    %dma_wait3A_175 = tpu.memref_slice %arg8[%dma_wait3A_165, %dma_wait3A_173, %dma_wait3A_174] : memref<4x128x64xf32, #tpu.memory_space<vmem>> -> memref<1x128x64xf32, #tpu.memory_space<vmem>>
    %dma_wait3A_176 = tpu.memref_squeeze %dma_wait3A_175 : memref<1x128x64xf32, #tpu.memory_space<vmem>> -> memref<128x64xf32, #tpu.memory_space<vmem>>
    %dma_wait3A_177 = arith.constant 0 : i32
    %dma_wait3A_178 = arith.constant 0 : i32
    %dma_wait3A_179 = tpu.memref_slice %arg2[%dma_wait3A_177, %dma_wait3A_178] : memref<10240x64xf32, #tpu.memory_space<hbm>> -> memref<128x64xf32, #tpu.memory_space<hbm>>
    tpu.wait_dma2 semaphore(%arg14 : memref<!tpu.dma_semaphore, #tpu.memory_space<semaphore_mem>>) src(%dma_wait3A_179 : memref<128x64xf32, #tpu.memory_space<hbm>>) dst(%dma_wait3A_176 : memref<128x64xf32, #tpu.memory_space<vmem>>)
    %dma_wait3A_180 = arith.constant 0 : i32
    %dma_wait3A_181 = arith.constant 0 : i32
    %dma_wait3A_182 = arith.constant 0 : i32
    %dma_wait3A_183 = tpu.memref_slice %arg8[%dma_wait3A_180, %dma_wait3A_181, %dma_wait3A_182] : memref<4x128x64xf32, #tpu.memory_space<vmem>> -> memref<1x128x64xf32, #tpu.memory_space<vmem>>
    %dma_wait3A_184 = tpu.memref_squeeze %dma_wait3A_183 : memref<1x128x64xf32, #tpu.memory_space<vmem>> -> memref<128x64xf32, #tpu.memory_space<vmem>>
    %dma_wait3A_185 = arith.constant 0 : i32
    %dma_wait3A_186 = arith.constant 0 : i32
    %dma_wait3A_187 = tpu.memref_slice %arg2[%dma_wait3A_185, %dma_wait3A_186] : memref<10240x64xf32, #tpu.memory_space<hbm>> -> memref<128x64xf32, #tpu.memory_space<hbm>>
    %dma_wait3A_188 = arith.constant 0 : i32
    %dma_wait3A_189 = arith.constant 0 : i32
    %dma_wait3A_190 = tpu.memref_slice %arg8[%dma_wait3A_180, %dma_wait3A_188, %dma_wait3A_189] : memref<4x128x64xf32, #tpu.memory_space<vmem>> -> memref<1x128x64xf32, #tpu.memory_space<vmem>>
    %dma_wait3A_191 = tpu.memref_squeeze %dma_wait3A_190 : memref<1x128x64xf32, #tpu.memory_space<vmem>> -> memref<128x64xf32, #tpu.memory_space<vmem>>
    %dma_wait3A_192 = arith.constant 0 : i32
    %dma_wait3A_193 = arith.constant 0 : i32
    %dma_wait3A_194 = tpu.memref_slice %arg2[%dma_wait3A_192, %dma_wait3A_193] : memref<10240x64xf32, #tpu.memory_space<hbm>> -> memref<128x64xf32, #tpu.memory_space<hbm>>
    tpu.wait_dma2 semaphore(%arg15 : memref<!tpu.dma_semaphore, #tpu.memory_space<semaphore_mem>>) src(%dma_wait3A_194 : memref<128x64xf32, #tpu.memory_space<hbm>>) dst(%dma_wait3A_191 : memref<128x64xf32, #tpu.memory_space<vmem>>)
    %dma_wait3A_195 = arith.constant 0 : i32
    %dma_wait3A_196 = arith.constant 0 : i32
    %dma_wait3A_197 = arith.constant 0 : i32
    %dma_wait3A_198 = tpu.memref_slice %arg8[%dma_wait3A_195, %dma_wait3A_196, %dma_wait3A_197] : memref<4x128x64xf32, #tpu.memory_space<vmem>> -> memref<1x128x64xf32, #tpu.memory_space<vmem>>
    %dma_wait3A_199 = tpu.memref_squeeze %dma_wait3A_198 : memref<1x128x64xf32, #tpu.memory_space<vmem>> -> memref<128x64xf32, #tpu.memory_space<vmem>>
    %dma_wait3A_200 = arith.constant 0 : i32
    %dma_wait3A_201 = arith.constant 0 : i32
    %dma_wait3A_202 = tpu.memref_slice %arg2[%dma_wait3A_200, %dma_wait3A_201] : memref<10240x64xf32, #tpu.memory_space<hbm>> -> memref<128x64xf32, #tpu.memory_space<hbm>>
    %dma_wait3A_203 = arith.constant 0 : i32
    %dma_wait3A_204 = arith.constant 0 : i32
    %dma_wait3A_205 = tpu.memref_slice %arg8[%dma_wait3A_195, %dma_wait3A_203, %dma_wait3A_204] : memref<4x128x64xf32, #tpu.memory_space<vmem>> -> memref<1x128x64xf32, #tpu.memory_space<vmem>>
    %dma_wait3A_206 = tpu.memref_squeeze %dma_wait3A_205 : memref<1x128x64xf32, #tpu.memory_space<vmem>> -> memref<128x64xf32, #tpu.memory_space<vmem>>
    %dma_wait3A_207 = arith.constant 0 : i32
    %dma_wait3A_208 = arith.constant 0 : i32
    %dma_wait3A_209 = tpu.memref_slice %arg2[%dma_wait3A_207, %dma_wait3A_208] : memref<10240x64xf32, #tpu.memory_space<hbm>> -> memref<128x64xf32, #tpu.memory_space<hbm>>
    tpu.wait_dma2 semaphore(%arg16 : memref<!tpu.dma_semaphore, #tpu.memory_space<semaphore_mem>>) src(%dma_wait3A_209 : memref<128x64xf32, #tpu.memory_space<hbm>>) dst(%dma_wait3A_206 : memref<128x64xf32, #tpu.memory_space<vmem>>)
    %dma_wait3A_210 = arith.constant 0 : i32
    %dma_wait3A_211 = arith.constant 0 : i32
    %dma_wait3A_212 = arith.constant 0 : i32
    %dma_wait3A_213 = tpu.memref_slice %arg8[%dma_wait3A_210, %dma_wait3A_211, %dma_wait3A_212] : memref<4x128x64xf32, #tpu.memory_space<vmem>> -> memref<1x128x64xf32, #tpu.memory_space<vmem>>
    %dma_wait3A_214 = tpu.memref_squeeze %dma_wait3A_213 : memref<1x128x64xf32, #tpu.memory_space<vmem>> -> memref<128x64xf32, #tpu.memory_space<vmem>>
    %dma_wait3A_215 = arith.constant 0 : i32
    %dma_wait3A_216 = arith.constant 0 : i32
    %dma_wait3A_217 = tpu.memref_slice %arg2[%dma_wait3A_215, %dma_wait3A_216] : memref<10240x64xf32, #tpu.memory_space<hbm>> -> memref<128x64xf32, #tpu.memory_space<hbm>>
    %dma_wait3A_218 = arith.constant 0 : i32
    %dma_wait3A_219 = arith.constant 0 : i32
    %dma_wait3A_220 = tpu.memref_slice %arg8[%dma_wait3A_210, %dma_wait3A_218, %dma_wait3A_219] : memref<4x128x64xf32, #tpu.memory_space<vmem>> -> memref<1x128x64xf32, #tpu.memory_space<vmem>>
    %dma_wait3A_221 = tpu.memref_squeeze %dma_wait3A_220 : memref<1x128x64xf32, #tpu.memory_space<vmem>> -> memref<128x64xf32, #tpu.memory_space<vmem>>
    %dma_wait3A_222 = arith.constant 0 : i32
    %dma_wait3A_223 = arith.constant 0 : i32
    %dma_wait3A_224 = tpu.memref_slice %arg2[%dma_wait3A_222, %dma_wait3A_223] : memref<10240x64xf32, #tpu.memory_space<hbm>> -> memref<128x64xf32, #tpu.memory_space<hbm>>
    tpu.wait_dma2 semaphore(%arg17 : memref<!tpu.dma_semaphore, #tpu.memory_space<semaphore_mem>>) src(%dma_wait3A_224 : memref<128x64xf32, #tpu.memory_space<hbm>>) dst(%dma_wait3A_221 : memref<128x64xf32, #tpu.memory_space<vmem>>)
    %barrier3A_225 = arith.constant 0 : index
    tpu.barrier barrier_id(%barrier3A_225)
    %mul3A_226 = arith.constant 640 : i32
    %mul3A_227 = arith.muli %arg1, %mul3A_226 : i32
    %mul3A_228 = arith.constant 640 : i32
    %mul3A_229 = arith.muli %arg1, %mul3A_228 : i32
    "tpu.region"() ({
      %run_scoped3A_230 = tpu.sem_alloc : memref<!tpu.dma_semaphore, #tpu.memory_space<semaphore_mem>>
      %dma_start3A_231 = arith.constant 0 : i32
      %dma_start3A_232 = arith.constant 0 : i32
      %dma_start3A_233 = tpu.memref_slice %arg6[%arg0, %dma_start3A_231, %dma_start3A_232] : memref<2x10240x64xf32, #tpu.memory_space<hbm>> -> memref<1x10240x64xf32, #tpu.memory_space<hbm>>
      %dma_start3A_234 = tpu.memref_squeeze %dma_start3A_233 : memref<1x10240x64xf32, #tpu.memory_space<hbm>> -> memref<10240x64xf32, #tpu.memory_space<hbm>>
      %dma_start3A_235 = arith.constant 0 : i32
      %dma_start3A_236 = tpu.memref_slice %dma_start3A_234[%mul3A_229, %dma_start3A_235] : memref<10240x64xf32, #tpu.memory_space<hbm>> -> memref<640x64xf32, #tpu.memory_space<hbm>>
      %dma_start3A_237 = arith.constant 0 : i32
      %dma_start3A_238 = tpu.memref_slice %arg9[%mul3A_227, %dma_start3A_237] : memref<10240x64xf32, #tpu.memory_space<vmem_shared>> -> memref<640x64xf32, #tpu.memory_space<vmem_shared>>
      tpu.enqueue_dma source(%dma_start3A_238 : memref<640x64xf32, #tpu.memory_space<vmem_shared>>) target(%dma_start3A_236 : memref<640x64xf32, #tpu.memory_space<hbm>>) target_semaphore(%run_scoped3A_230 : memref<!tpu.dma_semaphore, #tpu.memory_space<semaphore_mem>>)
      %dma_wait3A_239 = arith.constant 0 : i32
      %dma_wait3A_240 = arith.constant 0 : i32
      %dma_wait3A_241 = tpu.memref_slice %arg6[%arg0, %dma_wait3A_239, %dma_wait3A_240] : memref<2x10240x64xf32, #tpu.memory_space<hbm>> -> memref<1x10240x64xf32, #tpu.memory_space<hbm>>
      %dma_wait3A_242 = tpu.memref_squeeze %dma_wait3A_241 : memref<1x10240x64xf32, #tpu.memory_space<hbm>> -> memref<10240x64xf32, #tpu.memory_space<hbm>>
      %dma_wait3A_243 = arith.constant 0 : i32
      %dma_wait3A_244 = tpu.memref_slice %dma_wait3A_242[%mul3A_229, %dma_wait3A_243] : memref<10240x64xf32, #tpu.memory_space<hbm>> -> memref<640x64xf32, #tpu.memory_space<hbm>>
      %dma_wait3A_245 = arith.constant 0 : i32
      %dma_wait3A_246 = tpu.memref_slice %arg9[%mul3A_227, %dma_wait3A_245] : memref<10240x64xf32, #tpu.memory_space<vmem_shared>> -> memref<640x64xf32, #tpu.memory_space<vmem_shared>>
      tpu.wait_dma2 semaphore(%run_scoped3A_230 : memref<!tpu.dma_semaphore, #tpu.memory_space<semaphore_mem>>) src(%dma_wait3A_246 : memref<640x64xf32, #tpu.memory_space<vmem_shared>>) dst(%dma_wait3A_244 : memref<640x64xf32, #tpu.memory_space<hbm>>)
      tpu.yield
    }) : () -> ()
    return
  }
}

#map = affine_map<(d0, d1) -> (0, 0)>
#map1 = affine_map<(d0, d1) -> (0, 0, 0)>
module attributes {stable_mosaic.version = 14 : i64} {
  func.func @_pair_kernel(%arg0: i32, %arg1: i32, %arg2: memref<10240x64xf32, #tpu.memory_space<hbm>>, %arg3: memref<10240x64xf32, #tpu.memory_space<hbm>>, %arg4: memref<1600x2x128xi32, #tpu.memory_space<hbm>>, %arg5: memref<204800x64xf32, #tpu.memory_space<hbm>>, %arg6: memref<204800x64xf32, #tpu.memory_space<hbm>>, %arg7: memref<50x2x128xi32, #tpu.memory_space<vmem>>, %arg8: memref<2x128x64xf32, #tpu.memory_space<vmem>>, %arg9: memref<2x128x64xf32, #tpu.memory_space<vmem>>, %arg10: memref<!tpu.dma_semaphore, #tpu.memory_space<semaphore_mem>>, %arg11: memref<!tpu.dma_semaphore, #tpu.memory_space<semaphore_mem>>, %arg12: memref<!tpu.dma_semaphore, #tpu.memory_space<semaphore_mem>>, %arg13: memref<!tpu.dma_semaphore, #tpu.memory_space<semaphore_mem>>) attributes {dimension_semantics = [#tpu.dimension_semantics<core_parallel>, #tpu.dimension_semantics<subcore_parallel>], iteration_bounds = array<i64: 2, 16>, scalar_prefetch = 0 : i64, scratch_operands = 7 : i64, tpu.core_type = #tpu.core_type<sc_vector_subcore>, window_params = [{transform_indices = #map}, {transform_indices = #map}, {transform_indices = #map1}, {transform_indices = #map}, {transform_indices = #map}]} {
    %mul3A = arith.constant 2 : i32
    %mul3A_0 = arith.muli %arg1, %mul3A : i32
    %add3A = arith.addi %mul3A_0, %arg0 : i32
    %mul3A_1 = arith.constant 50 : i32
    %mul3A_2 = arith.muli %add3A, %mul3A_1 : i32
    "tpu.region"() ({
      %run_scoped3A = tpu.sem_alloc : memref<!tpu.dma_semaphore, #tpu.memory_space<semaphore_mem>>
      %dma_start3A_92 = arith.constant 0 : i32
      %dma_start3A_93 = arith.constant 0 : i32
      %dma_start3A_94 = tpu.memref_slice %arg4[%mul3A_2, %dma_start3A_92, %dma_start3A_93] : memref<1600x2x128xi32, #tpu.memory_space<hbm>> -> memref<50x2x128xi32, #tpu.memory_space<hbm>>
      %dma_start3A_95 = arith.constant 0 : i32
      %dma_start3A_96 = arith.constant 0 : i32
      %dma_start3A_97 = tpu.memref_slice %arg4[%mul3A_2, %dma_start3A_95, %dma_start3A_96] : memref<1600x2x128xi32, #tpu.memory_space<hbm>> -> memref<50x2x128xi32, #tpu.memory_space<hbm>>
      tpu.enqueue_dma source(%dma_start3A_97 : memref<50x2x128xi32, #tpu.memory_space<hbm>>) target(%arg7 : memref<50x2x128xi32, #tpu.memory_space<vmem>>) target_semaphore(%run_scoped3A : memref<!tpu.dma_semaphore, #tpu.memory_space<semaphore_mem>>)
      %dma_wait3A_98 = arith.constant 0 : i32
      %dma_wait3A_99 = arith.constant 0 : i32
      %dma_wait3A_100 = tpu.memref_slice %arg4[%mul3A_2, %dma_wait3A_98, %dma_wait3A_99] : memref<1600x2x128xi32, #tpu.memory_space<hbm>> -> memref<50x2x128xi32, #tpu.memory_space<hbm>>
      %dma_wait3A_101 = arith.constant 0 : i32
      %dma_wait3A_102 = arith.constant 0 : i32
      %dma_wait3A_103 = tpu.memref_slice %arg4[%mul3A_2, %dma_wait3A_101, %dma_wait3A_102] : memref<1600x2x128xi32, #tpu.memory_space<hbm>> -> memref<50x2x128xi32, #tpu.memory_space<hbm>>
      tpu.wait_dma2 semaphore(%run_scoped3A : memref<!tpu.dma_semaphore, #tpu.memory_space<semaphore_mem>>) src(%dma_wait3A_103 : memref<50x2x128xi32, #tpu.memory_space<hbm>>) dst(%arg7 : memref<50x2x128xi32, #tpu.memory_space<vmem>>)
      tpu.yield
    }) : () -> ()
    %dma_start3A = arith.constant 0 : i32
    %dma_start3A_3 = arith.constant 0 : i32
    %dma_start3A_4 = arith.constant 0 : i32
    %dma_start3A_5 = arith.constant 0 : i32
    %dma_start3A_6 = arith.constant 0 : i32
    %dma_start3A_7 = tpu.memref_slice %arg8[%dma_start3A_4, %dma_start3A_5, %dma_start3A_6] : memref<2x128x64xf32, #tpu.memory_space<vmem>> -> memref<1x128x64xf32, #tpu.memory_space<vmem>>
    %dma_start3A_8 = tpu.memref_squeeze %dma_start3A_7 : memref<1x128x64xf32, #tpu.memory_space<vmem>> -> memref<128x64xf32, #tpu.memory_space<vmem>>
    %dma_start3A_9 = arith.constant 0 : i32
    %dma_start3A_10 = tpu.memref_slice %arg7[%dma_start3A, %dma_start3A_3, %dma_start3A_9] : memref<50x2x128xi32, #tpu.memory_space<vmem>> -> memref<1x1x128xi32, #tpu.memory_space<vmem>>
    %dma_start3A_11 = tpu.memref_squeeze %dma_start3A_10 : memref<1x1x128xi32, #tpu.memory_space<vmem>> -> memref<128xi32, #tpu.memory_space<vmem>>
    %dma_start3A_12 = arith.constant 0 : i32
    %dma_start3A_13 = arith.constant 0 : i32
    %dma_start3A_14 = tpu.memref_slice %arg2[%dma_start3A_12, %dma_start3A_13] : memref<10240x64xf32, #tpu.memory_space<hbm>> -> memref<10240x64xf32, #tpu.memory_space<hbm>>
    tpu.enqueue_indirect_dma source(%dma_start3A_14 : memref<10240x64xf32, #tpu.memory_space<hbm>>) target(%dma_start3A_8 : memref<128x64xf32, #tpu.memory_space<vmem>>) offsets(%dma_start3A_11 : memref<128xi32, #tpu.memory_space<vmem>>) semaphore(%arg10 : memref<!tpu.dma_semaphore, #tpu.memory_space<semaphore_mem>>)
    %dma_start3A_15 = arith.constant 0 : i32
    %dma_start3A_16 = arith.constant 1 : i32
    %dma_start3A_17 = arith.constant 0 : i32
    %dma_start3A_18 = arith.constant 0 : i32
    %dma_start3A_19 = arith.constant 0 : i32
    %dma_start3A_20 = tpu.memref_slice %arg9[%dma_start3A_17, %dma_start3A_18, %dma_start3A_19] : memref<2x128x64xf32, #tpu.memory_space<vmem>> -> memref<1x128x64xf32, #tpu.memory_space<vmem>>
    %dma_start3A_21 = tpu.memref_squeeze %dma_start3A_20 : memref<1x128x64xf32, #tpu.memory_space<vmem>> -> memref<128x64xf32, #tpu.memory_space<vmem>>
    %dma_start3A_22 = arith.constant 0 : i32
    %dma_start3A_23 = tpu.memref_slice %arg7[%dma_start3A_15, %dma_start3A_16, %dma_start3A_22] : memref<50x2x128xi32, #tpu.memory_space<vmem>> -> memref<1x1x128xi32, #tpu.memory_space<vmem>>
    %dma_start3A_24 = tpu.memref_squeeze %dma_start3A_23 : memref<1x1x128xi32, #tpu.memory_space<vmem>> -> memref<128xi32, #tpu.memory_space<vmem>>
    %dma_start3A_25 = arith.constant 0 : i32
    %dma_start3A_26 = arith.constant 0 : i32
    %dma_start3A_27 = tpu.memref_slice %arg3[%dma_start3A_25, %dma_start3A_26] : memref<10240x64xf32, #tpu.memory_space<hbm>> -> memref<10240x64xf32, #tpu.memory_space<hbm>>
    tpu.enqueue_indirect_dma source(%dma_start3A_27 : memref<10240x64xf32, #tpu.memory_space<hbm>>) target(%dma_start3A_21 : memref<128x64xf32, #tpu.memory_space<vmem>>) offsets(%dma_start3A_24 : memref<128xi32, #tpu.memory_space<vmem>>) semaphore(%arg10 : memref<!tpu.dma_semaphore, #tpu.memory_space<semaphore_mem>>)
    %scan3A = arith.constant 0 : i32
    %scan3A_28 = arith.constant 0 : i32
    %scan3A_29 = arith.constant 25 : i32
    %scan3A_30 = arith.addi %scan3A_28, %scan3A_29 : i32
    %scan3A_31 = arith.constant 1 : i32
    scf.for %scan3A_92 = %scan3A_28 to %scan3A_30 step %scan3A_31  : i32 {
      %mul3A_93 = arith.constant 2 : i32
      %mul3A_94 = arith.muli %scan3A_92, %mul3A_93 : i32
      %ge3A = arith.constant 1 : i32
      %ge3A_95 = arith.cmpi sge, %scan3A_92, %ge3A : i32
      %convert_element_type3A = arith.extui %ge3A_95 : i1 to i32
      %cond3A = arith.constant 0 : i32
      %cond3A_96 = arith.cmpi ne, %convert_element_type3A, %cond3A : i32
      scf.if %cond3A_96 {
        %dma_wait3A_251 = arith.constant 0 : i32
        %dma_wait3A_252 = arith.constant 0 : i32
        %dma_wait3A_253 = arith.constant 0 : i32
        %dma_wait3A_254 = tpu.memref_slice %arg8[%dma_wait3A_251, %dma_wait3A_252, %dma_wait3A_253] : memref<2x128x64xf32, #tpu.memory_space<vmem>> -> memref<1x128x64xf32, #tpu.memory_space<vmem>>
        %dma_wait3A_255 = tpu.memref_squeeze %dma_wait3A_254 : memref<1x128x64xf32, #tpu.memory_space<vmem>> -> memref<128x64xf32, #tpu.memory_space<vmem>>
        %dma_wait3A_256 = arith.constant 0 : i32
        %dma_wait3A_257 = arith.constant 0 : i32
        %dma_wait3A_258 = tpu.memref_slice %arg2[%dma_wait3A_256, %dma_wait3A_257] : memref<10240x64xf32, #tpu.memory_space<hbm>> -> memref<128x64xf32, #tpu.memory_space<hbm>>
        %dma_wait3A_259 = arith.constant 0 : i32
        %dma_wait3A_260 = arith.constant 0 : i32
        %dma_wait3A_261 = tpu.memref_slice %arg8[%dma_wait3A_251, %dma_wait3A_259, %dma_wait3A_260] : memref<2x128x64xf32, #tpu.memory_space<vmem>> -> memref<1x128x64xf32, #tpu.memory_space<vmem>>
        %dma_wait3A_262 = tpu.memref_squeeze %dma_wait3A_261 : memref<1x128x64xf32, #tpu.memory_space<vmem>> -> memref<128x64xf32, #tpu.memory_space<vmem>>
        %dma_wait3A_263 = arith.constant 0 : i32
        %dma_wait3A_264 = arith.constant 0 : i32
        %dma_wait3A_265 = tpu.memref_slice %arg2[%dma_wait3A_263, %dma_wait3A_264] : memref<10240x64xf32, #tpu.memory_space<hbm>> -> memref<128x64xf32, #tpu.memory_space<hbm>>
        tpu.wait_dma2 semaphore(%arg13 : memref<!tpu.dma_semaphore, #tpu.memory_space<semaphore_mem>>) src(%dma_wait3A_265 : memref<128x64xf32, #tpu.memory_space<hbm>>) dst(%dma_wait3A_262 : memref<128x64xf32, #tpu.memory_space<vmem>>)
        %dma_wait3A_266 = arith.constant 0 : i32
        %dma_wait3A_267 = arith.constant 0 : i32
        %dma_wait3A_268 = arith.constant 0 : i32
        %dma_wait3A_269 = tpu.memref_slice %arg9[%dma_wait3A_266, %dma_wait3A_267, %dma_wait3A_268] : memref<2x128x64xf32, #tpu.memory_space<vmem>> -> memref<1x128x64xf32, #tpu.memory_space<vmem>>
        %dma_wait3A_270 = tpu.memref_squeeze %dma_wait3A_269 : memref<1x128x64xf32, #tpu.memory_space<vmem>> -> memref<128x64xf32, #tpu.memory_space<vmem>>
        %dma_wait3A_271 = arith.constant 0 : i32
        %dma_wait3A_272 = arith.constant 0 : i32
        %dma_wait3A_273 = tpu.memref_slice %arg2[%dma_wait3A_271, %dma_wait3A_272] : memref<10240x64xf32, #tpu.memory_space<hbm>> -> memref<128x64xf32, #tpu.memory_space<hbm>>
        %dma_wait3A_274 = arith.constant 0 : i32
        %dma_wait3A_275 = arith.constant 0 : i32
        %dma_wait3A_276 = tpu.memref_slice %arg9[%dma_wait3A_266, %dma_wait3A_274, %dma_wait3A_275] : memref<2x128x64xf32, #tpu.memory_space<vmem>> -> memref<1x128x64xf32, #tpu.memory_space<vmem>>
        %dma_wait3A_277 = tpu.memref_squeeze %dma_wait3A_276 : memref<1x128x64xf32, #tpu.memory_space<vmem>> -> memref<128x64xf32, #tpu.memory_space<vmem>>
        %dma_wait3A_278 = arith.constant 0 : i32
        %dma_wait3A_279 = arith.constant 0 : i32
        %dma_wait3A_280 = tpu.memref_slice %arg2[%dma_wait3A_278, %dma_wait3A_279] : memref<10240x64xf32, #tpu.memory_space<hbm>> -> memref<128x64xf32, #tpu.memory_space<hbm>>
        tpu.wait_dma2 semaphore(%arg13 : memref<!tpu.dma_semaphore, #tpu.memory_space<semaphore_mem>>) src(%dma_wait3A_280 : memref<128x64xf32, #tpu.memory_space<hbm>>) dst(%dma_wait3A_277 : memref<128x64xf32, #tpu.memory_space<vmem>>)
      } else {
      }
      %add3A_97 = arith.constant 1 : i32
      %add3A_98 = arith.addi %mul3A_94, %add3A_97 : i32
      %dma_start3A_99 = arith.constant 0 : i32
      %dma_start3A_100 = arith.constant 1 : i32
      %dma_start3A_101 = arith.constant 0 : i32
      %dma_start3A_102 = arith.constant 0 : i32
      %dma_start3A_103 = tpu.memref_slice %arg8[%dma_start3A_100, %dma_start3A_101, %dma_start3A_102] : memref<2x128x64xf32, #tpu.memory_space<vmem>> -> memref<1x128x64xf32, #tpu.memory_space<vmem>>
      %dma_start3A_104 = tpu.memref_squeeze %dma_start3A_103 : memref<1x128x64xf32, #tpu.memory_space<vmem>> -> memref<128x64xf32, #tpu.memory_space<vmem>>
      %dma_start3A_105 = arith.constant 0 : i32
      %dma_start3A_106 = tpu.memref_slice %arg7[%add3A_98, %dma_start3A_99, %dma_start3A_105] : memref<50x2x128xi32, #tpu.memory_space<vmem>> -> memref<1x1x128xi32, #tpu.memory_space<vmem>>
      %dma_start3A_107 = tpu.memref_squeeze %dma_start3A_106 : memref<1x1x128xi32, #tpu.memory_space<vmem>> -> memref<128xi32, #tpu.memory_space<vmem>>
      %dma_start3A_108 = arith.constant 0 : i32
      %dma_start3A_109 = arith.constant 0 : i32
      %dma_start3A_110 = tpu.memref_slice %arg2[%dma_start3A_108, %dma_start3A_109] : memref<10240x64xf32, #tpu.memory_space<hbm>> -> memref<10240x64xf32, #tpu.memory_space<hbm>>
      tpu.enqueue_indirect_dma source(%dma_start3A_110 : memref<10240x64xf32, #tpu.memory_space<hbm>>) target(%dma_start3A_104 : memref<128x64xf32, #tpu.memory_space<vmem>>) offsets(%dma_start3A_107 : memref<128xi32, #tpu.memory_space<vmem>>) semaphore(%arg11 : memref<!tpu.dma_semaphore, #tpu.memory_space<semaphore_mem>>)
      %dma_start3A_111 = arith.constant 1 : i32
      %dma_start3A_112 = arith.constant 1 : i32
      %dma_start3A_113 = arith.constant 0 : i32
      %dma_start3A_114 = arith.constant 0 : i32
      %dma_start3A_115 = tpu.memref_slice %arg9[%dma_start3A_112, %dma_start3A_113, %dma_start3A_114] : memref<2x128x64xf32, #tpu.memory_space<vmem>> -> memref<1x128x64xf32, #tpu.memory_space<vmem>>
      %dma_start3A_116 = tpu.memref_squeeze %dma_start3A_115 : memref<1x128x64xf32, #tpu.memory_space<vmem>> -> memref<128x64xf32, #tpu.memory_space<vmem>>
      %dma_start3A_117 = arith.constant 0 : i32
      %dma_start3A_118 = tpu.memref_slice %arg7[%add3A_98, %dma_start3A_111, %dma_start3A_117] : memref<50x2x128xi32, #tpu.memory_space<vmem>> -> memref<1x1x128xi32, #tpu.memory_space<vmem>>
      %dma_start3A_119 = tpu.memref_squeeze %dma_start3A_118 : memref<1x1x128xi32, #tpu.memory_space<vmem>> -> memref<128xi32, #tpu.memory_space<vmem>>
      %dma_start3A_120 = arith.constant 0 : i32
      %dma_start3A_121 = arith.constant 0 : i32
      %dma_start3A_122 = tpu.memref_slice %arg3[%dma_start3A_120, %dma_start3A_121] : memref<10240x64xf32, #tpu.memory_space<hbm>> -> memref<10240x64xf32, #tpu.memory_space<hbm>>
      tpu.enqueue_indirect_dma source(%dma_start3A_122 : memref<10240x64xf32, #tpu.memory_space<hbm>>) target(%dma_start3A_116 : memref<128x64xf32, #tpu.memory_space<vmem>>) offsets(%dma_start3A_119 : memref<128xi32, #tpu.memory_space<vmem>>) semaphore(%arg11 : memref<!tpu.dma_semaphore, #tpu.memory_space<semaphore_mem>>)
      %dma_wait3A_123 = arith.constant 0 : i32
      %dma_wait3A_124 = arith.constant 0 : i32
      %dma_wait3A_125 = arith.constant 0 : i32
      %dma_wait3A_126 = tpu.memref_slice %arg8[%dma_wait3A_123, %dma_wait3A_124, %dma_wait3A_125] : memref<2x128x64xf32, #tpu.memory_space<vmem>> -> memref<1x128x64xf32, #tpu.memory_space<vmem>>
      %dma_wait3A_127 = tpu.memref_squeeze %dma_wait3A_126 : memref<1x128x64xf32, #tpu.memory_space<vmem>> -> memref<128x64xf32, #tpu.memory_space<vmem>>
      %dma_wait3A_128 = arith.constant 0 : i32
      %dma_wait3A_129 = arith.constant 0 : i32
      %dma_wait3A_130 = tpu.memref_slice %arg2[%dma_wait3A_128, %dma_wait3A_129] : memref<10240x64xf32, #tpu.memory_space<hbm>> -> memref<128x64xf32, #tpu.memory_space<hbm>>
      %dma_wait3A_131 = arith.constant 0 : i32
      %dma_wait3A_132 = arith.constant 0 : i32
      %dma_wait3A_133 = tpu.memref_slice %arg8[%dma_wait3A_123, %dma_wait3A_131, %dma_wait3A_132] : memref<2x128x64xf32, #tpu.memory_space<vmem>> -> memref<1x128x64xf32, #tpu.memory_space<vmem>>
      %dma_wait3A_134 = tpu.memref_squeeze %dma_wait3A_133 : memref<1x128x64xf32, #tpu.memory_space<vmem>> -> memref<128x64xf32, #tpu.memory_space<vmem>>
      %dma_wait3A_135 = arith.constant 0 : i32
      %dma_wait3A_136 = arith.constant 0 : i32
      %dma_wait3A_137 = tpu.memref_slice %arg2[%dma_wait3A_135, %dma_wait3A_136] : memref<10240x64xf32, #tpu.memory_space<hbm>> -> memref<128x64xf32, #tpu.memory_space<hbm>>
      tpu.wait_dma2 semaphore(%arg10 : memref<!tpu.dma_semaphore, #tpu.memory_space<semaphore_mem>>) src(%dma_wait3A_137 : memref<128x64xf32, #tpu.memory_space<hbm>>) dst(%dma_wait3A_134 : memref<128x64xf32, #tpu.memory_space<vmem>>)
      %dma_wait3A_138 = arith.constant 0 : i32
      %dma_wait3A_139 = arith.constant 0 : i32
      %dma_wait3A_140 = arith.constant 0 : i32
      %dma_wait3A_141 = tpu.memref_slice %arg9[%dma_wait3A_138, %dma_wait3A_139, %dma_wait3A_140] : memref<2x128x64xf32, #tpu.memory_space<vmem>> -> memref<1x128x64xf32, #tpu.memory_space<vmem>>
      %dma_wait3A_142 = tpu.memref_squeeze %dma_wait3A_141 : memref<1x128x64xf32, #tpu.memory_space<vmem>> -> memref<128x64xf32, #tpu.memory_space<vmem>>
      %dma_wait3A_143 = arith.constant 0 : i32
      %dma_wait3A_144 = arith.constant 0 : i32
      %dma_wait3A_145 = tpu.memref_slice %arg2[%dma_wait3A_143, %dma_wait3A_144] : memref<10240x64xf32, #tpu.memory_space<hbm>> -> memref<128x64xf32, #tpu.memory_space<hbm>>
      %dma_wait3A_146 = arith.constant 0 : i32
      %dma_wait3A_147 = arith.constant 0 : i32
      %dma_wait3A_148 = tpu.memref_slice %arg9[%dma_wait3A_138, %dma_wait3A_146, %dma_wait3A_147] : memref<2x128x64xf32, #tpu.memory_space<vmem>> -> memref<1x128x64xf32, #tpu.memory_space<vmem>>
      %dma_wait3A_149 = tpu.memref_squeeze %dma_wait3A_148 : memref<1x128x64xf32, #tpu.memory_space<vmem>> -> memref<128x64xf32, #tpu.memory_space<vmem>>
      %dma_wait3A_150 = arith.constant 0 : i32
      %dma_wait3A_151 = arith.constant 0 : i32
      %dma_wait3A_152 = tpu.memref_slice %arg2[%dma_wait3A_150, %dma_wait3A_151] : memref<10240x64xf32, #tpu.memory_space<hbm>> -> memref<128x64xf32, #tpu.memory_space<hbm>>
      tpu.wait_dma2 semaphore(%arg10 : memref<!tpu.dma_semaphore, #tpu.memory_space<semaphore_mem>>) src(%dma_wait3A_152 : memref<128x64xf32, #tpu.memory_space<hbm>>) dst(%dma_wait3A_149 : memref<128x64xf32, #tpu.memory_space<vmem>>)
      %add3A_153 = arith.addi %mul3A_2, %mul3A_94 : i32
      %mul3A_154 = arith.constant 128 : i32
      %mul3A_155 = arith.muli %add3A_153, %mul3A_154 : i32
      %dma_start3A_156 = arith.constant 0 : i32
      %dma_start3A_157 = arith.constant 0 : i32
      %dma_start3A_158 = arith.constant 0 : i32
      %dma_start3A_159 = tpu.memref_slice %arg8[%dma_start3A_156, %dma_start3A_157, %dma_start3A_158] : memref<2x128x64xf32, #tpu.memory_space<vmem>> -> memref<1x128x64xf32, #tpu.memory_space<vmem>>
      %dma_start3A_160 = tpu.memref_squeeze %dma_start3A_159 : memref<1x128x64xf32, #tpu.memory_space<vmem>> -> memref<128x64xf32, #tpu.memory_space<vmem>>
      %dma_start3A_161 = arith.constant 0 : i32
      %dma_start3A_162 = tpu.memref_slice %arg5[%mul3A_155, %dma_start3A_161] : memref<204800x64xf32, #tpu.memory_space<hbm>> -> memref<128x64xf32, #tpu.memory_space<hbm>>
      %dma_start3A_163 = arith.constant 0 : i32
      %dma_start3A_164 = tpu.memref_slice %arg5[%mul3A_155, %dma_start3A_163] : memref<204800x64xf32, #tpu.memory_space<hbm>> -> memref<128x64xf32, #tpu.memory_space<hbm>>
      %dma_start3A_165 = arith.constant 0 : i32
      %dma_start3A_166 = arith.constant 0 : i32
      %dma_start3A_167 = tpu.memref_slice %arg8[%dma_start3A_156, %dma_start3A_165, %dma_start3A_166] : memref<2x128x64xf32, #tpu.memory_space<vmem>> -> memref<1x128x64xf32, #tpu.memory_space<vmem>>
      %dma_start3A_168 = tpu.memref_squeeze %dma_start3A_167 : memref<1x128x64xf32, #tpu.memory_space<vmem>> -> memref<128x64xf32, #tpu.memory_space<vmem>>
      tpu.enqueue_dma source(%dma_start3A_168 : memref<128x64xf32, #tpu.memory_space<vmem>>) target(%dma_start3A_164 : memref<128x64xf32, #tpu.memory_space<hbm>>) target_semaphore(%arg12 : memref<!tpu.dma_semaphore, #tpu.memory_space<semaphore_mem>>)
      %mul3A_169 = arith.constant 128 : i32
      %mul3A_170 = arith.muli %add3A_153, %mul3A_169 : i32
      %dma_start3A_171 = arith.constant 0 : i32
      %dma_start3A_172 = arith.constant 0 : i32
      %dma_start3A_173 = arith.constant 0 : i32
      %dma_start3A_174 = tpu.memref_slice %arg9[%dma_start3A_171, %dma_start3A_172, %dma_start3A_173] : memref<2x128x64xf32, #tpu.memory_space<vmem>> -> memref<1x128x64xf32, #tpu.memory_space<vmem>>
      %dma_start3A_175 = tpu.memref_squeeze %dma_start3A_174 : memref<1x128x64xf32, #tpu.memory_space<vmem>> -> memref<128x64xf32, #tpu.memory_space<vmem>>
      %dma_start3A_176 = arith.constant 0 : i32
      %dma_start3A_177 = tpu.memref_slice %arg6[%mul3A_170, %dma_start3A_176] : memref<204800x64xf32, #tpu.memory_space<hbm>> -> memref<128x64xf32, #tpu.memory_space<hbm>>
      %dma_start3A_178 = arith.constant 0 : i32
      %dma_start3A_179 = tpu.memref_slice %arg6[%mul3A_170, %dma_start3A_178] : memref<204800x64xf32, #tpu.memory_space<hbm>> -> memref<128x64xf32, #tpu.memory_space<hbm>>
      %dma_start3A_180 = arith.constant 0 : i32
      %dma_start3A_181 = arith.constant 0 : i32
      %dma_start3A_182 = tpu.memref_slice %arg9[%dma_start3A_171, %dma_start3A_180, %dma_start3A_181] : memref<2x128x64xf32, #tpu.memory_space<vmem>> -> memref<1x128x64xf32, #tpu.memory_space<vmem>>
      %dma_start3A_183 = tpu.memref_squeeze %dma_start3A_182 : memref<1x128x64xf32, #tpu.memory_space<vmem>> -> memref<128x64xf32, #tpu.memory_space<vmem>>
      tpu.enqueue_dma source(%dma_start3A_183 : memref<128x64xf32, #tpu.memory_space<vmem>>) target(%dma_start3A_179 : memref<128x64xf32, #tpu.memory_space<hbm>>) target_semaphore(%arg12 : memref<!tpu.dma_semaphore, #tpu.memory_space<semaphore_mem>>)
      %le3A = arith.constant 23 : i32
      %le3A_184 = arith.cmpi sle, %scan3A_92, %le3A : i32
      %convert_element_type3A_185 = arith.extui %le3A_184 : i1 to i32
      %cond3A_186 = arith.constant 0 : i32
      %cond3A_187 = arith.cmpi ne, %convert_element_type3A_185, %cond3A_186 : i32
      scf.if %cond3A_187 {
        %dma_wait3A_251 = arith.constant 0 : i32
        %dma_wait3A_252 = arith.constant 0 : i32
        %dma_wait3A_253 = arith.constant 0 : i32
        %dma_wait3A_254 = tpu.memref_slice %arg8[%dma_wait3A_251, %dma_wait3A_252, %dma_wait3A_253] : memref<2x128x64xf32, #tpu.memory_space<vmem>> -> memref<1x128x64xf32, #tpu.memory_space<vmem>>
        %dma_wait3A_255 = tpu.memref_squeeze %dma_wait3A_254 : memref<1x128x64xf32, #tpu.memory_space<vmem>> -> memref<128x64xf32, #tpu.memory_space<vmem>>
        %dma_wait3A_256 = arith.constant 0 : i32
        %dma_wait3A_257 = arith.constant 0 : i32
        %dma_wait3A_258 = tpu.memref_slice %arg2[%dma_wait3A_256, %dma_wait3A_257] : memref<10240x64xf32, #tpu.memory_space<hbm>> -> memref<128x64xf32, #tpu.memory_space<hbm>>
        %dma_wait3A_259 = arith.constant 0 : i32
        %dma_wait3A_260 = arith.constant 0 : i32
        %dma_wait3A_261 = tpu.memref_slice %arg8[%dma_wait3A_251, %dma_wait3A_259, %dma_wait3A_260] : memref<2x128x64xf32, #tpu.memory_space<vmem>> -> memref<1x128x64xf32, #tpu.memory_space<vmem>>
        %dma_wait3A_262 = tpu.memref_squeeze %dma_wait3A_261 : memref<1x128x64xf32, #tpu.memory_space<vmem>> -> memref<128x64xf32, #tpu.memory_space<vmem>>
        %dma_wait3A_263 = arith.constant 0 : i32
        %dma_wait3A_264 = arith.constant 0 : i32
        %dma_wait3A_265 = tpu.memref_slice %arg2[%dma_wait3A_263, %dma_wait3A_264] : memref<10240x64xf32, #tpu.memory_space<hbm>> -> memref<128x64xf32, #tpu.memory_space<hbm>>
        tpu.wait_dma2 semaphore(%arg12 : memref<!tpu.dma_semaphore, #tpu.memory_space<semaphore_mem>>) src(%dma_wait3A_265 : memref<128x64xf32, #tpu.memory_space<hbm>>) dst(%dma_wait3A_262 : memref<128x64xf32, #tpu.memory_space<vmem>>)
        %dma_wait3A_266 = arith.constant 0 : i32
        %dma_wait3A_267 = arith.constant 0 : i32
        %dma_wait3A_268 = arith.constant 0 : i32
        %dma_wait3A_269 = tpu.memref_slice %arg9[%dma_wait3A_266, %dma_wait3A_267, %dma_wait3A_268] : memref<2x128x64xf32, #tpu.memory_space<vmem>> -> memref<1x128x64xf32, #tpu.memory_space<vmem>>
        %dma_wait3A_270 = tpu.memref_squeeze %dma_wait3A_269 : memref<1x128x64xf32, #tpu.memory_space<vmem>> -> memref<128x64xf32, #tpu.memory_space<vmem>>
        %dma_wait3A_271 = arith.constant 0 : i32
        %dma_wait3A_272 = arith.constant 0 : i32
        %dma_wait3A_273 = tpu.memref_slice %arg2[%dma_wait3A_271, %dma_wait3A_272] : memref<10240x64xf32, #tpu.memory_space<hbm>> -> memref<128x64xf32, #tpu.memory_space<hbm>>
        %dma_wait3A_274 = arith.constant 0 : i32
        %dma_wait3A_275 = arith.constant 0 : i32
        %dma_wait3A_276 = tpu.memref_slice %arg9[%dma_wait3A_266, %dma_wait3A_274, %dma_wait3A_275] : memref<2x128x64xf32, #tpu.memory_space<vmem>> -> memref<1x128x64xf32, #tpu.memory_space<vmem>>
        %dma_wait3A_277 = tpu.memref_squeeze %dma_wait3A_276 : memref<1x128x64xf32, #tpu.memory_space<vmem>> -> memref<128x64xf32, #tpu.memory_space<vmem>>
        %dma_wait3A_278 = arith.constant 0 : i32
        %dma_wait3A_279 = arith.constant 0 : i32
        %dma_wait3A_280 = tpu.memref_slice %arg2[%dma_wait3A_278, %dma_wait3A_279] : memref<10240x64xf32, #tpu.memory_space<hbm>> -> memref<128x64xf32, #tpu.memory_space<hbm>>
        tpu.wait_dma2 semaphore(%arg12 : memref<!tpu.dma_semaphore, #tpu.memory_space<semaphore_mem>>) src(%dma_wait3A_280 : memref<128x64xf32, #tpu.memory_space<hbm>>) dst(%dma_wait3A_277 : memref<128x64xf32, #tpu.memory_space<vmem>>)
        %add3A_281 = arith.constant 2 : i32
        %add3A_282 = arith.addi %mul3A_94, %add3A_281 : i32
        %dma_start3A_283 = arith.constant 0 : i32
        %dma_start3A_284 = arith.constant 0 : i32
        %dma_start3A_285 = arith.constant 0 : i32
        %dma_start3A_286 = arith.constant 0 : i32
        %dma_start3A_287 = tpu.memref_slice %arg8[%dma_start3A_284, %dma_start3A_285, %dma_start3A_286] : memref<2x128x64xf32, #tpu.memory_space<vmem>> -> memref<1x128x64xf32, #tpu.memory_space<vmem>>
        %dma_start3A_288 = tpu.memref_squeeze %dma_start3A_287 : memref<1x128x64xf32, #tpu.memory_space<vmem>> -> memref<128x64xf32, #tpu.memory_space<vmem>>
        %dma_start3A_289 = arith.constant 0 : i32
        %dma_start3A_290 = tpu.memref_slice %arg7[%add3A_282, %dma_start3A_283, %dma_start3A_289] : memref<50x2x128xi32, #tpu.memory_space<vmem>> -> memref<1x1x128xi32, #tpu.memory_space<vmem>>
        %dma_start3A_291 = tpu.memref_squeeze %dma_start3A_290 : memref<1x1x128xi32, #tpu.memory_space<vmem>> -> memref<128xi32, #tpu.memory_space<vmem>>
        %dma_start3A_292 = arith.constant 0 : i32
        %dma_start3A_293 = arith.constant 0 : i32
        %dma_start3A_294 = tpu.memref_slice %arg2[%dma_start3A_292, %dma_start3A_293] : memref<10240x64xf32, #tpu.memory_space<hbm>> -> memref<10240x64xf32, #tpu.memory_space<hbm>>
        tpu.enqueue_indirect_dma source(%dma_start3A_294 : memref<10240x64xf32, #tpu.memory_space<hbm>>) target(%dma_start3A_288 : memref<128x64xf32, #tpu.memory_space<vmem>>) offsets(%dma_start3A_291 : memref<128xi32, #tpu.memory_space<vmem>>) semaphore(%arg10 : memref<!tpu.dma_semaphore, #tpu.memory_space<semaphore_mem>>)
        %dma_start3A_295 = arith.constant 1 : i32
        %dma_start3A_296 = arith.constant 0 : i32
        %dma_start3A_297 = arith.constant 0 : i32
        %dma_start3A_298 = arith.constant 0 : i32
        %dma_start3A_299 = tpu.memref_slice %arg9[%dma_start3A_296, %dma_start3A_297, %dma_start3A_298] : memref<2x128x64xf32, #tpu.memory_space<vmem>> -> memref<1x128x64xf32, #tpu.memory_space<vmem>>
        %dma_start3A_300 = tpu.memref_squeeze %dma_start3A_299 : memref<1x128x64xf32, #tpu.memory_space<vmem>> -> memref<128x64xf32, #tpu.memory_space<vmem>>
        %dma_start3A_301 = arith.constant 0 : i32
        %dma_start3A_302 = tpu.memref_slice %arg7[%add3A_282, %dma_start3A_295, %dma_start3A_301] : memref<50x2x128xi32, #tpu.memory_space<vmem>> -> memref<1x1x128xi32, #tpu.memory_space<vmem>>
        %dma_start3A_303 = tpu.memref_squeeze %dma_start3A_302 : memref<1x1x128xi32, #tpu.memory_space<vmem>> -> memref<128xi32, #tpu.memory_space<vmem>>
        %dma_start3A_304 = arith.constant 0 : i32
        %dma_start3A_305 = arith.constant 0 : i32
        %dma_start3A_306 = tpu.memref_slice %arg3[%dma_start3A_304, %dma_start3A_305] : memref<10240x64xf32, #tpu.memory_space<hbm>> -> memref<10240x64xf32, #tpu.memory_space<hbm>>
        tpu.enqueue_indirect_dma source(%dma_start3A_306 : memref<10240x64xf32, #tpu.memory_space<hbm>>) target(%dma_start3A_300 : memref<128x64xf32, #tpu.memory_space<vmem>>) offsets(%dma_start3A_303 : memref<128xi32, #tpu.memory_space<vmem>>) semaphore(%arg10 : memref<!tpu.dma_semaphore, #tpu.memory_space<semaphore_mem>>)
      } else {
      }
      %dma_wait3A_188 = arith.constant 0 : i32
      %dma_wait3A_189 = arith.constant 0 : i32
      %dma_wait3A_190 = arith.constant 0 : i32
      %dma_wait3A_191 = tpu.memref_slice %arg8[%dma_wait3A_188, %dma_wait3A_189, %dma_wait3A_190] : memref<2x128x64xf32, #tpu.memory_space<vmem>> -> memref<1x128x64xf32, #tpu.memory_space<vmem>>
      %dma_wait3A_192 = tpu.memref_squeeze %dma_wait3A_191 : memref<1x128x64xf32, #tpu.memory_space<vmem>> -> memref<128x64xf32, #tpu.memory_space<vmem>>
      %dma_wait3A_193 = arith.constant 0 : i32
      %dma_wait3A_194 = arith.constant 0 : i32
      %dma_wait3A_195 = tpu.memref_slice %arg2[%dma_wait3A_193, %dma_wait3A_194] : memref<10240x64xf32, #tpu.memory_space<hbm>> -> memref<128x64xf32, #tpu.memory_space<hbm>>
      %dma_wait3A_196 = arith.constant 0 : i32
      %dma_wait3A_197 = arith.constant 0 : i32
      %dma_wait3A_198 = tpu.memref_slice %arg8[%dma_wait3A_188, %dma_wait3A_196, %dma_wait3A_197] : memref<2x128x64xf32, #tpu.memory_space<vmem>> -> memref<1x128x64xf32, #tpu.memory_space<vmem>>
      %dma_wait3A_199 = tpu.memref_squeeze %dma_wait3A_198 : memref<1x128x64xf32, #tpu.memory_space<vmem>> -> memref<128x64xf32, #tpu.memory_space<vmem>>
      %dma_wait3A_200 = arith.constant 0 : i32
      %dma_wait3A_201 = arith.constant 0 : i32
      %dma_wait3A_202 = tpu.memref_slice %arg2[%dma_wait3A_200, %dma_wait3A_201] : memref<10240x64xf32, #tpu.memory_space<hbm>> -> memref<128x64xf32, #tpu.memory_space<hbm>>
      tpu.wait_dma2 semaphore(%arg11 : memref<!tpu.dma_semaphore, #tpu.memory_space<semaphore_mem>>) src(%dma_wait3A_202 : memref<128x64xf32, #tpu.memory_space<hbm>>) dst(%dma_wait3A_199 : memref<128x64xf32, #tpu.memory_space<vmem>>)
      %dma_wait3A_203 = arith.constant 0 : i32
      %dma_wait3A_204 = arith.constant 0 : i32
      %dma_wait3A_205 = arith.constant 0 : i32
      %dma_wait3A_206 = tpu.memref_slice %arg9[%dma_wait3A_203, %dma_wait3A_204, %dma_wait3A_205] : memref<2x128x64xf32, #tpu.memory_space<vmem>> -> memref<1x128x64xf32, #tpu.memory_space<vmem>>
      %dma_wait3A_207 = tpu.memref_squeeze %dma_wait3A_206 : memref<1x128x64xf32, #tpu.memory_space<vmem>> -> memref<128x64xf32, #tpu.memory_space<vmem>>
      %dma_wait3A_208 = arith.constant 0 : i32
      %dma_wait3A_209 = arith.constant 0 : i32
      %dma_wait3A_210 = tpu.memref_slice %arg2[%dma_wait3A_208, %dma_wait3A_209] : memref<10240x64xf32, #tpu.memory_space<hbm>> -> memref<128x64xf32, #tpu.memory_space<hbm>>
      %dma_wait3A_211 = arith.constant 0 : i32
      %dma_wait3A_212 = arith.constant 0 : i32
      %dma_wait3A_213 = tpu.memref_slice %arg9[%dma_wait3A_203, %dma_wait3A_211, %dma_wait3A_212] : memref<2x128x64xf32, #tpu.memory_space<vmem>> -> memref<1x128x64xf32, #tpu.memory_space<vmem>>
      %dma_wait3A_214 = tpu.memref_squeeze %dma_wait3A_213 : memref<1x128x64xf32, #tpu.memory_space<vmem>> -> memref<128x64xf32, #tpu.memory_space<vmem>>
      %dma_wait3A_215 = arith.constant 0 : i32
      %dma_wait3A_216 = arith.constant 0 : i32
      %dma_wait3A_217 = tpu.memref_slice %arg2[%dma_wait3A_215, %dma_wait3A_216] : memref<10240x64xf32, #tpu.memory_space<hbm>> -> memref<128x64xf32, #tpu.memory_space<hbm>>
      tpu.wait_dma2 semaphore(%arg11 : memref<!tpu.dma_semaphore, #tpu.memory_space<semaphore_mem>>) src(%dma_wait3A_217 : memref<128x64xf32, #tpu.memory_space<hbm>>) dst(%dma_wait3A_214 : memref<128x64xf32, #tpu.memory_space<vmem>>)
      %add3A_218 = arith.constant 1 : i32
      %add3A_219 = arith.addi %mul3A_94, %add3A_218 : i32
      %add3A_220 = arith.addi %mul3A_2, %add3A_219 : i32
      %mul3A_221 = arith.constant 128 : i32
      %mul3A_222 = arith.muli %add3A_220, %mul3A_221 : i32
      %dma_start3A_223 = arith.constant 1 : i32
      %dma_start3A_224 = arith.constant 0 : i32
      %dma_start3A_225 = arith.constant 0 : i32
      %dma_start3A_226 = tpu.memref_slice %arg8[%dma_start3A_223, %dma_start3A_224, %dma_start3A_225] : memref<2x128x64xf32, #tpu.memory_space<vmem>> -> memref<1x128x64xf32, #tpu.memory_space<vmem>>
      %dma_start3A_227 = tpu.memref_squeeze %dma_start3A_226 : memref<1x128x64xf32, #tpu.memory_space<vmem>> -> memref<128x64xf32, #tpu.memory_space<vmem>>
      %dma_start3A_228 = arith.constant 0 : i32
      %dma_start3A_229 = tpu.memref_slice %arg5[%mul3A_222, %dma_start3A_228] : memref<204800x64xf32, #tpu.memory_space<hbm>> -> memref<128x64xf32, #tpu.memory_space<hbm>>
      %dma_start3A_230 = arith.constant 0 : i32
      %dma_start3A_231 = tpu.memref_slice %arg5[%mul3A_222, %dma_start3A_230] : memref<204800x64xf32, #tpu.memory_space<hbm>> -> memref<128x64xf32, #tpu.memory_space<hbm>>
      %dma_start3A_232 = arith.constant 0 : i32
      %dma_start3A_233 = arith.constant 0 : i32
      %dma_start3A_234 = tpu.memref_slice %arg8[%dma_start3A_223, %dma_start3A_232, %dma_start3A_233] : memref<2x128x64xf32, #tpu.memory_space<vmem>> -> memref<1x128x64xf32, #tpu.memory_space<vmem>>
      %dma_start3A_235 = tpu.memref_squeeze %dma_start3A_234 : memref<1x128x64xf32, #tpu.memory_space<vmem>> -> memref<128x64xf32, #tpu.memory_space<vmem>>
      tpu.enqueue_dma source(%dma_start3A_235 : memref<128x64xf32, #tpu.memory_space<vmem>>) target(%dma_start3A_231 : memref<128x64xf32, #tpu.memory_space<hbm>>) target_semaphore(%arg13 : memref<!tpu.dma_semaphore, #tpu.memory_space<semaphore_mem>>)
      %mul3A_236 = arith.constant 128 : i32
      %mul3A_237 = arith.muli %add3A_220, %mul3A_236 : i32
      %dma_start3A_238 = arith.constant 1 : i32
      %dma_start3A_239 = arith.constant 0 : i32
      %dma_start3A_240 = arith.constant 0 : i32
      %dma_start3A_241 = tpu.memref_slice %arg9[%dma_start3A_238, %dma_start3A_239, %dma_start3A_240] : memref<2x128x64xf32, #tpu.memory_space<vmem>> -> memref<1x128x64xf32, #tpu.memory_space<vmem>>
      %dma_start3A_242 = tpu.memref_squeeze %dma_start3A_241 : memref<1x128x64xf32, #tpu.memory_space<vmem>> -> memref<128x64xf32, #tpu.memory_space<vmem>>
      %dma_start3A_243 = arith.constant 0 : i32
      %dma_start3A_244 = tpu.memref_slice %arg6[%mul3A_237, %dma_start3A_243] : memref<204800x64xf32, #tpu.memory_space<hbm>> -> memref<128x64xf32, #tpu.memory_space<hbm>>
      %dma_start3A_245 = arith.constant 0 : i32
      %dma_start3A_246 = tpu.memref_slice %arg6[%mul3A_237, %dma_start3A_245] : memref<204800x64xf32, #tpu.memory_space<hbm>> -> memref<128x64xf32, #tpu.memory_space<hbm>>
      %dma_start3A_247 = arith.constant 0 : i32
      %dma_start3A_248 = arith.constant 0 : i32
      %dma_start3A_249 = tpu.memref_slice %arg9[%dma_start3A_238, %dma_start3A_247, %dma_start3A_248] : memref<2x128x64xf32, #tpu.memory_space<vmem>> -> memref<1x128x64xf32, #tpu.memory_space<vmem>>
      %dma_start3A_250 = tpu.memref_squeeze %dma_start3A_249 : memref<1x128x64xf32, #tpu.memory_space<vmem>> -> memref<128x64xf32, #tpu.memory_space<vmem>>
      tpu.enqueue_dma source(%dma_start3A_250 : memref<128x64xf32, #tpu.memory_space<vmem>>) target(%dma_start3A_246 : memref<128x64xf32, #tpu.memory_space<hbm>>) target_semaphore(%arg13 : memref<!tpu.dma_semaphore, #tpu.memory_space<semaphore_mem>>)
    }
    %scan3A_32 = arith.constant 25 : i32
    %dma_wait3A = arith.constant 0 : i32
    %dma_wait3A_33 = arith.constant 0 : i32
    %dma_wait3A_34 = arith.constant 0 : i32
    %dma_wait3A_35 = tpu.memref_slice %arg8[%dma_wait3A, %dma_wait3A_33, %dma_wait3A_34] : memref<2x128x64xf32, #tpu.memory_space<vmem>> -> memref<1x128x64xf32, #tpu.memory_space<vmem>>
    %dma_wait3A_36 = tpu.memref_squeeze %dma_wait3A_35 : memref<1x128x64xf32, #tpu.memory_space<vmem>> -> memref<128x64xf32, #tpu.memory_space<vmem>>
    %dma_wait3A_37 = arith.constant 0 : i32
    %dma_wait3A_38 = arith.constant 0 : i32
    %dma_wait3A_39 = tpu.memref_slice %arg2[%dma_wait3A_37, %dma_wait3A_38] : memref<10240x64xf32, #tpu.memory_space<hbm>> -> memref<128x64xf32, #tpu.memory_space<hbm>>
    %dma_wait3A_40 = arith.constant 0 : i32
    %dma_wait3A_41 = arith.constant 0 : i32
    %dma_wait3A_42 = tpu.memref_slice %arg8[%dma_wait3A, %dma_wait3A_40, %dma_wait3A_41] : memref<2x128x64xf32, #tpu.memory_space<vmem>> -> memref<1x128x64xf32, #tpu.memory_space<vmem>>
    %dma_wait3A_43 = tpu.memref_squeeze %dma_wait3A_42 : memref<1x128x64xf32, #tpu.memory_space<vmem>> -> memref<128x64xf32, #tpu.memory_space<vmem>>
    %dma_wait3A_44 = arith.constant 0 : i32
    %dma_wait3A_45 = arith.constant 0 : i32
    %dma_wait3A_46 = tpu.memref_slice %arg2[%dma_wait3A_44, %dma_wait3A_45] : memref<10240x64xf32, #tpu.memory_space<hbm>> -> memref<128x64xf32, #tpu.memory_space<hbm>>
    tpu.wait_dma2 semaphore(%arg12 : memref<!tpu.dma_semaphore, #tpu.memory_space<semaphore_mem>>) src(%dma_wait3A_46 : memref<128x64xf32, #tpu.memory_space<hbm>>) dst(%dma_wait3A_43 : memref<128x64xf32, #tpu.memory_space<vmem>>)
    %dma_wait3A_47 = arith.constant 0 : i32
    %dma_wait3A_48 = arith.constant 0 : i32
    %dma_wait3A_49 = arith.constant 0 : i32
    %dma_wait3A_50 = tpu.memref_slice %arg9[%dma_wait3A_47, %dma_wait3A_48, %dma_wait3A_49] : memref<2x128x64xf32, #tpu.memory_space<vmem>> -> memref<1x128x64xf32, #tpu.memory_space<vmem>>
    %dma_wait3A_51 = tpu.memref_squeeze %dma_wait3A_50 : memref<1x128x64xf32, #tpu.memory_space<vmem>> -> memref<128x64xf32, #tpu.memory_space<vmem>>
    %dma_wait3A_52 = arith.constant 0 : i32
    %dma_wait3A_53 = arith.constant 0 : i32
    %dma_wait3A_54 = tpu.memref_slice %arg2[%dma_wait3A_52, %dma_wait3A_53] : memref<10240x64xf32, #tpu.memory_space<hbm>> -> memref<128x64xf32, #tpu.memory_space<hbm>>
    %dma_wait3A_55 = arith.constant 0 : i32
    %dma_wait3A_56 = arith.constant 0 : i32
    %dma_wait3A_57 = tpu.memref_slice %arg9[%dma_wait3A_47, %dma_wait3A_55, %dma_wait3A_56] : memref<2x128x64xf32, #tpu.memory_space<vmem>> -> memref<1x128x64xf32, #tpu.memory_space<vmem>>
    %dma_wait3A_58 = tpu.memref_squeeze %dma_wait3A_57 : memref<1x128x64xf32, #tpu.memory_space<vmem>> -> memref<128x64xf32, #tpu.memory_space<vmem>>
    %dma_wait3A_59 = arith.constant 0 : i32
    %dma_wait3A_60 = arith.constant 0 : i32
    %dma_wait3A_61 = tpu.memref_slice %arg2[%dma_wait3A_59, %dma_wait3A_60] : memref<10240x64xf32, #tpu.memory_space<hbm>> -> memref<128x64xf32, #tpu.memory_space<hbm>>
    tpu.wait_dma2 semaphore(%arg12 : memref<!tpu.dma_semaphore, #tpu.memory_space<semaphore_mem>>) src(%dma_wait3A_61 : memref<128x64xf32, #tpu.memory_space<hbm>>) dst(%dma_wait3A_58 : memref<128x64xf32, #tpu.memory_space<vmem>>)
    %dma_wait3A_62 = arith.constant 0 : i32
    %dma_wait3A_63 = arith.constant 0 : i32
    %dma_wait3A_64 = arith.constant 0 : i32
    %dma_wait3A_65 = tpu.memref_slice %arg8[%dma_wait3A_62, %dma_wait3A_63, %dma_wait3A_64] : memref<2x128x64xf32, #tpu.memory_space<vmem>> -> memref<1x128x64xf32, #tpu.memory_space<vmem>>
    %dma_wait3A_66 = tpu.memref_squeeze %dma_wait3A_65 : memref<1x128x64xf32, #tpu.memory_space<vmem>> -> memref<128x64xf32, #tpu.memory_space<vmem>>
    %dma_wait3A_67 = arith.constant 0 : i32
    %dma_wait3A_68 = arith.constant 0 : i32
    %dma_wait3A_69 = tpu.memref_slice %arg2[%dma_wait3A_67, %dma_wait3A_68] : memref<10240x64xf32, #tpu.memory_space<hbm>> -> memref<128x64xf32, #tpu.memory_space<hbm>>
    %dma_wait3A_70 = arith.constant 0 : i32
    %dma_wait3A_71 = arith.constant 0 : i32
    %dma_wait3A_72 = tpu.memref_slice %arg8[%dma_wait3A_62, %dma_wait3A_70, %dma_wait3A_71] : memref<2x128x64xf32, #tpu.memory_space<vmem>> -> memref<1x128x64xf32, #tpu.memory_space<vmem>>
    %dma_wait3A_73 = tpu.memref_squeeze %dma_wait3A_72 : memref<1x128x64xf32, #tpu.memory_space<vmem>> -> memref<128x64xf32, #tpu.memory_space<vmem>>
    %dma_wait3A_74 = arith.constant 0 : i32
    %dma_wait3A_75 = arith.constant 0 : i32
    %dma_wait3A_76 = tpu.memref_slice %arg2[%dma_wait3A_74, %dma_wait3A_75] : memref<10240x64xf32, #tpu.memory_space<hbm>> -> memref<128x64xf32, #tpu.memory_space<hbm>>
    tpu.wait_dma2 semaphore(%arg13 : memref<!tpu.dma_semaphore, #tpu.memory_space<semaphore_mem>>) src(%dma_wait3A_76 : memref<128x64xf32, #tpu.memory_space<hbm>>) dst(%dma_wait3A_73 : memref<128x64xf32, #tpu.memory_space<vmem>>)
    %dma_wait3A_77 = arith.constant 0 : i32
    %dma_wait3A_78 = arith.constant 0 : i32
    %dma_wait3A_79 = arith.constant 0 : i32
    %dma_wait3A_80 = tpu.memref_slice %arg9[%dma_wait3A_77, %dma_wait3A_78, %dma_wait3A_79] : memref<2x128x64xf32, #tpu.memory_space<vmem>> -> memref<1x128x64xf32, #tpu.memory_space<vmem>>
    %dma_wait3A_81 = tpu.memref_squeeze %dma_wait3A_80 : memref<1x128x64xf32, #tpu.memory_space<vmem>> -> memref<128x64xf32, #tpu.memory_space<vmem>>
    %dma_wait3A_82 = arith.constant 0 : i32
    %dma_wait3A_83 = arith.constant 0 : i32
    %dma_wait3A_84 = tpu.memref_slice %arg2[%dma_wait3A_82, %dma_wait3A_83] : memref<10240x64xf32, #tpu.memory_space<hbm>> -> memref<128x64xf32, #tpu.memory_space<hbm>>
    %dma_wait3A_85 = arith.constant 0 : i32
    %dma_wait3A_86 = arith.constant 0 : i32
    %dma_wait3A_87 = tpu.memref_slice %arg9[%dma_wait3A_77, %dma_wait3A_85, %dma_wait3A_86] : memref<2x128x64xf32, #tpu.memory_space<vmem>> -> memref<1x128x64xf32, #tpu.memory_space<vmem>>
    %dma_wait3A_88 = tpu.memref_squeeze %dma_wait3A_87 : memref<1x128x64xf32, #tpu.memory_space<vmem>> -> memref<128x64xf32, #tpu.memory_space<vmem>>
    %dma_wait3A_89 = arith.constant 0 : i32
    %dma_wait3A_90 = arith.constant 0 : i32
    %dma_wait3A_91 = tpu.memref_slice %arg2[%dma_wait3A_89, %dma_wait3A_90] : memref<10240x64xf32, #tpu.memory_space<hbm>> -> memref<128x64xf32, #tpu.memory_space<hbm>>
    tpu.wait_dma2 semaphore(%arg13 : memref<!tpu.dma_semaphore, #tpu.memory_space<semaphore_mem>>) src(%dma_wait3A_91 : memref<128x64xf32, #tpu.memory_space<hbm>>) dst(%dma_wait3A_88 : memref<128x64xf32, #tpu.memory_space<vmem>>)
    return
  }
}

module attributes {stable_mosaic.version = 14 : i64} {
  func.func @_tc_a_body(%arg0: i32, %arg1: memref<512x128xf32, #tpu.memory_space<vmem>>, %arg2: memref<2x512x1xf32, #tpu.memory_space<vmem>>, %arg3: memref<128x128xf32, #tpu.memory_space<vmem>>, %arg4: memref<512x64xf32, #tpu.memory_space<vmem>>, %arg5: memref<512x64xf32, #tpu.memory_space<vmem>>, %arg6: memref<512x1xf32, #tpu.memory_space<vmem>>) attributes {dimension_semantics = [#tpu.dimension_semantics<arbitrary>], iteration_bounds = array<i64: 20>, scalar_prefetch = 0 : i64, scratch_operands = 0 : i64, tpu.core_type = #tpu.core_type<tc>, window_params = [{transform_indices = @transform_0, window_bounds = array<i64: 512, 128>}, {transform_indices = @transform_1, window_bounds = array<i64: 2, 512, 1>}, {pipeline_mode = #tpu.pipeline_mode<synchronous>, transform_indices = @transform_2, window_bounds = array<i64: 128, 128>}, {transform_indices = @transform_3, window_bounds = array<i64: 512, 64>}, {transform_indices = @transform_4, window_bounds = array<i64: 512, 64>}, {transform_indices = @transform_5, window_bounds = array<i64: 512, 1>}]} {
    %get3A = arith.constant 0 : index
    %get3A_0 = arith.constant 0 : index
    %get3A_1 = arith.constant 0 : index
    %get3A_2 = vector.load %arg2[%get3A, %get3A_0, %get3A_1] : memref<2x512x1xf32, #tpu.memory_space<vmem>>, vector<1x512x1xf32>
    %get3A_3 = vector.shape_cast %get3A_2 : vector<1x512x1xf32> to vector<512x1xf32>
    %get3A_4 = arith.constant 1 : index
    %get3A_5 = arith.constant 0 : index
    %get3A_6 = arith.constant 0 : index
    %get3A_7 = vector.load %arg2[%get3A_4, %get3A_5, %get3A_6] : memref<2x512x1xf32, #tpu.memory_space<vmem>>, vector<1x512x1xf32>
    %get3A_8 = vector.shape_cast %get3A_7 : vector<1x512x1xf32> to vector<512x1xf32>
    %add3A = arith.addf %get3A_3, %get3A_8 : vector<512x1xf32>
    %add3A_9 = arith.constant 1.000000e+00 : f32
    %add3A_10 = vector.broadcast %add3A_9 : f32 to vector<512x1xf32>
    %add3A_11 = arith.addf %add3A, %add3A_10 : vector<512x1xf32>
    %rsqrt3A = math.rsqrt %add3A_11 : vector<512x1xf32>
    %get3A_12 = arith.constant 0 : index
    %get3A_13 = arith.constant 0 : index
    %get3A_14 = vector.load %arg1[%get3A_12, %get3A_13] : memref<512x128xf32, #tpu.memory_space<vmem>>, vector<512x128xf32>
    %get3A_15 = arith.constant 0 : index
    %get3A_16 = arith.constant 0 : index
    %get3A_17 = vector.load %arg3[%get3A_15, %get3A_16] : memref<128x128xf32, #tpu.memory_space<vmem>>, vector<128x128xf32>
    %dot_general3A = arith.constant dense<0.000000e+00> : vector<512x128xf32>
    %dot_general3A_18 = tpu.matmul %get3A_14, %get3A_17, %dot_general3A {dimension_numbers = #tpu.dot_dimension_numbers<[1], [0], [0], [1], [0, 0, 1, 1], [], []>, transpose_lhs_hint = false} : vector<512x128xf32>, vector<128x128xf32>, vector<512x128xf32> -> vector<512x128xf32>
    %mul3A = vector.broadcast %rsqrt3A : vector<512x1xf32> to vector<512x128xf32>
    %mul3A_19 = arith.mulf %dot_general3A_18, %mul3A : vector<512x128xf32>
    %slice3A = vector.extract_strided_slice %mul3A_19 {offsets = [0, 0], sizes = [512, 64], strides = [1, 1]} : vector<512x128xf32> to vector<512x64xf32>
    %swap3A = arith.constant 0 : index
    %swap3A_20 = arith.constant 0 : index
    %swap3A_21 = vector.load %arg4[%swap3A, %swap3A_20] : memref<512x64xf32, #tpu.memory_space<vmem>>, vector<512x64xf32>
    tpu.vector_store %arg4[%swap3A, %swap3A_20], %slice3A {strides = array<i32>} : memref<512x64xf32, #tpu.memory_space<vmem>>, vector<512x64xf32>,
    %slice3A_22 = vector.extract_strided_slice %mul3A_19 {offsets = [0, 64], sizes = [512, 64], strides = [1, 1]} : vector<512x128xf32> to vector<512x64xf32>
    %swap3A_23 = arith.constant 0 : index
    %swap3A_24 = arith.constant 0 : index
    %swap3A_25 = vector.load %arg5[%swap3A_23, %swap3A_24] : memref<512x64xf32, #tpu.memory_space<vmem>>, vector<512x64xf32>
    tpu.vector_store %arg5[%swap3A_23, %swap3A_24], %slice3A_22 {strides = array<i32>} : memref<512x64xf32, #tpu.memory_space<vmem>>, vector<512x64xf32>,
    %swap3A_26 = arith.constant 0 : index
    %swap3A_27 = arith.constant 0 : index
    %swap3A_28 = vector.load %arg6[%swap3A_26, %swap3A_27] : memref<512x1xf32, #tpu.memory_space<vmem>>, vector<512x1xf32>
    tpu.vector_store %arg6[%swap3A_26, %swap3A_27], %rsqrt3A {strides = array<i32>} : memref<512x1xf32, #tpu.memory_space<vmem>>, vector<512x1xf32>,
    return
  }
  func.func @transform_0(%arg0: i32) -> (i32, i32) {
    %c0_i32 = arith.constant 0 : i32
    %c0_i32_0 = arith.constant 0 : i32
    return %arg0, %c0_i32 : i32, i32
  }
  func.func @transform_1(%arg0: i32) -> (i32, i32, i32) {
    %c0_i32 = arith.constant 0 : i32
    %c0_i32_0 = arith.constant 0 : i32
    %c0_i32_1 = arith.constant 0 : i32
    return %c0_i32, %arg0, %c0_i32_0 : i32, i32, i32
  }
  func.func @transform_2(%arg0: i32) -> (i32, i32) {
    %c0_i32 = arith.constant 0 : i32
    %c0_i32_0 = arith.constant 0 : i32
    %c0_i32_1 = arith.constant 0 : i32
    return %c0_i32, %c0_i32_0 : i32, i32
  }
  func.func @transform_3(%arg0: i32) -> (i32, i32) {
    %c0_i32 = arith.constant 0 : i32
    %c0_i32_0 = arith.constant 0 : i32
    return %arg0, %c0_i32 : i32, i32
  }
  func.func @transform_4(%arg0: i32) -> (i32, i32) {
    %c0_i32 = arith.constant 0 : i32
    %c0_i32_0 = arith.constant 0 : i32
    return %arg0, %c0_i32 : i32, i32
  }
  func.func @transform_5(%arg0: i32) -> (i32, i32) {
    %c0_i32 = arith.constant 0 : i32
    %c0_i32_0 = arith.constant 0 : i32
    return %arg0, %c0_i32 : i32, i32
  }
}

module attributes {stable_mosaic.version = 14 : i64} {
  func.func @_tc_b_body(%arg0: i32, %arg1: memref<2x512x64xf32, #tpu.memory_space<vmem>>, %arg2: memref<2x512x64xf32, #tpu.memory_space<vmem>>, %arg3: memref<512x64xf32, #tpu.memory_space<vmem>>, %arg4: memref<512x64xf32, #tpu.memory_space<vmem>>, %arg5: memref<512x1xf32, #tpu.memory_space<vmem>>, %arg6: memref<1x64xf32, #tpu.memory_space<vmem>>, %arg7: memref<1x64xf32, #tpu.memory_space<vmem>>, %arg8: memref<64x128xf32, #tpu.memory_space<vmem>>, %arg9: memref<64x128xf32, #tpu.memory_space<vmem>>, %arg10: memref<512x64xf32, #tpu.memory_space<vmem>>, %arg11: memref<512x64xf32, #tpu.memory_space<vmem>>) attributes {dimension_semantics = [#tpu.dimension_semantics<arbitrary>], iteration_bounds = array<i64: 20>, scalar_prefetch = 0 : i64, scratch_operands = 0 : i64, tpu.core_type = #tpu.core_type<tc>, window_params = [{transform_indices = @transform_0, window_bounds = array<i64: 2, 512, 64>}, {transform_indices = @transform_1, window_bounds = array<i64: 2, 512, 64>}, {transform_indices = @transform_2, window_bounds = array<i64: 512, 64>}, {transform_indices = @transform_3, window_bounds = array<i64: 512, 64>}, {transform_indices = @transform_4, window_bounds = array<i64: 512, 1>}, {pipeline_mode = #tpu.pipeline_mode<synchronous>, transform_indices = @transform_5, window_bounds = array<i64: 1, 64>}, {pipeline_mode = #tpu.pipeline_mode<synchronous>, transform_indices = @transform_6, window_bounds = array<i64: 1, 64>}, {pipeline_mode = #tpu.pipeline_mode<synchronous>, transform_indices = @transform_7, window_bounds = array<i64: 64, 128>}, {pipeline_mode = #tpu.pipeline_mode<synchronous>, transform_indices = @transform_8, window_bounds = array<i64: 64, 128>}, {transform_indices = @transform_9, window_bounds = array<i64: 512, 64>}, {transform_indices = @transform_10, window_bounds = array<i64: 512, 64>}]} {
    %get3A = arith.constant 0 : index
    %get3A_0 = arith.constant 0 : index
    %get3A_1 = vector.load %arg5[%get3A, %get3A_0] : memref<512x1xf32, #tpu.memory_space<vmem>>, vector<512x1xf32>
    %get3A_2 = arith.constant 0 : index
    %get3A_3 = arith.constant 0 : index
    %get3A_4 = arith.constant 0 : index
    %get3A_5 = vector.load %arg1[%get3A_2, %get3A_3, %get3A_4] : memref<2x512x64xf32, #tpu.memory_space<vmem>>, vector<1x512x64xf32>
    %get3A_6 = vector.shape_cast %get3A_5 : vector<1x512x64xf32> to vector<512x64xf32>
    %get3A_7 = arith.constant 1 : index
    %get3A_8 = arith.constant 0 : index
    %get3A_9 = arith.constant 0 : index
    %get3A_10 = vector.load %arg1[%get3A_7, %get3A_8, %get3A_9] : memref<2x512x64xf32, #tpu.memory_space<vmem>>, vector<1x512x64xf32>
    %get3A_11 = vector.shape_cast %get3A_10 : vector<1x512x64xf32> to vector<512x64xf32>
    %add3A = arith.addf %get3A_6, %get3A_11 : vector<512x64xf32>
    %get3A_12 = arith.constant 0 : index
    %get3A_13 = arith.constant 0 : index
    %get3A_14 = vector.load %arg3[%get3A_12, %get3A_13] : memref<512x64xf32, #tpu.memory_space<vmem>>, vector<512x64xf32>
    %add3A_15 = arith.addf %add3A, %get3A_14 : vector<512x64xf32>
    %mul3A = vector.broadcast %get3A_1 : vector<512x1xf32> to vector<512x64xf32>
    %mul3A_16 = arith.mulf %add3A_15, %mul3A : vector<512x64xf32>
    %get3A_17 = arith.constant 0 : index
    %get3A_18 = arith.constant 0 : index
    %get3A_19 = vector.load %arg6[%get3A_17, %get3A_18] : memref<1x64xf32, #tpu.memory_space<vmem>>, vector<1x64xf32>
    %add3A_20 = vector.broadcast %get3A_19 : vector<1x64xf32> to vector<512x64xf32>
    %add3A_21 = arith.addf %mul3A_16, %add3A_20 : vector<512x64xf32>
    %max3A = arith.constant 0.000000e+00 : f32
    %max3A_22 = vector.broadcast %max3A : f32 to vector<512x64xf32>
    %max3A_23 = arith.maximumf %add3A_21, %max3A_22 : vector<512x64xf32>
    %get3A_24 = arith.constant 0 : index
    %get3A_25 = arith.constant 0 : index
    %get3A_26 = arith.constant 0 : index
    %get3A_27 = vector.load %arg2[%get3A_24, %get3A_25, %get3A_26] : memref<2x512x64xf32, #tpu.memory_space<vmem>>, vector<1x512x64xf32>
    %get3A_28 = vector.shape_cast %get3A_27 : vector<1x512x64xf32> to vector<512x64xf32>
    %get3A_29 = arith.constant 1 : index
    %get3A_30 = arith.constant 0 : index
    %get3A_31 = arith.constant 0 : index
    %get3A_32 = vector.load %arg2[%get3A_29, %get3A_30, %get3A_31] : memref<2x512x64xf32, #tpu.memory_space<vmem>>, vector<1x512x64xf32>
    %get3A_33 = vector.shape_cast %get3A_32 : vector<1x512x64xf32> to vector<512x64xf32>
    %add3A_34 = arith.addf %get3A_28, %get3A_33 : vector<512x64xf32>
    %get3A_35 = arith.constant 0 : index
    %get3A_36 = arith.constant 0 : index
    %get3A_37 = vector.load %arg4[%get3A_35, %get3A_36] : memref<512x64xf32, #tpu.memory_space<vmem>>, vector<512x64xf32>
    %add3A_38 = arith.addf %add3A_34, %get3A_37 : vector<512x64xf32>
    %mul3A_39 = vector.broadcast %get3A_1 : vector<512x1xf32> to vector<512x64xf32>
    %mul3A_40 = arith.mulf %add3A_38, %mul3A_39 : vector<512x64xf32>
    %get3A_41 = arith.constant 0 : index
    %get3A_42 = arith.constant 0 : index
    %get3A_43 = vector.load %arg7[%get3A_41, %get3A_42] : memref<1x64xf32, #tpu.memory_space<vmem>>, vector<1x64xf32>
    %add3A_44 = vector.broadcast %get3A_43 : vector<1x64xf32> to vector<512x64xf32>
    %add3A_45 = arith.addf %mul3A_40, %add3A_44 : vector<512x64xf32>
    %max3A_46 = arith.constant 0.000000e+00 : f32
    %max3A_47 = vector.broadcast %max3A_46 : f32 to vector<512x64xf32>
    %max3A_48 = arith.maximumf %add3A_45, %max3A_47 : vector<512x64xf32>
    %get3A_49 = arith.constant 0 : index
    %get3A_50 = arith.constant 0 : index
    %get3A_51 = vector.load %arg8[%get3A_49, %get3A_50] : memref<64x128xf32, #tpu.memory_space<vmem>>, vector<64x128xf32>
    %dot_general3A = arith.constant dense<0.000000e+00> : vector<512x128xf32>
    %dot_general3A_52 = tpu.matmul %max3A_23, %get3A_51, %dot_general3A {dimension_numbers = #tpu.dot_dimension_numbers<[1], [0], [0], [1], [0, 0, 1, 1], [], []>, transpose_lhs_hint = false} : vector<512x64xf32>, vector<64x128xf32>, vector<512x128xf32> -> vector<512x128xf32>
    %get3A_53 = arith.constant 0 : index
    %get3A_54 = arith.constant 0 : index
    %get3A_55 = vector.load %arg9[%get3A_53, %get3A_54] : memref<64x128xf32, #tpu.memory_space<vmem>>, vector<64x128xf32>
    %dot_general3A_56 = arith.constant dense<0.000000e+00> : vector<512x128xf32>
    %dot_general3A_57 = tpu.matmul %max3A_48, %get3A_55, %dot_general3A_56 {dimension_numbers = #tpu.dot_dimension_numbers<[1], [0], [0], [1], [0, 0, 1, 1], [], []>, transpose_lhs_hint = false} : vector<512x64xf32>, vector<64x128xf32>, vector<512x128xf32> -> vector<512x128xf32>
    %add3A_58 = arith.addf %dot_general3A_52, %dot_general3A_57 : vector<512x128xf32>
    %mul3A_59 = vector.broadcast %get3A_1 : vector<512x1xf32> to vector<512x128xf32>
    %mul3A_60 = arith.mulf %add3A_58, %mul3A_59 : vector<512x128xf32>
    %slice3A = vector.extract_strided_slice %mul3A_60 {offsets = [0, 0], sizes = [512, 64], strides = [1, 1]} : vector<512x128xf32> to vector<512x64xf32>
    %swap3A = arith.constant 0 : index
    %swap3A_61 = arith.constant 0 : index
    %swap3A_62 = vector.load %arg10[%swap3A, %swap3A_61] : memref<512x64xf32, #tpu.memory_space<vmem>>, vector<512x64xf32>
    tpu.vector_store %arg10[%swap3A, %swap3A_61], %slice3A {strides = array<i32>} : memref<512x64xf32, #tpu.memory_space<vmem>>, vector<512x64xf32>,
    %slice3A_63 = vector.extract_strided_slice %mul3A_60 {offsets = [0, 64], sizes = [512, 64], strides = [1, 1]} : vector<512x128xf32> to vector<512x64xf32>
    %swap3A_64 = arith.constant 0 : index
    %swap3A_65 = arith.constant 0 : index
    %swap3A_66 = vector.load %arg11[%swap3A_64, %swap3A_65] : memref<512x64xf32, #tpu.memory_space<vmem>>, vector<512x64xf32>
    tpu.vector_store %arg11[%swap3A_64, %swap3A_65], %slice3A_63 {strides = array<i32>} : memref<512x64xf32, #tpu.memory_space<vmem>>, vector<512x64xf32>,
    return
  }
  func.func @transform_0(%arg0: i32) -> (i32, i32, i32) {
    %c0_i32 = arith.constant 0 : i32
    %c0_i32_0 = arith.constant 0 : i32
    %c0_i32_1 = arith.constant 0 : i32
    return %c0_i32, %arg0, %c0_i32_0 : i32, i32, i32
  }
  func.func @transform_1(%arg0: i32) -> (i32, i32, i32) {
    %c0_i32 = arith.constant 0 : i32
    %c0_i32_0 = arith.constant 0 : i32
    %c0_i32_1 = arith.constant 0 : i32
    return %c0_i32, %arg0, %c0_i32_0 : i32, i32, i32
  }
  func.func @transform_2(%arg0: i32) -> (i32, i32) {
    %c0_i32 = arith.constant 0 : i32
    %c0_i32_0 = arith.constant 0 : i32
    return %arg0, %c0_i32 : i32, i32
  }
  func.func @transform_3(%arg0: i32) -> (i32, i32) {
    %c0_i32 = arith.constant 0 : i32
    %c0_i32_0 = arith.constant 0 : i32
    return %arg0, %c0_i32 : i32, i32
  }
  func.func @transform_4(%arg0: i32) -> (i32, i32) {
    %c0_i32 = arith.constant 0 : i32
    %c0_i32_0 = arith.constant 0 : i32
    return %arg0, %c0_i32 : i32, i32
  }
  func.func @transform_5(%arg0: i32) -> (i32, i32) {
    %c0_i32 = arith.constant 0 : i32
    %c0_i32_0 = arith.constant 0 : i32
    %c0_i32_1 = arith.constant 0 : i32
    return %c0_i32, %c0_i32_0 : i32, i32
  }
  func.func @transform_6(%arg0: i32) -> (i32, i32) {
    %c0_i32 = arith.constant 0 : i32
    %c0_i32_0 = arith.constant 0 : i32
    %c0_i32_1 = arith.constant 0 : i32
    return %c0_i32, %c0_i32_0 : i32, i32
  }
  func.func @transform_7(%arg0: i32) -> (i32, i32) {
    %c0_i32 = arith.constant 0 : i32
    %c0_i32_0 = arith.constant 0 : i32
    %c0_i32_1 = arith.constant 0 : i32
    return %c0_i32, %c0_i32_0 : i32, i32
  }
  func.func @transform_8(%arg0: i32) -> (i32, i32) {
    %c0_i32 = arith.constant 0 : i32
    %c0_i32_0 = arith.constant 0 : i32
    %c0_i32_1 = arith.constant 0 : i32
    return %c0_i32, %c0_i32_0 : i32, i32
  }
  func.func @transform_9(%arg0: i32) -> (i32, i32) {
    %c0_i32 = arith.constant 0 : i32
    %c0_i32_0 = arith.constant 0 : i32
    return %arg0, %c0_i32 : i32, i32
  }
  func.func @transform_10(%arg0: i32) -> (i32, i32) {
    %c0_i32 = arith.constant 0 : i32
    %c0_i32_0 = arith.constant 0 : i32
    return %arg0, %c0_i32 : i32, i32
  }
}

module attributes {stable_mosaic.version = 14 : i64} {
  func.func @_tc_c_body(%arg0: i32, %arg1: memref<2x512x64xf32, #tpu.memory_space<vmem>>, %arg2: memref<2x512x64xf32, #tpu.memory_space<vmem>>, %arg3: memref<512x64xf32, #tpu.memory_space<vmem>>, %arg4: memref<512x64xf32, #tpu.memory_space<vmem>>, %arg5: memref<512x1xf32, #tpu.memory_space<vmem>>, %arg6: memref<1x64xf32, #tpu.memory_space<vmem>>, %arg7: memref<1x64xf32, #tpu.memory_space<vmem>>, %arg8: memref<64x64xf32, #tpu.memory_space<vmem>>, %arg9: memref<64x64xf32, #tpu.memory_space<vmem>>, %arg10: memref<64x64xf32, #tpu.memory_space<vmem>>, %arg11: memref<64x64xf32, #tpu.memory_space<vmem>>, %arg12: memref<512x64xf32, #tpu.memory_space<vmem>>, %arg13: memref<512x64xf32, #tpu.memory_space<vmem>>) attributes {dimension_semantics = [#tpu.dimension_semantics<arbitrary>], iteration_bounds = array<i64: 20>, scalar_prefetch = 0 : i64, scratch_operands = 0 : i64, tpu.core_type = #tpu.core_type<tc>, window_params = [{transform_indices = @transform_0, window_bounds = array<i64: 2, 512, 64>}, {transform_indices = @transform_1, window_bounds = array<i64: 2, 512, 64>}, {transform_indices = @transform_2, window_bounds = array<i64: 512, 64>}, {transform_indices = @transform_3, window_bounds = array<i64: 512, 64>}, {transform_indices = @transform_4, window_bounds = array<i64: 512, 1>}, {pipeline_mode = #tpu.pipeline_mode<synchronous>, transform_indices = @transform_5, window_bounds = array<i64: 1, 64>}, {pipeline_mode = #tpu.pipeline_mode<synchronous>, transform_indices = @transform_6, window_bounds = array<i64: 1, 64>}, {pipeline_mode = #tpu.pipeline_mode<synchronous>, transform_indices = @transform_7, window_bounds = array<i64: 64, 64>}, {pipeline_mode = #tpu.pipeline_mode<synchronous>, transform_indices = @transform_8, window_bounds = array<i64: 64, 64>}, {pipeline_mode = #tpu.pipeline_mode<synchronous>, transform_indices = @transform_9, window_bounds = array<i64: 64, 64>}, {pipeline_mode = #tpu.pipeline_mode<synchronous>, transform_indices = @transform_10, window_bounds = array<i64: 64, 64>}, {transform_indices = @transform_11, window_bounds = array<i64: 512, 64>}, {transform_indices = @transform_12, window_bounds = array<i64: 512, 64>}]} {
    %get3A = arith.constant 0 : index
    %get3A_0 = arith.constant 0 : index
    %get3A_1 = vector.load %arg5[%get3A, %get3A_0] : memref<512x1xf32, #tpu.memory_space<vmem>>, vector<512x1xf32>
    %get3A_2 = arith.constant 0 : index
    %get3A_3 = arith.constant 0 : index
    %get3A_4 = arith.constant 0 : index
    %get3A_5 = vector.load %arg1[%get3A_2, %get3A_3, %get3A_4] : memref<2x512x64xf32, #tpu.memory_space<vmem>>, vector<1x512x64xf32>
    %get3A_6 = vector.shape_cast %get3A_5 : vector<1x512x64xf32> to vector<512x64xf32>
    %get3A_7 = arith.constant 1 : index
    %get3A_8 = arith.constant 0 : index
    %get3A_9 = arith.constant 0 : index
    %get3A_10 = vector.load %arg1[%get3A_7, %get3A_8, %get3A_9] : memref<2x512x64xf32, #tpu.memory_space<vmem>>, vector<1x512x64xf32>
    %get3A_11 = vector.shape_cast %get3A_10 : vector<1x512x64xf32> to vector<512x64xf32>
    %add3A = arith.addf %get3A_6, %get3A_11 : vector<512x64xf32>
    %get3A_12 = arith.constant 0 : index
    %get3A_13 = arith.constant 0 : index
    %get3A_14 = vector.load %arg3[%get3A_12, %get3A_13] : memref<512x64xf32, #tpu.memory_space<vmem>>, vector<512x64xf32>
    %add3A_15 = arith.addf %add3A, %get3A_14 : vector<512x64xf32>
    %mul3A = vector.broadcast %get3A_1 : vector<512x1xf32> to vector<512x64xf32>
    %mul3A_16 = arith.mulf %add3A_15, %mul3A : vector<512x64xf32>
    %get3A_17 = arith.constant 0 : index
    %get3A_18 = arith.constant 0 : index
    %get3A_19 = vector.load %arg6[%get3A_17, %get3A_18] : memref<1x64xf32, #tpu.memory_space<vmem>>, vector<1x64xf32>
    %add3A_20 = vector.broadcast %get3A_19 : vector<1x64xf32> to vector<512x64xf32>
    %add3A_21 = arith.addf %mul3A_16, %add3A_20 : vector<512x64xf32>
    %get3A_22 = arith.constant 0 : index
    %get3A_23 = arith.constant 0 : index
    %get3A_24 = arith.constant 0 : index
    %get3A_25 = vector.load %arg2[%get3A_22, %get3A_23, %get3A_24] : memref<2x512x64xf32, #tpu.memory_space<vmem>>, vector<1x512x64xf32>
    %get3A_26 = vector.shape_cast %get3A_25 : vector<1x512x64xf32> to vector<512x64xf32>
    %get3A_27 = arith.constant 1 : index
    %get3A_28 = arith.constant 0 : index
    %get3A_29 = arith.constant 0 : index
    %get3A_30 = vector.load %arg2[%get3A_27, %get3A_28, %get3A_29] : memref<2x512x64xf32, #tpu.memory_space<vmem>>, vector<1x512x64xf32>
    %get3A_31 = vector.shape_cast %get3A_30 : vector<1x512x64xf32> to vector<512x64xf32>
    %add3A_32 = arith.addf %get3A_26, %get3A_31 : vector<512x64xf32>
    %get3A_33 = arith.constant 0 : index
    %get3A_34 = arith.constant 0 : index
    %get3A_35 = vector.load %arg4[%get3A_33, %get3A_34] : memref<512x64xf32, #tpu.memory_space<vmem>>, vector<512x64xf32>
    %add3A_36 = arith.addf %add3A_32, %get3A_35 : vector<512x64xf32>
    %mul3A_37 = vector.broadcast %get3A_1 : vector<512x1xf32> to vector<512x64xf32>
    %mul3A_38 = arith.mulf %add3A_36, %mul3A_37 : vector<512x64xf32>
    %get3A_39 = arith.constant 0 : index
    %get3A_40 = arith.constant 0 : index
    %get3A_41 = vector.load %arg7[%get3A_39, %get3A_40] : memref<1x64xf32, #tpu.memory_space<vmem>>, vector<1x64xf32>
    %add3A_42 = vector.broadcast %get3A_41 : vector<1x64xf32> to vector<512x64xf32>
    %add3A_43 = arith.addf %mul3A_38, %add3A_42 : vector<512x64xf32>
    %get3A_44 = arith.constant 0 : index
    %get3A_45 = arith.constant 0 : index
    %get3A_46 = vector.load %arg8[%get3A_44, %get3A_45] : memref<64x64xf32, #tpu.memory_space<vmem>>, vector<64x64xf32>
    %dot_general3A = arith.constant dense<0.000000e+00> : vector<512x64xf32>
    %dot_general3A_47 = tpu.matmul %add3A_21, %get3A_46, %dot_general3A {dimension_numbers = #tpu.dot_dimension_numbers<[1], [0], [0], [1], [0, 0, 1, 1], [], []>, transpose_lhs_hint = false} : vector<512x64xf32>, vector<64x64xf32>, vector<512x64xf32> -> vector<512x64xf32>
    %get3A_48 = arith.constant 0 : index
    %get3A_49 = arith.constant 0 : index
    %get3A_50 = vector.load %arg9[%get3A_48, %get3A_49] : memref<64x64xf32, #tpu.memory_space<vmem>>, vector<64x64xf32>
    %dot_general3A_51 = arith.constant dense<0.000000e+00> : vector<512x64xf32>
    %dot_general3A_52 = tpu.matmul %add3A_43, %get3A_50, %dot_general3A_51 {dimension_numbers = #tpu.dot_dimension_numbers<[1], [0], [0], [1], [0, 0, 1, 1], [], []>, transpose_lhs_hint = false} : vector<512x64xf32>, vector<64x64xf32>, vector<512x64xf32> -> vector<512x64xf32>
    %add3A_53 = arith.addf %dot_general3A_47, %dot_general3A_52 : vector<512x64xf32>
    %swap3A = arith.constant 0 : index
    %swap3A_54 = arith.constant 0 : index
    %swap3A_55 = vector.load %arg12[%swap3A, %swap3A_54] : memref<512x64xf32, #tpu.memory_space<vmem>>, vector<512x64xf32>
    tpu.vector_store %arg12[%swap3A, %swap3A_54], %add3A_53 {strides = array<i32>} : memref<512x64xf32, #tpu.memory_space<vmem>>, vector<512x64xf32>,
    %get3A_56 = arith.constant 0 : index
    %get3A_57 = arith.constant 0 : index
    %get3A_58 = vector.load %arg10[%get3A_56, %get3A_57] : memref<64x64xf32, #tpu.memory_space<vmem>>, vector<64x64xf32>
    %dot_general3A_59 = arith.constant dense<0.000000e+00> : vector<512x64xf32>
    %dot_general3A_60 = tpu.matmul %add3A_21, %get3A_58, %dot_general3A_59 {dimension_numbers = #tpu.dot_dimension_numbers<[1], [0], [0], [1], [0, 0, 1, 1], [], []>, transpose_lhs_hint = false} : vector<512x64xf32>, vector<64x64xf32>, vector<512x64xf32> -> vector<512x64xf32>
    %get3A_61 = arith.constant 0 : index
    %get3A_62 = arith.constant 0 : index
    %get3A_63 = vector.load %arg11[%get3A_61, %get3A_62] : memref<64x64xf32, #tpu.memory_space<vmem>>, vector<64x64xf32>
    %dot_general3A_64 = arith.constant dense<0.000000e+00> : vector<512x64xf32>
    %dot_general3A_65 = tpu.matmul %add3A_43, %get3A_63, %dot_general3A_64 {dimension_numbers = #tpu.dot_dimension_numbers<[1], [0], [0], [1], [0, 0, 1, 1], [], []>, transpose_lhs_hint = false} : vector<512x64xf32>, vector<64x64xf32>, vector<512x64xf32> -> vector<512x64xf32>
    %add3A_66 = arith.addf %dot_general3A_60, %dot_general3A_65 : vector<512x64xf32>
    %swap3A_67 = arith.constant 0 : index
    %swap3A_68 = arith.constant 0 : index
    %swap3A_69 = vector.load %arg13[%swap3A_67, %swap3A_68] : memref<512x64xf32, #tpu.memory_space<vmem>>, vector<512x64xf32>
    tpu.vector_store %arg13[%swap3A_67, %swap3A_68], %add3A_66 {strides = array<i32>} : memref<512x64xf32, #tpu.memory_space<vmem>>, vector<512x64xf32>,
    return
  }
  func.func @transform_0(%arg0: i32) -> (i32, i32, i32) {
    %c0_i32 = arith.constant 0 : i32
    %c0_i32_0 = arith.constant 0 : i32
    %c0_i32_1 = arith.constant 0 : i32
    return %c0_i32, %arg0, %c0_i32_0 : i32, i32, i32
  }
  func.func @transform_1(%arg0: i32) -> (i32, i32, i32) {
    %c0_i32 = arith.constant 0 : i32
    %c0_i32_0 = arith.constant 0 : i32
    %c0_i32_1 = arith.constant 0 : i32
    return %c0_i32, %arg0, %c0_i32_0 : i32, i32, i32
  }
  func.func @transform_2(%arg0: i32) -> (i32, i32) {
    %c0_i32 = arith.constant 0 : i32
    %c0_i32_0 = arith.constant 0 : i32
    return %arg0, %c0_i32 : i32, i32
  }
  func.func @transform_3(%arg0: i32) -> (i32, i32) {
    %c0_i32 = arith.constant 0 : i32
    %c0_i32_0 = arith.constant 0 : i32
    return %arg0, %c0_i32 : i32, i32
  }
  func.func @transform_4(%arg0: i32) -> (i32, i32) {
    %c0_i32 = arith.constant 0 : i32
    %c0_i32_0 = arith.constant 0 : i32
    return %arg0, %c0_i32 : i32, i32
  }
  func.func @transform_5(%arg0: i32) -> (i32, i32) {
    %c0_i32 = arith.constant 0 : i32
    %c0_i32_0 = arith.constant 0 : i32
    %c0_i32_1 = arith.constant 0 : i32
    return %c0_i32, %c0_i32_0 : i32, i32
  }
  func.func @transform_6(%arg0: i32) -> (i32, i32) {
    %c0_i32 = arith.constant 0 : i32
    %c0_i32_0 = arith.constant 0 : i32
    %c0_i32_1 = arith.constant 0 : i32
    return %c0_i32, %c0_i32_0 : i32, i32
  }
  func.func @transform_7(%arg0: i32) -> (i32, i32) {
    %c0_i32 = arith.constant 0 : i32
    %c0_i32_0 = arith.constant 0 : i32
    %c0_i32_1 = arith.constant 0 : i32
    return %c0_i32, %c0_i32_0 : i32, i32
  }
  func.func @transform_8(%arg0: i32) -> (i32, i32) {
    %c0_i32 = arith.constant 0 : i32
    %c0_i32_0 = arith.constant 0 : i32
    %c0_i32_1 = arith.constant 0 : i32
    return %c0_i32, %c0_i32_0 : i32, i32
  }
  func.func @transform_9(%arg0: i32) -> (i32, i32) {
    %c0_i32 = arith.constant 0 : i32
    %c0_i32_0 = arith.constant 0 : i32
    %c0_i32_1 = arith.constant 0 : i32
    return %c0_i32, %c0_i32_0 : i32, i32
  }
  func.func @transform_10(%arg0: i32) -> (i32, i32) {
    %c0_i32 = arith.constant 0 : i32
    %c0_i32_0 = arith.constant 0 : i32
    %c0_i32_1 = arith.constant 0 : i32
    return %c0_i32, %c0_i32_0 : i32, i32
  }
  func.func @transform_11(%arg0: i32) -> (i32, i32) {
    %c0_i32 = arith.constant 0 : i32
    %c0_i32_0 = arith.constant 0 : i32
    return %arg0, %c0_i32 : i32, i32
  }
  func.func @transform_12(%arg0: i32) -> (i32, i32) {
    %c0_i32 = arith.constant 0 : i32
    %c0_i32_0 = arith.constant 0 : i32
    return %arg0, %c0_i32 : i32, i32
  }
}

module attributes {stable_mosaic.version = 14 : i64} {
  func.func @_tc_d_body(%arg0: i32, %arg1: memref<512x64xf32, #tpu.memory_space<vmem>>, %arg2: memref<512x64xf32, #tpu.memory_space<vmem>>, %arg3: memref<1x64xf32, #tpu.memory_space<vmem>>, %arg4: memref<1x64xf32, #tpu.memory_space<vmem>>, %arg5: memref<1x1xf32, #tpu.memory_space<vmem>>, %arg6: memref<512x1xf32, #tpu.memory_space<vmem>>) attributes {dimension_semantics = [#tpu.dimension_semantics<arbitrary>], iteration_bounds = array<i64: 400>, scalar_prefetch = 0 : i64, scratch_operands = 0 : i64, tpu.core_type = #tpu.core_type<tc>, window_params = [{transform_indices = @transform_0, window_bounds = array<i64: 512, 64>}, {transform_indices = @transform_1, window_bounds = array<i64: 512, 64>}, {pipeline_mode = #tpu.pipeline_mode<synchronous>, transform_indices = @transform_2, window_bounds = array<i64: 1, 64>}, {pipeline_mode = #tpu.pipeline_mode<synchronous>, transform_indices = @transform_3, window_bounds = array<i64: 1, 64>}, {pipeline_mode = #tpu.pipeline_mode<synchronous>, transform_indices = @transform_4, window_bounds = array<i64: 1, 1>}, {transform_indices = @transform_5, window_bounds = array<i64: 512, 1>}]} {
    %get3A = arith.constant 0 : index
    %get3A_0 = arith.constant 0 : index
    %get3A_1 = vector.load %arg1[%get3A, %get3A_0] : memref<512x64xf32, #tpu.memory_space<vmem>>, vector<512x64xf32>
    %get3A_2 = arith.constant 0 : index
    %get3A_3 = arith.constant 0 : index
    %get3A_4 = vector.load %arg2[%get3A_2, %get3A_3] : memref<512x64xf32, #tpu.memory_space<vmem>>, vector<512x64xf32>
    %add3A = arith.addf %get3A_1, %get3A_4 : vector<512x64xf32>
    %get3A_5 = arith.constant 0 : index
    %get3A_6 = arith.constant 0 : index
    %get3A_7 = vector.load %arg3[%get3A_5, %get3A_6] : memref<1x64xf32, #tpu.memory_space<vmem>>, vector<1x64xf32>
    %add3A_8 = vector.broadcast %get3A_7 : vector<1x64xf32> to vector<512x64xf32>
    %add3A_9 = arith.addf %add3A, %add3A_8 : vector<512x64xf32>
    %max3A = arith.constant 0.000000e+00 : f32
    %max3A_10 = vector.broadcast %max3A : f32 to vector<512x64xf32>
    %max3A_11 = arith.maximumf %add3A_9, %max3A_10 : vector<512x64xf32>
    %get3A_12 = arith.constant 0 : index
    %get3A_13 = arith.constant 0 : index
    %get3A_14 = vector.load %arg4[%get3A_12, %get3A_13] : memref<1x64xf32, #tpu.memory_space<vmem>>, vector<1x64xf32>
    %mul3A = vector.broadcast %get3A_14 : vector<1x64xf32> to vector<512x64xf32>
    %mul3A_15 = arith.mulf %max3A_11, %mul3A : vector<512x64xf32>
    %reduce_sum3A = arith.constant dense<0.000000e+00> : vector<512xf32>
    %reduce_sum3A_16 = vector.multi_reduction <add>, %mul3A_15, %reduce_sum3A [1] : vector<512x64xf32> to vector<512xf32>
    %broadcast_in_dim3A = vector.shape_cast %reduce_sum3A_16 : vector<512xf32> to vector<512x1xf32>
    %get3A_17 = arith.constant 0 : index
    %get3A_18 = arith.constant 0 : index
    %get3A_19 = vector.load %arg5[%get3A_17, %get3A_18] : memref<1x1xf32, #tpu.memory_space<vmem>>, vector<1x1xf32>
    %add3A_20 = vector.broadcast %get3A_19 : vector<1x1xf32> to vector<512x1xf32>
    %add3A_21 = arith.addf %broadcast_in_dim3A, %add3A_20 : vector<512x1xf32>
    %neg3A = arith.constant 0.000000e+00 : f32
    %neg3A_22 = vector.broadcast %neg3A : f32 to vector<512x1xf32>
    %neg3A_23 = arith.subf %neg3A_22, %add3A_21 : vector<512x1xf32>
    %exp3A = math.exp %neg3A_23 : vector<512x1xf32>
    %add3A_24 = arith.constant 1.000000e+00 : f32
    %add3A_25 = vector.broadcast %add3A_24 : f32 to vector<512x1xf32>
    %add3A_26 = arith.addf %add3A_25, %exp3A : vector<512x1xf32>
    %div3A = arith.constant 1.000000e+00 : f32
    %div3A_27 = vector.broadcast %div3A : f32 to vector<512x1xf32>
    %div3A_28 = arith.divf %div3A_27, %add3A_26 : vector<512x1xf32>
    %swap3A = arith.constant 0 : index
    %swap3A_29 = arith.constant 0 : index
    %swap3A_30 = vector.load %arg6[%swap3A, %swap3A_29] : memref<512x1xf32, #tpu.memory_space<vmem>>, vector<512x1xf32>
    tpu.vector_store %arg6[%swap3A, %swap3A_29], %div3A_28 {strides = array<i32>} : memref<512x1xf32, #tpu.memory_space<vmem>>, vector<512x1xf32>,
    return
  }
  func.func @transform_0(%arg0: i32) -> (i32, i32) {
    %c0_i32 = arith.constant 0 : i32
    %c0_i32_0 = arith.constant 0 : i32
    return %arg0, %c0_i32 : i32, i32
  }
  func.func @transform_1(%arg0: i32) -> (i32, i32) {
    %c0_i32 = arith.constant 0 : i32
    %c0_i32_0 = arith.constant 0 : i32
    return %arg0, %c0_i32 : i32, i32
  }
  func.func @transform_2(%arg0: i32) -> (i32, i32) {
    %c0_i32 = arith.constant 0 : i32
    %c0_i32_0 = arith.constant 0 : i32
    %c0_i32_1 = arith.constant 0 : i32
    return %c0_i32, %c0_i32_0 : i32, i32
  }
  func.func @transform_3(%arg0: i32) -> (i32, i32) {
    %c0_i32 = arith.constant 0 : i32
    %c0_i32_0 = arith.constant 0 : i32
    %c0_i32_1 = arith.constant 0 : i32
    return %c0_i32, %c0_i32_0 : i32, i32
  }
  func.func @transform_4(%arg0: i32) -> (i32, i32) {
    %c0_i32 = arith.constant 0 : i32
    %c0_i32_0 = arith.constant 0 : i32
    %c0_i32_1 = arith.constant 0 : i32
    return %c0_i32, %c0_i32_0 : i32, i32
  }
  func.func @transform_5(%arg0: i32) -> (i32, i32) {
    %c0_i32 = arith.constant 0 : i32
    %c0_i32_0 = arith.constant 0 : i32
    return %arg0, %c0_i32 : i32, i32
  }
}

</mosaic_0001>

<sc_bundles>
// kernel: kernel.10.cloned.1.call-start
scs
__scs_entry_jumppad:
0x0: {  	(pc) =	sbr.rel $0x88, $3  }
0x1: {  	(tag) =	ssettag $0x0;
	lr =	simm.s32 $0x1  }
0x2: {  	[smem:$0x3F96] =	sst lr;
	_ =	strace $0xD0000000  }
0x3: {  	_ = 	snop  }
0x4: {  	_ = 	snop  }
0x5: {  	_ = 	snop  }
0x6: {  	_ = 	snop  }
0x7: {  	_ = 	snop  }
__scs_overlays_trampoline_lowered:
0x8: {  	[smem:$0x3FA5] =	sst s0  }
0x9: {  	[smem:$0x3FA6] =	sst s1  }
0xa: {  	[smem:$0x3FA7] =	sst s2  }
0xb: {  	[smem:$0x3FA8] =	sst s3  }
0xc: {  	[smem:$0x3FA9] =	sst s4  }
0xd: {  	[smem:$0x3FAA] =	sst s5  }
0xe: {  	[smem:$0x3FAB] =	sst s6  }
0xf: {  	[smem:$0x3FAC] =	sst s7  }
0x10: {  	[smem:$0x3FAD] =	sst s8  }
0x11: {  	[smem:$0x3FAE] =	sst s9;
	s0 =	simm.s32 @!p0 $0x0  }
0x12: {  	s1 =	sld [smem:$0x3F94];
	s0 =	simm.s32 @p0 $0x1  }
0x13: {  	[smem:$0x3FAF] =	sst s0;
	s0 =	simm.s32 @!p1 $0x0  }
0x14: {  	s2 =	sld [smem:$0x3F93];
	s0 =	simm.s32 @p1 $0x1  }
0x15: {  	[smem:$0x3FB0] =	sst s0;
	s0 =	simm.s32 @!p2 $0x0  }
0x16: {  	s3 =	sld [smem:$0x3FDB];
	s0 =	simm.s32 @p2 $0x1  }
0x17: {  	s4 =	simm.s32 $0x1BF5;
	[smem:$0x3FB2] =	sst s0  }
0x18: {  	s0 =	sld [smem:$0x3F95];
	_ =	swait.ge [sflag:s4], $0x0  }
0x19: {  	s7 =	sld [smem:$0x3F96]  }
0x1a: {  	s8 =	sadd.s32 $0xFFFFE003, lr  }
0x1b: {  	s9 =	sadd.s32 $0xFFFFFEF7, lr;
	s5 =	simm.s32 $0xFFFFFFFF;
	p2 =	slt.u32 s8, $0xFFFFF086  }
0x1c: {  	p1 =	slt.u32 s9, $0xF7A;
	s5 =	simm.s32 @!p2 $0x0  }
0x1d: {  	s5 =	simm.s32 @p1 $0x1;
	p0 =	seq.s32 s7, s2  }
0x1e: {  	s7 =	smul.u32 @!p0 $0xF7A, s2;
	p2 =	seq.s32 @!p0 s5, $0x0  }
0x1f: {  	s9 =	smul.u32 $0xF7A, s1;
	s8 =	simm.s32 @!p0 $0x1BF5;
	p2 =	por !p2, p0  }
0x20: {  	[sflag:s8] =	ssyncset.s32 @!p0 $0xFFFFF086;
	s6 =	sadd.s32 @!p0 s3, s7;
	s7 =	simm.s32 @!p0 $0x108  }
0x21: {  	s3 =	sadd.s32 s3, s9;
	s6 =	sadd.s32 @!p0 $0x88, s6;
	s7 =	simm.s32 @p2 $0x1082  }
0x22: {  	[simem:s7], [sflag:s8] =	dma.local @!p0 [hbm:s6], $0xF7A  }
0x23: {  	s9 =	sor.u32 $0xD0000000, s2;
	s6 =	simm.s32 $0x108;
	_ =	swait.ge @!p0 [sflag:s8], $0x0  }
0x24: {  	s3 =	sadd.s32 $0x88, s3;
	s6 =	simm.s32 @!p1 $0x1082;
	[sflag:s4] =	ssyncset.s32 $0xFFFFF086  }
0x25: {  	[simem:s6], [sflag:s4] =	dma.local [hbm:s3], $0xF7A  }
0x26: {  	[smem:$0x3F96] =	sst s1;
	(tag) =	ssettag s2;
	_ =	strace s9  }
0x27: {  	s1 =	sld [smem:$0x3FA6]  }
0x28: {  	s2 =	sld [smem:$0x3FA7]  }
0x29: {  	s4 =	sld [smem:$0x3FA9]  }
0x2a: {  	p0 =	seq.s32 s5, $0x0;
	s5 =	sld [smem:$0x3FAA]  }
0x2b: {  	s6 =	sld [smem:$0x3FAB]  }
0x2c: {  	s7 =	sld [smem:$0x3FAC]  }
0x2d: {  	s3 =	simm.s32 $0x108;
	s8 =	sld [smem:$0x3FAD]  }
0x2e: {  	s3 =	simm.s32 @!p0 $0x1082;
	s9 =	sld [smem:$0x3FAE]  }
0x2f: {  	lr =	sadd.s32 s0, s3;
	s0 =	sld [smem:$0x3FA5]  }
0x30: {  	s3 =	sld [smem:$0x3FA8]  }
0x31: {  	[smem:$0x3FB1] =	sst s10  }
0x32: {  	s10 =	sld [smem:$0x3FAF];
	_ =	sdelay $0x3  }
0x33: {  	p0 =	seq.s32 s10, $0x1;
	s10 =	sld [smem:$0x3FB1];
	_ =	sdelay $0x3  }
0x34: {  	[smem:$0x3FB1] =	sst s10  }
0x35: {  	s10 =	sld [smem:$0x3FB0];
	_ =	sdelay $0x3  }
0x36: {  	p1 =	seq.s32 s10, $0x1;
	s10 =	sld [smem:$0x3FB1];
	_ =	sdelay $0x3  }
0x37: {  	[smem:$0x3FB1] =	sst s10  }
0x38: {  	s10 =	sld [smem:$0x3FB2]  }
0x39: {  	_ = 	snop;
	(pc) =	sbr.ind lr, $3  }
0x3a: {  	_ = 	snop  }
0x3b: {  	_ = 	snop  }
0x3c: {  	p2 =	seq.s32 s10, $0x1;
	s10 =	sld [smem:$0x3FB1]  }
0x3d: {  	_ =	shalt  }
0x3e: {  	_ =	shalt  }
0x3f: {  	_ =	shalt  }
0x40: {  	_ =	shalt  }
0x41: {  	_ =	shalt  }
0x42: {  	_ =	shalt  }
0x43: {  	_ =	shalt  }
0x44: {  	_ =	shalt  }
0x45: {  	_ =	shalt  }
0x46: {  	_ =	shalt  }
0x47: {  	_ =	shalt  }
0x48: {  	_ =	shalt  }
0x49: {  	_ =	shalt  }
0x4a: {  	_ =	shalt  }
0x4b: {  	_ =	shalt  }
0x4c: {  	_ =	shalt  }
0x4d: {  	_ =	shalt  }
0x4e: {  	_ =	shalt  }
0x4f: {  	_ =	shalt  }
0x50: {  	_ =	shalt  }
0x51: {  	_ =	shalt  }
0x52: {  	_ =	shalt  }
0x53: {  	_ =	shalt  }
0x54: {  	_ =	shalt  }
0x55: {  	_ =	shalt  }
0x56: {  	_ =	shalt  }
0x57: {  	_ =	shalt  }
0x58: {  	_ =	shalt  }
0x59: {  	_ =	shalt  }
0x5a: {  	_ =	shalt  }
0x5b: {  	_ =	shalt  }
0x5c: {  	_ =	shalt  }
0x5d: {  	_ =	shalt  }
0x5e: {  	_ =	shalt  }
0x5f: {  	_ =	shalt  }
0x60: {  	_ =	shalt  }
0x61: {  	_ =	shalt  }
0x62: {  	_ =	shalt  }
0x63: {  	_ =	shalt  }
0x64: {  	_ =	shalt  }
0x65: {  	_ =	shalt  }
0x66: {  	_ =	shalt  }
0x67: {  	_ =	shalt  }
0x68: {  	_ =	shalt  }
0x69: {  	_ =	shalt  }
0x6a: {  	_ =	shalt  }
0x6b: {  	_ =	shalt  }
0x6c: {  	_ =	shalt  }
0x6d: {  	_ =	shalt  }
0x6e: {  	_ =	shalt  }
0x6f: {  	_ =	shalt  }
0x70: {  	_ =	shalt  }
0x71: {  	_ =	shalt  }
0x72: {  	_ =	shalt  }
0x73: {  	_ =	shalt  }
0x74: {  	_ =	shalt  }
0x75: {  	_ =	shalt  }
0x76: {  	_ =	shalt  }
0x77: {  	_ =	shalt  }
0x78: {  	_ =	shalt  }
0x79: {  	_ =	shalt  }
0x7a: {  	_ =	shalt  }
0x7b: {  	_ =	shalt  }
0x7c: {  	_ =	shalt  }
0x7d: {  	_ =	shalt  }
0x7e: {  	_ =	shalt  }
0x7f: {  	_ =	shalt  }
0x80: {  	_ =	shalt  }
0x81: {  	_ =	shalt  }
0x82: {  	_ =	shalt  }
0x83: {  	_ =	shalt  }
0x84: {  	_ =	shalt  }
0x85: {  	_ =	shalt  }
0x86: {  	_ =	shalt  }
0x87: {  	_ =	shalt  }
.Lfunc_end0:
.L_simem_size_0:
called_computation_lowered:
.L_overlay_start_0:
0x88: {  	s2 =	sld [smem:$0x3FD9]  }
0x89: {  	s3 =	sld [smem:$0x3FFE];
	_ =	sdelay $0x1  }
0x8a: {  	s1 =	srdreg.scid  }
0x8b: {  	s0 =	sand.u32 $0x1, s1  }
0x8c: {  	s17 =	sshll.u32 s0, $0xA;
	s2 =	sadd.s32 s3, s2  }
0x8d: {  	s2 =	sadd.s32 s2, s17  }
0x8e: {  	[smem:$0x3FBD] =	sst s2  }
0x8f: {  	_ = 	snop  }
0x90: {  	s2 =	sld [smem:$0x3FD0];
	(tm) =	ssettm $0x1  }
0x91: {  	s18 =	sld [smem:$0x3FFB];
	_ =	sdelay $0x3  }
0x92: {  	_ =	strace s18  }
0x93: {  	s3 =	sld [smem:$0x3FFC];
	_ =	sdelay $0x3  }
0x94: {  	_ =	strace s3  }
0x95: {  	s3 =	sld [smem:$0x3FFD];
	_ =	sdelay $0x3  }
0x96: {  	_ =	strace s3  }
0x97: {  	_ =	strace $0x8FFFFFFF  }
0x98: {  	s19 =	sld [smem:$0x3FDB];
	_ =	sdelay $0x1  }
0x99: {  	s4 =	simm.s32 $_scs_section_size  }
0x9a: {  	s5 =	simm.s32 $_size__tile_overlayer_lowered;
	s6 =	simm.s32 $_tile_overlayer_lowered  }
0x9b: {  	s22 =	simm.s32 $0x1BFF;
	s21 =	sshll.u32 s6, $0x1;
	s3 =	sadd.s32 s4, s19  }
0x9c: {  	s7 =	simm.s32 $0x0;
	s20 =	sshll.u32 s5, $0x1;
	s5 =	sadd.s32 s21, s3  }
0x9d: {  	[timem:s7], [sflag:s22] =	dma.local [hbm:s5], s20  }
0x9e: {  	_ =	swait.ge [sflag:s22], s20  }
0x9f: {  	s4 =	ssub.s32 $0x0, s20;
	[sflag:s22] =	ssyncset.done $0x0  }
0xa0: {  	[sflag:s22] =	ssyncadd.s32 s4;
	_ =	sdelay $0x1  }
0xa1: {  	s23 =	simm.s32 $0x1B8B  }
0xa2: {  	_ =	swait.ge [sflag:s23], $0x1  }
0xa3: {  	[sflag:s23] =	ssyncset.done $0x0  }
0xa4: {  	s25 =	simm.s32 $0x1B8E;
	s24 =	sld [smem:$0x3FFE];
	[sflag:s23] =	ssyncadd.s32 $0xFFFFFFFF  }
0xa5: {  	s26 =	simm.s32 $execute0_lowered;
	[smem:$0x3FD2] =	sst s25  }
0xa6: {  	s5 =	sshll.u32 s26, $0x1;
	_ =	strace $0x80000046;
	[dreg:$0x1] =	wrdreg $0xFFFFFFFF  }
0xa7: {  	s28 =	simm.s32 $_size_execute0_lowered;
	s3 =	sadd.s32 s3, s5;
	[dreg:$0x0] =	wrdreg $0x0  }
0xa8: {  	s5 =	sshll.u32 s28, $0x1;
	[dreg:$0x2] =	wrdreg s3  }
0xa9: {  	[dreg:$0x3] =	wrdreg s5  }
0xaa: {  	[dreg:$0x4] =	wrdreg $0xC0  }
0xab: {  	_ =	task [dreg:s7], $0x5FFFF  }
0xac: {  	[dreg:$0x1] =	wrdreg $0xFFFFFFFF  }
0xad: {  	[dreg:$0x0] =	wrdreg $0x60  }
0xae: {  	[dreg:$0x2] =	wrdreg s24  }
0xaf: {  	[dreg:$0x3] =	wrdreg s2  }
0xb0: {  	[dreg:$0x4] =	wrdreg $0x53000  }
0xb1: {  	[dreg:$0x5] =	wrdreg $0x9  }
0xb2: {  	_ =	task.clear_ibuf [dreg:s7], $0x6FFFF;
	_ =	strace $0x90000046  }
0xb3: {  	s29 =	simm.s32 $0x9;
	_ =	strace $0x80000048  }
0xb4: {  	_ =	swait.ge [sflag:s29], $0x1  }
0xb5: {  	[sflag:s29] =	ssyncadd.s32 $0xFFFFFFFF  }
0xb6: {  	_ =	strace $0x90000048  }
0xb7: {  	_ =	sfence  }
0xb8: {  	s30 =	sld [smem:$0x0];
	_ =	sdelay $0x2  }
0xb9: {  	s31 =	sshll.u32 s1, $0xD;
	s1 =	sshrl.u32 s1, $0x2  }
0xba: {  	s3 =	sand.u32 $0x4000, s31;
	s1 =	sadd.s32 s1, s30  }
0xbb: {  	s0 =	sor.u32 s3, s0;
	s1 =	sshll.u32 s1, $0x11  }
0xbc: {  	s0 =	sor.u32 s1, s0  }
0xbd: {  	s0 =	sadd.s32 $0x8F2B, s0  }
0xbe: {  	[sflag:s0] =	ssyncadd.remote.s32 $0x1  }
0xbf: {  	_ =	sfence.sel $0xFFFF  }
0xc0: {  	[dreg:$0x0] =	wrdreg $0xFFFFFFFF;
	(pc) =	sbr.abs _section_cstart, $3  }
0xc1: {  	[dreg:$0x1] =	wrdreg $0xFFFFFFFF  }
0xc2: {  	_ =	task.clear_ibuf [dreg:s7], $0x2FFFF;
	_ =	strace $0x9FFFFFFF  }
0xc3: {  	(tm) =	ssettm $0x7FFFFFFF  }
tec
execute0_lowered:
.L_overlay_start_1:
0x0: {  	(tag) =	ssettag $0x1  }
0x1: {  	s4 =	rddreg [dreg:$0x0];
	s1 =	srdreg.scid  }
0x2: {  	s0 =	stileid.u32;
	s6 =	rddreg [dreg:$0x1]  }
0x3: {  	s2 =	rddreg [dreg:$0x2];
	s3 =	simm.s32 $0x0;
	s11 =	simm.s32 $0x1  }
0x4: {  	s15 =	simm.s32 $0x20;
	s16 =	simm.s32 $0x10;
	s17 =	simm.s32 $0x0  }
0x5: {  	s7 =	sand.u32 $0x1, s1;
	s1 =	rddreg [dreg:$0x3];
	s9 =	smul.u32 $0xA00, s0  }
0x6: {  	s30 =	sshll.u32 s0, $0x1;
	[smem:$0x7FF] =	sst s3;
	s13 =	smul.u32 $0xA0, s0  }
0x7: {  	s14 =	sshll.u32 s0, $0x6;
	s5 =	sor.u32 s7, s30;
	s8 =	ssub.s32 $0x2, s7  }
0x8: {  	_ =	strace $0x80000047;
	s7 =	sshll.u32 s7, $0x4;
	s5 =	smul.u32 $0xA00, s5  }
0x9: {  	s10 =	sshrl.u32 s8, $0x1;
	s31 =	sshrl.u32 s9, $0x2;
	s12 =	sadd.s32 s6, s7  }
0xa: {  	s7 =	simm.s32 $0x2;
	s9 =	simm.s32 $0x80;
	s8 =	ssub.s32 s8, s10  }
0xb: {  	s10 =	simm.s32 $0x5000;
	s12 =	sadd.s32 s13, s12;
	s13 =	sor.u32 $0x1C02, s14  }
0xc: {  	s4 =	sadd.s32 s5, s4;
	s5 =	sadd.s32 s31, s2;
	s6 =	smax.u32 s8, $0x1  }
0xd: {  	v0 =	vimm.f32 $0.0e+00;
	v1 =	vimm.f32 $1.000000000e+00;
	s8 =	simm.s32 $0x5080;
	s4 =	sadd.s32 $0x4A00, s4;
	s14 =	sshrl.u32 s5, $0x3  }
.LBB2_1:
0xe: {  	[tilespmem:s3], [sflag:$0x2] =	stream.linear.gather [hbm4b:s4+s3], $0x5000, $0x38;
	[tilespmem:$0x5580] =	vst v63  }
0xf: {  	_ =	swait.ge [sflag:s7], $0x5000  }
0x10: {  	[sflag:s7] =	ssyncset.done $0x0  }
0x11: {  	[sflag:s7] =	ssyncadd.s32 $0xFFFFB000  }
0x12: {  	[tilespmem:$0x5080] =	vst v0  }
0x13: {  	[tilespmem:$0x5090] =	vst v0  }
0x14: {  	[tilespmem:$0x50A0] =	vst v0  }
0x15: {  	[tilespmem:$0x50B0] =	vst v0  }
0x16: {  	[tilespmem:$0x50C0] =	vst v0  }
0x17: {  	[tilespmem:$0x50D0] =	vst v0  }
0x18: {  	[tilespmem:$0x50E0] =	vst v0  }
0x19: {  	[tilespmem:$0x50F0] =	vst v0  }
0x1a: {  	[tilespmem:$0x5100] =	vst v0  }
0x1b: {  	[tilespmem:$0x5110] =	vst v0  }
0x1c: {  	[tilespmem:$0x5120] =	vst v0  }
0x1d: {  	[tilespmem:$0x5130] =	vst v0  }
0x1e: {  	[tilespmem:$0x5140] =	vst v0  }
0x1f: {  	[tilespmem:$0x5150] =	vst v0  }
0x20: {  	[tilespmem:$0x5160] =	vst v0  }
0x21: {  	[tilespmem:$0x5170] =	vst v0  }
0x22: {  	[tilespmem:$0x5180] =	vst v0  }
0x23: {  	[tilespmem:$0x5190] =	vst v0  }
0x24: {  	[tilespmem:$0x51A0] =	vst v0  }
0x25: {  	[tilespmem:$0x51B0] =	vst v0  }
0x26: {  	[tilespmem:$0x51C0] =	vst v0  }
0x27: {  	[tilespmem:$0x51D0] =	vst v0  }
0x28: {  	[tilespmem:$0x51E0] =	vst v0  }
0x29: {  	[tilespmem:$0x51F0] =	vst v0  }
0x2a: {  	[tilespmem:$0x5200] =	vst v0  }
0x2b: {  	[tilespmem:$0x5210] =	vst v0  }
0x2c: {  	[tilespmem:$0x5220] =	vst v0  }
0x2d: {  	[tilespmem:$0x5230] =	vst v0  }
0x2e: {  	[tilespmem:$0x5240] =	vst v0  }
0x2f: {  	[tilespmem:$0x5250] =	vst v0  }
0x30: {  	[tilespmem:$0x5260] =	vst v0  }
0x31: {  	[tilespmem:$0x5270] =	vst v0  }
0x32: {  	[tilespmem:$0x5280] =	vst v0  }
0x33: {  	[tilespmem:$0x5290] =	vst v0  }
0x34: {  	[tilespmem:$0x52A0] =	vst v0  }
0x35: {  	[tilespmem:$0x52B0] =	vst v0  }
0x36: {  	[tilespmem:$0x52C0] =	vst v0  }
0x37: {  	[tilespmem:$0x52D0] =	vst v0  }
0x38: {  	[tilespmem:$0x52E0] =	vst v0  }
0x39: {  	[tilespmem:$0x52F0] =	vst v0  }
0x3a: {  	[tilespmem:$0x5000] =	vst v1  }
0x3b: {  	[tilespmem:$0x5010] =	vst v1  }
0x3c: {  	[tilespmem:$0x5020] =	vst v1  }
0x3d: {  	[tilespmem:$0x5030] =	vst v1  }
0x3e: {  	[tilespmem:$0x5040] =	vst v1  }
0x3f: {  	[tilespmem:$0x5050] =	vst v1  }
0x40: {  	[tilespmem:$0x5060] =	vst v1  }
0x41: {  	[tilespmem:$0x5070] =	vst v1  }
0x42: {  	[spmem:s5] =	stream.linear.scatter [tilespmem:s8], [sflag:$0x2], $0x280, $0x38;
	[tilespmem:$0x5580] =	vst v63  }
0x43: {  	_ =	swait.ge [sflag:s7], $0x280  }
0x44: {  	[sflag:s7] =	ssyncset.done $0x0  }
0x45: {  	[sflag:s7] =	ssyncadd.s32 $0xFFFFFD80  }
0x46: {  	s18 =	simm.s32 $0x200;
	[bflag:$0x0] =	sbarrier.arrive $0xFFFF  }
.LBB2_2:
0x47: {  	p0 =	sne.s32 s18, $0x13E00  }
.Ltmp0:
0x48: {  	_ = 	snop;
	(pc) =	sbr.rel @p0 .LBB2_2-.Ltmp0, $3  }
0x49: {  	_ =	sdelay $0x1  }
0x4a: {  	s19 =	sshra.s32 s18, $0x2;
	s18 =	sadd.s32 $0x400, s18  }
0x4b: {  	[spmem:s2] =	stream.indirect.scatter.add.f32 [tilespmem:s10], [sflag:$0x1], $0x1, s19, s9, $0xb8;
	[tilespmem:$0x5580] =	vst v63  }
0x4c: {  	_ =	swait.ge [sflag:s11], $0x80  }
0x4d: {  	s18 =	simm.s32 $0x4F;
	[sflag:s11] =	ssyncset.done $0x0  }
.LBB2_4:
0x4e: {  	p0 =	sne.s32 s18, $0x1;
	s18 =	sadd.s32 $0xFFFFFFFF, s18;
	[sflag:s11] =	ssyncadd.s32 $0xFFFFFF80  }
.Ltmp1:
0x4f: {  	(pc) =	sbr.rel @p0 .LBB2_4-.Ltmp1, $3  }
0x50: {  	_ =	sdelay $0x1  }
0x51: {  	_ =	swait.ge [sflag:s11], $0x80  }
0x52: {  	[sflag:s11] =	ssyncset.done $0x0  }
0x53: {  	s17 =	sadd.s32 $0x1, s17  }
0x54: {  	[sflag:s11] =	ssyncadd.s32 $0xFFFFFF80;
	p0 =	sne.s32 s17, s6  }
.Ltmp2:
0x55: {  	[bflag:$0x0] =	sbarrier.arrive $0xFFFF;
	(pc) =	sbr.rel @p0 .LBB2_1-.Ltmp2, $4  }
0x56: {  	[hbm:s12@s15], [sflag:s13] =	dma.strided [spmem:s14@s16], $0x50, s11, $0x10   }
0x57: {  	_ =	swait.ge [sflag:s7], $0x50  }
0x58: {  	[sflag:s7] =	ssyncset.done $0x0  }
0x59: {  	[sflag:s7] =	ssyncadd.s32 $0xFFFFFFB0  }
0x5a: {  	_ =	sfence.sel $0x180000  }
0x5b: {  	[bflag:$0x0] =	sbarrier.arrive $0xFFFF  }
0x5c: {  	p0 =	sne.s32 s0, $0x0;
	_ =	strace $0x90000047  }
0x5d: {  	s0 =	sadd.s32 @!p0 $0x100000, s1;
	[bflag:$0x2] =	sbarrier.arrive $0xFFFF  }
0x5e: {  	[sflag:s0] =	ssyncadd.tile.s32 @!p0 $0x1;
	_ =	shalt  }
.Lfunc_end2:
_tile_overlayer_lowered:
.L_overlay_start_2:
0x5f: {  	(tag) =	ssettag $0x2  }
0x60: {  	s0 =	rddreg [dreg:$0x0];
	s2 =	stileid.u32  }
0x61: {  	s1 =	rddreg [dreg:$0x1];
	p0 =	sne.s32 s2, $0x0  }
0x62: {  	s3 =	rddreg [dreg:$0x2];
	[bflag:$0x3] =	sbarrier.arrive $0xFFFF;
	s2 =	simm.s32 @!p0 $0x1C02  }
0x63: {  	[timem:s3], [sflag:s2] =	dma.local @!p0 [hbm:s0], s1  }
0x64: {  	s0 =	simm.s32 @!p0 $0x2  }
0x65: {  	_ =	swait.ge @!p0 [sflag:s0], s1  }
0x66: {  	s1 =	ssub.s32 @!p0 $0x0, s1;
	[sflag:s0] =	ssyncset.done @!p0 $0x0  }
0x67: {  	[sflag:s0] =	ssyncadd.s32 @!p0 s1  }
0x68: {  	[bflag:$0x3] =	sbarrier.arrive $0xFFFF  }
0x69: {  	_ =	shalt  }

// kernel: kernel.13.cloned.1.call-start
scs
__scs_entry_jumppad:
0x0: {  	(pc) =	sbr.rel $0x88, $3  }
0x1: {  	(tag) =	ssettag $0x0;
	lr =	simm.s32 $0x1  }
0x2: {  	[smem:$0x3F96] =	sst lr;
	_ =	strace $0xD0000000  }
0x3: {  	_ = 	snop  }
0x4: {  	_ = 	snop  }
0x5: {  	_ = 	snop  }
0x6: {  	_ = 	snop  }
0x7: {  	_ = 	snop  }
__scs_overlays_trampoline_lowered:
0x8: {  	[smem:$0x3FA5] =	sst s0  }
0x9: {  	[smem:$0x3FA6] =	sst s1  }
0xa: {  	[smem:$0x3FA7] =	sst s2  }
0xb: {  	[smem:$0x3FA8] =	sst s3  }
0xc: {  	[smem:$0x3FA9] =	sst s4  }
0xd: {  	[smem:$0x3FAA] =	sst s5  }
0xe: {  	[smem:$0x3FAB] =	sst s6  }
0xf: {  	[smem:$0x3FAC] =	sst s7  }
0x10: {  	[smem:$0x3FAD] =	sst s8  }
0x11: {  	[smem:$0x3FAE] =	sst s9;
	s0 =	simm.s32 @!p0 $0x0  }
0x12: {  	s1 =	sld [smem:$0x3F94];
	s0 =	simm.s32 @p0 $0x1  }
0x13: {  	[smem:$0x3FAF] =	sst s0;
	s0 =	simm.s32 @!p1 $0x0  }
0x14: {  	s2 =	sld [smem:$0x3F93];
	s0 =	simm.s32 @p1 $0x1  }
0x15: {  	[smem:$0x3FB0] =	sst s0;
	s0 =	simm.s32 @!p2 $0x0  }
0x16: {  	s3 =	sld [smem:$0x3FDB];
	s0 =	simm.s32 @p2 $0x1  }
0x17: {  	s4 =	simm.s32 $0x1BF5;
	[smem:$0x3FB2] =	sst s0  }
0x18: {  	s0 =	sld [smem:$0x3F95];
	_ =	swait.ge [sflag:s4], $0x0  }
0x19: {  	s7 =	sld [smem:$0x3F96]  }
0x1a: {  	s8 =	sadd.s32 $0xFFFFE003, lr  }
0x1b: {  	s9 =	sadd.s32 $0xFFFFFEF7, lr;
	s5 =	simm.s32 $0xFFFFFFFF;
	p2 =	slt.u32 s8, $0xFFFFF086  }
0x1c: {  	p1 =	slt.u32 s9, $0xF7A;
	s5 =	simm.s32 @!p2 $0x0  }
0x1d: {  	s5 =	simm.s32 @p1 $0x1;
	p0 =	seq.s32 s7, s2  }
0x1e: {  	s7 =	smul.u32 @!p0 $0xF7A, s2;
	p2 =	seq.s32 @!p0 s5, $0x0  }
0x1f: {  	s9 =	smul.u32 $0xF7A, s1;
	s8 =	simm.s32 @!p0 $0x1BF5;
	p2 =	por !p2, p0  }
0x20: {  	[sflag:s8] =	ssyncset.s32 @!p0 $0xFFFFF086;
	s6 =	sadd.s32 @!p0 s3, s7;
	s7 =	simm.s32 @!p0 $0x108  }
0x21: {  	s3 =	sadd.s32 s3, s9;
	s6 =	sadd.s32 @!p0 $0x88, s6;
	s7 =	simm.s32 @p2 $0x1082  }
0x22: {  	[simem:s7], [sflag:s8] =	dma.local @!p0 [hbm:s6], $0xF7A  }
0x23: {  	s9 =	sor.u32 $0xD0000000, s2;
	s6 =	simm.s32 $0x108;
	_ =	swait.ge @!p0 [sflag:s8], $0x0  }
0x24: {  	s3 =	sadd.s32 $0x88, s3;
	s6 =	simm.s32 @!p1 $0x1082;
	[sflag:s4] =	ssyncset.s32 $0xFFFFF086  }
0x25: {  	[simem:s6], [sflag:s4] =	dma.local [hbm:s3], $0xF7A  }
0x26: {  	[smem:$0x3F96] =	sst s1;
	(tag) =	ssettag s2;
	_ =	strace s9  }
0x27: {  	s1 =	sld [smem:$0x3FA6]  }
0x28: {  	s2 =	sld [smem:$0x3FA7]  }
0x29: {  	s4 =	sld [smem:$0x3FA9]  }
0x2a: {  	p0 =	seq.s32 s5, $0x0;
	s5 =	sld [smem:$0x3FAA]  }
0x2b: {  	s6 =	sld [smem:$0x3FAB]  }
0x2c: {  	s7 =	sld [smem:$0x3FAC]  }
0x2d: {  	s3 =	simm.s32 $0x108;
	s8 =	sld [smem:$0x3FAD]  }
0x2e: {  	s3 =	simm.s32 @!p0 $0x1082;
	s9 =	sld [smem:$0x3FAE]  }
0x2f: {  	lr =	sadd.s32 s0, s3;
	s0 =	sld [smem:$0x3FA5]  }
0x30: {  	s3 =	sld [smem:$0x3FA8]  }
0x31: {  	[smem:$0x3FB1] =	sst s10  }
0x32: {  	s10 =	sld [smem:$0x3FAF];
	_ =	sdelay $0x3  }
0x33: {  	p0 =	seq.s32 s10, $0x1;
	s10 =	sld [smem:$0x3FB1];
	_ =	sdelay $0x3  }
0x34: {  	[smem:$0x3FB1] =	sst s10  }
0x35: {  	s10 =	sld [smem:$0x3FB0];
	_ =	sdelay $0x3  }
0x36: {  	p1 =	seq.s32 s10, $0x1;
	s10 =	sld [smem:$0x3FB1];
	_ =	sdelay $0x3  }
0x37: {  	[smem:$0x3FB1] =	sst s10  }
0x38: {  	s10 =	sld [smem:$0x3FB2]  }
0x39: {  	_ = 	snop;
	(pc) =	sbr.ind lr, $3  }
0x3a: {  	_ = 	snop  }
0x3b: {  	_ = 	snop  }
0x3c: {  	p2 =	seq.s32 s10, $0x1;
	s10 =	sld [smem:$0x3FB1]  }
0x3d: {  	_ =	shalt  }
0x3e: {  	_ =	shalt  }
0x3f: {  	_ =	shalt  }
0x40: {  	_ =	shalt  }
0x41: {  	_ =	shalt  }
0x42: {  	_ =	shalt  }
0x43: {  	_ =	shalt  }
0x44: {  	_ =	shalt  }
0x45: {  	_ =	shalt  }
0x46: {  	_ =	shalt  }
0x47: {  	_ =	shalt  }
0x48: {  	_ =	shalt  }
0x49: {  	_ =	shalt  }
0x4a: {  	_ =	shalt  }
0x4b: {  	_ =	shalt  }
0x4c: {  	_ =	shalt  }
0x4d: {  	_ =	shalt  }
0x4e: {  	_ =	shalt  }
0x4f: {  	_ =	shalt  }
0x50: {  	_ =	shalt  }
0x51: {  	_ =	shalt  }
0x52: {  	_ =	shalt  }
0x53: {  	_ =	shalt  }
0x54: {  	_ =	shalt  }
0x55: {  	_ =	shalt  }
0x56: {  	_ =	shalt  }
0x57: {  	_ =	shalt  }
0x58: {  	_ =	shalt  }
0x59: {  	_ =	shalt  }
0x5a: {  	_ =	shalt  }
0x5b: {  	_ =	shalt  }
0x5c: {  	_ =	shalt  }
0x5d: {  	_ =	shalt  }
0x5e: {  	_ =	shalt  }
0x5f: {  	_ =	shalt  }
0x60: {  	_ =	shalt  }
0x61: {  	_ =	shalt  }
0x62: {  	_ =	shalt  }
0x63: {  	_ =	shalt  }
0x64: {  	_ =	shalt  }
0x65: {  	_ =	shalt  }
0x66: {  	_ =	shalt  }
0x67: {  	_ =	shalt  }
0x68: {  	_ =	shalt  }
0x69: {  	_ =	shalt  }
0x6a: {  	_ =	shalt  }
0x6b: {  	_ =	shalt  }
0x6c: {  	_ =	shalt  }
0x6d: {  	_ =	shalt  }
0x6e: {  	_ =	shalt  }
0x6f: {  	_ =	shalt  }
0x70: {  	_ =	shalt  }
0x71: {  	_ =	shalt  }
0x72: {  	_ =	shalt  }
0x73: {  	_ =	shalt  }
0x74: {  	_ =	shalt  }
0x75: {  	_ =	shalt  }
0x76: {  	_ =	shalt  }
0x77: {  	_ =	shalt  }
0x78: {  	_ =	shalt  }
0x79: {  	_ =	shalt  }
0x7a: {  	_ =	shalt  }
0x7b: {  	_ =	shalt  }
0x7c: {  	_ =	shalt  }
0x7d: {  	_ =	shalt  }
0x7e: {  	_ =	shalt  }
0x7f: {  	_ =	shalt  }
0x80: {  	_ =	shalt  }
0x81: {  	_ =	shalt  }
0x82: {  	_ =	shalt  }
0x83: {  	_ =	shalt  }
0x84: {  	_ =	shalt  }
0x85: {  	_ =	shalt  }
0x86: {  	_ =	shalt  }
0x87: {  	_ =	shalt  }
.Lfunc_end0:
.L_simem_size_0:
called_computation.1_lowered:
.L_overlay_start_0:
0x88: {  	s2 =	sld [smem:$0x3FD9]  }
0x89: {  	s3 =	sld [smem:$0x3FFE];
	_ =	sdelay $0x1  }
0x8a: {  	s1 =	srdreg.scid  }
0x8b: {  	s0 =	sand.u32 $0x1, s1  }
0x8c: {  	s16 =	sshll.u32 s0, $0xA;
	s2 =	sadd.s32 s3, s2  }
0x8d: {  	s2 =	sadd.s32 s2, s16  }
0x8e: {  	[smem:$0x3FBD] =	sst s2  }
0x8f: {  	_ = 	snop  }
0x90: {  	(tm) =	ssettm $0x1  }
0x91: {  	s17 =	sld [smem:$0x3FFB];
	_ =	sdelay $0x3  }
0x92: {  	_ =	strace s17  }
0x93: {  	s2 =	sld [smem:$0x3FFC];
	_ =	sdelay $0x3  }
0x94: {  	_ =	strace s2  }
0x95: {  	s2 =	sld [smem:$0x3FFD];
	_ =	sdelay $0x3  }
0x96: {  	_ =	strace s2  }
0x97: {  	_ =	strace $0x8FFFFFFF  }
0x98: {  	s18 =	sld [smem:$0x3FDB];
	_ =	sdelay $0x1  }
0x99: {  	s19 =	simm.s32 $_scs_section_size  }
0x9a: {  	s4 =	simm.s32 $_size__tile_overlayer_lowered;
	s5 =	simm.s32 $_tile_overlayer_lowered  }
0x9b: {  	s22 =	simm.s32 $0x1BFF;
	s21 =	sshll.u32 s5, $0x1;
	s2 =	sadd.s32 s19, s18  }
0x9c: {  	s6 =	simm.s32 $0x0;
	s20 =	sshll.u32 s4, $0x1;
	s4 =	sadd.s32 s21, s2  }
0x9d: {  	[timem:s6], [sflag:s22] =	dma.local [hbm:s4], s20  }
0x9e: {  	_ =	swait.ge [sflag:s22], s20  }
0x9f: {  	s3 =	ssub.s32 $0x0, s20;
	[sflag:s22] =	ssyncset.done $0x0  }
0xa0: {  	[sflag:s22] =	ssyncadd.s32 s3;
	_ =	sdelay $0x1  }
0xa1: {  	s23 =	simm.s32 $0x1B8B  }
0xa2: {  	_ =	swait.ge [sflag:s23], $0x1  }
0xa3: {  	[sflag:s23] =	ssyncset.done $0x0  }
0xa4: {  	s25 =	simm.s32 $0x1B8E;
	s24 =	sld [smem:$0x3FFE];
	[sflag:s23] =	ssyncadd.s32 $0xFFFFFFFF  }
0xa5: {  	s26 =	simm.s32 $execute0_lowered;
	[smem:$0x3FD2] =	sst s25  }
0xa6: {  	s4 =	sshll.u32 s26, $0x1;
	_ =	strace $0x80000049;
	[dreg:$0x1] =	wrdreg $0xFFFFFFFF  }
0xa7: {  	s28 =	simm.s32 $_size_execute0_lowered;
	s2 =	sadd.s32 s2, s4;
	[dreg:$0x0] =	wrdreg $0x0  }
0xa8: {  	s4 =	sshll.u32 s28, $0x1;
	[dreg:$0x2] =	wrdreg s2  }
0xa9: {  	[dreg:$0x3] =	wrdreg s4  }
0xaa: {  	[dreg:$0x4] =	wrdreg $0xC0  }
0xab: {  	_ =	task [dreg:s6], $0x5FFFF  }
0xac: {  	[dreg:$0x1] =	wrdreg $0xFFFFFFFF  }
0xad: {  	[dreg:$0x0] =	wrdreg $0x60  }
0xae: {  	[dreg:$0x2] =	wrdreg s24  }
0xaf: {  	[dreg:$0x3] =	wrdreg $0xD0000  }
0xb0: {  	[dreg:$0x4] =	wrdreg $0x9  }
0xb1: {  	_ =	task.clear_ibuf [dreg:s6], $0x5FFFF;
	_ =	strace $0x90000049  }
0xb2: {  	s29 =	simm.s32 $0x9;
	_ =	strace $0x8000004B  }
0xb3: {  	_ =	swait.ge [sflag:s29], $0x1  }
0xb4: {  	[sflag:s29] =	ssyncadd.s32 $0xFFFFFFFF  }
0xb5: {  	_ =	strace $0x9000004B  }
0xb6: {  	_ =	sfence  }
0xb7: {  	s30 =	sld [smem:$0x0];
	_ =	sdelay $0x2  }
0xb8: {  	s31 =	sshll.u32 s1, $0xD;
	s1 =	sshrl.u32 s1, $0x2  }
0xb9: {  	s3 =	sand.u32 $0x4000, s31;
	s1 =	sadd.s32 s1, s30  }
0xba: {  	s0 =	sor.u32 s3, s0;
	s1 =	sshll.u32 s1, $0x11  }
0xbb: {  	s0 =	sor.u32 s1, s0  }
0xbc: {  	s0 =	sadd.s32 $0x8F2B, s0  }
0xbd: {  	[sflag:s0] =	ssyncadd.remote.s32 $0x1  }
0xbe: {  	_ =	sfence.sel $0xFFFF  }
0xbf: {  	[dreg:$0x0] =	wrdreg $0xFFFFFFFF;
	(pc) =	sbr.abs _section_cstart, $3  }
0xc0: {  	[dreg:$0x1] =	wrdreg $0xFFFFFFFF  }
0xc1: {  	_ =	task.clear_ibuf [dreg:s6], $0x2FFFF;
	_ =	strace $0x9FFFFFFF  }
0xc2: {  	(tm) =	ssettm $0x7FFFFFFF  }
0xc3: {  	_ =	shalt  }
tec
execute0_lowered:
.L_overlay_start_1:
0x0: {  	(tag) =	ssettag $0x1  }
0x1: {  	s0 =	rddreg [dreg:$0x0];
	s1 =	srdreg.scid  }
0x2: {  	s9 =	stileid.u32;
	s2 =	rddreg [dreg:$0x1]  }
0x3: {  	s4 =	simm.s32 $0x0;
	s13 =	simm.s32 $0x9;
	s14 =	simm.s32 $0x5000  }
0x4: {  	s15 =	simm.s32 $0x80;
	s17 =	simm.s32 $0x7000;
	s18 =	simm.s32 $0x1  }
0x5: {  	s20 =	simm.s32 $0x9000;
	s21 =	simm.s32 $0x2;
	s28 =	simm.s32 $0x3  }
0x6: {  	s30 =	simm.s32 $0x5;
	s16 =	simm.s32 $0x8;
	s29 =	simm.s32 $0x4F00  }
0x7: {  	s31 =	simm.s32 $0x4E80;
	s1 =	sand.u32 $0x1, s1;
	s3 =	sshll.u32 s9, $0x1  }
0x8: {  	[smem:$0x7FF] =	sst s4;
	s4 =	sadd.s32 $0x68A00, s0;
	s7 =	smul.u32 $0x28000, s9  }
0x9: {  	s5 =	sadd.s32 $0x7CA00, s0;
	s12 =	smul.u32 $0xA000, s9;
	s3 =	sor.u32 s1, s3  }
0xa: {  	_ =	strace $0x8000004A;
	s6 =	smul.u32 $0x14000, s1;
	s1 =	ssub.s32 $0x2, s1  }
0xb: {  	s3 =	smul.u32 $0xA00, s3;
	s8 =	sshrl.u32 s1, $0x1;
	s22 =	sshrl.u32 s7, $0x2  }
0xc: {  	s7 =	sadd.s32 s12, s2;
	s25 =	sshrl.u32 s12, $0x3;
	s1 =	ssub.s32 s1, s8  }
0xd: {  	s23 =	sadd.s32 s22, s2;
	s3 =	sadd.s32 s3, s0;
	s0 =	sadd.s32 s6, s0  }
0xe: {  	s8 =	sadd.s32 $0x2000, s23;
	s9 =	sadd.s32 $0x4000, s23;
	s10 =	sadd.s32 $0x6000, s23  }
0xf: {  	s11 =	sadd.s32 $0x8000, s23;
	s1 =	smax.u32 s1, $0x1;
	s6 =	simm.s32 $0x7  }
0x10: {  	s23 =	simm.s32 $0x4F80;
	s3 =	sadd.s32 $0x4A00, s3;
	s24 =	sadd.s32 $0xE0A00, s0  }
0x11: {  	s0 =	sadd.s32 $0xB8A00, s0;
	[dreg:$0x4] =	wrdreg s1;
	s1 =	simm.s32 $0x4  }
0x12: {  	[dreg:$0x3] =	wrdreg s3;
	s26 =	sadd.s32 s25, s24;
	s0 =	sadd.s32 s25, s0  }
0x13: {  	s25 =	simm.s32 $0x4D00;
	s3 =	simm.s32 $0x0;
	[dreg:$0x5] =	wrdreg s26  }
0x14: {  	v0 =	vimm.f32 $0.0e+00;
	[dreg:$0x6] =	wrdreg s0;
	s26 =	simm.s32 $0xB000;
	s0 =	simm.s32 $0x6  }
.LBB2_1:
0x15: {  	s12 =	simm.s32 $0x0;
	s19 =	rddreg [dreg:$0x3]  }
0x16: {  	[tilespmem:s12], [sflag:$0x9] =	stream.linear.gather [hbm4b:s19+s12], $0x5000, $0x38;
	[tilespmem:$0x17000] =	vst v63  }
0x17: {  	_ =	swait.ge [sflag:s13], $0x5000  }
0x18: {  	[sflag:s13] =	ssyncset.done $0x0  }
0x19: {  	s19 =	simm.s32 $0x100;
	s12 =	simm.s32 $0x0;
	[sflag:s13] =	ssyncadd.s32 $0xFFFFB000  }
.LBB2_2:
0x1a: {  	p0 =	sne.s32 s19, $0x7F00;
	[tilespmem:s12+$0x5030] =	vst v0;
	s22 =	smov.u32 s19;
	s19 =	sadd.s32 $0x100, s19  }
.Ltmp0:
0x1b: {  	[tilespmem:s12+$0x5020] =	vst v0;
	(pc) =	sbr.rel @p0 .LBB2_2-.Ltmp0, $3  }
0x1c: {  	[tilespmem:s12+$0x5000] =	vst v0  }
0x1d: {  	[tilespmem:s12+$0x5010] =	vst v0;
	_ =	sdelay $0x1  }
0x1e: {  	s12 =	sshra.s32 s22, $0x2  }
0x1f: {  	[tilespmem:s12+$0x5030] =	vst v0  }
0x20: {  	[tilespmem:s12+$0x5020] =	vst v0  }
0x21: {  	[tilespmem:s12+$0x5000] =	vst v0  }
0x22: {  	[tilespmem:s12+$0x5010] =	vst v0  }
0x23: {  	[spmem:s7] =	stream.linear.scatter [tilespmem:s14], [sflag:$0x9], $0x2000, $0x38;
	[tilespmem:$0x17000] =	vst v63  }
0x24: {  	_ =	swait.ge [sflag:s13], $0x2000  }
0x25: {  	[sflag:s13] =	ssyncset.done $0x0  }
0x26: {  	[sflag:s13] =	ssyncadd.s32 $0xFFFFE000  }
0x27: {  	[spmem:s8] =	stream.linear.scatter [tilespmem:s14], [sflag:$0x9], $0x2000, $0x38;
	[tilespmem:$0x17000] =	vst v63  }
0x28: {  	_ =	swait.ge [sflag:s13], $0x2000  }
0x29: {  	[sflag:s13] =	ssyncset.done $0x0  }
0x2a: {  	[sflag:s13] =	ssyncadd.s32 $0xFFFFE000  }
0x2b: {  	[spmem:s9] =	stream.linear.scatter [tilespmem:s14], [sflag:$0x9], $0x2000, $0x38;
	[tilespmem:$0x17000] =	vst v63  }
0x2c: {  	_ =	swait.ge [sflag:s13], $0x2000  }
0x2d: {  	[sflag:s13] =	ssyncset.done $0x0  }
0x2e: {  	[sflag:s13] =	ssyncadd.s32 $0xFFFFE000  }
0x2f: {  	[spmem:s10] =	stream.linear.scatter [tilespmem:s14], [sflag:$0x9], $0x2000, $0x38;
	[tilespmem:$0x17000] =	vst v63  }
0x30: {  	_ =	swait.ge [sflag:s13], $0x2000  }
0x31: {  	[sflag:s13] =	ssyncset.done $0x0  }
0x32: {  	[sflag:s13] =	ssyncadd.s32 $0xFFFFE000  }
0x33: {  	[spmem:s11] =	stream.linear.scatter [tilespmem:s14], [sflag:$0x9], $0x2000, $0x38;
	[tilespmem:$0x17000] =	vst v63  }
0x34: {  	_ =	swait.ge [sflag:s13], $0x2000  }
0x35: {  	[sflag:s13] =	ssyncset.done $0x0  }
0x36: {  	[sflag:s13] =	ssyncadd.s32 $0xFFFFE000  }
0x37: {  	s19 =	simm.s32 $0x0;
	[bflag:$0x0] =	sbarrier.arrive $0xFFFF  }
0x38: {  	[tilespmem:s14], [sflag:$0x1] =	stream.indirect.gather [hbm4b:s4+s15], $0x40, s19, s15, $0xb8;
	[tilespmem:$0x17000] =	vst v63  }
0x39: {  	s22 =	simm.s32 $0x100  }
0x3a: {  	[tilespmem:s17], [sflag:$0x2] =	stream.indirect.gather [hbm4b:s4+s15], $0x40, s22, s15, $0xb8;
	[tilespmem:$0x17000] =	vst v63  }
0x3b: {  	_ =	swait.ge [sflag:s18], $0x2000  }
0x3c: {  	[sflag:s18] =	ssyncset.done $0x0  }
0x3d: {  	[sflag:s18] =	ssyncadd.s32 $0xFFFFE000  }
0x3e: {  	[spmem:s2] =	stream.indirect.scatter.add.f32 [tilespmem:s14], [sflag:$0x5], $0x40, s15, s15, $0xb8;
	[tilespmem:$0x17000] =	vst v63  }
0x3f: {  	s24 =	simm.s32 $0x200  }
0x40: {  	[tilespmem:s20], [sflag:$0x3] =	stream.indirect.gather [hbm4b:s4+s15], $0x40, s24, s15, $0xb8;
	[tilespmem:$0x17000] =	vst v63  }
0x41: {  	_ =	swait.ge [sflag:s21], $0x2000  }
0x42: {  	[sflag:s21] =	ssyncset.done $0x0  }
0x43: {  	s19 =	simm.s32 $0x180;
	[sflag:s21] =	ssyncadd.s32 $0xFFFFE000  }
0x44: {  	[spmem:s2] =	stream.indirect.scatter.add.f32 [tilespmem:s17], [sflag:$0x6], $0x40, s19, s15, $0xb8;
	[tilespmem:$0x17000] =	vst v63  }
0x45: {  	s22 =	simm.s32 $0x300  }
0x46: {  	[tilespmem:s26], [sflag:$0x4] =	stream.indirect.gather [hbm4b:s4+s15], $0x40, s22, s15, $0xb8;
	[tilespmem:$0x17000] =	vst v63  }
0x47: {  	_ =	swait.ge [sflag:s28], $0x2000  }
0x48: {  	[sflag:s28] =	ssyncset.done $0x0  }
0x49: {  	s24 =	simm.s32 $0x280;
	[sflag:s28] =	ssyncadd.s32 $0xFFFFE000  }
0x4a: {  	[spmem:s2] =	stream.indirect.scatter.add.f32 [tilespmem:s20], [sflag:$0x7], $0x40, s24, s15, $0xb8;
	[tilespmem:$0x17000] =	vst v63  }
0x4b: {  	_ =	swait.ge [sflag:s30], $0x2000  }
0x4c: {  	[sflag:s30] =	ssyncset.done $0x0  }
0x4d: {  	s19 =	simm.s32 $0x400;
	[sflag:s30] =	ssyncadd.s32 $0xFFFFE000  }
0x4e: {  	[tilespmem:s14], [sflag:$0x1] =	stream.indirect.gather [hbm4b:s4+s15], $0x40, s19, s15, $0xb8;
	[tilespmem:$0x17000] =	vst v63  }
0x4f: {  	_ =	swait.ge [sflag:s1], $0x2000  }
0x50: {  	[sflag:s1] =	ssyncset.done $0x0  }
0x51: {  	s22 =	simm.s32 $0x380;
	[sflag:s1] =	ssyncadd.s32 $0xFFFFE000  }
0x52: {  	[spmem:s2] =	stream.indirect.scatter.add.f32 [tilespmem:s26], [sflag:$0x8], $0x40, s22, s15, $0xb8;
	[tilespmem:$0x17000] =	vst v63  }
0x53: {  	_ =	swait.ge [sflag:s0], $0x2000  }
0x54: {  	[sflag:s0] =	ssyncset.done $0x0  }
0x55: {  	s24 =	simm.s32 $0x500;
	[sflag:s0] =	ssyncadd.s32 $0xFFFFE000  }
0x56: {  	[tilespmem:s17], [sflag:$0x2] =	stream.indirect.gather [hbm4b:s4+s15], $0x40, s24, s15, $0xb8;
	[tilespmem:$0x17000] =	vst v63  }
0x57: {  	_ =	swait.ge [sflag:s18], $0x2000  }
0x58: {  	[sflag:s18] =	ssyncset.done $0x0  }
0x59: {  	s19 =	simm.s32 $0x480;
	[sflag:s18] =	ssyncadd.s32 $0xFFFFE000  }
0x5a: {  	[spmem:s2] =	stream.indirect.scatter.add.f32 [tilespmem:s14], [sflag:$0x5], $0x40, s19, s15, $0xb8;
	[tilespmem:$0x17000] =	vst v63  }
0x5b: {  	_ =	swait.ge [sflag:s6], $0x2000  }
0x5c: {  	[sflag:s6] =	ssyncset.done $0x0  }
0x5d: {  	s22 =	simm.s32 $0x600;
	[sflag:s6] =	ssyncadd.s32 $0xFFFFE000  }
0x5e: {  	[tilespmem:s20], [sflag:$0x3] =	stream.indirect.gather [hbm4b:s4+s15], $0x40, s22, s15, $0xb8;
	[tilespmem:$0x17000] =	vst v63  }
0x5f: {  	_ =	swait.ge [sflag:s21], $0x2000  }
0x60: {  	[sflag:s21] =	ssyncset.done $0x0  }
0x61: {  	s24 =	simm.s32 $0x580;
	[sflag:s21] =	ssyncadd.s32 $0xFFFFE000  }
0x62: {  	[spmem:s2] =	stream.indirect.scatter.add.f32 [tilespmem:s17], [sflag:$0x6], $0x40, s24, s15, $0xb8;
	[tilespmem:$0x17000] =	vst v63  }
0x63: {  	_ =	swait.ge [sflag:s16], $0x2000  }
0x64: {  	[sflag:s16] =	ssyncset.done $0x0  }
0x65: {  	s19 =	simm.s32 $0x700;
	[sflag:s16] =	ssyncadd.s32 $0xFFFFE000  }
0x66: {  	[tilespmem:s26], [sflag:$0x4] =	stream.indirect.gather [hbm4b:s4+s15], $0x40, s19, s15, $0xb8;
	[tilespmem:$0x17000] =	vst v63  }
0x67: {  	_ =	swait.ge [sflag:s28], $0x2000  }
0x68: {  	[sflag:s28] =	ssyncset.done $0x0  }
0x69: {  	s22 =	simm.s32 $0x680;
	[sflag:s28] =	ssyncadd.s32 $0xFFFFE000  }
0x6a: {  	[spmem:s2] =	stream.indirect.scatter.add.f32 [tilespmem:s20], [sflag:$0x7], $0x40, s22, s15, $0xb8;
	[tilespmem:$0x17000] =	vst v63  }
0x6b: {  	_ =	swait.ge [sflag:s30], $0x2000  }
0x6c: {  	[sflag:s30] =	ssyncset.done $0x0  }
0x6d: {  	s24 =	simm.s32 $0x800;
	[sflag:s30] =	ssyncadd.s32 $0xFFFFE000  }
0x6e: {  	[tilespmem:s14], [sflag:$0x1] =	stream.indirect.gather [hbm4b:s4+s15], $0x40, s24, s15, $0xb8;
	[tilespmem:$0x17000] =	vst v63  }
0x6f: {  	_ =	swait.ge [sflag:s1], $0x2000  }
0x70: {  	[sflag:s1] =	ssyncset.done $0x0  }
0x71: {  	s12 =	simm.s32 $0x780;
	s19 =	simm.s32 $0x1000;
	[sflag:s1] =	ssyncadd.s32 $0xFFFFE000  }
.LBB2_4:
0x72: {  	[spmem:s2] =	stream.indirect.scatter.add.f32 [tilespmem:s26], [sflag:$0x8], $0x40, s12, s15, $0xb8;
	[tilespmem:$0x17000] =	vst v63  }
0x73: {  	s12 =	smov.u32 s19  }
0x74: {  	p0 =	sne.s32 s19, $0x11000;
	s19 =	sadd.s32 $0x1000, s19;
	_ =	swait.ge [sflag:s0], $0x2000  }
0x75: {  	s12 =	sshra.s32 s12, $0x2;
	[sflag:s0] =	ssyncset.done $0x0  }
0x76: {  	s22 =	sadd.s32 $0x500, s12;
	[sflag:s0] =	ssyncadd.s32 $0xFFFFE000  }
0x77: {  	[tilespmem:s17], [sflag:$0x2] =	stream.indirect.gather [hbm4b:s4+s15], $0x40, s22, s15, $0xb8;
	[tilespmem:$0x17000] =	vst v63  }
0x78: {  	_ =	swait.ge [sflag:s18], $0x2000  }
0x79: {  	[sflag:s18] =	ssyncset.done $0x0  }
0x7a: {  	s22 =	sadd.s32 $0x480, s12;
	[sflag:s18] =	ssyncadd.s32 $0xFFFFE000  }
0x7b: {  	[spmem:s2] =	stream.indirect.scatter.add.f32 [tilespmem:s14], [sflag:$0x5], $0x40, s22, s15, $0xb8;
	[tilespmem:$0x17000] =	vst v63  }
0x7c: {  	_ =	swait.ge [sflag:s6], $0x2000  }
0x7d: {  	[sflag:s6] =	ssyncset.done $0x0  }
0x7e: {  	s22 =	sadd.s32 $0x600, s12;
	[sflag:s6] =	ssyncadd.s32 $0xFFFFE000  }
0x7f: {  	[tilespmem:s20], [sflag:$0x3] =	stream.indirect.gather [hbm4b:s4+s15], $0x40, s22, s15, $0xb8;
	[tilespmem:$0x17000] =	vst v63  }
0x80: {  	_ =	swait.ge [sflag:s21], $0x2000  }
0x81: {  	[sflag:s21] =	ssyncset.done $0x0  }
0x82: {  	s22 =	sadd.s32 $0x580, s12;
	[sflag:s21] =	ssyncadd.s32 $0xFFFFE000  }
0x83: {  	[spmem:s2] =	stream.indirect.scatter.add.f32 [tilespmem:s17], [sflag:$0x6], $0x40, s22, s15, $0xb8;
	[tilespmem:$0x17000] =	vst v63  }
0x84: {  	_ =	swait.ge [sflag:s16], $0x2000  }
0x85: {  	[sflag:s16] =	ssyncset.done $0x0  }
0x86: {  	s22 =	sadd.s32 $0x700, s12;
	[sflag:s16] =	ssyncadd.s32 $0xFFFFE000  }
0x87: {  	[tilespmem:s26], [sflag:$0x4] =	stream.indirect.gather [hbm4b:s4+s15], $0x40, s22, s15, $0xb8;
	[tilespmem:$0x17000] =	vst v63  }
0x88: {  	_ =	swait.ge [sflag:s28], $0x2000  }
0x89: {  	[sflag:s28] =	ssyncset.done $0x0  }
0x8a: {  	s22 =	sadd.s32 $0x680, s12;
	[sflag:s28] =	ssyncadd.s32 $0xFFFFE000  }
0x8b: {  	[spmem:s2] =	stream.indirect.scatter.add.f32 [tilespmem:s20], [sflag:$0x7], $0x40, s22, s15, $0xb8;
	[tilespmem:$0x17000] =	vst v63  }
0x8c: {  	_ =	swait.ge [sflag:s30], $0x2000  }
0x8d: {  	[sflag:s30] =	ssyncset.done $0x0  }
.Ltmp1:
0x8e: {  	s22 =	sadd.s32 $0x800, s12;
	[sflag:s30] =	ssyncadd.s32 $0xFFFFE000;
	(pc) =	sbr.rel @p0 .LBB2_4-.Ltmp1, $4  }
0x8f: {  	[tilespmem:s14], [sflag:$0x1] =	stream.indirect.gather [hbm4b:s4+s15], $0x40, s22, s15, $0xb8;
	[tilespmem:$0x17000] =	vst v63  }
0x90: {  	_ =	swait.ge [sflag:s1], $0x2000  }
0x91: {  	[sflag:s1] =	ssyncset.done $0x0  }
0x92: {  	s12 =	sadd.s32 $0x780, s12;
	[sflag:s1] =	ssyncadd.s32 $0xFFFFE000  }
0x93: {  	[spmem:s2] =	stream.indirect.scatter.add.f32 [tilespmem:s26], [sflag:$0x8], $0x40, s12, s15, $0xb8;
	[tilespmem:$0x17000] =	vst v63  }
0x94: {  	_ =	swait.ge [sflag:s0], $0x2000  }
0x95: {  	[sflag:s0] =	ssyncset.done $0x0  }
0x96: {  	[sflag:s0] =	ssyncadd.s32 $0xFFFFE000  }
0x97: {  	[tilespmem:s17], [sflag:$0x2] =	stream.indirect.gather [hbm4b:s4+s15], $0x40, s25, s15, $0xb8;
	[tilespmem:$0x17000] =	vst v63  }
0x98: {  	_ =	swait.ge [sflag:s18], $0x2000  }
0x99: {  	[sflag:s18] =	ssyncset.done $0x0  }
0x9a: {  	s25 =	simm.s32 $0x4C80;
	[sflag:s18] =	ssyncadd.s32 $0xFFFFE000  }
0x9b: {  	[spmem:s2] =	stream.indirect.scatter.add.f32 [tilespmem:s14], [sflag:$0x5], $0x40, s25, s15, $0xb8;
	[tilespmem:$0x17000] =	vst v63  }
0x9c: {  	_ =	swait.ge [sflag:s6], $0x2000  }
0x9d: {  	[sflag:s6] =	ssyncset.done $0x0  }
0x9e: {  	s19 =	simm.s32 $0x4E00;
	[sflag:s6] =	ssyncadd.s32 $0xFFFFE000  }
0x9f: {  	[tilespmem:s20], [sflag:$0x3] =	stream.indirect.gather [hbm4b:s4+s15], $0x40, s19, s15, $0xb8;
	[tilespmem:$0x17000] =	vst v63  }
0xa0: {  	_ =	swait.ge [sflag:s21], $0x2000  }
0xa1: {  	[sflag:s21] =	ssyncset.done $0x0  }
0xa2: {  	s22 =	simm.s32 $0x4D80;
	[sflag:s21] =	ssyncadd.s32 $0xFFFFE000  }
0xa3: {  	[spmem:s2] =	stream.indirect.scatter.add.f32 [tilespmem:s17], [sflag:$0x6], $0x40, s22, s15, $0xb8;
	[tilespmem:$0x17000] =	vst v63  }
0xa4: {  	_ =	swait.ge [sflag:s16], $0x2000  }
0xa5: {  	[sflag:s16] =	ssyncset.done $0x0  }
0xa6: {  	[sflag:s16] =	ssyncadd.s32 $0xFFFFE000  }
0xa7: {  	[tilespmem:s26], [sflag:$0x4] =	stream.indirect.gather [hbm4b:s4+s15], $0x40, s29, s15, $0xb8;
	[tilespmem:$0x17000] =	vst v63  }
0xa8: {  	_ =	swait.ge [sflag:s28], $0x2000  }
0xa9: {  	[sflag:s28] =	ssyncset.done $0x0  }
0xaa: {  	[sflag:s28] =	ssyncadd.s32 $0xFFFFE000  }
0xab: {  	[spmem:s2] =	stream.indirect.scatter.add.f32 [tilespmem:s20], [sflag:$0x7], $0x40, s31, s15, $0xb8;
	[tilespmem:$0x17000] =	vst v63  }
0xac: {  	_ =	swait.ge [sflag:s1], $0x2000  }
0xad: {  	[sflag:s1] =	ssyncset.done $0x0  }
0xae: {  	[sflag:s1] =	ssyncadd.s32 $0xFFFFE000  }
0xaf: {  	[spmem:s2] =	stream.indirect.scatter.add.f32 [tilespmem:s26], [sflag:$0x8], $0x40, s23, s15, $0xb8;
	[tilespmem:$0x17000] =	vst v63  }
0xb0: {  	_ =	swait.ge [sflag:s30], $0x2000  }
0xb1: {  	[sflag:s30] =	ssyncset.done $0x0  }
0xb2: {  	[sflag:s30] =	ssyncadd.s32 $0xFFFFE000  }
0xb3: {  	_ =	swait.ge [sflag:s0], $0x2000  }
0xb4: {  	[sflag:s0] =	ssyncset.done $0x0  }
0xb5: {  	[sflag:s0] =	ssyncadd.s32 $0xFFFFE000  }
0xb6: {  	_ =	swait.ge [sflag:s6], $0x2000  }
0xb7: {  	[sflag:s6] =	ssyncset.done $0x0  }
0xb8: {  	[sflag:s6] =	ssyncadd.s32 $0xFFFFE000  }
0xb9: {  	_ =	swait.ge [sflag:s16], $0x2000  }
0xba: {  	[sflag:s16] =	ssyncset.done $0x0  }
0xbb: {  	s24 =	stileid.u32;
	[sflag:s16] =	ssyncadd.s32 $0xFFFFE000  }
0xbc: {  	s12 =	sshll.u32 s24, $0x6;
	[bflag:$0x0] =	sbarrier.arrive $0xFFFF  }
0xbd: {  	s24 =	sor.u32 $0x1C09, s12;
	s19 =	sshrl.u32 s7, $0x3;
	s25 =	rddreg [dreg:$0x5]  }
0xbe: {  	[hbm:s25], [sflag:s24] =	dma.local [spmem:s19], $0x1400  }
0xbf: {  	_ =	swait.ge [sflag:s13], $0x1400  }
0xc0: {  	[sflag:s13] =	ssyncset.done $0x0  }
0xc1: {  	s12 =	simm.s32 $0x0;
	s22 =	simm.s32 $0x100;
	[sflag:s13] =	ssyncadd.s32 $0xFFFFEC00  }
.LBB2_6:
0xc2: {  	p0 =	sne.s32 s22, $0x7F00;
	[tilespmem:s12+$0x5030] =	vst v0;
	s25 =	smov.u32 s22;
	s22 =	sadd.s32 $0x100, s22  }
.Ltmp2:
0xc3: {  	[tilespmem:s12+$0x5020] =	vst v0;
	(pc) =	sbr.rel @p0 .LBB2_6-.Ltmp2, $3  }
0xc4: {  	[tilespmem:s12+$0x5000] =	vst v0  }
0xc5: {  	[tilespmem:s12+$0x5010] =	vst v0;
	_ =	sdelay $0x1  }
0xc6: {  	s12 =	sshra.s32 s25, $0x2  }
0xc7: {  	[tilespmem:s12+$0x5030] =	vst v0  }
0xc8: {  	[tilespmem:s12+$0x5020] =	vst v0  }
0xc9: {  	[tilespmem:s12+$0x5000] =	vst v0  }
0xca: {  	[tilespmem:s12+$0x5010] =	vst v0  }
0xcb: {  	[spmem:s7] =	stream.linear.scatter [tilespmem:s14], [sflag:$0x9], $0x2000, $0x38;
	[tilespmem:$0x17000] =	vst v63  }
0xcc: {  	_ =	swait.ge [sflag:s13], $0x2000  }
0xcd: {  	[sflag:s13] =	ssyncset.done $0x0  }
0xce: {  	[sflag:s13] =	ssyncadd.s32 $0xFFFFE000  }
0xcf: {  	[spmem:s8] =	stream.linear.scatter [tilespmem:s14], [sflag:$0x9], $0x2000, $0x38;
	[tilespmem:$0x17000] =	vst v63  }
0xd0: {  	_ =	swait.ge [sflag:s13], $0x2000  }
0xd1: {  	[sflag:s13] =	ssyncset.done $0x0  }
0xd2: {  	[sflag:s13] =	ssyncadd.s32 $0xFFFFE000  }
0xd3: {  	[spmem:s9] =	stream.linear.scatter [tilespmem:s14], [sflag:$0x9], $0x2000, $0x38;
	[tilespmem:$0x17000] =	vst v63  }
0xd4: {  	_ =	swait.ge [sflag:s13], $0x2000  }
0xd5: {  	[sflag:s13] =	ssyncset.done $0x0  }
0xd6: {  	[sflag:s13] =	ssyncadd.s32 $0xFFFFE000  }
0xd7: {  	[spmem:s10] =	stream.linear.scatter [tilespmem:s14], [sflag:$0x9], $0x2000, $0x38;
	[tilespmem:$0x17000] =	vst v63  }
0xd8: {  	_ =	swait.ge [sflag:s13], $0x2000  }
0xd9: {  	[sflag:s13] =	ssyncset.done $0x0  }
0xda: {  	[sflag:s13] =	ssyncadd.s32 $0xFFFFE000  }
0xdb: {  	[spmem:s11] =	stream.linear.scatter [tilespmem:s14], [sflag:$0x9], $0x2000, $0x38;
	[tilespmem:$0x17000] =	vst v63  }
0xdc: {  	_ =	swait.ge [sflag:s13], $0x2000  }
0xdd: {  	[sflag:s13] =	ssyncset.done $0x0  }
0xde: {  	[sflag:s13] =	ssyncadd.s32 $0xFFFFE000  }
0xdf: {  	s25 =	simm.s32 $0x0;
	[bflag:$0x0] =	sbarrier.arrive $0xFFFF  }
0xe0: {  	[tilespmem:s14], [sflag:$0x1] =	stream.indirect.gather [hbm4b:s5+s15], $0x40, s25, s15, $0xb8;
	[tilespmem:$0x17000] =	vst v63  }
0xe1: {  	s22 =	simm.s32 $0x100  }
0xe2: {  	[tilespmem:s17], [sflag:$0x2] =	stream.indirect.gather [hbm4b:s5+s15], $0x40, s22, s15, $0xb8;
	[tilespmem:$0x17000] =	vst v63  }
0xe3: {  	_ =	swait.ge [sflag:s18], $0x2000  }
0xe4: {  	[sflag:s18] =	ssyncset.done $0x0  }
0xe5: {  	[sflag:s18] =	ssyncadd.s32 $0xFFFFE000  }
0xe6: {  	[spmem:s2] =	stream.indirect.scatter.add.f32 [tilespmem:s14], [sflag:$0x5], $0x40, s15, s15, $0xb8;
	[tilespmem:$0x17000] =	vst v63  }
0xe7: {  	s25 =	simm.s32 $0x200  }
0xe8: {  	[tilespmem:s20], [sflag:$0x3] =	stream.indirect.gather [hbm4b:s5+s15], $0x40, s25, s15, $0xb8;
	[tilespmem:$0x17000] =	vst v63  }
0xe9: {  	_ =	swait.ge [sflag:s21], $0x2000  }
0xea: {  	[sflag:s21] =	ssyncset.done $0x0  }
0xeb: {  	s22 =	simm.s32 $0x180;
	[sflag:s21] =	ssyncadd.s32 $0xFFFFE000  }
0xec: {  	[spmem:s2] =	stream.indirect.scatter.add.f32 [tilespmem:s17], [sflag:$0x6], $0x40, s22, s15, $0xb8;
	[tilespmem:$0x17000] =	vst v63  }
0xed: {  	s25 =	simm.s32 $0x300  }
0xee: {  	[tilespmem:s26], [sflag:$0x4] =	stream.indirect.gather [hbm4b:s5+s15], $0x40, s25, s15, $0xb8;
	[tilespmem:$0x17000] =	vst v63  }
0xef: {  	_ =	swait.ge [sflag:s28], $0x2000  }
0xf0: {  	[sflag:s28] =	ssyncset.done $0x0  }
0xf1: {  	s22 =	simm.s32 $0x280;
	[sflag:s28] =	ssyncadd.s32 $0xFFFFE000  }
0xf2: {  	[spmem:s2] =	stream.indirect.scatter.add.f32 [tilespmem:s20], [sflag:$0x7], $0x40, s22, s15, $0xb8;
	[tilespmem:$0x17000] =	vst v63  }
0xf3: {  	_ =	swait.ge [sflag:s30], $0x2000  }
0xf4: {  	[sflag:s30] =	ssyncset.done $0x0  }
0xf5: {  	s25 =	simm.s32 $0x400;
	[sflag:s30] =	ssyncadd.s32 $0xFFFFE000  }
0xf6: {  	[tilespmem:s14], [sflag:$0x1] =	stream.indirect.gather [hbm4b:s5+s15], $0x40, s25, s15, $0xb8;
	[tilespmem:$0x17000] =	vst v63  }
0xf7: {  	_ =	swait.ge [sflag:s1], $0x2000  }
0xf8: {  	[sflag:s1] =	ssyncset.done $0x0  }
0xf9: {  	s22 =	simm.s32 $0x380;
	[sflag:s1] =	ssyncadd.s32 $0xFFFFE000  }
0xfa: {  	[spmem:s2] =	stream.indirect.scatter.add.f32 [tilespmem:s26], [sflag:$0x8], $0x40, s22, s15, $0xb8;
	[tilespmem:$0x17000] =	vst v63  }
0xfb: {  	_ =	swait.ge [sflag:s0], $0x2000  }
0xfc: {  	[sflag:s0] =	ssyncset.done $0x0  }
0xfd: {  	s25 =	simm.s32 $0x500;
	[sflag:s0] =	ssyncadd.s32 $0xFFFFE000  }
0xfe: {  	[tilespmem:s17], [sflag:$0x2] =	stream.indirect.gather [hbm4b:s5+s15], $0x40, s25, s15, $0xb8;
	[tilespmem:$0x17000] =	vst v63  }
0xff: {  	_ =	swait.ge [sflag:s18], $0x2000  }
0x100: {  	[sflag:s18] =	ssyncset.done $0x0  }
0x101: {  	s22 =	simm.s32 $0x480;
	[sflag:s18] =	ssyncadd.s32 $0xFFFFE000  }
0x102: {  	[spmem:s2] =	stream.indirect.scatter.add.f32 [tilespmem:s14], [sflag:$0x5], $0x40, s22, s15, $0xb8;
	[tilespmem:$0x17000] =	vst v63  }
0x103: {  	_ =	swait.ge [sflag:s6], $0x2000  }
0x104: {  	[sflag:s6] =	ssyncset.done $0x0  }
0x105: {  	s25 =	simm.s32 $0x600;
	[sflag:s6] =	ssyncadd.s32 $0xFFFFE000  }
0x106: {  	[tilespmem:s20], [sflag:$0x3] =	stream.indirect.gather [hbm4b:s5+s15], $0x40, s25, s15, $0xb8;
	[tilespmem:$0x17000] =	vst v63  }
0x107: {  	_ =	swait.ge [sflag:s21], $0x2000  }
0x108: {  	[sflag:s21] =	ssyncset.done $0x0  }
0x109: {  	s22 =	simm.s32 $0x580;
	[sflag:s21] =	ssyncadd.s32 $0xFFFFE000  }
0x10a: {  	[spmem:s2] =	stream.indirect.scatter.add.f32 [tilespmem:s17], [sflag:$0x6], $0x40, s22, s15, $0xb8;
	[tilespmem:$0x17000] =	vst v63  }
0x10b: {  	_ =	swait.ge [sflag:s16], $0x2000  }
0x10c: {  	[sflag:s16] =	ssyncset.done $0x0  }
0x10d: {  	s25 =	simm.s32 $0x700;
	[sflag:s16] =	ssyncadd.s32 $0xFFFFE000  }
0x10e: {  	[tilespmem:s26], [sflag:$0x4] =	stream.indirect.gather [hbm4b:s5+s15], $0x40, s25, s15, $0xb8;
	[tilespmem:$0x17000] =	vst v63  }
0x10f: {  	_ =	swait.ge [sflag:s28], $0x2000  }
0x110: {  	[sflag:s28] =	ssyncset.done $0x0  }
0x111: {  	s22 =	simm.s32 $0x680;
	[sflag:s28] =	ssyncadd.s32 $0xFFFFE000  }
0x112: {  	[spmem:s2] =	stream.indirect.scatter.add.f32 [tilespmem:s20], [sflag:$0x7], $0x40, s22, s15, $0xb8;
	[tilespmem:$0x17000] =	vst v63  }
0x113: {  	_ =	swait.ge [sflag:s30], $0x2000  }
0x114: {  	[sflag:s30] =	ssyncset.done $0x0  }
0x115: {  	s25 =	simm.s32 $0x800;
	[sflag:s30] =	ssyncadd.s32 $0xFFFFE000  }
0x116: {  	[tilespmem:s14], [sflag:$0x1] =	stream.indirect.gather [hbm4b:s5+s15], $0x40, s25, s15, $0xb8;
	[tilespmem:$0x17000] =	vst v63  }
0x117: {  	_ =	swait.ge [sflag:s1], $0x2000  }
0x118: {  	[sflag:s1] =	ssyncset.done $0x0  }
0x119: {  	s12 =	simm.s32 $0x1000;
	s22 =	simm.s32 $0x780;
	[sflag:s1] =	ssyncadd.s32 $0xFFFFE000  }
.LBB2_8:
0x11a: {  	[spmem:s2] =	stream.indirect.scatter.add.f32 [tilespmem:s26], [sflag:$0x8], $0x40, s22, s15, $0xb8;
	[tilespmem:$0x17000] =	vst v63  }
0x11b: {  	s22 =	smov.u32 s12  }
0x11c: {  	p0 =	sne.s32 s12, $0x11000;
	s12 =	sadd.s32 $0x1000, s12;
	_ =	swait.ge [sflag:s0], $0x2000  }
0x11d: {  	s22 =	sshra.s32 s22, $0x2;
	[sflag:s0] =	ssyncset.done $0x0  }
0x11e: {  	s25 =	sadd.s32 $0x500, s22;
	[sflag:s0] =	ssyncadd.s32 $0xFFFFE000  }
0x11f: {  	[tilespmem:s17], [sflag:$0x2] =	stream.indirect.gather [hbm4b:s5+s15], $0x40, s25, s15, $0xb8;
	[tilespmem:$0x17000] =	vst v63  }
0x120: {  	_ =	swait.ge [sflag:s18], $0x2000  }
0x121: {  	[sflag:s18] =	ssyncset.done $0x0  }
0x122: {  	s25 =	sadd.s32 $0x480, s22;
	[sflag:s18] =	ssyncadd.s32 $0xFFFFE000  }
0x123: {  	[spmem:s2] =	stream.indirect.scatter.add.f32 [tilespmem:s14], [sflag:$0x5], $0x40, s25, s15, $0xb8;
	[tilespmem:$0x17000] =	vst v63  }
0x124: {  	_ =	swait.ge [sflag:s6], $0x2000  }
0x125: {  	[sflag:s6] =	ssyncset.done $0x0  }
0x126: {  	s25 =	sadd.s32 $0x600, s22;
	[sflag:s6] =	ssyncadd.s32 $0xFFFFE000  }
0x127: {  	[tilespmem:s20], [sflag:$0x3] =	stream.indirect.gather [hbm4b:s5+s15], $0x40, s25, s15, $0xb8;
	[tilespmem:$0x17000] =	vst v63  }
0x128: {  	_ =	swait.ge [sflag:s21], $0x2000  }
0x129: {  	[sflag:s21] =	ssyncset.done $0x0  }
0x12a: {  	s25 =	sadd.s32 $0x580, s22;
	[sflag:s21] =	ssyncadd.s32 $0xFFFFE000  }
0x12b: {  	[spmem:s2] =	stream.indirect.scatter.add.f32 [tilespmem:s17], [sflag:$0x6], $0x40, s25, s15, $0xb8;
	[tilespmem:$0x17000] =	vst v63  }
0x12c: {  	_ =	swait.ge [sflag:s16], $0x2000  }
0x12d: {  	[sflag:s16] =	ssyncset.done $0x0  }
0x12e: {  	s25 =	sadd.s32 $0x700, s22;
	[sflag:s16] =	ssyncadd.s32 $0xFFFFE000  }
0x12f: {  	[tilespmem:s26], [sflag:$0x4] =	stream.indirect.gather [hbm4b:s5+s15], $0x40, s25, s15, $0xb8;
	[tilespmem:$0x17000] =	vst v63  }
0x130: {  	_ =	swait.ge [sflag:s28], $0x2000  }
0x131: {  	[sflag:s28] =	ssyncset.done $0x0  }
0x132: {  	s25 =	sadd.s32 $0x680, s22;
	[sflag:s28] =	ssyncadd.s32 $0xFFFFE000  }
0x133: {  	[spmem:s2] =	stream.indirect.scatter.add.f32 [tilespmem:s20], [sflag:$0x7], $0x40, s25, s15, $0xb8;
	[tilespmem:$0x17000] =	vst v63  }
0x134: {  	_ =	swait.ge [sflag:s30], $0x2000  }
0x135: {  	[sflag:s30] =	ssyncset.done $0x0  }
.Ltmp3:
0x136: {  	s25 =	sadd.s32 $0x800, s22;
	[sflag:s30] =	ssyncadd.s32 $0xFFFFE000;
	(pc) =	sbr.rel @p0 .LBB2_8-.Ltmp3, $4  }
0x137: {  	[tilespmem:s14], [sflag:$0x1] =	stream.indirect.gather [hbm4b:s5+s15], $0x40, s25, s15, $0xb8;
	[tilespmem:$0x17000] =	vst v63  }
0x138: {  	_ =	swait.ge [sflag:s1], $0x2000  }
0x139: {  	[sflag:s1] =	ssyncset.done $0x0  }
0x13a: {  	s22 =	sadd.s32 $0x780, s22;
	[sflag:s1] =	ssyncadd.s32 $0xFFFFE000  }
0x13b: {  	[spmem:s2] =	stream.indirect.scatter.add.f32 [tilespmem:s26], [sflag:$0x8], $0x40, s22, s15, $0xb8;
	[tilespmem:$0x17000] =	vst v63  }
0x13c: {  	_ =	swait.ge [sflag:s0], $0x2000  }
0x13d: {  	[sflag:s0] =	ssyncset.done $0x0  }
0x13e: {  	s25 =	simm.s32 $0x4D00;
	[sflag:s0] =	ssyncadd.s32 $0xFFFFE000  }
0x13f: {  	[tilespmem:s17], [sflag:$0x2] =	stream.indirect.gather [hbm4b:s5+s15], $0x40, s25, s15, $0xb8;
	[tilespmem:$0x17000] =	vst v63  }
0x140: {  	_ =	swait.ge [sflag:s18], $0x2000  }
0x141: {  	[sflag:s18] =	ssyncset.done $0x0  }
0x142: {  	s12 =	simm.s32 $0x4C80;
	[sflag:s18] =	ssyncadd.s32 $0xFFFFE000  }
0x143: {  	[spmem:s2] =	stream.indirect.scatter.add.f32 [tilespmem:s14], [sflag:$0x5], $0x40, s12, s15, $0xb8;
	[tilespmem:$0x17000] =	vst v63  }
0x144: {  	_ =	swait.ge [sflag:s6], $0x2000  }
0x145: {  	[sflag:s6] =	ssyncset.done $0x0  }
0x146: {  	s22 =	simm.s32 $0x4E00;
	[sflag:s6] =	ssyncadd.s32 $0xFFFFE000  }
0x147: {  	[tilespmem:s20], [sflag:$0x3] =	stream.indirect.gather [hbm4b:s5+s15], $0x40, s22, s15, $0xb8;
	[tilespmem:$0x17000] =	vst v63  }
0x148: {  	_ =	swait.ge [sflag:s21], $0x2000  }
0x149: {  	[sflag:s21] =	ssyncset.done $0x0  }
0x14a: {  	s22 =	simm.s32 $0x4D80;
	[sflag:s21] =	ssyncadd.s32 $0xFFFFE000  }
0x14b: {  	[spmem:s2] =	stream.indirect.scatter.add.f32 [tilespmem:s17], [sflag:$0x6], $0x40, s22, s15, $0xb8;
	[tilespmem:$0x17000] =	vst v63  }
0x14c: {  	_ =	swait.ge [sflag:s16], $0x2000  }
0x14d: {  	[sflag:s16] =	ssyncset.done $0x0  }
0x14e: {  	[sflag:s16] =	ssyncadd.s32 $0xFFFFE000  }
0x14f: {  	[tilespmem:s26], [sflag:$0x4] =	stream.indirect.gather [hbm4b:s5+s15], $0x40, s29, s15, $0xb8;
	[tilespmem:$0x17000] =	vst v63  }
0x150: {  	_ =	swait.ge [sflag:s28], $0x2000  }
0x151: {  	[sflag:s28] =	ssyncset.done $0x0  }
0x152: {  	[sflag:s28] =	ssyncadd.s32 $0xFFFFE000  }
0x153: {  	[spmem:s2] =	stream.indirect.scatter.add.f32 [tilespmem:s20], [sflag:$0x7], $0x40, s31, s15, $0xb8;
	[tilespmem:$0x17000] =	vst v63  }
0x154: {  	_ =	swait.ge [sflag:s1], $0x2000  }
0x155: {  	[sflag:s1] =	ssyncset.done $0x0  }
0x156: {  	[sflag:s1] =	ssyncadd.s32 $0xFFFFE000  }
0x157: {  	[spmem:s2] =	stream.indirect.scatter.add.f32 [tilespmem:s26], [sflag:$0x8], $0x40, s23, s15, $0xb8;
	[tilespmem:$0x17000] =	vst v63  }
0x158: {  	_ =	swait.ge [sflag:s30], $0x2000  }
0x159: {  	[sflag:s30] =	ssyncset.done $0x0  }
0x15a: {  	[sflag:s30] =	ssyncadd.s32 $0xFFFFE000  }
0x15b: {  	_ =	swait.ge [sflag:s0], $0x2000  }
0x15c: {  	[sflag:s0] =	ssyncset.done $0x0  }
0x15d: {  	[sflag:s0] =	ssyncadd.s32 $0xFFFFE000  }
0x15e: {  	_ =	swait.ge [sflag:s6], $0x2000  }
0x15f: {  	[sflag:s6] =	ssyncset.done $0x0  }
0x160: {  	[sflag:s6] =	ssyncadd.s32 $0xFFFFE000  }
0x161: {  	_ =	swait.ge [sflag:s16], $0x2000  }
0x162: {  	[sflag:s16] =	ssyncset.done $0x0  }
0x163: {  	[sflag:s16] =	ssyncadd.s32 $0xFFFFE000  }
0x164: {  	[bflag:$0x0] =	sbarrier.arrive $0xFFFF  }
0x165: {  	s22 =	rddreg [dreg:$0x6]  }
0x166: {  	[hbm:s22], [sflag:s24] =	dma.local [spmem:s19], $0x1400  }
0x167: {  	_ =	swait.ge [sflag:s13], $0x1400  }
0x168: {  	s3 =	sadd.s32 $0x1, s3;
	s24 =	rddreg [dreg:$0x4]  }
0x169: {  	p0 =	sne.s32 s3, s24  }
.Ltmp4:
0x16a: {  	_ = 	snop;
	(pc) =	sbr.rel @p0 .LBB2_1-.Ltmp4, $3  }
0x16b: {  	_ =	sdelay $0x1  }
0x16c: {  	[sflag:s13] =	ssyncset.done $0x0  }
0x16d: {  	[sflag:s13] =	ssyncadd.s32 $0xFFFFEC00  }
0x16e: {  	_ =	sfence.sel $0x180000  }
0x16f: {  	[bflag:$0x0] =	sbarrier.arrive $0xFFFF  }
0x170: {  	_ =	strace $0x9000004A  }
0x171: {  	s0 =	stileid.u32;
	[bflag:$0x2] =	sbarrier.arrive $0xFFFF  }
0x172: {  	p0 =	sne.s32 s0, $0x0;
	s0 =	rddreg [dreg:$0x2]  }
0x173: {  	s0 =	sadd.s32 @!p0 $0x100000, s0  }
0x174: {  	[sflag:s0] =	ssyncadd.tile.s32 @!p0 $0x1;
	_ =	shalt  }
.Lfunc_end2:
_tile_overlayer_lowered:
.L_overlay_start_2:
0x175: {  	(tag) =	ssettag $0x2  }
0x176: {  	s0 =	rddreg [dreg:$0x0];
	s2 =	stileid.u32  }
0x177: {  	s1 =	rddreg [dreg:$0x1];
	p0 =	sne.s32 s2, $0x0  }
0x178: {  	s3 =	rddreg [dreg:$0x2];
	[bflag:$0x3] =	sbarrier.arrive $0xFFFF;
	s2 =	simm.s32 @!p0 $0x1C09  }
0x179: {  	[timem:s3], [sflag:s2] =	dma.local @!p0 [hbm:s0], s1  }
0x17a: {  	s0 =	simm.s32 @!p0 $0x9  }
0x17b: {  	_ =	swait.ge @!p0 [sflag:s0], s1  }
0x17c: {  	s1 =	ssub.s32 @!p0 $0x0, s1;
	[sflag:s0] =	ssyncset.done @!p0 $0x0  }
0x17d: {  	[sflag:s0] =	ssyncadd.s32 @!p0 s1  }
0x17e: {  	[bflag:$0x3] =	sbarrier.arrive $0xFFFF  }
0x17f: {  	_ =	shalt  }

// kernel: kernel.16.cloned.1.call-start
scs
__scs_entry_jumppad:
0x0: {  	(pc) =	sbr.rel $0x88, $3  }
0x1: {  	(tag) =	ssettag $0x0;
	lr =	simm.s32 $0x1  }
0x2: {  	[smem:$0x3F96] =	sst lr;
	_ =	strace $0xD0000000  }
0x3: {  	_ = 	snop  }
0x4: {  	_ = 	snop  }
0x5: {  	_ = 	snop  }
0x6: {  	_ = 	snop  }
0x7: {  	_ = 	snop  }
__scs_overlays_trampoline_lowered:
0x8: {  	[smem:$0x3FA5] =	sst s0  }
0x9: {  	[smem:$0x3FA6] =	sst s1  }
0xa: {  	[smem:$0x3FA7] =	sst s2  }
0xb: {  	[smem:$0x3FA8] =	sst s3  }
0xc: {  	[smem:$0x3FA9] =	sst s4  }
0xd: {  	[smem:$0x3FAA] =	sst s5  }
0xe: {  	[smem:$0x3FAB] =	sst s6  }
0xf: {  	[smem:$0x3FAC] =	sst s7  }
0x10: {  	[smem:$0x3FAD] =	sst s8  }
0x11: {  	[smem:$0x3FAE] =	sst s9;
	s0 =	simm.s32 @!p0 $0x0  }
0x12: {  	s1 =	sld [smem:$0x3F94];
	s0 =	simm.s32 @p0 $0x1  }
0x13: {  	[smem:$0x3FAF] =	sst s0;
	s0 =	simm.s32 @!p1 $0x0  }
0x14: {  	s2 =	sld [smem:$0x3F93];
	s0 =	simm.s32 @p1 $0x1  }
0x15: {  	[smem:$0x3FB0] =	sst s0;
	s0 =	simm.s32 @!p2 $0x0  }
0x16: {  	s3 =	sld [smem:$0x3FDB];
	s0 =	simm.s32 @p2 $0x1  }
0x17: {  	s4 =	simm.s32 $0x1BF5;
	[smem:$0x3FB2] =	sst s0  }
0x18: {  	s0 =	sld [smem:$0x3F95];
	_ =	swait.ge [sflag:s4], $0x0  }
0x19: {  	s7 =	sld [smem:$0x3F96]  }
0x1a: {  	s8 =	sadd.s32 $0xFFFFE003, lr  }
0x1b: {  	s9 =	sadd.s32 $0xFFFFFEF7, lr;
	s5 =	simm.s32 $0xFFFFFFFF;
	p2 =	slt.u32 s8, $0xFFFFF086  }
0x1c: {  	p1 =	slt.u32 s9, $0xF7A;
	s5 =	simm.s32 @!p2 $0x0  }
0x1d: {  	s5 =	simm.s32 @p1 $0x1;
	p0 =	seq.s32 s7, s2  }
0x1e: {  	s7 =	smul.u32 @!p0 $0xF7A, s2;
	p2 =	seq.s32 @!p0 s5, $0x0  }
0x1f: {  	s9 =	smul.u32 $0xF7A, s1;
	s8 =	simm.s32 @!p0 $0x1BF5;
	p2 =	por !p2, p0  }
0x20: {  	[sflag:s8] =	ssyncset.s32 @!p0 $0xFFFFF086;
	s6 =	sadd.s32 @!p0 s3, s7;
	s7 =	simm.s32 @!p0 $0x108  }
0x21: {  	s3 =	sadd.s32 s3, s9;
	s6 =	sadd.s32 @!p0 $0x88, s6;
	s7 =	simm.s32 @p2 $0x1082  }
0x22: {  	[simem:s7], [sflag:s8] =	dma.local @!p0 [hbm:s6], $0xF7A  }
0x23: {  	s9 =	sor.u32 $0xD0000000, s2;
	s6 =	simm.s32 $0x108;
	_ =	swait.ge @!p0 [sflag:s8], $0x0  }
0x24: {  	s3 =	sadd.s32 $0x88, s3;
	s6 =	simm.s32 @!p1 $0x1082;
	[sflag:s4] =	ssyncset.s32 $0xFFFFF086  }
0x25: {  	[simem:s6], [sflag:s4] =	dma.local [hbm:s3], $0xF7A  }
0x26: {  	[smem:$0x3F96] =	sst s1;
	(tag) =	ssettag s2;
	_ =	strace s9  }
0x27: {  	s1 =	sld [smem:$0x3FA6]  }
0x28: {  	s2 =	sld [smem:$0x3FA7]  }
0x29: {  	s4 =	sld [smem:$0x3FA9]  }
0x2a: {  	p0 =	seq.s32 s5, $0x0;
	s5 =	sld [smem:$0x3FAA]  }
0x2b: {  	s6 =	sld [smem:$0x3FAB]  }
0x2c: {  	s7 =	sld [smem:$0x3FAC]  }
0x2d: {  	s3 =	simm.s32 $0x108;
	s8 =	sld [smem:$0x3FAD]  }
0x2e: {  	s3 =	simm.s32 @!p0 $0x1082;
	s9 =	sld [smem:$0x3FAE]  }
0x2f: {  	lr =	sadd.s32 s0, s3;
	s0 =	sld [smem:$0x3FA5]  }
0x30: {  	s3 =	sld [smem:$0x3FA8]  }
0x31: {  	[smem:$0x3FB1] =	sst s10  }
0x32: {  	s10 =	sld [smem:$0x3FAF];
	_ =	sdelay $0x3  }
0x33: {  	p0 =	seq.s32 s10, $0x1;
	s10 =	sld [smem:$0x3FB1];
	_ =	sdelay $0x3  }
0x34: {  	[smem:$0x3FB1] =	sst s10  }
0x35: {  	s10 =	sld [smem:$0x3FB0];
	_ =	sdelay $0x3  }
0x36: {  	p1 =	seq.s32 s10, $0x1;
	s10 =	sld [smem:$0x3FB1];
	_ =	sdelay $0x3  }
0x37: {  	[smem:$0x3FB1] =	sst s10  }
0x38: {  	s10 =	sld [smem:$0x3FB2]  }
0x39: {  	_ = 	snop;
	(pc) =	sbr.ind lr, $3  }
0x3a: {  	_ = 	snop  }
0x3b: {  	_ = 	snop  }
0x3c: {  	p2 =	seq.s32 s10, $0x1;
	s10 =	sld [smem:$0x3FB1]  }
0x3d: {  	_ =	shalt  }
0x3e: {  	_ =	shalt  }
0x3f: {  	_ =	shalt  }
0x40: {  	_ =	shalt  }
0x41: {  	_ =	shalt  }
0x42: {  	_ =	shalt  }
0x43: {  	_ =	shalt  }
0x44: {  	_ =	shalt  }
0x45: {  	_ =	shalt  }
0x46: {  	_ =	shalt  }
0x47: {  	_ =	shalt  }
0x48: {  	_ =	shalt  }
0x49: {  	_ =	shalt  }
0x4a: {  	_ =	shalt  }
0x4b: {  	_ =	shalt  }
0x4c: {  	_ =	shalt  }
0x4d: {  	_ =	shalt  }
0x4e: {  	_ =	shalt  }
0x4f: {  	_ =	shalt  }
0x50: {  	_ =	shalt  }
0x51: {  	_ =	shalt  }
0x52: {  	_ =	shalt  }
0x53: {  	_ =	shalt  }
0x54: {  	_ =	shalt  }
0x55: {  	_ =	shalt  }
0x56: {  	_ =	shalt  }
0x57: {  	_ =	shalt  }
0x58: {  	_ =	shalt  }
0x59: {  	_ =	shalt  }
0x5a: {  	_ =	shalt  }
0x5b: {  	_ =	shalt  }
0x5c: {  	_ =	shalt  }
0x5d: {  	_ =	shalt  }
0x5e: {  	_ =	shalt  }
0x5f: {  	_ =	shalt  }
0x60: {  	_ =	shalt  }
0x61: {  	_ =	shalt  }
0x62: {  	_ =	shalt  }
0x63: {  	_ =	shalt  }
0x64: {  	_ =	shalt  }
0x65: {  	_ =	shalt  }
0x66: {  	_ =	shalt  }
0x67: {  	_ =	shalt  }
0x68: {  	_ =	shalt  }
0x69: {  	_ =	shalt  }
0x6a: {  	_ =	shalt  }
0x6b: {  	_ =	shalt  }
0x6c: {  	_ =	shalt  }
0x6d: {  	_ =	shalt  }
0x6e: {  	_ =	shalt  }
0x6f: {  	_ =	shalt  }
0x70: {  	_ =	shalt  }
0x71: {  	_ =	shalt  }
0x72: {  	_ =	shalt  }
0x73: {  	_ =	shalt  }
0x74: {  	_ =	shalt  }
0x75: {  	_ =	shalt  }
0x76: {  	_ =	shalt  }
0x77: {  	_ =	shalt  }
0x78: {  	_ =	shalt  }
0x79: {  	_ =	shalt  }
0x7a: {  	_ =	shalt  }
0x7b: {  	_ =	shalt  }
0x7c: {  	_ =	shalt  }
0x7d: {  	_ =	shalt  }
0x7e: {  	_ =	shalt  }
0x7f: {  	_ =	shalt  }
0x80: {  	_ =	shalt  }
0x81: {  	_ =	shalt  }
0x82: {  	_ =	shalt  }
0x83: {  	_ =	shalt  }
0x84: {  	_ =	shalt  }
0x85: {  	_ =	shalt  }
0x86: {  	_ =	shalt  }
0x87: {  	_ =	shalt  }
.Lfunc_end0:
.L_simem_size_0:
called_computation.2_lowered:
.L_overlay_start_0:
0x88: {  	s2 =	sld [smem:$0x3FD9]  }
0x89: {  	s3 =	sld [smem:$0x3FFE];
	_ =	sdelay $0x1  }
0x8a: {  	s1 =	srdreg.scid  }
0x8b: {  	s0 =	sand.u32 $0x1, s1  }
0x8c: {  	s16 =	sshll.u32 s0, $0xA;
	s2 =	sadd.s32 s3, s2  }
0x8d: {  	s2 =	sadd.s32 s2, s16  }
0x8e: {  	[smem:$0x3FBD] =	sst s2  }
0x8f: {  	_ = 	snop  }
0x90: {  	(tm) =	ssettm $0x1  }
0x91: {  	s17 =	sld [smem:$0x3FFB];
	_ =	sdelay $0x3  }
0x92: {  	_ =	strace s17  }
0x93: {  	s2 =	sld [smem:$0x3FFC];
	_ =	sdelay $0x3  }
0x94: {  	_ =	strace s2  }
0x95: {  	s2 =	sld [smem:$0x3FFD];
	_ =	sdelay $0x3  }
0x96: {  	_ =	strace s2  }
0x97: {  	_ =	strace $0x8FFFFFFF  }
0x98: {  	s18 =	sld [smem:$0x3FDB];
	_ =	sdelay $0x1  }
0x99: {  	s19 =	simm.s32 $_scs_section_size  }
0x9a: {  	s4 =	simm.s32 $_size__tile_overlayer_lowered;
	s5 =	simm.s32 $_tile_overlayer_lowered  }
0x9b: {  	s22 =	simm.s32 $0x1BFF;
	s21 =	sshll.u32 s5, $0x1;
	s2 =	sadd.s32 s19, s18  }
0x9c: {  	s6 =	simm.s32 $0x0;
	s20 =	sshll.u32 s4, $0x1;
	s4 =	sadd.s32 s21, s2  }
0x9d: {  	[timem:s6], [sflag:s22] =	dma.local [hbm:s4], s20  }
0x9e: {  	_ =	swait.ge [sflag:s22], s20  }
0x9f: {  	s3 =	ssub.s32 $0x0, s20;
	[sflag:s22] =	ssyncset.done $0x0  }
0xa0: {  	[sflag:s22] =	ssyncadd.s32 s3;
	_ =	sdelay $0x1  }
0xa1: {  	s23 =	simm.s32 $0x1B8B  }
0xa2: {  	_ =	swait.ge [sflag:s23], $0x1  }
0xa3: {  	[sflag:s23] =	ssyncset.done $0x0  }
0xa4: {  	s25 =	simm.s32 $0x1B8E;
	s24 =	sld [smem:$0x3FFE];
	[sflag:s23] =	ssyncadd.s32 $0xFFFFFFFF  }
0xa5: {  	s26 =	simm.s32 $execute0_lowered;
	[smem:$0x3FD2] =	sst s25  }
0xa6: {  	s4 =	sshll.u32 s26, $0x1;
	_ =	strace $0x8000004C;
	[dreg:$0x1] =	wrdreg $0xFFFFFFFF  }
0xa7: {  	s28 =	simm.s32 $_size_execute0_lowered;
	s2 =	sadd.s32 s2, s4;
	[dreg:$0x0] =	wrdreg $0x0  }
0xa8: {  	s4 =	sshll.u32 s28, $0x1;
	[dreg:$0x2] =	wrdreg s2  }
0xa9: {  	[dreg:$0x3] =	wrdreg s4  }
0xaa: {  	[dreg:$0x4] =	wrdreg $0xC0  }
0xab: {  	_ =	task [dreg:s6], $0x5FFFF  }
0xac: {  	[dreg:$0x1] =	wrdreg $0xFFFFFFFF  }
0xad: {  	[dreg:$0x0] =	wrdreg $0x60  }
0xae: {  	[dreg:$0x2] =	wrdreg s24  }
0xaf: {  	[dreg:$0x3] =	wrdreg $0xD0000  }
0xb0: {  	[dreg:$0x4] =	wrdreg $0x9  }
0xb1: {  	_ =	task.clear_ibuf [dreg:s6], $0x5FFFF;
	_ =	strace $0x9000004C  }
0xb2: {  	s29 =	simm.s32 $0x9;
	_ =	strace $0x8000004E  }
0xb3: {  	_ =	swait.ge [sflag:s29], $0x1  }
0xb4: {  	[sflag:s29] =	ssyncadd.s32 $0xFFFFFFFF  }
0xb5: {  	_ =	strace $0x9000004E  }
0xb6: {  	_ =	sfence  }
0xb7: {  	s30 =	sld [smem:$0x0];
	_ =	sdelay $0x2  }
0xb8: {  	s31 =	sshll.u32 s1, $0xD;
	s1 =	sshrl.u32 s1, $0x2  }
0xb9: {  	s3 =	sand.u32 $0x4000, s31;
	s1 =	sadd.s32 s1, s30  }
0xba: {  	s0 =	sor.u32 s3, s0;
	s1 =	sshll.u32 s1, $0x11  }
0xbb: {  	s0 =	sor.u32 s1, s0  }
0xbc: {  	s0 =	sadd.s32 $0x8F2B, s0  }
0xbd: {  	[sflag:s0] =	ssyncadd.remote.s32 $0x1  }
0xbe: {  	_ =	sfence.sel $0xFFFF  }
0xbf: {  	[dreg:$0x0] =	wrdreg $0xFFFFFFFF;
	(pc) =	sbr.abs _section_cstart, $3  }
0xc0: {  	[dreg:$0x1] =	wrdreg $0xFFFFFFFF  }
0xc1: {  	_ =	task.clear_ibuf [dreg:s6], $0x2FFFF;
	_ =	strace $0x9FFFFFFF  }
0xc2: {  	(tm) =	ssettm $0x7FFFFFFF  }
0xc3: {  	_ =	shalt  }
tec
execute0_lowered:
.L_overlay_start_1:
0x0: {  	(tag) =	ssettag $0x1  }
0x1: {  	s0 =	rddreg [dreg:$0x0];
	s1 =	srdreg.scid  }
0x2: {  	s9 =	stileid.u32;
	s2 =	rddreg [dreg:$0x1]  }
0x3: {  	s4 =	simm.s32 $0x0;
	s13 =	simm.s32 $0x9;
	s14 =	simm.s32 $0x5000  }
0x4: {  	s15 =	simm.s32 $0x80;
	s17 =	simm.s32 $0x7000;
	s18 =	simm.s32 $0x1  }
0x5: {  	s20 =	simm.s32 $0x9000;
	s21 =	simm.s32 $0x2;
	s28 =	simm.s32 $0x3  }
0x6: {  	s30 =	simm.s32 $0x5;
	s16 =	simm.s32 $0x8;
	s29 =	simm.s32 $0x4F00  }
0x7: {  	s31 =	simm.s32 $0x4E80;
	s1 =	sand.u32 $0x1, s1;
	s3 =	sshll.u32 s9, $0x1  }
0x8: {  	[smem:$0x7FF] =	sst s4;
	s4 =	sadd.s32 $0x40A00, s0;
	s7 =	smul.u32 $0x28000, s9  }
0x9: {  	s5 =	sadd.s32 $0x54A00, s0;
	s12 =	smul.u32 $0xA000, s9;
	s3 =	sor.u32 s1, s3  }
0xa: {  	_ =	strace $0x8000004D;
	s6 =	smul.u32 $0x14000, s1;
	s1 =	ssub.s32 $0x2, s1  }
0xb: {  	s3 =	smul.u32 $0xA00, s3;
	s8 =	sshrl.u32 s1, $0x1;
	s22 =	sshrl.u32 s7, $0x2  }
0xc: {  	s7 =	sadd.s32 s12, s2;
	s25 =	sshrl.u32 s12, $0x3;
	s1 =	ssub.s32 s1, s8  }
0xd: {  	s23 =	sadd.s32 s22, s2;
	s3 =	sadd.s32 s3, s0;
	s0 =	sadd.s32 s6, s0  }
0xe: {  	s8 =	sadd.s32 $0x2000, s23;
	s9 =	sadd.s32 $0x4000, s23;
	s10 =	sadd.s32 $0x6000, s23  }
0xf: {  	s11 =	sadd.s32 $0x8000, s23;
	s1 =	smax.u32 s1, $0x1;
	s6 =	simm.s32 $0x7  }
0x10: {  	s23 =	simm.s32 $0x4F80;
	s3 =	sadd.s32 $0x4A00, s3;
	s24 =	sadd.s32 $0x90A00, s0  }
0x11: {  	s0 =	sadd.s32 $0x68A00, s0;
	[dreg:$0x4] =	wrdreg s1;
	s1 =	simm.s32 $0x4  }
0x12: {  	[dreg:$0x3] =	wrdreg s3;
	s26 =	sadd.s32 s25, s24;
	s0 =	sadd.s32 s25, s0  }
0x13: {  	s25 =	simm.s32 $0x4D00;
	s3 =	simm.s32 $0x0;
	[dreg:$0x5] =	wrdreg s26  }
0x14: {  	v0 =	vimm.f32 $0.0e+00;
	[dreg:$0x6] =	wrdreg s0;
	s26 =	simm.s32 $0xB000;
	s0 =	simm.s32 $0x6  }
.LBB2_1:
0x15: {  	s12 =	simm.s32 $0x0;
	s19 =	rddreg [dreg:$0x3]  }
0x16: {  	[tilespmem:s12], [sflag:$0x9] =	stream.linear.gather [hbm4b:s19+s12], $0x5000, $0x38;
	[tilespmem:$0x17000] =	vst v63  }
0x17: {  	_ =	swait.ge [sflag:s13], $0x5000  }
0x18: {  	[sflag:s13] =	ssyncset.done $0x0  }
0x19: {  	s19 =	simm.s32 $0x100;
	s12 =	simm.s32 $0x0;
	[sflag:s13] =	ssyncadd.s32 $0xFFFFB000  }
.LBB2_2:
0x1a: {  	p0 =	sne.s32 s19, $0x7F00;
	[tilespmem:s12+$0x5030] =	vst v0;
	s22 =	smov.u32 s19;
	s19 =	sadd.s32 $0x100, s19  }
.Ltmp0:
0x1b: {  	[tilespmem:s12+$0x5020] =	vst v0;
	(pc) =	sbr.rel @p0 .LBB2_2-.Ltmp0, $3  }
0x1c: {  	[tilespmem:s12+$0x5000] =	vst v0  }
0x1d: {  	[tilespmem:s12+$0x5010] =	vst v0;
	_ =	sdelay $0x1  }
0x1e: {  	s12 =	sshra.s32 s22, $0x2  }
0x1f: {  	[tilespmem:s12+$0x5030] =	vst v0  }
0x20: {  	[tilespmem:s12+$0x5020] =	vst v0  }
0x21: {  	[tilespmem:s12+$0x5000] =	vst v0  }
0x22: {  	[tilespmem:s12+$0x5010] =	vst v0  }
0x23: {  	[spmem:s7] =	stream.linear.scatter [tilespmem:s14], [sflag:$0x9], $0x2000, $0x38;
	[tilespmem:$0x17000] =	vst v63  }
0x24: {  	_ =	swait.ge [sflag:s13], $0x2000  }
0x25: {  	[sflag:s13] =	ssyncset.done $0x0  }
0x26: {  	[sflag:s13] =	ssyncadd.s32 $0xFFFFE000  }
0x27: {  	[spmem:s8] =	stream.linear.scatter [tilespmem:s14], [sflag:$0x9], $0x2000, $0x38;
	[tilespmem:$0x17000] =	vst v63  }
0x28: {  	_ =	swait.ge [sflag:s13], $0x2000  }
0x29: {  	[sflag:s13] =	ssyncset.done $0x0  }
0x2a: {  	[sflag:s13] =	ssyncadd.s32 $0xFFFFE000  }
0x2b: {  	[spmem:s9] =	stream.linear.scatter [tilespmem:s14], [sflag:$0x9], $0x2000, $0x38;
	[tilespmem:$0x17000] =	vst v63  }
0x2c: {  	_ =	swait.ge [sflag:s13], $0x2000  }
0x2d: {  	[sflag:s13] =	ssyncset.done $0x0  }
0x2e: {  	[sflag:s13] =	ssyncadd.s32 $0xFFFFE000  }
0x2f: {  	[spmem:s10] =	stream.linear.scatter [tilespmem:s14], [sflag:$0x9], $0x2000, $0x38;
	[tilespmem:$0x17000] =	vst v63  }
0x30: {  	_ =	swait.ge [sflag:s13], $0x2000  }
0x31: {  	[sflag:s13] =	ssyncset.done $0x0  }
0x32: {  	[sflag:s13] =	ssyncadd.s32 $0xFFFFE000  }
0x33: {  	[spmem:s11] =	stream.linear.scatter [tilespmem:s14], [sflag:$0x9], $0x2000, $0x38;
	[tilespmem:$0x17000] =	vst v63  }
0x34: {  	_ =	swait.ge [sflag:s13], $0x2000  }
0x35: {  	[sflag:s13] =	ssyncset.done $0x0  }
0x36: {  	[sflag:s13] =	ssyncadd.s32 $0xFFFFE000  }
0x37: {  	s19 =	simm.s32 $0x0;
	[bflag:$0x0] =	sbarrier.arrive $0xFFFF  }
0x38: {  	[tilespmem:s14], [sflag:$0x1] =	stream.indirect.gather [hbm4b:s4+s15], $0x40, s19, s15, $0xb8;
	[tilespmem:$0x17000] =	vst v63  }
0x39: {  	s22 =	simm.s32 $0x100  }
0x3a: {  	[tilespmem:s17], [sflag:$0x2] =	stream.indirect.gather [hbm4b:s4+s15], $0x40, s22, s15, $0xb8;
	[tilespmem:$0x17000] =	vst v63  }
0x3b: {  	_ =	swait.ge [sflag:s18], $0x2000  }
0x3c: {  	[sflag:s18] =	ssyncset.done $0x0  }
0x3d: {  	[sflag:s18] =	ssyncadd.s32 $0xFFFFE000  }
0x3e: {  	[spmem:s2] =	stream.indirect.scatter.add.f32 [tilespmem:s14], [sflag:$0x5], $0x40, s15, s15, $0xb8;
	[tilespmem:$0x17000] =	vst v63  }
0x3f: {  	s24 =	simm.s32 $0x200  }
0x40: {  	[tilespmem:s20], [sflag:$0x3] =	stream.indirect.gather [hbm4b:s4+s15], $0x40, s24, s15, $0xb8;
	[tilespmem:$0x17000] =	vst v63  }
0x41: {  	_ =	swait.ge [sflag:s21], $0x2000  }
0x42: {  	[sflag:s21] =	ssyncset.done $0x0  }
0x43: {  	s19 =	simm.s32 $0x180;
	[sflag:s21] =	ssyncadd.s32 $0xFFFFE000  }
0x44: {  	[spmem:s2] =	stream.indirect.scatter.add.f32 [tilespmem:s17], [sflag:$0x6], $0x40, s19, s15, $0xb8;
	[tilespmem:$0x17000] =	vst v63  }
0x45: {  	s22 =	simm.s32 $0x300  }
0x46: {  	[tilespmem:s26], [sflag:$0x4] =	stream.indirect.gather [hbm4b:s4+s15], $0x40, s22, s15, $0xb8;
	[tilespmem:$0x17000] =	vst v63  }
0x47: {  	_ =	swait.ge [sflag:s28], $0x2000  }
0x48: {  	[sflag:s28] =	ssyncset.done $0x0  }
0x49: {  	s24 =	simm.s32 $0x280;
	[sflag:s28] =	ssyncadd.s32 $0xFFFFE000  }
0x4a: {  	[spmem:s2] =	stream.indirect.scatter.add.f32 [tilespmem:s20], [sflag:$0x7], $0x40, s24, s15, $0xb8;
	[tilespmem:$0x17000] =	vst v63  }
0x4b: {  	_ =	swait.ge [sflag:s30], $0x2000  }
0x4c: {  	[sflag:s30] =	ssyncset.done $0x0  }
0x4d: {  	s19 =	simm.s32 $0x400;
	[sflag:s30] =	ssyncadd.s32 $0xFFFFE000  }
0x4e: {  	[tilespmem:s14], [sflag:$0x1] =	stream.indirect.gather [hbm4b:s4+s15], $0x40, s19, s15, $0xb8;
	[tilespmem:$0x17000] =	vst v63  }
0x4f: {  	_ =	swait.ge [sflag:s1], $0x2000  }
0x50: {  	[sflag:s1] =	ssyncset.done $0x0  }
0x51: {  	s22 =	simm.s32 $0x380;
	[sflag:s1] =	ssyncadd.s32 $0xFFFFE000  }
0x52: {  	[spmem:s2] =	stream.indirect.scatter.add.f32 [tilespmem:s26], [sflag:$0x8], $0x40, s22, s15, $0xb8;
	[tilespmem:$0x17000] =	vst v63  }
0x53: {  	_ =	swait.ge [sflag:s0], $0x2000  }
0x54: {  	[sflag:s0] =	ssyncset.done $0x0  }
0x55: {  	s24 =	simm.s32 $0x500;
	[sflag:s0] =	ssyncadd.s32 $0xFFFFE000  }
0x56: {  	[tilespmem:s17], [sflag:$0x2] =	stream.indirect.gather [hbm4b:s4+s15], $0x40, s24, s15, $0xb8;
	[tilespmem:$0x17000] =	vst v63  }
0x57: {  	_ =	swait.ge [sflag:s18], $0x2000  }
0x58: {  	[sflag:s18] =	ssyncset.done $0x0  }
0x59: {  	s19 =	simm.s32 $0x480;
	[sflag:s18] =	ssyncadd.s32 $0xFFFFE000  }
0x5a: {  	[spmem:s2] =	stream.indirect.scatter.add.f32 [tilespmem:s14], [sflag:$0x5], $0x40, s19, s15, $0xb8;
	[tilespmem:$0x17000] =	vst v63  }
0x5b: {  	_ =	swait.ge [sflag:s6], $0x2000  }
0x5c: {  	[sflag:s6] =	ssyncset.done $0x0  }
0x5d: {  	s22 =	simm.s32 $0x600;
	[sflag:s6] =	ssyncadd.s32 $0xFFFFE000  }
0x5e: {  	[tilespmem:s20], [sflag:$0x3] =	stream.indirect.gather [hbm4b:s4+s15], $0x40, s22, s15, $0xb8;
	[tilespmem:$0x17000] =	vst v63  }
0x5f: {  	_ =	swait.ge [sflag:s21], $0x2000  }
0x60: {  	[sflag:s21] =	ssyncset.done $0x0  }
0x61: {  	s24 =	simm.s32 $0x580;
	[sflag:s21] =	ssyncadd.s32 $0xFFFFE000  }
0x62: {  	[spmem:s2] =	stream.indirect.scatter.add.f32 [tilespmem:s17], [sflag:$0x6], $0x40, s24, s15, $0xb8;
	[tilespmem:$0x17000] =	vst v63  }
0x63: {  	_ =	swait.ge [sflag:s16], $0x2000  }
0x64: {  	[sflag:s16] =	ssyncset.done $0x0  }
0x65: {  	s19 =	simm.s32 $0x700;
	[sflag:s16] =	ssyncadd.s32 $0xFFFFE000  }
0x66: {  	[tilespmem:s26], [sflag:$0x4] =	stream.indirect.gather [hbm4b:s4+s15], $0x40, s19, s15, $0xb8;
	[tilespmem:$0x17000] =	vst v63  }
0x67: {  	_ =	swait.ge [sflag:s28], $0x2000  }
0x68: {  	[sflag:s28] =	ssyncset.done $0x0  }
0x69: {  	s22 =	simm.s32 $0x680;
	[sflag:s28] =	ssyncadd.s32 $0xFFFFE000  }
0x6a: {  	[spmem:s2] =	stream.indirect.scatter.add.f32 [tilespmem:s20], [sflag:$0x7], $0x40, s22, s15, $0xb8;
	[tilespmem:$0x17000] =	vst v63  }
0x6b: {  	_ =	swait.ge [sflag:s30], $0x2000  }
0x6c: {  	[sflag:s30] =	ssyncset.done $0x0  }
0x6d: {  	s24 =	simm.s32 $0x800;
	[sflag:s30] =	ssyncadd.s32 $0xFFFFE000  }
0x6e: {  	[tilespmem:s14], [sflag:$0x1] =	stream.indirect.gather [hbm4b:s4+s15], $0x40, s24, s15, $0xb8;
	[tilespmem:$0x17000] =	vst v63  }
0x6f: {  	_ =	swait.ge [sflag:s1], $0x2000  }
0x70: {  	[sflag:s1] =	ssyncset.done $0x0  }
0x71: {  	s12 =	simm.s32 $0x780;
	s19 =	simm.s32 $0x1000;
	[sflag:s1] =	ssyncadd.s32 $0xFFFFE000  }
.LBB2_4:
0x72: {  	[spmem:s2] =	stream.indirect.scatter.add.f32 [tilespmem:s26], [sflag:$0x8], $0x40, s12, s15, $0xb8;
	[tilespmem:$0x17000] =	vst v63  }
0x73: {  	s12 =	smov.u32 s19  }
0x74: {  	p0 =	sne.s32 s19, $0x11000;
	s19 =	sadd.s32 $0x1000, s19;
	_ =	swait.ge [sflag:s0], $0x2000  }
0x75: {  	s12 =	sshra.s32 s12, $0x2;
	[sflag:s0] =	ssyncset.done $0x0  }
0x76: {  	s22 =	sadd.s32 $0x500, s12;
	[sflag:s0] =	ssyncadd.s32 $0xFFFFE000  }
0x77: {  	[tilespmem:s17], [sflag:$0x2] =	stream.indirect.gather [hbm4b:s4+s15], $0x40, s22, s15, $0xb8;
	[tilespmem:$0x17000] =	vst v63  }
0x78: {  	_ =	swait.ge [sflag:s18], $0x2000  }
0x79: {  	[sflag:s18] =	ssyncset.done $0x0  }
0x7a: {  	s22 =	sadd.s32 $0x480, s12;
	[sflag:s18] =	ssyncadd.s32 $0xFFFFE000  }
0x7b: {  	[spmem:s2] =	stream.indirect.scatter.add.f32 [tilespmem:s14], [sflag:$0x5], $0x40, s22, s15, $0xb8;
	[tilespmem:$0x17000] =	vst v63  }
0x7c: {  	_ =	swait.ge [sflag:s6], $0x2000  }
0x7d: {  	[sflag:s6] =	ssyncset.done $0x0  }
0x7e: {  	s22 =	sadd.s32 $0x600, s12;
	[sflag:s6] =	ssyncadd.s32 $0xFFFFE000  }
0x7f: {  	[tilespmem:s20], [sflag:$0x3] =	stream.indirect.gather [hbm4b:s4+s15], $0x40, s22, s15, $0xb8;
	[tilespmem:$0x17000] =	vst v63  }
0x80: {  	_ =	swait.ge [sflag:s21], $0x2000  }
0x81: {  	[sflag:s21] =	ssyncset.done $0x0  }
0x82: {  	s22 =	sadd.s32 $0x580, s12;
	[sflag:s21] =	ssyncadd.s32 $0xFFFFE000  }
0x83: {  	[spmem:s2] =	stream.indirect.scatter.add.f32 [tilespmem:s17], [sflag:$0x6], $0x40, s22, s15, $0xb8;
	[tilespmem:$0x17000] =	vst v63  }
0x84: {  	_ =	swait.ge [sflag:s16], $0x2000  }
0x85: {  	[sflag:s16] =	ssyncset.done $0x0  }
0x86: {  	s22 =	sadd.s32 $0x700, s12;
	[sflag:s16] =	ssyncadd.s32 $0xFFFFE000  }
0x87: {  	[tilespmem:s26], [sflag:$0x4] =	stream.indirect.gather [hbm4b:s4+s15], $0x40, s22, s15, $0xb8;
	[tilespmem:$0x17000] =	vst v63  }
0x88: {  	_ =	swait.ge [sflag:s28], $0x2000  }
0x89: {  	[sflag:s28] =	ssyncset.done $0x0  }
0x8a: {  	s22 =	sadd.s32 $0x680, s12;
	[sflag:s28] =	ssyncadd.s32 $0xFFFFE000  }
0x8b: {  	[spmem:s2] =	stream.indirect.scatter.add.f32 [tilespmem:s20], [sflag:$0x7], $0x40, s22, s15, $0xb8;
	[tilespmem:$0x17000] =	vst v63  }
0x8c: {  	_ =	swait.ge [sflag:s30], $0x2000  }
0x8d: {  	[sflag:s30] =	ssyncset.done $0x0  }
.Ltmp1:
0x8e: {  	s22 =	sadd.s32 $0x800, s12;
	[sflag:s30] =	ssyncadd.s32 $0xFFFFE000;
	(pc) =	sbr.rel @p0 .LBB2_4-.Ltmp1, $4  }
0x8f: {  	[tilespmem:s14], [sflag:$0x1] =	stream.indirect.gather [hbm4b:s4+s15], $0x40, s22, s15, $0xb8;
	[tilespmem:$0x17000] =	vst v63  }
0x90: {  	_ =	swait.ge [sflag:s1], $0x2000  }
0x91: {  	[sflag:s1] =	ssyncset.done $0x0  }
0x92: {  	s12 =	sadd.s32 $0x780, s12;
	[sflag:s1] =	ssyncadd.s32 $0xFFFFE000  }
0x93: {  	[spmem:s2] =	stream.indirect.scatter.add.f32 [tilespmem:s26], [sflag:$0x8], $0x40, s12, s15, $0xb8;
	[tilespmem:$0x17000] =	vst v63  }
0x94: {  	_ =	swait.ge [sflag:s0], $0x2000  }
0x95: {  	[sflag:s0] =	ssyncset.done $0x0  }
0x96: {  	[sflag:s0] =	ssyncadd.s32 $0xFFFFE000  }
0x97: {  	[tilespmem:s17], [sflag:$0x2] =	stream.indirect.gather [hbm4b:s4+s15], $0x40, s25, s15, $0xb8;
	[tilespmem:$0x17000] =	vst v63  }
0x98: {  	_ =	swait.ge [sflag:s18], $0x2000  }
0x99: {  	[sflag:s18] =	ssyncset.done $0x0  }
0x9a: {  	s25 =	simm.s32 $0x4C80;
	[sflag:s18] =	ssyncadd.s32 $0xFFFFE000  }
0x9b: {  	[spmem:s2] =	stream.indirect.scatter.add.f32 [tilespmem:s14], [sflag:$0x5], $0x40, s25, s15, $0xb8;
	[tilespmem:$0x17000] =	vst v63  }
0x9c: {  	_ =	swait.ge [sflag:s6], $0x2000  }
0x9d: {  	[sflag:s6] =	ssyncset.done $0x0  }
0x9e: {  	s19 =	simm.s32 $0x4E00;
	[sflag:s6] =	ssyncadd.s32 $0xFFFFE000  }
0x9f: {  	[tilespmem:s20], [sflag:$0x3] =	stream.indirect.gather [hbm4b:s4+s15], $0x40, s19, s15, $0xb8;
	[tilespmem:$0x17000] =	vst v63  }
0xa0: {  	_ =	swait.ge [sflag:s21], $0x2000  }
0xa1: {  	[sflag:s21] =	ssyncset.done $0x0  }
0xa2: {  	s22 =	simm.s32 $0x4D80;
	[sflag:s21] =	ssyncadd.s32 $0xFFFFE000  }
0xa3: {  	[spmem:s2] =	stream.indirect.scatter.add.f32 [tilespmem:s17], [sflag:$0x6], $0x40, s22, s15, $0xb8;
	[tilespmem:$0x17000] =	vst v63  }
0xa4: {  	_ =	swait.ge [sflag:s16], $0x2000  }
0xa5: {  	[sflag:s16] =	ssyncset.done $0x0  }
0xa6: {  	[sflag:s16] =	ssyncadd.s32 $0xFFFFE000  }
0xa7: {  	[tilespmem:s26], [sflag:$0x4] =	stream.indirect.gather [hbm4b:s4+s15], $0x40, s29, s15, $0xb8;
	[tilespmem:$0x17000] =	vst v63  }
0xa8: {  	_ =	swait.ge [sflag:s28], $0x2000  }
0xa9: {  	[sflag:s28] =	ssyncset.done $0x0  }
0xaa: {  	[sflag:s28] =	ssyncadd.s32 $0xFFFFE000  }
0xab: {  	[spmem:s2] =	stream.indirect.scatter.add.f32 [tilespmem:s20], [sflag:$0x7], $0x40, s31, s15, $0xb8;
	[tilespmem:$0x17000] =	vst v63  }
0xac: {  	_ =	swait.ge [sflag:s1], $0x2000  }
0xad: {  	[sflag:s1] =	ssyncset.done $0x0  }
0xae: {  	[sflag:s1] =	ssyncadd.s32 $0xFFFFE000  }
0xaf: {  	[spmem:s2] =	stream.indirect.scatter.add.f32 [tilespmem:s26], [sflag:$0x8], $0x40, s23, s15, $0xb8;
	[tilespmem:$0x17000] =	vst v63  }
0xb0: {  	_ =	swait.ge [sflag:s30], $0x2000  }
0xb1: {  	[sflag:s30] =	ssyncset.done $0x0  }
0xb2: {  	[sflag:s30] =	ssyncadd.s32 $0xFFFFE000  }
0xb3: {  	_ =	swait.ge [sflag:s0], $0x2000  }
0xb4: {  	[sflag:s0] =	ssyncset.done $0x0  }
0xb5: {  	[sflag:s0] =	ssyncadd.s32 $0xFFFFE000  }
0xb6: {  	_ =	swait.ge [sflag:s6], $0x2000  }
0xb7: {  	[sflag:s6] =	ssyncset.done $0x0  }
0xb8: {  	[sflag:s6] =	ssyncadd.s32 $0xFFFFE000  }
0xb9: {  	_ =	swait.ge [sflag:s16], $0x2000  }
0xba: {  	[sflag:s16] =	ssyncset.done $0x0  }
0xbb: {  	s24 =	stileid.u32;
	[sflag:s16] =	ssyncadd.s32 $0xFFFFE000  }
0xbc: {  	s12 =	sshll.u32 s24, $0x6;
	[bflag:$0x0] =	sbarrier.arrive $0xFFFF  }
0xbd: {  	s24 =	sor.u32 $0x1C09, s12;
	s19 =	sshrl.u32 s7, $0x3;
	s25 =	rddreg [dreg:$0x5]  }
0xbe: {  	[hbm:s25], [sflag:s24] =	dma.local [spmem:s19], $0x1400  }
0xbf: {  	_ =	swait.ge [sflag:s13], $0x1400  }
0xc0: {  	[sflag:s13] =	ssyncset.done $0x0  }
0xc1: {  	s12 =	simm.s32 $0x0;
	s22 =	simm.s32 $0x100;
	[sflag:s13] =	ssyncadd.s32 $0xFFFFEC00  }
.LBB2_6:
0xc2: {  	p0 =	sne.s32 s22, $0x7F00;
	[tilespmem:s12+$0x5030] =	vst v0;
	s25 =	smov.u32 s22;
	s22 =	sadd.s32 $0x100, s22  }
.Ltmp2:
0xc3: {  	[tilespmem:s12+$0x5020] =	vst v0;
	(pc) =	sbr.rel @p0 .LBB2_6-.Ltmp2, $3  }
0xc4: {  	[tilespmem:s12+$0x5000] =	vst v0  }
0xc5: {  	[tilespmem:s12+$0x5010] =	vst v0;
	_ =	sdelay $0x1  }
0xc6: {  	s12 =	sshra.s32 s25, $0x2  }
0xc7: {  	[tilespmem:s12+$0x5030] =	vst v0  }
0xc8: {  	[tilespmem:s12+$0x5020] =	vst v0  }
0xc9: {  	[tilespmem:s12+$0x5000] =	vst v0  }
0xca: {  	[tilespmem:s12+$0x5010] =	vst v0  }
0xcb: {  	[spmem:s7] =	stream.linear.scatter [tilespmem:s14], [sflag:$0x9], $0x2000, $0x38;
	[tilespmem:$0x17000] =	vst v63  }
0xcc: {  	_ =	swait.ge [sflag:s13], $0x2000  }
0xcd: {  	[sflag:s13] =	ssyncset.done $0x0  }
0xce: {  	[sflag:s13] =	ssyncadd.s32 $0xFFFFE000  }
0xcf: {  	[spmem:s8] =	stream.linear.scatter [tilespmem:s14], [sflag:$0x9], $0x2000, $0x38;
	[tilespmem:$0x17000] =	vst v63  }
0xd0: {  	_ =	swait.ge [sflag:s13], $0x2000  }
0xd1: {  	[sflag:s13] =	ssyncset.done $0x0  }
0xd2: {  	[sflag:s13] =	ssyncadd.s32 $0xFFFFE000  }
0xd3: {  	[spmem:s9] =	stream.linear.scatter [tilespmem:s14], [sflag:$0x9], $0x2000, $0x38;
	[tilespmem:$0x17000] =	vst v63  }
0xd4: {  	_ =	swait.ge [sflag:s13], $0x2000  }
0xd5: {  	[sflag:s13] =	ssyncset.done $0x0  }
0xd6: {  	[sflag:s13] =	ssyncadd.s32 $0xFFFFE000  }
0xd7: {  	[spmem:s10] =	stream.linear.scatter [tilespmem:s14], [sflag:$0x9], $0x2000, $0x38;
	[tilespmem:$0x17000] =	vst v63  }
0xd8: {  	_ =	swait.ge [sflag:s13], $0x2000  }
0xd9: {  	[sflag:s13] =	ssyncset.done $0x0  }
0xda: {  	[sflag:s13] =	ssyncadd.s32 $0xFFFFE000  }
0xdb: {  	[spmem:s11] =	stream.linear.scatter [tilespmem:s14], [sflag:$0x9], $0x2000, $0x38;
	[tilespmem:$0x17000] =	vst v63  }
0xdc: {  	_ =	swait.ge [sflag:s13], $0x2000  }
0xdd: {  	[sflag:s13] =	ssyncset.done $0x0  }
0xde: {  	[sflag:s13] =	ssyncadd.s32 $0xFFFFE000  }
0xdf: {  	s25 =	simm.s32 $0x0;
	[bflag:$0x0] =	sbarrier.arrive $0xFFFF  }
0xe0: {  	[tilespmem:s14], [sflag:$0x1] =	stream.indirect.gather [hbm4b:s5+s15], $0x40, s25, s15, $0xb8;
	[tilespmem:$0x17000] =	vst v63  }
0xe1: {  	s22 =	simm.s32 $0x100  }
0xe2: {  	[tilespmem:s17], [sflag:$0x2] =	stream.indirect.gather [hbm4b:s5+s15], $0x40, s22, s15, $0xb8;
	[tilespmem:$0x17000] =	vst v63  }
0xe3: {  	_ =	swait.ge [sflag:s18], $0x2000  }
0xe4: {  	[sflag:s18] =	ssyncset.done $0x0  }
0xe5: {  	[sflag:s18] =	ssyncadd.s32 $0xFFFFE000  }
0xe6: {  	[spmem:s2] =	stream.indirect.scatter.add.f32 [tilespmem:s14], [sflag:$0x5], $0x40, s15, s15, $0xb8;
	[tilespmem:$0x17000] =	vst v63  }
0xe7: {  	s25 =	simm.s32 $0x200  }
0xe8: {  	[tilespmem:s20], [sflag:$0x3] =	stream.indirect.gather [hbm4b:s5+s15], $0x40, s25, s15, $0xb8;
	[tilespmem:$0x17000] =	vst v63  }
0xe9: {  	_ =	swait.ge [sflag:s21], $0x2000  }
0xea: {  	[sflag:s21] =	ssyncset.done $0x0  }
0xeb: {  	s22 =	simm.s32 $0x180;
	[sflag:s21] =	ssyncadd.s32 $0xFFFFE000  }
0xec: {  	[spmem:s2] =	stream.indirect.scatter.add.f32 [tilespmem:s17], [sflag:$0x6], $0x40, s22, s15, $0xb8;
	[tilespmem:$0x17000] =	vst v63  }
0xed: {  	s25 =	simm.s32 $0x300  }
0xee: {  	[tilespmem:s26], [sflag:$0x4] =	stream.indirect.gather [hbm4b:s5+s15], $0x40, s25, s15, $0xb8;
	[tilespmem:$0x17000] =	vst v63  }
0xef: {  	_ =	swait.ge [sflag:s28], $0x2000  }
0xf0: {  	[sflag:s28] =	ssyncset.done $0x0  }
0xf1: {  	s22 =	simm.s32 $0x280;
	[sflag:s28] =	ssyncadd.s32 $0xFFFFE000  }
0xf2: {  	[spmem:s2] =	stream.indirect.scatter.add.f32 [tilespmem:s20], [sflag:$0x7], $0x40, s22, s15, $0xb8;
	[tilespmem:$0x17000] =	vst v63  }
0xf3: {  	_ =	swait.ge [sflag:s30], $0x2000  }
0xf4: {  	[sflag:s30] =	ssyncset.done $0x0  }
0xf5: {  	s25 =	simm.s32 $0x400;
	[sflag:s30] =	ssyncadd.s32 $0xFFFFE000  }
0xf6: {  	[tilespmem:s14], [sflag:$0x1] =	stream.indirect.gather [hbm4b:s5+s15], $0x40, s25, s15, $0xb8;
	[tilespmem:$0x17000] =	vst v63  }
0xf7: {  	_ =	swait.ge [sflag:s1], $0x2000  }
0xf8: {  	[sflag:s1] =	ssyncset.done $0x0  }
0xf9: {  	s22 =	simm.s32 $0x380;
	[sflag:s1] =	ssyncadd.s32 $0xFFFFE000  }
0xfa: {  	[spmem:s2] =	stream.indirect.scatter.add.f32 [tilespmem:s26], [sflag:$0x8], $0x40, s22, s15, $0xb8;
	[tilespmem:$0x17000] =	vst v63  }
0xfb: {  	_ =	swait.ge [sflag:s0], $0x2000  }
0xfc: {  	[sflag:s0] =	ssyncset.done $0x0  }
0xfd: {  	s25 =	simm.s32 $0x500;
	[sflag:s0] =	ssyncadd.s32 $0xFFFFE000  }
0xfe: {  	[tilespmem:s17], [sflag:$0x2] =	stream.indirect.gather [hbm4b:s5+s15], $0x40, s25, s15, $0xb8;
	[tilespmem:$0x17000] =	vst v63  }
0xff: {  	_ =	swait.ge [sflag:s18], $0x2000  }
0x100: {  	[sflag:s18] =	ssyncset.done $0x0  }
0x101: {  	s22 =	simm.s32 $0x480;
	[sflag:s18] =	ssyncadd.s32 $0xFFFFE000  }
0x102: {  	[spmem:s2] =	stream.indirect.scatter.add.f32 [tilespmem:s14], [sflag:$0x5], $0x40, s22, s15, $0xb8;
	[tilespmem:$0x17000] =	vst v63  }
0x103: {  	_ =	swait.ge [sflag:s6], $0x2000  }
0x104: {  	[sflag:s6] =	ssyncset.done $0x0  }
0x105: {  	s25 =	simm.s32 $0x600;
	[sflag:s6] =	ssyncadd.s32 $0xFFFFE000  }
0x106: {  	[tilespmem:s20], [sflag:$0x3] =	stream.indirect.gather [hbm4b:s5+s15], $0x40, s25, s15, $0xb8;
	[tilespmem:$0x17000] =	vst v63  }
0x107: {  	_ =	swait.ge [sflag:s21], $0x2000  }
0x108: {  	[sflag:s21] =	ssyncset.done $0x0  }
0x109: {  	s22 =	simm.s32 $0x580;
	[sflag:s21] =	ssyncadd.s32 $0xFFFFE000  }
0x10a: {  	[spmem:s2] =	stream.indirect.scatter.add.f32 [tilespmem:s17], [sflag:$0x6], $0x40, s22, s15, $0xb8;
	[tilespmem:$0x17000] =	vst v63  }
0x10b: {  	_ =	swait.ge [sflag:s16], $0x2000  }
0x10c: {  	[sflag:s16] =	ssyncset.done $0x0  }
0x10d: {  	s25 =	simm.s32 $0x700;
	[sflag:s16] =	ssyncadd.s32 $0xFFFFE000  }
0x10e: {  	[tilespmem:s26], [sflag:$0x4] =	stream.indirect.gather [hbm4b:s5+s15], $0x40, s25, s15, $0xb8;
	[tilespmem:$0x17000] =	vst v63  }
0x10f: {  	_ =	swait.ge [sflag:s28], $0x2000  }
0x110: {  	[sflag:s28] =	ssyncset.done $0x0  }
0x111: {  	s22 =	simm.s32 $0x680;
	[sflag:s28] =	ssyncadd.s32 $0xFFFFE000  }
0x112: {  	[spmem:s2] =	stream.indirect.scatter.add.f32 [tilespmem:s20], [sflag:$0x7], $0x40, s22, s15, $0xb8;
	[tilespmem:$0x17000] =	vst v63  }
0x113: {  	_ =	swait.ge [sflag:s30], $0x2000  }
0x114: {  	[sflag:s30] =	ssyncset.done $0x0  }
0x115: {  	s25 =	simm.s32 $0x800;
	[sflag:s30] =	ssyncadd.s32 $0xFFFFE000  }
0x116: {  	[tilespmem:s14], [sflag:$0x1] =	stream.indirect.gather [hbm4b:s5+s15], $0x40, s25, s15, $0xb8;
	[tilespmem:$0x17000] =	vst v63  }
0x117: {  	_ =	swait.ge [sflag:s1], $0x2000  }
0x118: {  	[sflag:s1] =	ssyncset.done $0x0  }
0x119: {  	s12 =	simm.s32 $0x1000;
	s22 =	simm.s32 $0x780;
	[sflag:s1] =	ssyncadd.s32 $0xFFFFE000  }
.LBB2_8:
0x11a: {  	[spmem:s2] =	stream.indirect.scatter.add.f32 [tilespmem:s26], [sflag:$0x8], $0x40, s22, s15, $0xb8;
	[tilespmem:$0x17000] =	vst v63  }
0x11b: {  	s22 =	smov.u32 s12  }
0x11c: {  	p0 =	sne.s32 s12, $0x11000;
	s12 =	sadd.s32 $0x1000, s12;
	_ =	swait.ge [sflag:s0], $0x2000  }
0x11d: {  	s22 =	sshra.s32 s22, $0x2;
	[sflag:s0] =	ssyncset.done $0x0  }
0x11e: {  	s25 =	sadd.s32 $0x500, s22;
	[sflag:s0] =	ssyncadd.s32 $0xFFFFE000  }
0x11f: {  	[tilespmem:s17], [sflag:$0x2] =	stream.indirect.gather [hbm4b:s5+s15], $0x40, s25, s15, $0xb8;
	[tilespmem:$0x17000] =	vst v63  }
0x120: {  	_ =	swait.ge [sflag:s18], $0x2000  }
0x121: {  	[sflag:s18] =	ssyncset.done $0x0  }
0x122: {  	s25 =	sadd.s32 $0x480, s22;
	[sflag:s18] =	ssyncadd.s32 $0xFFFFE000  }
0x123: {  	[spmem:s2] =	stream.indirect.scatter.add.f32 [tilespmem:s14], [sflag:$0x5], $0x40, s25, s15, $0xb8;
	[tilespmem:$0x17000] =	vst v63  }
0x124: {  	_ =	swait.ge [sflag:s6], $0x2000  }
0x125: {  	[sflag:s6] =	ssyncset.done $0x0  }
0x126: {  	s25 =	sadd.s32 $0x600, s22;
	[sflag:s6] =	ssyncadd.s32 $0xFFFFE000  }
0x127: {  	[tilespmem:s20], [sflag:$0x3] =	stream.indirect.gather [hbm4b:s5+s15], $0x40, s25, s15, $0xb8;
	[tilespmem:$0x17000] =	vst v63  }
0x128: {  	_ =	swait.ge [sflag:s21], $0x2000  }
0x129: {  	[sflag:s21] =	ssyncset.done $0x0  }
0x12a: {  	s25 =	sadd.s32 $0x580, s22;
	[sflag:s21] =	ssyncadd.s32 $0xFFFFE000  }
0x12b: {  	[spmem:s2] =	stream.indirect.scatter.add.f32 [tilespmem:s17], [sflag:$0x6], $0x40, s25, s15, $0xb8;
	[tilespmem:$0x17000] =	vst v63  }
0x12c: {  	_ =	swait.ge [sflag:s16], $0x2000  }
0x12d: {  	[sflag:s16] =	ssyncset.done $0x0  }
0x12e: {  	s25 =	sadd.s32 $0x700, s22;
	[sflag:s16] =	ssyncadd.s32 $0xFFFFE000  }
0x12f: {  	[tilespmem:s26], [sflag:$0x4] =	stream.indirect.gather [hbm4b:s5+s15], $0x40, s25, s15, $0xb8;
	[tilespmem:$0x17000] =	vst v63  }
0x130: {  	_ =	swait.ge [sflag:s28], $0x2000  }
0x131: {  	[sflag:s28] =	ssyncset.done $0x0  }
0x132: {  	s25 =	sadd.s32 $0x680, s22;
	[sflag:s28] =	ssyncadd.s32 $0xFFFFE000  }
0x133: {  	[spmem:s2] =	stream.indirect.scatter.add.f32 [tilespmem:s20], [sflag:$0x7], $0x40, s25, s15, $0xb8;
	[tilespmem:$0x17000] =	vst v63  }
0x134: {  	_ =	swait.ge [sflag:s30], $0x2000  }
0x135: {  	[sflag:s30] =	ssyncset.done $0x0  }
.Ltmp3:
0x136: {  	s25 =	sadd.s32 $0x800, s22;
	[sflag:s30] =	ssyncadd.s32 $0xFFFFE000;
	(pc) =	sbr.rel @p0 .LBB2_8-.Ltmp3, $4  }
0x137: {  	[tilespmem:s14], [sflag:$0x1] =	stream.indirect.gather [hbm4b:s5+s15], $0x40, s25, s15, $0xb8;
	[tilespmem:$0x17000] =	vst v63  }
0x138: {  	_ =	swait.ge [sflag:s1], $0x2000  }
0x139: {  	[sflag:s1] =	ssyncset.done $0x0  }
0x13a: {  	s22 =	sadd.s32 $0x780, s22;
	[sflag:s1] =	ssyncadd.s32 $0xFFFFE000  }
0x13b: {  	[spmem:s2] =	stream.indirect.scatter.add.f32 [tilespmem:s26], [sflag:$0x8], $0x40, s22, s15, $0xb8;
	[tilespmem:$0x17000] =	vst v63  }
0x13c: {  	_ =	swait.ge [sflag:s0], $0x2000  }
0x13d: {  	[sflag:s0] =	ssyncset.done $0x0  }
0x13e: {  	s25 =	simm.s32 $0x4D00;
	[sflag:s0] =	ssyncadd.s32 $0xFFFFE000  }
0x13f: {  	[tilespmem:s17], [sflag:$0x2] =	stream.indirect.gather [hbm4b:s5+s15], $0x40, s25, s15, $0xb8;
	[tilespmem:$0x17000] =	vst v63  }
0x140: {  	_ =	swait.ge [sflag:s18], $0x2000  }
0x141: {  	[sflag:s18] =	ssyncset.done $0x0  }
0x142: {  	s12 =	simm.s32 $0x4C80;
	[sflag:s18] =	ssyncadd.s32 $0xFFFFE000  }
0x143: {  	[spmem:s2] =	stream.indirect.scatter.add.f32 [tilespmem:s14], [sflag:$0x5], $0x40, s12, s15, $0xb8;
	[tilespmem:$0x17000] =	vst v63  }
0x144: {  	_ =	swait.ge [sflag:s6], $0x2000  }
0x145: {  	[sflag:s6] =	ssyncset.done $0x0  }
0x146: {  	s22 =	simm.s32 $0x4E00;
	[sflag:s6] =	ssyncadd.s32 $0xFFFFE000  }
0x147: {  	[tilespmem:s20], [sflag:$0x3] =	stream.indirect.gather [hbm4b:s5+s15], $0x40, s22, s15, $0xb8;
	[tilespmem:$0x17000] =	vst v63  }
0x148: {  	_ =	swait.ge [sflag:s21], $0x2000  }
0x149: {  	[sflag:s21] =	ssyncset.done $0x0  }
0x14a: {  	s22 =	simm.s32 $0x4D80;
	[sflag:s21] =	ssyncadd.s32 $0xFFFFE000  }
0x14b: {  	[spmem:s2] =	stream.indirect.scatter.add.f32 [tilespmem:s17], [sflag:$0x6], $0x40, s22, s15, $0xb8;
	[tilespmem:$0x17000] =	vst v63  }
0x14c: {  	_ =	swait.ge [sflag:s16], $0x2000  }
0x14d: {  	[sflag:s16] =	ssyncset.done $0x0  }
0x14e: {  	[sflag:s16] =	ssyncadd.s32 $0xFFFFE000  }
0x14f: {  	[tilespmem:s26], [sflag:$0x4] =	stream.indirect.gather [hbm4b:s5+s15], $0x40, s29, s15, $0xb8;
	[tilespmem:$0x17000] =	vst v63  }
0x150: {  	_ =	swait.ge [sflag:s28], $0x2000  }
0x151: {  	[sflag:s28] =	ssyncset.done $0x0  }
0x152: {  	[sflag:s28] =	ssyncadd.s32 $0xFFFFE000  }
0x153: {  	[spmem:s2] =	stream.indirect.scatter.add.f32 [tilespmem:s20], [sflag:$0x7], $0x40, s31, s15, $0xb8;
	[tilespmem:$0x17000] =	vst v63  }
0x154: {  	_ =	swait.ge [sflag:s1], $0x2000  }
0x155: {  	[sflag:s1] =	ssyncset.done $0x0  }
0x156: {  	[sflag:s1] =	ssyncadd.s32 $0xFFFFE000  }
0x157: {  	[spmem:s2] =	stream.indirect.scatter.add.f32 [tilespmem:s26], [sflag:$0x8], $0x40, s23, s15, $0xb8;
	[tilespmem:$0x17000] =	vst v63  }
0x158: {  	_ =	swait.ge [sflag:s30], $0x2000  }
0x159: {  	[sflag:s30] =	ssyncset.done $0x0  }
0x15a: {  	[sflag:s30] =	ssyncadd.s32 $0xFFFFE000  }
0x15b: {  	_ =	swait.ge [sflag:s0], $0x2000  }
0x15c: {  	[sflag:s0] =	ssyncset.done $0x0  }
0x15d: {  	[sflag:s0] =	ssyncadd.s32 $0xFFFFE000  }
0x15e: {  	_ =	swait.ge [sflag:s6], $0x2000  }
0x15f: {  	[sflag:s6] =	ssyncset.done $0x0  }
0x160: {  	[sflag:s6] =	ssyncadd.s32 $0xFFFFE000  }
0x161: {  	_ =	swait.ge [sflag:s16], $0x2000  }
0x162: {  	[sflag:s16] =	ssyncset.done $0x0  }
0x163: {  	[sflag:s16] =	ssyncadd.s32 $0xFFFFE000  }
0x164: {  	[bflag:$0x0] =	sbarrier.arrive $0xFFFF  }
0x165: {  	s22 =	rddreg [dreg:$0x6]  }
0x166: {  	[hbm:s22], [sflag:s24] =	dma.local [spmem:s19], $0x1400  }
0x167: {  	_ =	swait.ge [sflag:s13], $0x1400  }
0x168: {  	s3 =	sadd.s32 $0x1, s3;
	s24 =	rddreg [dreg:$0x4]  }
0x169: {  	p0 =	sne.s32 s3, s24  }
.Ltmp4:
0x16a: {  	_ = 	snop;
	(pc) =	sbr.rel @p0 .LBB2_1-.Ltmp4, $3  }
0x16b: {  	_ =	sdelay $0x1  }
0x16c: {  	[sflag:s13] =	ssyncset.done $0x0  }
0x16d: {  	[sflag:s13] =	ssyncadd.s32 $0xFFFFEC00  }
0x16e: {  	_ =	sfence.sel $0x180000  }
0x16f: {  	[bflag:$0x0] =	sbarrier.arrive $0xFFFF  }
0x170: {  	_ =	strace $0x9000004D  }
0x171: {  	s0 =	stileid.u32;
	[bflag:$0x2] =	sbarrier.arrive $0xFFFF  }
0x172: {  	p0 =	sne.s32 s0, $0x0;
	s0 =	rddreg [dreg:$0x2]  }
0x173: {  	s0 =	sadd.s32 @!p0 $0x100000, s0  }
0x174: {  	[sflag:s0] =	ssyncadd.tile.s32 @!p0 $0x1;
	_ =	shalt  }
.Lfunc_end2:
_tile_overlayer_lowered:
.L_overlay_start_2:
0x175: {  	(tag) =	ssettag $0x2  }
0x176: {  	s0 =	rddreg [dreg:$0x0];
	s2 =	stileid.u32  }
0x177: {  	s1 =	rddreg [dreg:$0x1];
	p0 =	sne.s32 s2, $0x0  }
0x178: {  	s3 =	rddreg [dreg:$0x2];
	[bflag:$0x3] =	sbarrier.arrive $0xFFFF;
	s2 =	simm.s32 @!p0 $0x1C09  }
0x179: {  	[timem:s3], [sflag:s2] =	dma.local @!p0 [hbm:s0], s1  }
0x17a: {  	s0 =	simm.s32 @!p0 $0x9  }
0x17b: {  	_ =	swait.ge @!p0 [sflag:s0], s1  }
0x17c: {  	s1 =	ssub.s32 @!p0 $0x0, s1;
	[sflag:s0] =	ssyncset.done @!p0 $0x0  }
0x17d: {  	[sflag:s0] =	ssyncadd.s32 @!p0 s1  }
0x17e: {  	[bflag:$0x3] =	sbarrier.arrive $0xFFFF  }
0x17f: {  	_ =	shalt  }

// kernel: kernel.19.cloned.1.call-start
scs
__scs_entry_jumppad:
0x0: {  	(pc) =	sbr.rel $0x88, $3  }
0x1: {  	(tag) =	ssettag $0x0;
	lr =	simm.s32 $0x1  }
0x2: {  	[smem:$0x3F96] =	sst lr;
	_ =	strace $0xD0000000  }
0x3: {  	_ = 	snop  }
0x4: {  	_ = 	snop  }
0x5: {  	_ = 	snop  }
0x6: {  	_ = 	snop  }
0x7: {  	_ = 	snop  }
__scs_overlays_trampoline_lowered:
0x8: {  	[smem:$0x3FA5] =	sst s0  }
0x9: {  	[smem:$0x3FA6] =	sst s1  }
0xa: {  	[smem:$0x3FA7] =	sst s2  }
0xb: {  	[smem:$0x3FA8] =	sst s3  }
0xc: {  	[smem:$0x3FA9] =	sst s4  }
0xd: {  	[smem:$0x3FAA] =	sst s5  }
0xe: {  	[smem:$0x3FAB] =	sst s6  }
0xf: {  	[smem:$0x3FAC] =	sst s7  }
0x10: {  	[smem:$0x3FAD] =	sst s8  }
0x11: {  	[smem:$0x3FAE] =	sst s9;
	s0 =	simm.s32 @!p0 $0x0  }
0x12: {  	s1 =	sld [smem:$0x3F94];
	s0 =	simm.s32 @p0 $0x1  }
0x13: {  	[smem:$0x3FAF] =	sst s0;
	s0 =	simm.s32 @!p1 $0x0  }
0x14: {  	s2 =	sld [smem:$0x3F93];
	s0 =	simm.s32 @p1 $0x1  }
0x15: {  	[smem:$0x3FB0] =	sst s0;
	s0 =	simm.s32 @!p2 $0x0  }
0x16: {  	s3 =	sld [smem:$0x3FDB];
	s0 =	simm.s32 @p2 $0x1  }
0x17: {  	s4 =	simm.s32 $0x1BF5;
	[smem:$0x3FB2] =	sst s0  }
0x18: {  	s0 =	sld [smem:$0x3F95];
	_ =	swait.ge [sflag:s4], $0x0  }
0x19: {  	s7 =	sld [smem:$0x3F96]  }
0x1a: {  	s8 =	sadd.s32 $0xFFFFE003, lr  }
0x1b: {  	s9 =	sadd.s32 $0xFFFFFEF7, lr;
	s5 =	simm.s32 $0xFFFFFFFF;
	p2 =	slt.u32 s8, $0xFFFFF086  }
0x1c: {  	p1 =	slt.u32 s9, $0xF7A;
	s5 =	simm.s32 @!p2 $0x0  }
0x1d: {  	s5 =	simm.s32 @p1 $0x1;
	p0 =	seq.s32 s7, s2  }
0x1e: {  	s7 =	smul.u32 @!p0 $0xF7A, s2;
	p2 =	seq.s32 @!p0 s5, $0x0  }
0x1f: {  	s9 =	smul.u32 $0xF7A, s1;
	s8 =	simm.s32 @!p0 $0x1BF5;
	p2 =	por !p2, p0  }
0x20: {  	[sflag:s8] =	ssyncset.s32 @!p0 $0xFFFFF086;
	s6 =	sadd.s32 @!p0 s3, s7;
	s7 =	simm.s32 @!p0 $0x108  }
0x21: {  	s3 =	sadd.s32 s3, s9;
	s6 =	sadd.s32 @!p0 $0x88, s6;
	s7 =	simm.s32 @p2 $0x1082  }
0x22: {  	[simem:s7], [sflag:s8] =	dma.local @!p0 [hbm:s6], $0xF7A  }
0x23: {  	s9 =	sor.u32 $0xD0000000, s2;
	s6 =	simm.s32 $0x108;
	_ =	swait.ge @!p0 [sflag:s8], $0x0  }
0x24: {  	s3 =	sadd.s32 $0x88, s3;
	s6 =	simm.s32 @!p1 $0x1082;
	[sflag:s4] =	ssyncset.s32 $0xFFFFF086  }
0x25: {  	[simem:s6], [sflag:s4] =	dma.local [hbm:s3], $0xF7A  }
0x26: {  	[smem:$0x3F96] =	sst s1;
	(tag) =	ssettag s2;
	_ =	strace s9  }
0x27: {  	s1 =	sld [smem:$0x3FA6]  }
0x28: {  	s2 =	sld [smem:$0x3FA7]  }
0x29: {  	s4 =	sld [smem:$0x3FA9]  }
0x2a: {  	p0 =	seq.s32 s5, $0x0;
	s5 =	sld [smem:$0x3FAA]  }
0x2b: {  	s6 =	sld [smem:$0x3FAB]  }
0x2c: {  	s7 =	sld [smem:$0x3FAC]  }
0x2d: {  	s3 =	simm.s32 $0x108;
	s8 =	sld [smem:$0x3FAD]  }
0x2e: {  	s3 =	simm.s32 @!p0 $0x1082;
	s9 =	sld [smem:$0x3FAE]  }
0x2f: {  	lr =	sadd.s32 s0, s3;
	s0 =	sld [smem:$0x3FA5]  }
0x30: {  	s3 =	sld [smem:$0x3FA8]  }
0x31: {  	[smem:$0x3FB1] =	sst s10  }
0x32: {  	s10 =	sld [smem:$0x3FAF];
	_ =	sdelay $0x3  }
0x33: {  	p0 =	seq.s32 s10, $0x1;
	s10 =	sld [smem:$0x3FB1];
	_ =	sdelay $0x3  }
0x34: {  	[smem:$0x3FB1] =	sst s10  }
0x35: {  	s10 =	sld [smem:$0x3FB0];
	_ =	sdelay $0x3  }
0x36: {  	p1 =	seq.s32 s10, $0x1;
	s10 =	sld [smem:$0x3FB1];
	_ =	sdelay $0x3  }
0x37: {  	[smem:$0x3FB1] =	sst s10  }
0x38: {  	s10 =	sld [smem:$0x3FB2]  }
0x39: {  	_ = 	snop;
	(pc) =	sbr.ind lr, $3  }
0x3a: {  	_ = 	snop  }
0x3b: {  	_ = 	snop  }
0x3c: {  	p2 =	seq.s32 s10, $0x1;
	s10 =	sld [smem:$0x3FB1]  }
0x3d: {  	_ =	shalt  }
0x3e: {  	_ =	shalt  }
0x3f: {  	_ =	shalt  }
0x40: {  	_ =	shalt  }
0x41: {  	_ =	shalt  }
0x42: {  	_ =	shalt  }
0x43: {  	_ =	shalt  }
0x44: {  	_ =	shalt  }
0x45: {  	_ =	shalt  }
0x46: {  	_ =	shalt  }
0x47: {  	_ =	shalt  }
0x48: {  	_ =	shalt  }
0x49: {  	_ =	shalt  }
0x4a: {  	_ =	shalt  }
0x4b: {  	_ =	shalt  }
0x4c: {  	_ =	shalt  }
0x4d: {  	_ =	shalt  }
0x4e: {  	_ =	shalt  }
0x4f: {  	_ =	shalt  }
0x50: {  	_ =	shalt  }
0x51: {  	_ =	shalt  }
0x52: {  	_ =	shalt  }
0x53: {  	_ =	shalt  }
0x54: {  	_ =	shalt  }
0x55: {  	_ =	shalt  }
0x56: {  	_ =	shalt  }
0x57: {  	_ =	shalt  }
0x58: {  	_ =	shalt  }
0x59: {  	_ =	shalt  }
0x5a: {  	_ =	shalt  }
0x5b: {  	_ =	shalt  }
0x5c: {  	_ =	shalt  }
0x5d: {  	_ =	shalt  }
0x5e: {  	_ =	shalt  }
0x5f: {  	_ =	shalt  }
0x60: {  	_ =	shalt  }
0x61: {  	_ =	shalt  }
0x62: {  	_ =	shalt  }
0x63: {  	_ =	shalt  }
0x64: {  	_ =	shalt  }
0x65: {  	_ =	shalt  }
0x66: {  	_ =	shalt  }
0x67: {  	_ =	shalt  }
0x68: {  	_ =	shalt  }
0x69: {  	_ =	shalt  }
0x6a: {  	_ =	shalt  }
0x6b: {  	_ =	shalt  }
0x6c: {  	_ =	shalt  }
0x6d: {  	_ =	shalt  }
0x6e: {  	_ =	shalt  }
0x6f: {  	_ =	shalt  }
0x70: {  	_ =	shalt  }
0x71: {  	_ =	shalt  }
0x72: {  	_ =	shalt  }
0x73: {  	_ =	shalt  }
0x74: {  	_ =	shalt  }
0x75: {  	_ =	shalt  }
0x76: {  	_ =	shalt  }
0x77: {  	_ =	shalt  }
0x78: {  	_ =	shalt  }
0x79: {  	_ =	shalt  }
0x7a: {  	_ =	shalt  }
0x7b: {  	_ =	shalt  }
0x7c: {  	_ =	shalt  }
0x7d: {  	_ =	shalt  }
0x7e: {  	_ =	shalt  }
0x7f: {  	_ =	shalt  }
0x80: {  	_ =	shalt  }
0x81: {  	_ =	shalt  }
0x82: {  	_ =	shalt  }
0x83: {  	_ =	shalt  }
0x84: {  	_ =	shalt  }
0x85: {  	_ =	shalt  }
0x86: {  	_ =	shalt  }
0x87: {  	_ =	shalt  }
.Lfunc_end0:
.L_simem_size_0:
called_computation.3_lowered:
.L_overlay_start_0:
0x88: {  	s2 =	sld [smem:$0x3FD9]  }
0x89: {  	s3 =	sld [smem:$0x3FFE];
	_ =	sdelay $0x1  }
0x8a: {  	s1 =	srdreg.scid  }
0x8b: {  	s0 =	sand.u32 $0x1, s1  }
0x8c: {  	s16 =	sshll.u32 s0, $0xA;
	s2 =	sadd.s32 s3, s2  }
0x8d: {  	s2 =	sadd.s32 s2, s16  }
0x8e: {  	[smem:$0x3FBD] =	sst s2  }
0x8f: {  	_ = 	snop  }
0x90: {  	(tm) =	ssettm $0x1  }
0x91: {  	s17 =	sld [smem:$0x3FFB];
	_ =	sdelay $0x3  }
0x92: {  	_ =	strace s17  }
0x93: {  	s2 =	sld [smem:$0x3FFC];
	_ =	sdelay $0x3  }
0x94: {  	_ =	strace s2  }
0x95: {  	s2 =	sld [smem:$0x3FFD];
	_ =	sdelay $0x3  }
0x96: {  	_ =	strace s2  }
0x97: {  	_ =	strace $0x8FFFFFFF  }
0x98: {  	s18 =	sld [smem:$0x3FDB];
	_ =	sdelay $0x1  }
0x99: {  	s19 =	simm.s32 $_scs_section_size  }
0x9a: {  	s4 =	simm.s32 $_size__tile_overlayer_lowered;
	s5 =	simm.s32 $_tile_overlayer_lowered  }
0x9b: {  	s22 =	simm.s32 $0x1BFF;
	s21 =	sshll.u32 s5, $0x1;
	s2 =	sadd.s32 s19, s18  }
0x9c: {  	s6 =	simm.s32 $0x0;
	s20 =	sshll.u32 s4, $0x1;
	s4 =	sadd.s32 s21, s2  }
0x9d: {  	[timem:s6], [sflag:s22] =	dma.local [hbm:s4], s20  }
0x9e: {  	_ =	swait.ge [sflag:s22], s20  }
0x9f: {  	s3 =	ssub.s32 $0x0, s20;
	[sflag:s22] =	ssyncset.done $0x0  }
0xa0: {  	[sflag:s22] =	ssyncadd.s32 s3;
	_ =	sdelay $0x1  }
0xa1: {  	s23 =	simm.s32 $0x1B8B  }
0xa2: {  	_ =	swait.ge [sflag:s23], $0x1  }
0xa3: {  	[sflag:s23] =	ssyncset.done $0x0  }
0xa4: {  	s25 =	simm.s32 $0x1B8E;
	s24 =	sld [smem:$0x3FFE];
	[sflag:s23] =	ssyncadd.s32 $0xFFFFFFFF  }
0xa5: {  	s26 =	simm.s32 $execute0_lowered;
	[smem:$0x3FD2] =	sst s25  }
0xa6: {  	s4 =	sshll.u32 s26, $0x1;
	_ =	strace $0x8000004F;
	[dreg:$0x1] =	wrdreg $0xFFFFFFFF  }
0xa7: {  	s28 =	simm.s32 $_size_execute0_lowered;
	s2 =	sadd.s32 s2, s4;
	[dreg:$0x0] =	wrdreg $0x0  }
0xa8: {  	s4 =	sshll.u32 s28, $0x1;
	[dreg:$0x2] =	wrdreg s2  }
0xa9: {  	[dreg:$0x3] =	wrdreg s4  }
0xaa: {  	[dreg:$0x4] =	wrdreg $0xC0  }
0xab: {  	_ =	task [dreg:s6], $0x5FFFF  }
0xac: {  	[dreg:$0x1] =	wrdreg $0xFFFFFFFF  }
0xad: {  	[dreg:$0x0] =	wrdreg $0x60  }
0xae: {  	[dreg:$0x2] =	wrdreg s24  }
0xaf: {  	[dreg:$0x3] =	wrdreg $0x9  }
0xb0: {  	_ =	task.clear_ibuf [dreg:s6], $0x4FFFF;
	_ =	strace $0x9000004F  }
0xb1: {  	s29 =	simm.s32 $0x9;
	_ =	strace $0x80000051  }
0xb2: {  	_ =	swait.ge [sflag:s29], $0x1  }
0xb3: {  	[sflag:s29] =	ssyncadd.s32 $0xFFFFFFFF  }
0xb4: {  	_ =	strace $0x90000051  }
0xb5: {  	_ =	sfence  }
0xb6: {  	s30 =	sld [smem:$0x0];
	_ =	sdelay $0x2  }
0xb7: {  	s31 =	sshll.u32 s1, $0xD;
	s1 =	sshrl.u32 s1, $0x2  }
0xb8: {  	s3 =	sand.u32 $0x4000, s31;
	s1 =	sadd.s32 s1, s30  }
0xb9: {  	s0 =	sor.u32 s3, s0;
	s1 =	sshll.u32 s1, $0x11  }
0xba: {  	s0 =	sor.u32 s1, s0  }
0xbb: {  	s0 =	sadd.s32 $0x8F2B, s0  }
0xbc: {  	[sflag:s0] =	ssyncadd.remote.s32 $0x1  }
0xbd: {  	_ =	sfence.sel $0xFFFF  }
0xbe: {  	[dreg:$0x0] =	wrdreg $0xFFFFFFFF;
	(pc) =	sbr.abs _section_cstart, $3  }
0xbf: {  	[dreg:$0x1] =	wrdreg $0xFFFFFFFF  }
0xc0: {  	_ =	task.clear_ibuf [dreg:s6], $0x2FFFF;
	_ =	strace $0x9FFFFFFF  }
0xc1: {  	(tm) =	ssettm $0x7FFFFFFF  }
tec
execute0_lowered:
.L_overlay_start_1:
0x0: {  	(tag) =	ssettag $0x1  }
0x1: {  	s0 =	srdreg.scid  }
0x2: {  	s18 =	stileid.u32;
	s1 =	rddreg [dreg:$0x0];
	s2 =	simm.s32 $0x0  }
0x3: {  	s20 =	simm.s32 $0x80;
	s21 =	simm.s32 $0x3200;
	s22 =	simm.s32 $0x7200  }
0x4: {  	s28 =	simm.s32 $0x1;
	s29 =	simm.s32 $0x3;
	s30 =	simm.s32 $0x0  }
0x5: {  	s0 =	sand.u32 $0x1, s0;
	s3 =	sshll.u32 s18, $0x1;
	s11 =	smul.u32 $0x64, s18  }
0x6: {  	[smem:$0x7FF] =	sst s2;
	s4 =	sadd.s32 $0x18A00, s1;
	s18 =	smul.u32 $0x19000, s18  }
0x7: {  	s16 =	sadd.s32 $0x255200, s1;
	s5 =	sor.u32 s0, s3;
	s12 =	smul.u32 $0x32, s0  }
0x8: {  	_ =	strace $0x80000050;
	s7 =	ssub.s32 $0x2, s0;
	s6 =	smul.u32 $0x640, s5  }
0x9: {  	s3 =	sadd.s32 $0x4A00, s1;
	s8 =	sshrl.u32 s7, $0x1;
	s13 =	smul.u32 $0xC800, s5  }
0xa: {  	s0 =	smul.u32 $0xC800, s0;
	s7 =	ssub.s32 s7, s8;
	s15 =	sadd.s32 s12, s11  }
0xb: {  	s6 =	sadd.s32 s6, s1;
	s1 =	sadd.s32 $0xC5200, s1;
	s10 =	sor.u32 $0x400, s13  }
0xc: {  	s14 =	sadd.s32 $0xC000, s13;
	s24 =	sshll.u32 s15, $0xA;
	s25 =	sadd.s32 $0xC400, s13  }
0xd: {  	s23 =	sadd.s32 $0xB8A00, s6;
	s6 =	smax.u32 s7, $0x1;
	s7 =	sadd.s32 s16, s13  }
0xe: {  	s8 =	sadd.s32 s1, s13;
	s9 =	sadd.s32 s16, s10;
	s10 =	sadd.s32 s1, s10  }
0xf: {  	s11 =	sadd.s32 s16, s14;
	s12 =	sadd.s32 s1, s14;
	s17 =	sadd.s32 $0x800, s24  }
0x10: {  	s13 =	sadd.s32 s16, s25;
	s14 =	sadd.s32 s1, s25;
	s26 =	sadd.s32 s18, s1  }
0x11: {  	s18 =	sadd.s32 s18, s16;
	s24 =	simm.s32 $0x5200;
	[dreg:$0x2] =	wrdreg s23  }
0x12: {  	s19 =	sadd.s32 s17, s16;
	s1 =	sadd.s32 s17, s1;
	s31 =	sadd.s32 s0, s26  }
0x13: {  	s0 =	sadd.s32 s0, s18;
	s26 =	simm.s32 $0x9200;
	s15 =	sadd.s32 $0x400, s19  }
0x14: {  	s16 =	sadd.s32 $0x400, s1;
	s17 =	sadd.s32 $0x800, s31;
	s18 =	sadd.s32 $0x800, s0  }
0x15: {  	s19 =	simm.s32 $0x5;
	s1 =	simm.s32 $0x2;
	s0 =	simm.s32 $0x4  }
.LBB2_1:
0x16: {  	s5 =	rddreg [dreg:$0x2]  }
0x17: {  	[tilespmem:s2], [sflag:$0x5] =	stream.linear.gather [hbm4b:s5+s2], $0x3200, $0x38;
	[tilespmem:$0xB200] =	vst v63  }
0x18: {  	_ =	swait.ge [sflag:s19], $0x3200  }
0x19: {  	[sflag:s19] =	ssyncset.done $0x0  }
0x1a: {  	[sflag:s19] =	ssyncadd.s32 $0xFFFFCE00  }
0x1b: {  	[tilespmem:s21], [sflag:$0x1] =	stream.indirect.gather [hbm4b:s3+s20], $0x40, s2, s20, $0xb8;
	[tilespmem:$0xB200] =	vst v63  }
0x1c: {  	_ = 	snop  }
0x1d: {  	[tilespmem:s22], [sflag:$0x1] =	stream.indirect.gather [hbm4b:s4+s20], $0x40, s20, s20, $0xb8;
	[tilespmem:$0xB200] =	vst v63  }
0x1e: {  	s23 =	simm.s32 $0x100  }
0x1f: {  	[tilespmem:s24], [sflag:$0x2] =	stream.indirect.gather [hbm4b:s3+s20], $0x40, s23, s20, $0xb8;
	[tilespmem:$0xB200] =	vst v63  }
0x20: {  	s25 =	simm.s32 $0x180  }
0x21: {  	[tilespmem:s26], [sflag:$0x2] =	stream.indirect.gather [hbm4b:s4+s20], $0x40, s25, s20, $0xb8;
	[tilespmem:$0xB200] =	vst v63  }
0x22: {  	_ =	swait.ge [sflag:s28], $0x2000  }
0x23: {  	[sflag:s28] =	ssyncset.done $0x0  }
0x24: {  	[sflag:s28] =	ssyncadd.s32 $0xFFFFE000  }
0x25: {  	_ =	swait.ge [sflag:s28], $0x2000  }
0x26: {  	[sflag:s28] =	ssyncset.done $0x0  }
0x27: {  	[sflag:s28] =	ssyncadd.s32 $0xFFFFE000  }
0x28: {  	[hbm4b:s7+s2] =	stream.linear.scatter [tilespmem:s21], [sflag:$0x3], $0x2000, $0x38;
	[tilespmem:$0xB200] =	vst v63  }
0x29: {  	_ = 	snop  }
0x2a: {  	[hbm4b:s8+s2] =	stream.linear.scatter [tilespmem:s22], [sflag:$0x3], $0x2000, $0x38;
	[tilespmem:$0xB200] =	vst v63  }
0x2b: {  	_ =	swait.ge [sflag:s29], $0x2000  }
0x2c: {  	[sflag:s29] =	ssyncset.done $0x0  }
0x2d: {  	[sflag:s29] =	ssyncadd.s32 $0xFFFFE000  }
0x2e: {  	_ =	swait.ge [sflag:s29], $0x2000  }
0x2f: {  	[sflag:s29] =	ssyncset.done $0x0  }
0x30: {  	s23 =	simm.s32 $0x200;
	[sflag:s29] =	ssyncadd.s32 $0xFFFFE000  }
0x31: {  	[tilespmem:s21], [sflag:$0x1] =	stream.indirect.gather [hbm4b:s3+s20], $0x40, s23, s20, $0xb8;
	[tilespmem:$0xB200] =	vst v63  }
0x32: {  	s25 =	simm.s32 $0x280  }
0x33: {  	[tilespmem:s22], [sflag:$0x1] =	stream.indirect.gather [hbm4b:s4+s20], $0x40, s25, s20, $0xb8;
	[tilespmem:$0xB200] =	vst v63  }
0x34: {  	_ =	swait.ge [sflag:s1], $0x2000  }
0x35: {  	[sflag:s1] =	ssyncset.done $0x0  }
0x36: {  	[sflag:s1] =	ssyncadd.s32 $0xFFFFE000  }
0x37: {  	_ =	swait.ge [sflag:s1], $0x2000  }
0x38: {  	[sflag:s1] =	ssyncset.done $0x0  }
0x39: {  	[sflag:s1] =	ssyncadd.s32 $0xFFFFE000  }
0x3a: {  	[hbm4b:s9+s2] =	stream.linear.scatter [tilespmem:s24], [sflag:$0x4], $0x2000, $0x38;
	[tilespmem:$0xB200] =	vst v63  }
0x3b: {  	_ = 	snop  }
0x3c: {  	[hbm4b:s10+s2] =	stream.linear.scatter [tilespmem:s26], [sflag:$0x4], $0x2000, $0x38;
	[tilespmem:$0xB200] =	vst v63  }
0x3d: {  	_ =	swait.ge [sflag:s0], $0x2000  }
0x3e: {  	[sflag:s0] =	ssyncset.done $0x0  }
0x3f: {  	[sflag:s0] =	ssyncadd.s32 $0xFFFFE000  }
0x40: {  	_ =	swait.ge [sflag:s0], $0x2000  }
0x41: {  	[sflag:s0] =	ssyncset.done $0x0  }
0x42: {  	s23 =	simm.s32 $0x300;
	[sflag:s0] =	ssyncadd.s32 $0xFFFFE000  }
0x43: {  	[tilespmem:s24], [sflag:$0x2] =	stream.indirect.gather [hbm4b:s3+s20], $0x40, s23, s20, $0xb8;
	[tilespmem:$0xB200] =	vst v63  }
0x44: {  	s5 =	simm.s32 $0x380  }
0x45: {  	[tilespmem:s26], [sflag:$0x2] =	stream.indirect.gather [hbm4b:s4+s20], $0x40, s5, s20, $0xb8;
	[tilespmem:$0xB200] =	vst v63  }
0x46: {  	_ =	swait.ge [sflag:s28], $0x2000  }
0x47: {  	[sflag:s28] =	ssyncset.done $0x0  }
0x48: {  	[sflag:s28] =	ssyncadd.s32 $0xFFFFE000  }
0x49: {  	_ =	swait.ge [sflag:s28], $0x2000  }
0x4a: {  	[sflag:s28] =	ssyncset.done $0x0  }
0x4b: {  	s25 =	sadd.s32 $0x0, s18;
	[sflag:s28] =	ssyncadd.s32 $0xFFFFE000  }
0x4c: {  	[hbm4b:s25+s2] =	stream.linear.scatter [tilespmem:s21], [sflag:$0x3], $0x2000, $0x38;
	[tilespmem:$0xB200] =	vst v63  }
0x4d: {  	s5 =	sadd.s32 $0x0, s17  }
0x4e: {  	[hbm4b:s5+s2] =	stream.linear.scatter [tilespmem:s22], [sflag:$0x3], $0x2000, $0x38;
	[tilespmem:$0xB200] =	vst v63  }
0x4f: {  	_ =	swait.ge [sflag:s29], $0x2000  }
0x50: {  	[sflag:s29] =	ssyncset.done $0x0  }
0x51: {  	[sflag:s29] =	ssyncadd.s32 $0xFFFFE000  }
0x52: {  	_ =	swait.ge [sflag:s29], $0x2000  }
0x53: {  	[sflag:s29] =	ssyncset.done $0x0  }
0x54: {  	s25 =	simm.s32 $0x400;
	[sflag:s29] =	ssyncadd.s32 $0xFFFFE000  }
0x55: {  	[tilespmem:s21], [sflag:$0x1] =	stream.indirect.gather [hbm4b:s3+s20], $0x40, s25, s20, $0xb8;
	[tilespmem:$0xB200] =	vst v63  }
0x56: {  	s5 =	simm.s32 $0x480  }
0x57: {  	[tilespmem:s22], [sflag:$0x1] =	stream.indirect.gather [hbm4b:s4+s20], $0x40, s5, s20, $0xb8;
	[tilespmem:$0xB200] =	vst v63  }
0x58: {  	_ =	swait.ge [sflag:s1], $0x2000  }
0x59: {  	[sflag:s1] =	ssyncset.done $0x0  }
0x5a: {  	[sflag:s1] =	ssyncadd.s32 $0xFFFFE000  }
0x5b: {  	_ =	swait.ge [sflag:s1], $0x2000  }
0x5c: {  	s31 =	simm.s32 $0x800;
	[sflag:s1] =	ssyncset.done $0x0  }
0x5d: {  	s23 =	sadd.s32 $0x0, s16;
	s25 =	sadd.s32 $0x0, s15;
	[sflag:s1] =	ssyncadd.s32 $0xFFFFE000  }
0x5e: {  	[hbm4b:s25+s2] =	stream.linear.scatter [tilespmem:s24], [sflag:$0x4], $0x2000, $0x38;
	[tilespmem:$0xB200] =	vst v63  }
.LBB2_2:
0x5f: {  	[hbm4b:s23+s2] =	stream.linear.scatter [tilespmem:s26], [sflag:$0x4], $0x2000, $0x38;
	[tilespmem:$0xB200] =	vst v63  }
0x60: {  	s23 =	smov.u32 s31  }
0x61: {  	p0 =	sne.s32 s31, $0xB000;
	s31 =	sadd.s32 $0x800, s31;
	_ =	swait.ge [sflag:s0], $0x2000  }
0x62: {  	[sflag:s0] =	ssyncset.done $0x0  }
0x63: {  	[sflag:s0] =	ssyncadd.s32 $0xFFFFE000  }
0x64: {  	_ =	swait.ge [sflag:s0], $0x2000  }
0x65: {  	s25 =	sshra.s32 s23, $0x2;
	[sflag:s0] =	ssyncset.done $0x0  }
0x66: {  	s5 =	sadd.s32 $0x300, s25;
	[sflag:s0] =	ssyncadd.s32 $0xFFFFE000  }
0x67: {  	[tilespmem:s24], [sflag:$0x2] =	stream.indirect.gather [hbm4b:s3+s20], $0x40, s5, s20, $0xb8;
	[tilespmem:$0xB200] =	vst v63  }
0x68: {  	s5 =	sadd.s32 $0x380, s25  }
0x69: {  	[tilespmem:s26], [sflag:$0x2] =	stream.indirect.gather [hbm4b:s4+s20], $0x40, s5, s20, $0xb8;
	[tilespmem:$0xB200] =	vst v63  }
0x6a: {  	_ =	swait.ge [sflag:s28], $0x2000  }
0x6b: {  	[sflag:s28] =	ssyncset.done $0x0  }
0x6c: {  	[sflag:s28] =	ssyncadd.s32 $0xFFFFE000  }
0x6d: {  	_ =	swait.ge [sflag:s28], $0x2000  }
0x6e: {  	[sflag:s28] =	ssyncset.done $0x0  }
0x6f: {  	s5 =	sadd.s32 s23, s18;
	[sflag:s28] =	ssyncadd.s32 $0xFFFFE000  }
0x70: {  	[hbm4b:s5+s2] =	stream.linear.scatter [tilespmem:s21], [sflag:$0x3], $0x2000, $0x38;
	[tilespmem:$0xB200] =	vst v63  }
0x71: {  	s5 =	sadd.s32 s23, s17  }
0x72: {  	[hbm4b:s5+s2] =	stream.linear.scatter [tilespmem:s22], [sflag:$0x3], $0x2000, $0x38;
	[tilespmem:$0xB200] =	vst v63  }
0x73: {  	_ =	swait.ge [sflag:s29], $0x2000  }
0x74: {  	[sflag:s29] =	ssyncset.done $0x0  }
0x75: {  	[sflag:s29] =	ssyncadd.s32 $0xFFFFE000  }
0x76: {  	_ =	swait.ge [sflag:s29], $0x2000  }
0x77: {  	[sflag:s29] =	ssyncset.done $0x0  }
0x78: {  	s5 =	sadd.s32 $0x400, s25;
	[sflag:s29] =	ssyncadd.s32 $0xFFFFE000  }
0x79: {  	[tilespmem:s21], [sflag:$0x1] =	stream.indirect.gather [hbm4b:s3+s20], $0x40, s5, s20, $0xb8;
	[tilespmem:$0xB200] =	vst v63  }
0x7a: {  	s5 =	sadd.s32 $0x480, s25  }
0x7b: {  	[tilespmem:s22], [sflag:$0x1] =	stream.indirect.gather [hbm4b:s4+s20], $0x40, s5, s20, $0xb8;
	[tilespmem:$0xB200] =	vst v63  }
0x7c: {  	_ =	swait.ge [sflag:s1], $0x2000  }
0x7d: {  	[sflag:s1] =	ssyncset.done $0x0  }
0x7e: {  	[sflag:s1] =	ssyncadd.s32 $0xFFFFE000  }
.Ltmp0:
0x7f: {  	_ =	swait.ge [sflag:s1], $0x2000;
	(pc) =	sbr.rel @p0 .LBB2_2-.Ltmp0, $4  }
0x80: {  	[sflag:s1] =	ssyncset.done $0x0  }
0x81: {  	s5 =	sadd.s32 s23, s15;
	[sflag:s1] =	ssyncadd.s32 $0xFFFFE000  }
0x82: {  	[hbm4b:s5+s2] =	stream.linear.scatter [tilespmem:s24], [sflag:$0x4], $0x2000, $0x38;
	[tilespmem:$0xB200] =	vst v63  }
0x83: {  	s23 =	sadd.s32 s23, s16  }
0x84: {  	[hbm4b:s23+s2] =	stream.linear.scatter [tilespmem:s26], [sflag:$0x4], $0x2000, $0x38;
	[tilespmem:$0xB200] =	vst v63  }
0x85: {  	_ =	swait.ge [sflag:s0], $0x2000  }
0x86: {  	[sflag:s0] =	ssyncset.done $0x0  }
0x87: {  	[sflag:s0] =	ssyncadd.s32 $0xFFFFE000  }
0x88: {  	_ =	swait.ge [sflag:s0], $0x2000  }
0x89: {  	[sflag:s0] =	ssyncset.done $0x0  }
0x8a: {  	s5 =	simm.s32 $0x3100;
	[sflag:s0] =	ssyncadd.s32 $0xFFFFE000  }
0x8b: {  	[tilespmem:s24], [sflag:$0x2] =	stream.indirect.gather [hbm4b:s3+s20], $0x40, s5, s20, $0xb8;
	[tilespmem:$0xB200] =	vst v63  }
0x8c: {  	s31 =	simm.s32 $0x3180  }
0x8d: {  	[tilespmem:s26], [sflag:$0x2] =	stream.indirect.gather [hbm4b:s4+s20], $0x40, s31, s20, $0xb8;
	[tilespmem:$0xB200] =	vst v63  }
0x8e: {  	_ =	swait.ge [sflag:s28], $0x2000  }
0x8f: {  	[sflag:s28] =	ssyncset.done $0x0  }
0x90: {  	[sflag:s28] =	ssyncadd.s32 $0xFFFFE000  }
0x91: {  	_ =	swait.ge [sflag:s28], $0x2000  }
0x92: {  	[sflag:s28] =	ssyncset.done $0x0  }
0x93: {  	[sflag:s28] =	ssyncadd.s32 $0xFFFFE000  }
0x94: {  	[hbm4b:s11+s2] =	stream.linear.scatter [tilespmem:s21], [sflag:$0x3], $0x2000, $0x38;
	[tilespmem:$0xB200] =	vst v63  }
0x95: {  	_ = 	snop  }
0x96: {  	[hbm4b:s12+s2] =	stream.linear.scatter [tilespmem:s22], [sflag:$0x3], $0x2000, $0x38;
	[tilespmem:$0xB200] =	vst v63  }
0x97: {  	_ =	swait.ge [sflag:s1], $0x2000  }
0x98: {  	[sflag:s1] =	ssyncset.done $0x0  }
0x99: {  	[sflag:s1] =	ssyncadd.s32 $0xFFFFE000  }
0x9a: {  	_ =	swait.ge [sflag:s1], $0x2000  }
0x9b: {  	[sflag:s1] =	ssyncset.done $0x0  }
0x9c: {  	[sflag:s1] =	ssyncadd.s32 $0xFFFFE000  }
0x9d: {  	[hbm4b:s13+s2] =	stream.linear.scatter [tilespmem:s24], [sflag:$0x4], $0x2000, $0x38;
	[tilespmem:$0xB200] =	vst v63  }
0x9e: {  	_ = 	snop  }
0x9f: {  	[hbm4b:s14+s2] =	stream.linear.scatter [tilespmem:s26], [sflag:$0x4], $0x2000, $0x38;
	[tilespmem:$0xB200] =	vst v63  }
0xa0: {  	_ =	swait.ge [sflag:s29], $0x2000  }
0xa1: {  	[sflag:s29] =	ssyncset.done $0x0  }
0xa2: {  	[sflag:s29] =	ssyncadd.s32 $0xFFFFE000  }
0xa3: {  	_ =	swait.ge [sflag:s29], $0x2000  }
0xa4: {  	[sflag:s29] =	ssyncset.done $0x0  }
0xa5: {  	s30 =	sadd.s32 $0x1, s30;
	[sflag:s29] =	ssyncadd.s32 $0xFFFFE000  }
0xa6: {  	p0 =	sne.s32 s30, s6;
	_ =	swait.ge [sflag:s0], $0x2000  }
.Ltmp1:
0xa7: {  	[sflag:s0] =	ssyncset.done $0x0;
	(pc) =	sbr.rel @p0 .LBB2_1-.Ltmp1, $4  }
0xa8: {  	[sflag:s0] =	ssyncadd.s32 $0xFFFFE000  }
0xa9: {  	_ =	swait.ge [sflag:s0], $0x2000  }
0xaa: {  	[sflag:s0] =	ssyncset.done $0x0  }
0xab: {  	[sflag:s0] =	ssyncadd.s32 $0xFFFFE000  }
0xac: {  	_ =	sfence.sel $0x180000  }
0xad: {  	[bflag:$0x0] =	sbarrier.arrive $0xFFFF  }
0xae: {  	_ =	strace $0x90000050  }
0xaf: {  	s0 =	stileid.u32;
	[bflag:$0x2] =	sbarrier.arrive $0xFFFF  }
0xb0: {  	p0 =	sne.s32 s0, $0x0;
	s0 =	rddreg [dreg:$0x1]  }
0xb1: {  	s0 =	sadd.s32 @!p0 $0x100000, s0  }
0xb2: {  	[sflag:s0] =	ssyncadd.tile.s32 @!p0 $0x1;
	_ =	shalt  }
.Lfunc_end2:
_tile_overlayer_lowered:
.L_overlay_start_2:
0xb3: {  	(tag) =	ssettag $0x2  }
0xb4: {  	s0 =	rddreg [dreg:$0x0];
	s2 =	stileid.u32  }
0xb5: {  	s1 =	rddreg [dreg:$0x1];
	p0 =	sne.s32 s2, $0x0  }
0xb6: {  	s3 =	rddreg [dreg:$0x2];
	[bflag:$0x3] =	sbarrier.arrive $0xFFFF;
	s2 =	simm.s32 @!p0 $0x1C05  }
0xb7: {  	[timem:s3], [sflag:s2] =	dma.local @!p0 [hbm:s0], s1  }
0xb8: {  	s0 =	simm.s32 @!p0 $0x5  }
0xb9: {  	_ =	swait.ge @!p0 [sflag:s0], s1  }
0xba: {  	s1 =	ssub.s32 @!p0 $0x0, s1;
	[sflag:s0] =	ssyncset.done @!p0 $0x0  }
0xbb: {  	[sflag:s0] =	ssyncadd.s32 @!p0 s1  }
0xbc: {  	[bflag:$0x3] =	sbarrier.arrive $0xFFFF  }
0xbd: {  	_ =	shalt  }

</sc_bundles>
